<compile_context>
chip_gen: v7x
topology: tpu7x:2x2x1
jax: 0.10.2.dev20260603
libtpu: 0.0.44.dev20260713+nightly
codegen_flags: <defaults>
</compile_context>

<pallas_src>
import functools

import numpy as np
import jax
import jax.numpy as jnp
from jax import lax
from jax.experimental import pallas as pl
from jax.experimental.pallas import tpu as pltpu
from jax.experimental.pallas import tpu_sc as plsc


def _pos_encoding_np(length: int, depth: int) -> np.ndarray:
    half = depth / 2
    positions = np.arange(length)[:, np.newaxis]
    depths = np.arange(half)[np.newaxis, :] / half
    angle_rates = 1 / 10000 ** depths
    angle_rads = positions * angle_rates
    return np.concatenate(
        [np.sin(angle_rads), np.cos(angle_rads)], axis=-1
    ).astype(np.float32)


def kernel(x, table):
    B, L = x.shape
    V, D = table.shape
    N = B * L
    scale = float(np.sqrt(float(D)))

    info = plsc.get_sparse_core_info()
    NC, NS, LN = info.num_cores, info.num_subcores, info.num_lanes
    NW = NC * NS
    P = L // NW
    VPR = D // LN
    SUB = 4
    PS = P // SUB

    pos = jnp.asarray(_pos_encoding_np(L, D))
    xt = jnp.transpose(x).reshape(NW * SUB, PS * B)

    mesh = plsc.VectorSubcoreMesh(core_axis_name="c", subcore_axis_name="s")

    @functools.partial(
        pl.kernel,
        mesh=mesh,
        out_type=jax.ShapeDtypeStruct((N, D), jnp.float32),
        scratch_types=[
            pltpu.VMEM((SUB, PS * B), jnp.int32),
            pltpu.VMEM((P * B, D), jnp.float32),
            pltpu.VMEM((P * B, D), jnp.float32),
            pltpu.VMEM((P, D), jnp.float32),
            pltpu.SemaphoreType.DMA,
            pltpu.SemaphoreType.DMA,
            pltpu.SemaphoreType.DMA,
        ],
    )
    def emb_kernel(
        x_hbm, tab_hbm, pos_hbm, out_hbm, idx_v, rows_v, out_v, pos_v, gsem, osem, isem
    ):
        wid = lax.axis_index("s") * NC + lax.axis_index("c")
        pltpu.async_copy(
            x_hbm.at[pl.ds(wid * SUB, SUB)], idx_v, isem
        ).wait()
        gathers = [
            pltpu.async_copy(
                tab_hbm.at[idx_v.at[j]],
                rows_v.at[pl.ds(j * PS * B, PS * B)],
                gsem,
            )
            for j in range(SUB)
        ]
        pltpu.sync_copy(pos_hbm.at[pl.ds(wid * P, P)], pos_v)

        wb = []
        for j in range(SUB):
            gathers[j].wait()

            def body(i, carry, j=j):
                p = j * PS + i
                pvecs = [pos_v[p, pl.ds(k * LN, LN)] for k in range(VPR)]
                for b in range(B):
                    r = (j * PS + i) * B + b
                    o = b * P + p
                    for k in range(VPR):
                        sl = pl.ds(k * LN, LN)
                        out_v[o, sl] = rows_v[r, sl] * scale + pvecs[k]
                return carry

            lax.fori_loop(0, PS, body, 0)
            for b in range(B):
                wb.append(
                    pltpu.async_copy(
                        out_v.at[pl.ds(b * P + j * PS, PS)],
                        out_hbm.at[pl.ds(b * L + wid * P + j * PS, PS)],
                        osem,
                    )
                )
        for c in wb:
            c.wait()

    out = emb_kernel(xt, table, pos)
    return out.reshape(B, L, D)

# --- scband reference (transcript-rebuilt; emitter-appended) ---
"""Pipeline reference for scband-token-and-positional-embedding-76029511074508 (READ-ONLY COPY).

The authoritative reference and input builder live on the scoring server;
editing this copy changes nothing except your own understanding.
"""

import jax, jax.numpy as jnp
import numpy as np

VOCAB_SIZE = 1000000
D_MODEL = 128
MAX_LEN = 4096

def positional_encoding(length, depth):
    depth = depth / 2
    positions = np.arange(length)[:, np.newaxis]
    depths = np.arange(depth)[np.newaxis, :] / depth
    angle_rates = 1 / 10000 ** depths
    angle_rads = positions * angle_rates
    pos_encoding = np.concatenate([np.sin(angle_rads), np.cos(angle_rads)], axis=-1)
    return jnp.asarray(pos_encoding, dtype=jnp.float32)

def setup_inputs(seed: int = 0) -> dict:
    key = jax.random.key(seed)
    k1, k2 = jax.random.split(key)
    x = jax.random.randint(k1, (4, 2048), 0, VOCAB_SIZE, dtype=jnp.int64 if jax.config.jax_enable_x64 else jnp.int32).astype(jnp.int32)
    # Embedding table (keras Embedding default: uniform initializer)
    table = jax.random.uniform(k2, (VOCAB_SIZE, D_MODEL), dtype=jnp.float32, minval=-0.05, maxval=0.05)
    return {"x": x, "table": table}

def reference(x, table):
    length = x.shape[1]
    pos_encoding = positional_encoding(MAX_LEN, D_MODEL)
    emb = jnp.take(table, x, axis=0)  # [B, L, D] gather (embedding lookup)
    emb = emb * jnp.sqrt(jnp.asarray(D_MODEL, dtype=jnp.float32))
    out = emb + pos_encoding[jnp.newaxis, :length, :]
    return out

if __name__ == "__main__":
    import jax
    _d = setup_inputs()
    print(jax.jit(kernel)(*tuple(_d.values())))

</pallas_src>

<mosaic_0001>
#map = affine_map<(d0, d1) -> (0, 0)>
module attributes {stable_mosaic.version = 14 : i64} {
  func.func @emb_kernel(%arg0: i32, %arg1: i32, %arg2: memref<128x64xi32, #tpu.memory_space<hbm>>, %arg3: memref<1000000x128xf32, #tpu.memory_space<hbm>>, %arg4: memref<2048x128xf32, #tpu.memory_space<hbm>>, %arg5: memref<8192x128xf32, #tpu.memory_space<hbm>>, %arg6: memref<4x64xi32, #tpu.memory_space<vmem>>, %arg7: memref<256x128xf32, #tpu.memory_space<vmem>>, %arg8: memref<256x128xf32, #tpu.memory_space<vmem>>, %arg9: memref<64x128xf32, #tpu.memory_space<vmem>>, %arg10: memref<!tpu.dma_semaphore, #tpu.memory_space<semaphore_mem>>, %arg11: memref<!tpu.dma_semaphore, #tpu.memory_space<semaphore_mem>>, %arg12: memref<!tpu.dma_semaphore, #tpu.memory_space<semaphore_mem>>) attributes {dimension_semantics = [#tpu.dimension_semantics<core_parallel>, #tpu.dimension_semantics<subcore_parallel>], iteration_bounds = array<i64: 2, 16>, scalar_prefetch = 0 : i64, scratch_operands = 7 : i64, tpu.core_type = #tpu.core_type<sc_vector_subcore>, window_params = [{transform_indices = #map}, {transform_indices = #map}, {transform_indices = #map}, {transform_indices = #map}]} {
    %mul3A = arith.constant 2 : i32
    %mul3A_0 = arith.muli %arg1, %mul3A : i32
    %add3A = arith.addi %mul3A_0, %arg0 : i32
    %mul3A_1 = arith.constant 4 : i32
    %mul3A_2 = arith.muli %add3A, %mul3A_1 : i32
    %dma_start3A = arith.constant 0 : i32
    %dma_start3A_3 = tpu.memref_slice %arg2[%mul3A_2, %dma_start3A] : memref<128x64xi32, #tpu.memory_space<hbm>> -> memref<4x64xi32, #tpu.memory_space<hbm>>
    %dma_start3A_4 = arith.constant 0 : i32
    %dma_start3A_5 = tpu.memref_slice %arg2[%mul3A_2, %dma_start3A_4] : memref<128x64xi32, #tpu.memory_space<hbm>> -> memref<4x64xi32, #tpu.memory_space<hbm>>
    tpu.enqueue_dma source(%dma_start3A_5 : memref<4x64xi32, #tpu.memory_space<hbm>>) target(%arg6 : memref<4x64xi32, #tpu.memory_space<vmem>>) target_semaphore(%arg12 : memref<!tpu.dma_semaphore, #tpu.memory_space<semaphore_mem>>)
    %dma_wait3A = arith.constant 0 : i32
    %dma_wait3A_6 = tpu.memref_slice %arg2[%mul3A_2, %dma_wait3A] : memref<128x64xi32, #tpu.memory_space<hbm>> -> memref<4x64xi32, #tpu.memory_space<hbm>>
    %dma_wait3A_7 = arith.constant 0 : i32
    %dma_wait3A_8 = tpu.memref_slice %arg2[%mul3A_2, %dma_wait3A_7] : memref<128x64xi32, #tpu.memory_space<hbm>> -> memref<4x64xi32, #tpu.memory_space<hbm>>
    tpu.wait_dma2 semaphore(%arg12 : memref<!tpu.dma_semaphore, #tpu.memory_space<semaphore_mem>>) src(%dma_wait3A_8 : memref<4x64xi32, #tpu.memory_space<hbm>>) dst(%arg6 : memref<4x64xi32, #tpu.memory_space<vmem>>)
    %dma_start3A_9 = arith.constant 0 : i32
    %dma_start3A_10 = arith.constant 0 : i32
    %dma_start3A_11 = arith.constant 0 : i32
    %dma_start3A_12 = tpu.memref_slice %arg7[%dma_start3A_10, %dma_start3A_11] : memref<256x128xf32, #tpu.memory_space<vmem>> -> memref<64x128xf32, #tpu.memory_space<vmem>>
    %dma_start3A_13 = arith.constant 0 : i32
    %dma_start3A_14 = tpu.memref_slice %arg6[%dma_start3A_9, %dma_start3A_13] : memref<4x64xi32, #tpu.memory_space<vmem>> -> memref<1x64xi32, #tpu.memory_space<vmem>>
    %dma_start3A_15 = tpu.memref_squeeze %dma_start3A_14 : memref<1x64xi32, #tpu.memory_space<vmem>> -> memref<64xi32, #tpu.memory_space<vmem>>
    %dma_start3A_16 = arith.constant 0 : i32
    %dma_start3A_17 = arith.constant 0 : i32
    %dma_start3A_18 = tpu.memref_slice %arg3[%dma_start3A_16, %dma_start3A_17] : memref<1000000x128xf32, #tpu.memory_space<hbm>> -> memref<1000000x128xf32, #tpu.memory_space<hbm>>
    tpu.enqueue_indirect_dma source(%dma_start3A_18 : memref<1000000x128xf32, #tpu.memory_space<hbm>>) target(%dma_start3A_12 : memref<64x128xf32, #tpu.memory_space<vmem>>) offsets(%dma_start3A_15 : memref<64xi32, #tpu.memory_space<vmem>>) semaphore(%arg10 : memref<!tpu.dma_semaphore, #tpu.memory_space<semaphore_mem>>)
    %dma_start3A_19 = arith.constant 1 : i32
    %dma_start3A_20 = arith.constant 64 : i32
    %dma_start3A_21 = arith.constant 0 : i32
    %dma_start3A_22 = tpu.memref_slice %arg7[%dma_start3A_20, %dma_start3A_21] : memref<256x128xf32, #tpu.memory_space<vmem>> -> memref<64x128xf32, #tpu.memory_space<vmem>>
    %dma_start3A_23 = arith.constant 0 : i32
    %dma_start3A_24 = tpu.memref_slice %arg6[%dma_start3A_19, %dma_start3A_23] : memref<4x64xi32, #tpu.memory_space<vmem>> -> memref<1x64xi32, #tpu.memory_space<vmem>>
    %dma_start3A_25 = tpu.memref_squeeze %dma_start3A_24 : memref<1x64xi32, #tpu.memory_space<vmem>> -> memref<64xi32, #tpu.memory_space<vmem>>
    %dma_start3A_26 = arith.constant 0 : i32
    %dma_start3A_27 = arith.constant 0 : i32
    %dma_start3A_28 = tpu.memref_slice %arg3[%dma_start3A_26, %dma_start3A_27] : memref<1000000x128xf32, #tpu.memory_space<hbm>> -> memref<1000000x128xf32, #tpu.memory_space<hbm>>
    tpu.enqueue_indirect_dma source(%dma_start3A_28 : memref<1000000x128xf32, #tpu.memory_space<hbm>>) target(%dma_start3A_22 : memref<64x128xf32, #tpu.memory_space<vmem>>) offsets(%dma_start3A_25 : memref<64xi32, #tpu.memory_space<vmem>>) semaphore(%arg10 : memref<!tpu.dma_semaphore, #tpu.memory_space<semaphore_mem>>)
    %dma_start3A_29 = arith.constant 2 : i32
    %dma_start3A_30 = arith.constant 128 : i32
    %dma_start3A_31 = arith.constant 0 : i32
    %dma_start3A_32 = tpu.memref_slice %arg7[%dma_start3A_30, %dma_start3A_31] : memref<256x128xf32, #tpu.memory_space<vmem>> -> memref<64x128xf32, #tpu.memory_space<vmem>>
    %dma_start3A_33 = arith.constant 0 : i32
    %dma_start3A_34 = tpu.memref_slice %arg6[%dma_start3A_29, %dma_start3A_33] : memref<4x64xi32, #tpu.memory_space<vmem>> -> memref<1x64xi32, #tpu.memory_space<vmem>>
    %dma_start3A_35 = tpu.memref_squeeze %dma_start3A_34 : memref<1x64xi32, #tpu.memory_space<vmem>> -> memref<64xi32, #tpu.memory_space<vmem>>
    %dma_start3A_36 = arith.constant 0 : i32
    %dma_start3A_37 = arith.constant 0 : i32
    %dma_start3A_38 = tpu.memref_slice %arg3[%dma_start3A_36, %dma_start3A_37] : memref<1000000x128xf32, #tpu.memory_space<hbm>> -> memref<1000000x128xf32, #tpu.memory_space<hbm>>
    tpu.enqueue_indirect_dma source(%dma_start3A_38 : memref<1000000x128xf32, #tpu.memory_space<hbm>>) target(%dma_start3A_32 : memref<64x128xf32, #tpu.memory_space<vmem>>) offsets(%dma_start3A_35 : memref<64xi32, #tpu.memory_space<vmem>>) semaphore(%arg10 : memref<!tpu.dma_semaphore, #tpu.memory_space<semaphore_mem>>)
    %dma_start3A_39 = arith.constant 3 : i32
    %dma_start3A_40 = arith.constant 192 : i32
    %dma_start3A_41 = arith.constant 0 : i32
    %dma_start3A_42 = tpu.memref_slice %arg7[%dma_start3A_40, %dma_start3A_41] : memref<256x128xf32, #tpu.memory_space<vmem>> -> memref<64x128xf32, #tpu.memory_space<vmem>>
    %dma_start3A_43 = arith.constant 0 : i32
    %dma_start3A_44 = tpu.memref_slice %arg6[%dma_start3A_39, %dma_start3A_43] : memref<4x64xi32, #tpu.memory_space<vmem>> -> memref<1x64xi32, #tpu.memory_space<vmem>>
    %dma_start3A_45 = tpu.memref_squeeze %dma_start3A_44 : memref<1x64xi32, #tpu.memory_space<vmem>> -> memref<64xi32, #tpu.memory_space<vmem>>
    %dma_start3A_46 = arith.constant 0 : i32
    %dma_start3A_47 = arith.constant 0 : i32
    %dma_start3A_48 = tpu.memref_slice %arg3[%dma_start3A_46, %dma_start3A_47] : memref<1000000x128xf32, #tpu.memory_space<hbm>> -> memref<1000000x128xf32, #tpu.memory_space<hbm>>
    tpu.enqueue_indirect_dma source(%dma_start3A_48 : memref<1000000x128xf32, #tpu.memory_space<hbm>>) target(%dma_start3A_42 : memref<64x128xf32, #tpu.memory_space<vmem>>) offsets(%dma_start3A_45 : memref<64xi32, #tpu.memory_space<vmem>>) semaphore(%arg10 : memref<!tpu.dma_semaphore, #tpu.memory_space<semaphore_mem>>)
    %mul3A_49 = arith.constant 64 : i32
    %mul3A_50 = arith.muli %add3A, %mul3A_49 : i32
    "tpu.region"() ({
      %run_scoped3A = tpu.sem_alloc : memref<!tpu.dma_semaphore, #tpu.memory_space<semaphore_mem>>
      %dma_start3A_530 = arith.constant 0 : i32
      %dma_start3A_531 = tpu.memref_slice %arg4[%mul3A_50, %dma_start3A_530] : memref<2048x128xf32, #tpu.memory_space<hbm>> -> memref<64x128xf32, #tpu.memory_space<hbm>>
      %dma_start3A_532 = arith.constant 0 : i32
      %dma_start3A_533 = tpu.memref_slice %arg4[%mul3A_50, %dma_start3A_532] : memref<2048x128xf32, #tpu.memory_space<hbm>> -> memref<64x128xf32, #tpu.memory_space<hbm>>
      tpu.enqueue_dma source(%dma_start3A_533 : memref<64x128xf32, #tpu.memory_space<hbm>>) target(%arg9 : memref<64x128xf32, #tpu.memory_space<vmem>>) target_semaphore(%run_scoped3A : memref<!tpu.dma_semaphore, #tpu.memory_space<semaphore_mem>>)
      %dma_wait3A_534 = arith.constant 0 : i32
      %dma_wait3A_535 = tpu.memref_slice %arg4[%mul3A_50, %dma_wait3A_534] : memref<2048x128xf32, #tpu.memory_space<hbm>> -> memref<64x128xf32, #tpu.memory_space<hbm>>
      %dma_wait3A_536 = arith.constant 0 : i32
      %dma_wait3A_537 = tpu.memref_slice %arg4[%mul3A_50, %dma_wait3A_536] : memref<2048x128xf32, #tpu.memory_space<hbm>> -> memref<64x128xf32, #tpu.memory_space<hbm>>
      tpu.wait_dma2 semaphore(%run_scoped3A : memref<!tpu.dma_semaphore, #tpu.memory_space<semaphore_mem>>) src(%dma_wait3A_537 : memref<64x128xf32, #tpu.memory_space<hbm>>) dst(%arg9 : memref<64x128xf32, #tpu.memory_space<vmem>>)
      tpu.yield
    }) : () -> ()
    %dma_wait3A_51 = arith.constant 0 : i32
    %dma_wait3A_52 = arith.constant 0 : i32
    %dma_wait3A_53 = arith.constant 0 : i32
    %dma_wait3A_54 = tpu.memref_slice %arg7[%dma_wait3A_52, %dma_wait3A_53] : memref<256x128xf32, #tpu.memory_space<vmem>> -> memref<64x128xf32, #tpu.memory_space<vmem>>
    %dma_wait3A_55 = arith.constant 0 : i32
    %dma_wait3A_56 = tpu.memref_slice %arg6[%dma_wait3A_51, %dma_wait3A_55] : memref<4x64xi32, #tpu.memory_space<vmem>> -> memref<1x64xi32, #tpu.memory_space<vmem>>
    %dma_wait3A_57 = tpu.memref_squeeze %dma_wait3A_56 : memref<1x64xi32, #tpu.memory_space<vmem>> -> memref<64xi32, #tpu.memory_space<vmem>>
    %dma_wait3A_58 = arith.constant 0 : i32
    %dma_wait3A_59 = arith.constant 0 : i32
    %dma_wait3A_60 = tpu.memref_slice %arg3[%dma_wait3A_58, %dma_wait3A_59] : memref<1000000x128xf32, #tpu.memory_space<hbm>> -> memref<1000000x128xf32, #tpu.memory_space<hbm>>
    tpu.wait_indirect_dma semaphore(%arg10 : memref<!tpu.dma_semaphore, #tpu.memory_space<semaphore_mem>>) src(%dma_wait3A_60 : memref<1000000x128xf32, #tpu.memory_space<hbm>>) dst(%dma_wait3A_54 : memref<64x128xf32, #tpu.memory_space<vmem>>)
    %scan3A = arith.constant 0 : i32
    %scan3A_61 = arith.constant 0 : i32
    %scan3A_62 = arith.constant 16 : i32
    %scan3A_63 = arith.addi %scan3A_61, %scan3A_62 : i32
    %scan3A_64 = arith.constant 1 : i32
    scf.for %scan3A_530 = %scan3A_61 to %scan3A_63 step %scan3A_64  : i32 {
      %add3A_531 = arith.constant 0 : i32
      %add3A_532 = arith.addi %add3A_531, %scan3A_530 : i32
      %get3A = arith.index_cast %add3A_532 : i32 to index
      %get3A_533 = arith.constant 0 : index
      %get3A_534 = tpu.vector_load %arg9[%get3A, %get3A_533] {strides = array<i32>} : memref<64x128xf32, #tpu.memory_space<vmem>>, vector<1x16xf32>,
      %get3A_535 = vector.shape_cast %get3A_534 : vector<1x16xf32> to vector<16xf32>
      %get3A_536 = arith.index_cast %add3A_532 : i32 to index
      %get3A_537 = arith.constant 16 : index
      %get3A_538 = tpu.vector_load %arg9[%get3A_536, %get3A_537] {strides = array<i32>} : memref<64x128xf32, #tpu.memory_space<vmem>>, vector<1x16xf32>,
      %get3A_539 = vector.shape_cast %get3A_538 : vector<1x16xf32> to vector<16xf32>
      %get3A_540 = arith.index_cast %add3A_532 : i32 to index
      %get3A_541 = arith.constant 32 : index
      %get3A_542 = tpu.vector_load %arg9[%get3A_540, %get3A_541] {strides = array<i32>} : memref<64x128xf32, #tpu.memory_space<vmem>>, vector<1x16xf32>,
      %get3A_543 = vector.shape_cast %get3A_542 : vector<1x16xf32> to vector<16xf32>
      %get3A_544 = arith.index_cast %add3A_532 : i32 to index
      %get3A_545 = arith.constant 48 : index
      %get3A_546 = tpu.vector_load %arg9[%get3A_544, %get3A_545] {strides = array<i32>} : memref<64x128xf32, #tpu.memory_space<vmem>>, vector<1x16xf32>,
      %get3A_547 = vector.shape_cast %get3A_546 : vector<1x16xf32> to vector<16xf32>
      %get3A_548 = arith.index_cast %add3A_532 : i32 to index
      %get3A_549 = arith.constant 64 : index
      %get3A_550 = tpu.vector_load %arg9[%get3A_548, %get3A_549] {strides = array<i32>} : memref<64x128xf32, #tpu.memory_space<vmem>>, vector<1x16xf32>,
      %get3A_551 = vector.shape_cast %get3A_550 : vector<1x16xf32> to vector<16xf32>
      %get3A_552 = arith.index_cast %add3A_532 : i32 to index
      %get3A_553 = arith.constant 80 : index
      %get3A_554 = tpu.vector_load %arg9[%get3A_552, %get3A_553] {strides = array<i32>} : memref<64x128xf32, #tpu.memory_space<vmem>>, vector<1x16xf32>,
      %get3A_555 = vector.shape_cast %get3A_554 : vector<1x16xf32> to vector<16xf32>
      %get3A_556 = arith.index_cast %add3A_532 : i32 to index
      %get3A_557 = arith.constant 96 : index
      %get3A_558 = tpu.vector_load %arg9[%get3A_556, %get3A_557] {strides = array<i32>} : memref<64x128xf32, #tpu.memory_space<vmem>>, vector<1x16xf32>,
      %get3A_559 = vector.shape_cast %get3A_558 : vector<1x16xf32> to vector<16xf32>
      %get3A_560 = arith.index_cast %add3A_532 : i32 to index
      %get3A_561 = arith.constant 112 : index
      %get3A_562 = tpu.vector_load %arg9[%get3A_560, %get3A_561] {strides = array<i32>} : memref<64x128xf32, #tpu.memory_space<vmem>>, vector<1x16xf32>,
      %get3A_563 = vector.shape_cast %get3A_562 : vector<1x16xf32> to vector<16xf32>
      %add3A_564 = arith.constant 0 : i32
      %add3A_565 = arith.addi %add3A_564, %scan3A_530 : i32
      %mul3A_566 = arith.constant 4 : i32
      %mul3A_567 = arith.muli %add3A_565, %mul3A_566 : i32
      %add3A_568 = arith.constant 0 : i32
      %add3A_569 = arith.addi %mul3A_567, %add3A_568 : i32
      %add3A_570 = arith.constant 0 : i32
      %add3A_571 = arith.addi %add3A_570, %add3A_532 : i32
      %get3A_572 = arith.index_cast %add3A_569 : i32 to index
      %get3A_573 = arith.constant 0 : index
      %get3A_574 = tpu.vector_load %arg7[%get3A_572, %get3A_573] {strides = array<i32>} : memref<256x128xf32, #tpu.memory_space<vmem>>, vector<1x16xf32>,
      %get3A_575 = vector.shape_cast %get3A_574 : vector<1x16xf32> to vector<16xf32>
      %mul3A_576 = arith.constant 11.3137083 : f32
      %mul3A_577 = vector.broadcast %mul3A_576 : f32 to vector<16xf32>
      %mul3A_578 = arith.mulf %get3A_575, %mul3A_577 : vector<16xf32>
      %add3A_579 = arith.addf %mul3A_578, %get3A_535 : vector<16xf32>
      %swap3A = arith.index_cast %add3A_571 : i32 to index
      %swap3A_580 = arith.constant 0 : index
      %swap3A_581 = tpu.vector_load %arg8[%swap3A, %swap3A_580] {strides = array<i32>} : memref<256x128xf32, #tpu.memory_space<vmem>>, vector<1x16xf32>,
      %swap3A_582 = vector.shape_cast %swap3A_581 : vector<1x16xf32> to vector<16xf32>
      %swap3A_583 = vector.shape_cast %add3A_579 : vector<16xf32> to vector<1x16xf32>
      tpu.vector_store %arg8[%swap3A, %swap3A_580], %swap3A_583 {strides = array<i32>} : memref<256x128xf32, #tpu.memory_space<vmem>>, vector<1x16xf32>,
      %get3A_584 = arith.index_cast %add3A_569 : i32 to index
      %get3A_585 = arith.constant 16 : index
      %get3A_586 = tpu.vector_load %arg7[%get3A_584, %get3A_585] {strides = array<i32>} : memref<256x128xf32, #tpu.memory_space<vmem>>, vector<1x16xf32>,
      %get3A_587 = vector.shape_cast %get3A_586 : vector<1x16xf32> to vector<16xf32>
      %mul3A_588 = arith.constant 11.3137083 : f32
      %mul3A_589 = vector.broadcast %mul3A_588 : f32 to vector<16xf32>
      %mul3A_590 = arith.mulf %get3A_587, %mul3A_589 : vector<16xf32>
      %add3A_591 = arith.addf %mul3A_590, %get3A_539 : vector<16xf32>
      %swap3A_592 = arith.index_cast %add3A_571 : i32 to index
      %swap3A_593 = arith.constant 16 : index
      %swap3A_594 = tpu.vector_load %arg8[%swap3A_592, %swap3A_593] {strides = array<i32>} : memref<256x128xf32, #tpu.memory_space<vmem>>, vector<1x16xf32>,
      %swap3A_595 = vector.shape_cast %swap3A_594 : vector<1x16xf32> to vector<16xf32>
      %swap3A_596 = vector.shape_cast %add3A_591 : vector<16xf32> to vector<1x16xf32>
      tpu.vector_store %arg8[%swap3A_592, %swap3A_593], %swap3A_596 {strides = array<i32>} : memref<256x128xf32, #tpu.memory_space<vmem>>, vector<1x16xf32>,
      %get3A_597 = arith.index_cast %add3A_569 : i32 to index
      %get3A_598 = arith.constant 32 : index
      %get3A_599 = tpu.vector_load %arg7[%get3A_597, %get3A_598] {strides = array<i32>} : memref<256x128xf32, #tpu.memory_space<vmem>>, vector<1x16xf32>,
      %get3A_600 = vector.shape_cast %get3A_599 : vector<1x16xf32> to vector<16xf32>
      %mul3A_601 = arith.constant 11.3137083 : f32
      %mul3A_602 = vector.broadcast %mul3A_601 : f32 to vector<16xf32>
      %mul3A_603 = arith.mulf %get3A_600, %mul3A_602 : vector<16xf32>
      %add3A_604 = arith.addf %mul3A_603, %get3A_543 : vector<16xf32>
      %swap3A_605 = arith.index_cast %add3A_571 : i32 to index
      %swap3A_606 = arith.constant 32 : index
      %swap3A_607 = tpu.vector_load %arg8[%swap3A_605, %swap3A_606] {strides = array<i32>} : memref<256x128xf32, #tpu.memory_space<vmem>>, vector<1x16xf32>,
      %swap3A_608 = vector.shape_cast %swap3A_607 : vector<1x16xf32> to vector<16xf32>
      %swap3A_609 = vector.shape_cast %add3A_604 : vector<16xf32> to vector<1x16xf32>
      tpu.vector_store %arg8[%swap3A_605, %swap3A_606], %swap3A_609 {strides = array<i32>} : memref<256x128xf32, #tpu.memory_space<vmem>>, vector<1x16xf32>,
      %get3A_610 = arith.index_cast %add3A_569 : i32 to index
      %get3A_611 = arith.constant 48 : index
      %get3A_612 = tpu.vector_load %arg7[%get3A_610, %get3A_611] {strides = array<i32>} : memref<256x128xf32, #tpu.memory_space<vmem>>, vector<1x16xf32>,
      %get3A_613 = vector.shape_cast %get3A_612 : vector<1x16xf32> to vector<16xf32>
      %mul3A_614 = arith.constant 11.3137083 : f32
      %mul3A_615 = vector.broadcast %mul3A_614 : f32 to vector<16xf32>
      %mul3A_616 = arith.mulf %get3A_613, %mul3A_615 : vector<16xf32>
      %add3A_617 = arith.addf %mul3A_616, %get3A_547 : vector<16xf32>
      %swap3A_618 = arith.index_cast %add3A_571 : i32 to index
      %swap3A_619 = arith.constant 48 : index
      %swap3A_620 = tpu.vector_load %arg8[%swap3A_618, %swap3A_619] {strides = array<i32>} : memref<256x128xf32, #tpu.memory_space<vmem>>, vector<1x16xf32>,
      %swap3A_621 = vector.shape_cast %swap3A_620 : vector<1x16xf32> to vector<16xf32>
      %swap3A_622 = vector.shape_cast %add3A_617 : vector<16xf32> to vector<1x16xf32>
      tpu.vector_store %arg8[%swap3A_618, %swap3A_619], %swap3A_622 {strides = array<i32>} : memref<256x128xf32, #tpu.memory_space<vmem>>, vector<1x16xf32>,
      %get3A_623 = arith.index_cast %add3A_569 : i32 to index
      %get3A_624 = arith.constant 64 : index
      %get3A_625 = tpu.vector_load %arg7[%get3A_623, %get3A_624] {strides = array<i32>} : memref<256x128xf32, #tpu.memory_space<vmem>>, vector<1x16xf32>,
      %get3A_626 = vector.shape_cast %get3A_625 : vector<1x16xf32> to vector<16xf32>
      %mul3A_627 = arith.constant 11.3137083 : f32
      %mul3A_628 = vector.broadcast %mul3A_627 : f32 to vector<16xf32>
      %mul3A_629 = arith.mulf %get3A_626, %mul3A_628 : vector<16xf32>
      %add3A_630 = arith.addf %mul3A_629, %get3A_551 : vector<16xf32>
      %swap3A_631 = arith.index_cast %add3A_571 : i32 to index
      %swap3A_632 = arith.constant 64 : index
      %swap3A_633 = tpu.vector_load %arg8[%swap3A_631, %swap3A_632] {strides = array<i32>} : memref<256x128xf32, #tpu.memory_space<vmem>>, vector<1x16xf32>,
      %swap3A_634 = vector.shape_cast %swap3A_633 : vector<1x16xf32> to vector<16xf32>
      %swap3A_635 = vector.shape_cast %add3A_630 : vector<16xf32> to vector<1x16xf32>
      tpu.vector_store %arg8[%swap3A_631, %swap3A_632], %swap3A_635 {strides = array<i32>} : memref<256x128xf32, #tpu.memory_space<vmem>>, vector<1x16xf32>,
      %get3A_636 = arith.index_cast %add3A_569 : i32 to index
      %get3A_637 = arith.constant 80 : index
      %get3A_638 = tpu.vector_load %arg7[%get3A_636, %get3A_637] {strides = array<i32>} : memref<256x128xf32, #tpu.memory_space<vmem>>, vector<1x16xf32>,
      %get3A_639 = vector.shape_cast %get3A_638 : vector<1x16xf32> to vector<16xf32>
      %mul3A_640 = arith.constant 11.3137083 : f32
      %mul3A_641 = vector.broadcast %mul3A_640 : f32 to vector<16xf32>
      %mul3A_642 = arith.mulf %get3A_639, %mul3A_641 : vector<16xf32>
      %add3A_643 = arith.addf %mul3A_642, %get3A_555 : vector<16xf32>
      %swap3A_644 = arith.index_cast %add3A_571 : i32 to index
      %swap3A_645 = arith.constant 80 : index
      %swap3A_646 = tpu.vector_load %arg8[%swap3A_644, %swap3A_645] {strides = array<i32>} : memref<256x128xf32, #tpu.memory_space<vmem>>, vector<1x16xf32>,
      %swap3A_647 = vector.shape_cast %swap3A_646 : vector<1x16xf32> to vector<16xf32>
      %swap3A_648 = vector.shape_cast %add3A_643 : vector<16xf32> to vector<1x16xf32>
      tpu.vector_store %arg8[%swap3A_644, %swap3A_645], %swap3A_648 {strides = array<i32>} : memref<256x128xf32, #tpu.memory_space<vmem>>, vector<1x16xf32>,
      %get3A_649 = arith.index_cast %add3A_569 : i32 to index
      %get3A_650 = arith.constant 96 : index
      %get3A_651 = tpu.vector_load %arg7[%get3A_649, %get3A_650] {strides = array<i32>} : memref<256x128xf32, #tpu.memory_space<vmem>>, vector<1x16xf32>,
      %get3A_652 = vector.shape_cast %get3A_651 : vector<1x16xf32> to vector<16xf32>
      %mul3A_653 = arith.constant 11.3137083 : f32
      %mul3A_654 = vector.broadcast %mul3A_653 : f32 to vector<16xf32>
      %mul3A_655 = arith.mulf %get3A_652, %mul3A_654 : vector<16xf32>
      %add3A_656 = arith.addf %mul3A_655, %get3A_559 : vector<16xf32>
      %swap3A_657 = arith.index_cast %add3A_571 : i32 to index
      %swap3A_658 = arith.constant 96 : index
      %swap3A_659 = tpu.vector_load %arg8[%swap3A_657, %swap3A_658] {strides = array<i32>} : memref<256x128xf32, #tpu.memory_space<vmem>>, vector<1x16xf32>,
      %swap3A_660 = vector.shape_cast %swap3A_659 : vector<1x16xf32> to vector<16xf32>
      %swap3A_661 = vector.shape_cast %add3A_656 : vector<16xf32> to vector<1x16xf32>
      tpu.vector_store %arg8[%swap3A_657, %swap3A_658], %swap3A_661 {strides = array<i32>} : memref<256x128xf32, #tpu.memory_space<vmem>>, vector<1x16xf32>,
      %get3A_662 = arith.index_cast %add3A_569 : i32 to index
      %get3A_663 = arith.constant 112 : index
      %get3A_664 = tpu.vector_load %arg7[%get3A_662, %get3A_663] {strides = array<i32>} : memref<256x128xf32, #tpu.memory_space<vmem>>, vector<1x16xf32>,
      %get3A_665 = vector.shape_cast %get3A_664 : vector<1x16xf32> to vector<16xf32>
      %mul3A_666 = arith.constant 11.3137083 : f32
      %mul3A_667 = vector.broadcast %mul3A_666 : f32 to vector<16xf32>
      %mul3A_668 = arith.mulf %get3A_665, %mul3A_667 : vector<16xf32>
      %add3A_669 = arith.addf %mul3A_668, %get3A_563 : vector<16xf32>
      %swap3A_670 = arith.index_cast %add3A_571 : i32 to index
      %swap3A_671 = arith.constant 112 : index
      %swap3A_672 = tpu.vector_load %arg8[%swap3A_670, %swap3A_671] {strides = array<i32>} : memref<256x128xf32, #tpu.memory_space<vmem>>, vector<1x16xf32>,
      %swap3A_673 = vector.shape_cast %swap3A_672 : vector<1x16xf32> to vector<16xf32>
      %swap3A_674 = vector.shape_cast %add3A_669 : vector<16xf32> to vector<1x16xf32>
      tpu.vector_store %arg8[%swap3A_670, %swap3A_671], %swap3A_674 {strides = array<i32>} : memref<256x128xf32, #tpu.memory_space<vmem>>, vector<1x16xf32>,
      %add3A_675 = arith.constant 0 : i32
      %add3A_676 = arith.addi %add3A_675, %scan3A_530 : i32
      %mul3A_677 = arith.constant 4 : i32
      %mul3A_678 = arith.muli %add3A_676, %mul3A_677 : i32
      %add3A_679 = arith.constant 1 : i32
      %add3A_680 = arith.addi %mul3A_678, %add3A_679 : i32
      %add3A_681 = arith.constant 64 : i32
      %add3A_682 = arith.addi %add3A_681, %add3A_532 : i32
      %get3A_683 = arith.index_cast %add3A_680 : i32 to index
      %get3A_684 = arith.constant 0 : index
      %get3A_685 = tpu.vector_load %arg7[%get3A_683, %get3A_684] {strides = array<i32>} : memref<256x128xf32, #tpu.memory_space<vmem>>, vector<1x16xf32>,
      %get3A_686 = vector.shape_cast %get3A_685 : vector<1x16xf32> to vector<16xf32>
      %mul3A_687 = arith.constant 11.3137083 : f32
      %mul3A_688 = vector.broadcast %mul3A_687 : f32 to vector<16xf32>
      %mul3A_689 = arith.mulf %get3A_686, %mul3A_688 : vector<16xf32>
      %add3A_690 = arith.addf %mul3A_689, %get3A_535 : vector<16xf32>
      %swap3A_691 = arith.index_cast %add3A_682 : i32 to index
      %swap3A_692 = arith.constant 0 : index
      %swap3A_693 = tpu.vector_load %arg8[%swap3A_691, %swap3A_692] {strides = array<i32>} : memref<256x128xf32, #tpu.memory_space<vmem>>, vector<1x16xf32>,
      %swap3A_694 = vector.shape_cast %swap3A_693 : vector<1x16xf32> to vector<16xf32>
      %swap3A_695 = vector.shape_cast %add3A_690 : vector<16xf32> to vector<1x16xf32>
      tpu.vector_store %arg8[%swap3A_691, %swap3A_692], %swap3A_695 {strides = array<i32>} : memref<256x128xf32, #tpu.memory_space<vmem>>, vector<1x16xf32>,
      %get3A_696 = arith.index_cast %add3A_680 : i32 to index
      %get3A_697 = arith.constant 16 : index
      %get3A_698 = tpu.vector_load %arg7[%get3A_696, %get3A_697] {strides = array<i32>} : memref<256x128xf32, #tpu.memory_space<vmem>>, vector<1x16xf32>,
      %get3A_699 = vector.shape_cast %get3A_698 : vector<1x16xf32> to vector<16xf32>
      %mul3A_700 = arith.constant 11.3137083 : f32
      %mul3A_701 = vector.broadcast %mul3A_700 : f32 to vector<16xf32>
      %mul3A_702 = arith.mulf %get3A_699, %mul3A_701 : vector<16xf32>
      %add3A_703 = arith.addf %mul3A_702, %get3A_539 : vector<16xf32>
      %swap3A_704 = arith.index_cast %add3A_682 : i32 to index
      %swap3A_705 = arith.constant 16 : index
      %swap3A_706 = tpu.vector_load %arg8[%swap3A_704, %swap3A_705] {strides = array<i32>} : memref<256x128xf32, #tpu.memory_space<vmem>>, vector<1x16xf32>,
      %swap3A_707 = vector.shape_cast %swap3A_706 : vector<1x16xf32> to vector<16xf32>
      %swap3A_708 = vector.shape_cast %add3A_703 : vector<16xf32> to vector<1x16xf32>
      tpu.vector_store %arg8[%swap3A_704, %swap3A_705], %swap3A_708 {strides = array<i32>} : memref<256x128xf32, #tpu.memory_space<vmem>>, vector<1x16xf32>,
      %get3A_709 = arith.index_cast %add3A_680 : i32 to index
      %get3A_710 = arith.constant 32 : index
      %get3A_711 = tpu.vector_load %arg7[%get3A_709, %get3A_710] {strides = array<i32>} : memref<256x128xf32, #tpu.memory_space<vmem>>, vector<1x16xf32>,
      %get3A_712 = vector.shape_cast %get3A_711 : vector<1x16xf32> to vector<16xf32>
      %mul3A_713 = arith.constant 11.3137083 : f32
      %mul3A_714 = vector.broadcast %mul3A_713 : f32 to vector<16xf32>
      %mul3A_715 = arith.mulf %get3A_712, %mul3A_714 : vector<16xf32>
      %add3A_716 = arith.addf %mul3A_715, %get3A_543 : vector<16xf32>
      %swap3A_717 = arith.index_cast %add3A_682 : i32 to index
      %swap3A_718 = arith.constant 32 : index
      %swap3A_719 = tpu.vector_load %arg8[%swap3A_717, %swap3A_718] {strides = array<i32>} : memref<256x128xf32, #tpu.memory_space<vmem>>, vector<1x16xf32>,
      %swap3A_720 = vector.shape_cast %swap3A_719 : vector<1x16xf32> to vector<16xf32>
      %swap3A_721 = vector.shape_cast %add3A_716 : vector<16xf32> to vector<1x16xf32>
      tpu.vector_store %arg8[%swap3A_717, %swap3A_718], %swap3A_721 {strides = array<i32>} : memref<256x128xf32, #tpu.memory_space<vmem>>, vector<1x16xf32>,
      %get3A_722 = arith.index_cast %add3A_680 : i32 to index
      %get3A_723 = arith.constant 48 : index
      %get3A_724 = tpu.vector_load %arg7[%get3A_722, %get3A_723] {strides = array<i32>} : memref<256x128xf32, #tpu.memory_space<vmem>>, vector<1x16xf32>,
      %get3A_725 = vector.shape_cast %get3A_724 : vector<1x16xf32> to vector<16xf32>
      %mul3A_726 = arith.constant 11.3137083 : f32
      %mul3A_727 = vector.broadcast %mul3A_726 : f32 to vector<16xf32>
      %mul3A_728 = arith.mulf %get3A_725, %mul3A_727 : vector<16xf32>
      %add3A_729 = arith.addf %mul3A_728, %get3A_547 : vector<16xf32>
      %swap3A_730 = arith.index_cast %add3A_682 : i32 to index
      %swap3A_731 = arith.constant 48 : index
      %swap3A_732 = tpu.vector_load %arg8[%swap3A_730, %swap3A_731] {strides = array<i32>} : memref<256x128xf32, #tpu.memory_space<vmem>>, vector<1x16xf32>,
      %swap3A_733 = vector.shape_cast %swap3A_732 : vector<1x16xf32> to vector<16xf32>
      %swap3A_734 = vector.shape_cast %add3A_729 : vector<16xf32> to vector<1x16xf32>
      tpu.vector_store %arg8[%swap3A_730, %swap3A_731], %swap3A_734 {strides = array<i32>} : memref<256x128xf32, #tpu.memory_space<vmem>>, vector<1x16xf32>,
      %get3A_735 = arith.index_cast %add3A_680 : i32 to index
      %get3A_736 = arith.constant 64 : index
      %get3A_737 = tpu.vector_load %arg7[%get3A_735, %get3A_736] {strides = array<i32>} : memref<256x128xf32, #tpu.memory_space<vmem>>, vector<1x16xf32>,
      %get3A_738 = vector.shape_cast %get3A_737 : vector<1x16xf32> to vector<16xf32>
      %mul3A_739 = arith.constant 11.3137083 : f32
      %mul3A_740 = vector.broadcast %mul3A_739 : f32 to vector<16xf32>
      %mul3A_741 = arith.mulf %get3A_738, %mul3A_740 : vector<16xf32>
      %add3A_742 = arith.addf %mul3A_741, %get3A_551 : vector<16xf32>
      %swap3A_743 = arith.index_cast %add3A_682 : i32 to index
      %swap3A_744 = arith.constant 64 : index
      %swap3A_745 = tpu.vector_load %arg8[%swap3A_743, %swap3A_744] {strides = array<i32>} : memref<256x128xf32, #tpu.memory_space<vmem>>, vector<1x16xf32>,
      %swap3A_746 = vector.shape_cast %swap3A_745 : vector<1x16xf32> to vector<16xf32>
      %swap3A_747 = vector.shape_cast %add3A_742 : vector<16xf32> to vector<1x16xf32>
      tpu.vector_store %arg8[%swap3A_743, %swap3A_744], %swap3A_747 {strides = array<i32>} : memref<256x128xf32, #tpu.memory_space<vmem>>, vector<1x16xf32>,
      %get3A_748 = arith.index_cast %add3A_680 : i32 to index
      %get3A_749 = arith.constant 80 : index
      %get3A_750 = tpu.vector_load %arg7[%get3A_748, %get3A_749] {strides = array<i32>} : memref<256x128xf32, #tpu.memory_space<vmem>>, vector<1x16xf32>,
      %get3A_751 = vector.shape_cast %get3A_750 : vector<1x16xf32> to vector<16xf32>
      %mul3A_752 = arith.constant 11.3137083 : f32
      %mul3A_753 = vector.broadcast %mul3A_752 : f32 to vector<16xf32>
      %mul3A_754 = arith.mulf %get3A_751, %mul3A_753 : vector<16xf32>
      %add3A_755 = arith.addf %mul3A_754, %get3A_555 : vector<16xf32>
      %swap3A_756 = arith.index_cast %add3A_682 : i32 to index
      %swap3A_757 = arith.constant 80 : index
      %swap3A_758 = tpu.vector_load %arg8[%swap3A_756, %swap3A_757] {strides = array<i32>} : memref<256x128xf32, #tpu.memory_space<vmem>>, vector<1x16xf32>,
      %swap3A_759 = vector.shape_cast %swap3A_758 : vector<1x16xf32> to vector<16xf32>
      %swap3A_760 = vector.shape_cast %add3A_755 : vector<16xf32> to vector<1x16xf32>
      tpu.vector_store %arg8[%swap3A_756, %swap3A_757], %swap3A_760 {strides = array<i32>} : memref<256x128xf32, #tpu.memory_space<vmem>>, vector<1x16xf32>,
      %get3A_761 = arith.index_cast %add3A_680 : i32 to index
      %get3A_762 = arith.constant 96 : index
      %get3A_763 = tpu.vector_load %arg7[%get3A_761, %get3A_762] {strides = array<i32>} : memref<256x128xf32, #tpu.memory_space<vmem>>, vector<1x16xf32>,
      %get3A_764 = vector.shape_cast %get3A_763 : vector<1x16xf32> to vector<16xf32>
      %mul3A_765 = arith.constant 11.3137083 : f32
      %mul3A_766 = vector.broadcast %mul3A_765 : f32 to vector<16xf32>
      %mul3A_767 = arith.mulf %get3A_764, %mul3A_766 : vector<16xf32>
      %add3A_768 = arith.addf %mul3A_767, %get3A_559 : vector<16xf32>
      %swap3A_769 = arith.index_cast %add3A_682 : i32 to index
      %swap3A_770 = arith.constant 96 : index
      %swap3A_771 = tpu.vector_load %arg8[%swap3A_769, %swap3A_770] {strides = array<i32>} : memref<256x128xf32, #tpu.memory_space<vmem>>, vector<1x16xf32>,
      %swap3A_772 = vector.shape_cast %swap3A_771 : vector<1x16xf32> to vector<16xf32>
      %swap3A_773 = vector.shape_cast %add3A_768 : vector<16xf32> to vector<1x16xf32>
      tpu.vector_store %arg8[%swap3A_769, %swap3A_770], %swap3A_773 {strides = array<i32>} : memref<256x128xf32, #tpu.memory_space<vmem>>, vector<1x16xf32>,
      %get3A_774 = arith.index_cast %add3A_680 : i32 to index
      %get3A_775 = arith.constant 112 : index
      %get3A_776 = tpu.vector_load %arg7[%get3A_774, %get3A_775] {strides = array<i32>} : memref<256x128xf32, #tpu.memory_space<vmem>>, vector<1x16xf32>,
      %get3A_777 = vector.shape_cast %get3A_776 : vector<1x16xf32> to vector<16xf32>
      %mul3A_778 = arith.constant 11.3137083 : f32
      %mul3A_779 = vector.broadcast %mul3A_778 : f32 to vector<16xf32>
      %mul3A_780 = arith.mulf %get3A_777, %mul3A_779 : vector<16xf32>
      %add3A_781 = arith.addf %mul3A_780, %get3A_563 : vector<16xf32>
      %swap3A_782 = arith.index_cast %add3A_682 : i32 to index
      %swap3A_783 = arith.constant 112 : index
      %swap3A_784 = tpu.vector_load %arg8[%swap3A_782, %swap3A_783] {strides = array<i32>} : memref<256x128xf32, #tpu.memory_space<vmem>>, vector<1x16xf32>,
      %swap3A_785 = vector.shape_cast %swap3A_784 : vector<1x16xf32> to vector<16xf32>
      %swap3A_786 = vector.shape_cast %add3A_781 : vector<16xf32> to vector<1x16xf32>
      tpu.vector_store %arg8[%swap3A_782, %swap3A_783], %swap3A_786 {strides = array<i32>} : memref<256x128xf32, #tpu.memory_space<vmem>>, vector<1x16xf32>,
      %add3A_787 = arith.constant 0 : i32
      %add3A_788 = arith.addi %add3A_787, %scan3A_530 : i32
      %mul3A_789 = arith.constant 4 : i32
      %mul3A_790 = arith.muli %add3A_788, %mul3A_789 : i32
      %add3A_791 = arith.constant 2 : i32
      %add3A_792 = arith.addi %mul3A_790, %add3A_791 : i32
      %add3A_793 = arith.constant 128 : i32
      %add3A_794 = arith.addi %add3A_793, %add3A_532 : i32
      %get3A_795 = arith.index_cast %add3A_792 : i32 to index
      %get3A_796 = arith.constant 0 : index
      %get3A_797 = tpu.vector_load %arg7[%get3A_795, %get3A_796] {strides = array<i32>} : memref<256x128xf32, #tpu.memory_space<vmem>>, vector<1x16xf32>,
      %get3A_798 = vector.shape_cast %get3A_797 : vector<1x16xf32> to vector<16xf32>
      %mul3A_799 = arith.constant 11.3137083 : f32
      %mul3A_800 = vector.broadcast %mul3A_799 : f32 to vector<16xf32>
      %mul3A_801 = arith.mulf %get3A_798, %mul3A_800 : vector<16xf32>
      %add3A_802 = arith.addf %mul3A_801, %get3A_535 : vector<16xf32>
      %swap3A_803 = arith.index_cast %add3A_794 : i32 to index
      %swap3A_804 = arith.constant 0 : index
      %swap3A_805 = tpu.vector_load %arg8[%swap3A_803, %swap3A_804] {strides = array<i32>} : memref<256x128xf32, #tpu.memory_space<vmem>>, vector<1x16xf32>,
      %swap3A_806 = vector.shape_cast %swap3A_805 : vector<1x16xf32> to vector<16xf32>
      %swap3A_807 = vector.shape_cast %add3A_802 : vector<16xf32> to vector<1x16xf32>
      tpu.vector_store %arg8[%swap3A_803, %swap3A_804], %swap3A_807 {strides = array<i32>} : memref<256x128xf32, #tpu.memory_space<vmem>>, vector<1x16xf32>,
      %get3A_808 = arith.index_cast %add3A_792 : i32 to index
      %get3A_809 = arith.constant 16 : index
      %get3A_810 = tpu.vector_load %arg7[%get3A_808, %get3A_809] {strides = array<i32>} : memref<256x128xf32, #tpu.memory_space<vmem>>, vector<1x16xf32>,
      %get3A_811 = vector.shape_cast %get3A_810 : vector<1x16xf32> to vector<16xf32>
      %mul3A_812 = arith.constant 11.3137083 : f32
      %mul3A_813 = vector.broadcast %mul3A_812 : f32 to vector<16xf32>
      %mul3A_814 = arith.mulf %get3A_811, %mul3A_813 : vector<16xf32>
      %add3A_815 = arith.addf %mul3A_814, %get3A_539 : vector<16xf32>
      %swap3A_816 = arith.index_cast %add3A_794 : i32 to index
      %swap3A_817 = arith.constant 16 : index
      %swap3A_818 = tpu.vector_load %arg8[%swap3A_816, %swap3A_817] {strides = array<i32>} : memref<256x128xf32, #tpu.memory_space<vmem>>, vector<1x16xf32>,
      %swap3A_819 = vector.shape_cast %swap3A_818 : vector<1x16xf32> to vector<16xf32>
      %swap3A_820 = vector.shape_cast %add3A_815 : vector<16xf32> to vector<1x16xf32>
      tpu.vector_store %arg8[%swap3A_816, %swap3A_817], %swap3A_820 {strides = array<i32>} : memref<256x128xf32, #tpu.memory_space<vmem>>, vector<1x16xf32>,
      %get3A_821 = arith.index_cast %add3A_792 : i32 to index
      %get3A_822 = arith.constant 32 : index
      %get3A_823 = tpu.vector_load %arg7[%get3A_821, %get3A_822] {strides = array<i32>} : memref<256x128xf32, #tpu.memory_space<vmem>>, vector<1x16xf32>,
      %get3A_824 = vector.shape_cast %get3A_823 : vector<1x16xf32> to vector<16xf32>
      %mul3A_825 = arith.constant 11.3137083 : f32
      %mul3A_826 = vector.broadcast %mul3A_825 : f32 to vector<16xf32>
      %mul3A_827 = arith.mulf %get3A_824, %mul3A_826 : vector<16xf32>
      %add3A_828 = arith.addf %mul3A_827, %get3A_543 : vector<16xf32>
      %swap3A_829 = arith.index_cast %add3A_794 : i32 to index
      %swap3A_830 = arith.constant 32 : index
      %swap3A_831 = tpu.vector_load %arg8[%swap3A_829, %swap3A_830] {strides = array<i32>} : memref<256x128xf32, #tpu.memory_space<vmem>>, vector<1x16xf32>,
      %swap3A_832 = vector.shape_cast %swap3A_831 : vector<1x16xf32> to vector<16xf32>
      %swap3A_833 = vector.shape_cast %add3A_828 : vector<16xf32> to vector<1x16xf32>
      tpu.vector_store %arg8[%swap3A_829, %swap3A_830], %swap3A_833 {strides = array<i32>} : memref<256x128xf32, #tpu.memory_space<vmem>>, vector<1x16xf32>,
      %get3A_834 = arith.index_cast %add3A_792 : i32 to index
      %get3A_835 = arith.constant 48 : index
      %get3A_836 = tpu.vector_load %arg7[%get3A_834, %get3A_835] {strides = array<i32>} : memref<256x128xf32, #tpu.memory_space<vmem>>, vector<1x16xf32>,
      %get3A_837 = vector.shape_cast %get3A_836 : vector<1x16xf32> to vector<16xf32>
      %mul3A_838 = arith.constant 11.3137083 : f32
      %mul3A_839 = vector.broadcast %mul3A_838 : f32 to vector<16xf32>
      %mul3A_840 = arith.mulf %get3A_837, %mul3A_839 : vector<16xf32>
      %add3A_841 = arith.addf %mul3A_840, %get3A_547 : vector<16xf32>
      %swap3A_842 = arith.index_cast %add3A_794 : i32 to index
      %swap3A_843 = arith.constant 48 : index
      %swap3A_844 = tpu.vector_load %arg8[%swap3A_842, %swap3A_843] {strides = array<i32>} : memref<256x128xf32, #tpu.memory_space<vmem>>, vector<1x16xf32>,
      %swap3A_845 = vector.shape_cast %swap3A_844 : vector<1x16xf32> to vector<16xf32>
      %swap3A_846 = vector.shape_cast %add3A_841 : vector<16xf32> to vector<1x16xf32>
      tpu.vector_store %arg8[%swap3A_842, %swap3A_843], %swap3A_846 {strides = array<i32>} : memref<256x128xf32, #tpu.memory_space<vmem>>, vector<1x16xf32>,
      %get3A_847 = arith.index_cast %add3A_792 : i32 to index
      %get3A_848 = arith.constant 64 : index
      %get3A_849 = tpu.vector_load %arg7[%get3A_847, %get3A_848] {strides = array<i32>} : memref<256x128xf32, #tpu.memory_space<vmem>>, vector<1x16xf32>,
      %get3A_850 = vector.shape_cast %get3A_849 : vector<1x16xf32> to vector<16xf32>
      %mul3A_851 = arith.constant 11.3137083 : f32
      %mul3A_852 = vector.broadcast %mul3A_851 : f32 to vector<16xf32>
      %mul3A_853 = arith.mulf %get3A_850, %mul3A_852 : vector<16xf32>
      %add3A_854 = arith.addf %mul3A_853, %get3A_551 : vector<16xf32>
      %swap3A_855 = arith.index_cast %add3A_794 : i32 to index
      %swap3A_856 = arith.constant 64 : index
      %swap3A_857 = tpu.vector_load %arg8[%swap3A_855, %swap3A_856] {strides = array<i32>} : memref<256x128xf32, #tpu.memory_space<vmem>>, vector<1x16xf32>,
      %swap3A_858 = vector.shape_cast %swap3A_857 : vector<1x16xf32> to vector<16xf32>
      %swap3A_859 = vector.shape_cast %add3A_854 : vector<16xf32> to vector<1x16xf32>
      tpu.vector_store %arg8[%swap3A_855, %swap3A_856], %swap3A_859 {strides = array<i32>} : memref<256x128xf32, #tpu.memory_space<vmem>>, vector<1x16xf32>,
      %get3A_860 = arith.index_cast %add3A_792 : i32 to index
      %get3A_861 = arith.constant 80 : index
      %get3A_862 = tpu.vector_load %arg7[%get3A_860, %get3A_861] {strides = array<i32>} : memref<256x128xf32, #tpu.memory_space<vmem>>, vector<1x16xf32>,
      %get3A_863 = vector.shape_cast %get3A_862 : vector<1x16xf32> to vector<16xf32>
      %mul3A_864 = arith.constant 11.3137083 : f32
      %mul3A_865 = vector.broadcast %mul3A_864 : f32 to vector<16xf32>
      %mul3A_866 = arith.mulf %get3A_863, %mul3A_865 : vector<16xf32>
      %add3A_867 = arith.addf %mul3A_866, %get3A_555 : vector<16xf32>
      %swap3A_868 = arith.index_cast %add3A_794 : i32 to index
      %swap3A_869 = arith.constant 80 : index
      %swap3A_870 = tpu.vector_load %arg8[%swap3A_868, %swap3A_869] {strides = array<i32>} : memref<256x128xf32, #tpu.memory_space<vmem>>, vector<1x16xf32>,
      %swap3A_871 = vector.shape_cast %swap3A_870 : vector<1x16xf32> to vector<16xf32>
      %swap3A_872 = vector.shape_cast %add3A_867 : vector<16xf32> to vector<1x16xf32>
      tpu.vector_store %arg8[%swap3A_868, %swap3A_869], %swap3A_872 {strides = array<i32>} : memref<256x128xf32, #tpu.memory_space<vmem>>, vector<1x16xf32>,
      %get3A_873 = arith.index_cast %add3A_792 : i32 to index
      %get3A_874 = arith.constant 96 : index
      %get3A_875 = tpu.vector_load %arg7[%get3A_873, %get3A_874] {strides = array<i32>} : memref<256x128xf32, #tpu.memory_space<vmem>>, vector<1x16xf32>,
      %get3A_876 = vector.shape_cast %get3A_875 : vector<1x16xf32> to vector<16xf32>
      %mul3A_877 = arith.constant 11.3137083 : f32
      %mul3A_878 = vector.broadcast %mul3A_877 : f32 to vector<16xf32>
      %mul3A_879 = arith.mulf %get3A_876, %mul3A_878 : vector<16xf32>
      %add3A_880 = arith.addf %mul3A_879, %get3A_559 : vector<16xf32>
      %swap3A_881 = arith.index_cast %add3A_794 : i32 to index
      %swap3A_882 = arith.constant 96 : index
      %swap3A_883 = tpu.vector_load %arg8[%swap3A_881, %swap3A_882] {strides = array<i32>} : memref<256x128xf32, #tpu.memory_space<vmem>>, vector<1x16xf32>,
      %swap3A_884 = vector.shape_cast %swap3A_883 : vector<1x16xf32> to vector<16xf32>
      %swap3A_885 = vector.shape_cast %add3A_880 : vector<16xf32> to vector<1x16xf32>
      tpu.vector_store %arg8[%swap3A_881, %swap3A_882], %swap3A_885 {strides = array<i32>} : memref<256x128xf32, #tpu.memory_space<vmem>>, vector<1x16xf32>,
      %get3A_886 = arith.index_cast %add3A_792 : i32 to index
      %get3A_887 = arith.constant 112 : index
      %get3A_888 = tpu.vector_load %arg7[%get3A_886, %get3A_887] {strides = array<i32>} : memref<256x128xf32, #tpu.memory_space<vmem>>, vector<1x16xf32>,
      %get3A_889 = vector.shape_cast %get3A_888 : vector<1x16xf32> to vector<16xf32>
      %mul3A_890 = arith.constant 11.3137083 : f32
      %mul3A_891 = vector.broadcast %mul3A_890 : f32 to vector<16xf32>
      %mul3A_892 = arith.mulf %get3A_889, %mul3A_891 : vector<16xf32>
      %add3A_893 = arith.addf %mul3A_892, %get3A_563 : vector<16xf32>
      %swap3A_894 = arith.index_cast %add3A_794 : i32 to index
      %swap3A_895 = arith.constant 112 : index
      %swap3A_896 = tpu.vector_load %arg8[%swap3A_894, %swap3A_895] {strides = array<i32>} : memref<256x128xf32, #tpu.memory_space<vmem>>, vector<1x16xf32>,
      %swap3A_897 = vector.shape_cast %swap3A_896 : vector<1x16xf32> to vector<16xf32>
      %swap3A_898 = vector.shape_cast %add3A_893 : vector<16xf32> to vector<1x16xf32>
      tpu.vector_store %arg8[%swap3A_894, %swap3A_895], %swap3A_898 {strides = array<i32>} : memref<256x128xf32, #tpu.memory_space<vmem>>, vector<1x16xf32>,
      %add3A_899 = arith.constant 0 : i32
      %add3A_900 = arith.addi %add3A_899, %scan3A_530 : i32
      %mul3A_901 = arith.constant 4 : i32
      %mul3A_902 = arith.muli %add3A_900, %mul3A_901 : i32
      %add3A_903 = arith.constant 3 : i32
      %add3A_904 = arith.addi %mul3A_902, %add3A_903 : i32
      %add3A_905 = arith.constant 192 : i32
      %add3A_906 = arith.addi %add3A_905, %add3A_532 : i32
      %get3A_907 = arith.index_cast %add3A_904 : i32 to index
      %get3A_908 = arith.constant 0 : index
      %get3A_909 = tpu.vector_load %arg7[%get3A_907, %get3A_908] {strides = array<i32>} : memref<256x128xf32, #tpu.memory_space<vmem>>, vector<1x16xf32>,
      %get3A_910 = vector.shape_cast %get3A_909 : vector<1x16xf32> to vector<16xf32>
      %mul3A_911 = arith.constant 11.3137083 : f32
      %mul3A_912 = vector.broadcast %mul3A_911 : f32 to vector<16xf32>
      %mul3A_913 = arith.mulf %get3A_910, %mul3A_912 : vector<16xf32>
      %add3A_914 = arith.addf %mul3A_913, %get3A_535 : vector<16xf32>
      %swap3A_915 = arith.index_cast %add3A_906 : i32 to index
      %swap3A_916 = arith.constant 0 : index
      %swap3A_917 = tpu.vector_load %arg8[%swap3A_915, %swap3A_916] {strides = array<i32>} : memref<256x128xf32, #tpu.memory_space<vmem>>, vector<1x16xf32>,
      %swap3A_918 = vector.shape_cast %swap3A_917 : vector<1x16xf32> to vector<16xf32>
      %swap3A_919 = vector.shape_cast %add3A_914 : vector<16xf32> to vector<1x16xf32>
      tpu.vector_store %arg8[%swap3A_915, %swap3A_916], %swap3A_919 {strides = array<i32>} : memref<256x128xf32, #tpu.memory_space<vmem>>, vector<1x16xf32>,
      %get3A_920 = arith.index_cast %add3A_904 : i32 to index
      %get3A_921 = arith.constant 16 : index
      %get3A_922 = tpu.vector_load %arg7[%get3A_920, %get3A_921] {strides = array<i32>} : memref<256x128xf32, #tpu.memory_space<vmem>>, vector<1x16xf32>,
      %get3A_923 = vector.shape_cast %get3A_922 : vector<1x16xf32> to vector<16xf32>
      %mul3A_924 = arith.constant 11.3137083 : f32
      %mul3A_925 = vector.broadcast %mul3A_924 : f32 to vector<16xf32>
      %mul3A_926 = arith.mulf %get3A_923, %mul3A_925 : vector<16xf32>
      %add3A_927 = arith.addf %mul3A_926, %get3A_539 : vector<16xf32>
      %swap3A_928 = arith.index_cast %add3A_906 : i32 to index
      %swap3A_929 = arith.constant 16 : index
      %swap3A_930 = tpu.vector_load %arg8[%swap3A_928, %swap3A_929] {strides = array<i32>} : memref<256x128xf32, #tpu.memory_space<vmem>>, vector<1x16xf32>,
      %swap3A_931 = vector.shape_cast %swap3A_930 : vector<1x16xf32> to vector<16xf32>
      %swap3A_932 = vector.shape_cast %add3A_927 : vector<16xf32> to vector<1x16xf32>
      tpu.vector_store %arg8[%swap3A_928, %swap3A_929], %swap3A_932 {strides = array<i32>} : memref<256x128xf32, #tpu.memory_space<vmem>>, vector<1x16xf32>,
      %get3A_933 = arith.index_cast %add3A_904 : i32 to index
      %get3A_934 = arith.constant 32 : index
      %get3A_935 = tpu.vector_load %arg7[%get3A_933, %get3A_934] {strides = array<i32>} : memref<256x128xf32, #tpu.memory_space<vmem>>, vector<1x16xf32>,
      %get3A_936 = vector.shape_cast %get3A_935 : vector<1x16xf32> to vector<16xf32>
      %mul3A_937 = arith.constant 11.3137083 : f32
      %mul3A_938 = vector.broadcast %mul3A_937 : f32 to vector<16xf32>
      %mul3A_939 = arith.mulf %get3A_936, %mul3A_938 : vector<16xf32>
      %add3A_940 = arith.addf %mul3A_939, %get3A_543 : vector<16xf32>
      %swap3A_941 = arith.index_cast %add3A_906 : i32 to index
      %swap3A_942 = arith.constant 32 : index
      %swap3A_943 = tpu.vector_load %arg8[%swap3A_941, %swap3A_942] {strides = array<i32>} : memref<256x128xf32, #tpu.memory_space<vmem>>, vector<1x16xf32>,
      %swap3A_944 = vector.shape_cast %swap3A_943 : vector<1x16xf32> to vector<16xf32>
      %swap3A_945 = vector.shape_cast %add3A_940 : vector<16xf32> to vector<1x16xf32>
      tpu.vector_store %arg8[%swap3A_941, %swap3A_942], %swap3A_945 {strides = array<i32>} : memref<256x128xf32, #tpu.memory_space<vmem>>, vector<1x16xf32>,
      %get3A_946 = arith.index_cast %add3A_904 : i32 to index
      %get3A_947 = arith.constant 48 : index
      %get3A_948 = tpu.vector_load %arg7[%get3A_946, %get3A_947] {strides = array<i32>} : memref<256x128xf32, #tpu.memory_space<vmem>>, vector<1x16xf32>,
      %get3A_949 = vector.shape_cast %get3A_948 : vector<1x16xf32> to vector<16xf32>
      %mul3A_950 = arith.constant 11.3137083 : f32
      %mul3A_951 = vector.broadcast %mul3A_950 : f32 to vector<16xf32>
      %mul3A_952 = arith.mulf %get3A_949, %mul3A_951 : vector<16xf32>
      %add3A_953 = arith.addf %mul3A_952, %get3A_547 : vector<16xf32>
      %swap3A_954 = arith.index_cast %add3A_906 : i32 to index
      %swap3A_955 = arith.constant 48 : index
      %swap3A_956 = tpu.vector_load %arg8[%swap3A_954, %swap3A_955] {strides = array<i32>} : memref<256x128xf32, #tpu.memory_space<vmem>>, vector<1x16xf32>,
      %swap3A_957 = vector.shape_cast %swap3A_956 : vector<1x16xf32> to vector<16xf32>
      %swap3A_958 = vector.shape_cast %add3A_953 : vector<16xf32> to vector<1x16xf32>
      tpu.vector_store %arg8[%swap3A_954, %swap3A_955], %swap3A_958 {strides = array<i32>} : memref<256x128xf32, #tpu.memory_space<vmem>>, vector<1x16xf32>,
      %get3A_959 = arith.index_cast %add3A_904 : i32 to index
      %get3A_960 = arith.constant 64 : index
      %get3A_961 = tpu.vector_load %arg7[%get3A_959, %get3A_960] {strides = array<i32>} : memref<256x128xf32, #tpu.memory_space<vmem>>, vector<1x16xf32>,
      %get3A_962 = vector.shape_cast %get3A_961 : vector<1x16xf32> to vector<16xf32>
      %mul3A_963 = arith.constant 11.3137083 : f32
      %mul3A_964 = vector.broadcast %mul3A_963 : f32 to vector<16xf32>
      %mul3A_965 = arith.mulf %get3A_962, %mul3A_964 : vector<16xf32>
      %add3A_966 = arith.addf %mul3A_965, %get3A_551 : vector<16xf32>
      %swap3A_967 = arith.index_cast %add3A_906 : i32 to index
      %swap3A_968 = arith.constant 64 : index
      %swap3A_969 = tpu.vector_load %arg8[%swap3A_967, %swap3A_968] {strides = array<i32>} : memref<256x128xf32, #tpu.memory_space<vmem>>, vector<1x16xf32>,
      %swap3A_970 = vector.shape_cast %swap3A_969 : vector<1x16xf32> to vector<16xf32>
      %swap3A_971 = vector.shape_cast %add3A_966 : vector<16xf32> to vector<1x16xf32>
      tpu.vector_store %arg8[%swap3A_967, %swap3A_968], %swap3A_971 {strides = array<i32>} : memref<256x128xf32, #tpu.memory_space<vmem>>, vector<1x16xf32>,
      %get3A_972 = arith.index_cast %add3A_904 : i32 to index
      %get3A_973 = arith.constant 80 : index
      %get3A_974 = tpu.vector_load %arg7[%get3A_972, %get3A_973] {strides = array<i32>} : memref<256x128xf32, #tpu.memory_space<vmem>>, vector<1x16xf32>,
      %get3A_975 = vector.shape_cast %get3A_974 : vector<1x16xf32> to vector<16xf32>
      %mul3A_976 = arith.constant 11.3137083 : f32
      %mul3A_977 = vector.broadcast %mul3A_976 : f32 to vector<16xf32>
      %mul3A_978 = arith.mulf %get3A_975, %mul3A_977 : vector<16xf32>
      %add3A_979 = arith.addf %mul3A_978, %get3A_555 : vector<16xf32>
      %swap3A_980 = arith.index_cast %add3A_906 : i32 to index
      %swap3A_981 = arith.constant 80 : index
      %swap3A_982 = tpu.vector_load %arg8[%swap3A_980, %swap3A_981] {strides = array<i32>} : memref<256x128xf32, #tpu.memory_space<vmem>>, vector<1x16xf32>,
      %swap3A_983 = vector.shape_cast %swap3A_982 : vector<1x16xf32> to vector<16xf32>
      %swap3A_984 = vector.shape_cast %add3A_979 : vector<16xf32> to vector<1x16xf32>
      tpu.vector_store %arg8[%swap3A_980, %swap3A_981], %swap3A_984 {strides = array<i32>} : memref<256x128xf32, #tpu.memory_space<vmem>>, vector<1x16xf32>,
      %get3A_985 = arith.index_cast %add3A_904 : i32 to index
      %get3A_986 = arith.constant 96 : index
      %get3A_987 = tpu.vector_load %arg7[%get3A_985, %get3A_986] {strides = array<i32>} : memref<256x128xf32, #tpu.memory_space<vmem>>, vector<1x16xf32>,
      %get3A_988 = vector.shape_cast %get3A_987 : vector<1x16xf32> to vector<16xf32>
      %mul3A_989 = arith.constant 11.3137083 : f32
      %mul3A_990 = vector.broadcast %mul3A_989 : f32 to vector<16xf32>
      %mul3A_991 = arith.mulf %get3A_988, %mul3A_990 : vector<16xf32>
      %add3A_992 = arith.addf %mul3A_991, %get3A_559 : vector<16xf32>
      %swap3A_993 = arith.index_cast %add3A_906 : i32 to index
      %swap3A_994 = arith.constant 96 : index
      %swap3A_995 = tpu.vector_load %arg8[%swap3A_993, %swap3A_994] {strides = array<i32>} : memref<256x128xf32, #tpu.memory_space<vmem>>, vector<1x16xf32>,
      %swap3A_996 = vector.shape_cast %swap3A_995 : vector<1x16xf32> to vector<16xf32>
      %swap3A_997 = vector.shape_cast %add3A_992 : vector<16xf32> to vector<1x16xf32>
      tpu.vector_store %arg8[%swap3A_993, %swap3A_994], %swap3A_997 {strides = array<i32>} : memref<256x128xf32, #tpu.memory_space<vmem>>, vector<1x16xf32>,
      %get3A_998 = arith.index_cast %add3A_904 : i32 to index
      %get3A_999 = arith.constant 112 : index
      %get3A_1000 = tpu.vector_load %arg7[%get3A_998, %get3A_999] {strides = array<i32>} : memref<256x128xf32, #tpu.memory_space<vmem>>, vector<1x16xf32>,
      %get3A_1001 = vector.shape_cast %get3A_1000 : vector<1x16xf32> to vector<16xf32>
      %mul3A_1002 = arith.constant 11.3137083 : f32
      %mul3A_1003 = vector.broadcast %mul3A_1002 : f32 to vector<16xf32>
      %mul3A_1004 = arith.mulf %get3A_1001, %mul3A_1003 : vector<16xf32>
      %add3A_1005 = arith.addf %mul3A_1004, %get3A_563 : vector<16xf32>
      %swap3A_1006 = arith.index_cast %add3A_906 : i32 to index
      %swap3A_1007 = arith.constant 112 : index
      %swap3A_1008 = tpu.vector_load %arg8[%swap3A_1006, %swap3A_1007] {strides = array<i32>} : memref<256x128xf32, #tpu.memory_space<vmem>>, vector<1x16xf32>,
      %swap3A_1009 = vector.shape_cast %swap3A_1008 : vector<1x16xf32> to vector<16xf32>
      %swap3A_1010 = vector.shape_cast %add3A_1005 : vector<16xf32> to vector<1x16xf32>
      tpu.vector_store %arg8[%swap3A_1006, %swap3A_1007], %swap3A_1010 {strides = array<i32>} : memref<256x128xf32, #tpu.memory_space<vmem>>, vector<1x16xf32>,
    }
    %scan3A_65 = arith.constant 16 : i32
    %mul3A_66 = arith.constant 64 : i32
    %mul3A_67 = arith.muli %add3A, %mul3A_66 : i32
    %add3A_68 = arith.constant 0 : i32
    %add3A_69 = arith.addi %add3A_68, %mul3A_67 : i32
    %add3A_70 = arith.constant 0 : i32
    %add3A_71 = arith.addi %add3A_69, %add3A_70 : i32
    %dma_start3A_72 = arith.constant 0 : i32
    %dma_start3A_73 = arith.constant 0 : i32
    %dma_start3A_74 = tpu.memref_slice %arg8[%dma_start3A_72, %dma_start3A_73] : memref<256x128xf32, #tpu.memory_space<vmem>> -> memref<16x128xf32, #tpu.memory_space<vmem>>
    %dma_start3A_75 = arith.constant 0 : i32
    %dma_start3A_76 = tpu.memref_slice %arg5[%add3A_71, %dma_start3A_75] : memref<8192x128xf32, #tpu.memory_space<hbm>> -> memref<16x128xf32, #tpu.memory_space<hbm>>
    %dma_start3A_77 = arith.constant 0 : i32
    %dma_start3A_78 = tpu.memref_slice %arg5[%add3A_71, %dma_start3A_77] : memref<8192x128xf32, #tpu.memory_space<hbm>> -> memref<16x128xf32, #tpu.memory_space<hbm>>
    %dma_start3A_79 = arith.constant 0 : i32
    %dma_start3A_80 = arith.constant 0 : i32
    %dma_start3A_81 = tpu.memref_slice %arg8[%dma_start3A_79, %dma_start3A_80] : memref<256x128xf32, #tpu.memory_space<vmem>> -> memref<16x128xf32, #tpu.memory_space<vmem>>
    tpu.enqueue_dma source(%dma_start3A_81 : memref<16x128xf32, #tpu.memory_space<vmem>>) target(%dma_start3A_78 : memref<16x128xf32, #tpu.memory_space<hbm>>) target_semaphore(%arg11 : memref<!tpu.dma_semaphore, #tpu.memory_space<semaphore_mem>>)
    %mul3A_82 = arith.constant 64 : i32
    %mul3A_83 = arith.muli %add3A, %mul3A_82 : i32
    %add3A_84 = arith.constant 2048 : i32
    %add3A_85 = arith.addi %add3A_84, %mul3A_83 : i32
    %add3A_86 = arith.constant 0 : i32
    %add3A_87 = arith.addi %add3A_85, %add3A_86 : i32
    %dma_start3A_88 = arith.constant 64 : i32
    %dma_start3A_89 = arith.constant 0 : i32
    %dma_start3A_90 = tpu.memref_slice %arg8[%dma_start3A_88, %dma_start3A_89] : memref<256x128xf32, #tpu.memory_space<vmem>> -> memref<16x128xf32, #tpu.memory_space<vmem>>
    %dma_start3A_91 = arith.constant 0 : i32
    %dma_start3A_92 = tpu.memref_slice %arg5[%add3A_87, %dma_start3A_91] : memref<8192x128xf32, #tpu.memory_space<hbm>> -> memref<16x128xf32, #tpu.memory_space<hbm>>
    %dma_start3A_93 = arith.constant 0 : i32
    %dma_start3A_94 = tpu.memref_slice %arg5[%add3A_87, %dma_start3A_93] : memref<8192x128xf32, #tpu.memory_space<hbm>> -> memref<16x128xf32, #tpu.memory_space<hbm>>
    %dma_start3A_95 = arith.constant 64 : i32
    %dma_start3A_96 = arith.constant 0 : i32
    %dma_start3A_97 = tpu.memref_slice %arg8[%dma_start3A_95, %dma_start3A_96] : memref<256x128xf32, #tpu.memory_space<vmem>> -> memref<16x128xf32, #tpu.memory_space<vmem>>
    tpu.enqueue_dma source(%dma_start3A_97 : memref<16x128xf32, #tpu.memory_space<vmem>>) target(%dma_start3A_94 : memref<16x128xf32, #tpu.memory_space<hbm>>) target_semaphore(%arg11 : memref<!tpu.dma_semaphore, #tpu.memory_space<semaphore_mem>>)
    %mul3A_98 = arith.constant 64 : i32
    %mul3A_99 = arith.muli %add3A, %mul3A_98 : i32
    %add3A_100 = arith.constant 4096 : i32
    %add3A_101 = arith.addi %add3A_100, %mul3A_99 : i32
    %add3A_102 = arith.constant 0 : i32
    %add3A_103 = arith.addi %add3A_101, %add3A_102 : i32
    %dma_start3A_104 = arith.constant 128 : i32
    %dma_start3A_105 = arith.constant 0 : i32
    %dma_start3A_106 = tpu.memref_slice %arg8[%dma_start3A_104, %dma_start3A_105] : memref<256x128xf32, #tpu.memory_space<vmem>> -> memref<16x128xf32, #tpu.memory_space<vmem>>
    %dma_start3A_107 = arith.constant 0 : i32
    %dma_start3A_108 = tpu.memref_slice %arg5[%add3A_103, %dma_start3A_107] : memref<8192x128xf32, #tpu.memory_space<hbm>> -> memref<16x128xf32, #tpu.memory_space<hbm>>
    %dma_start3A_109 = arith.constant 0 : i32
    %dma_start3A_110 = tpu.memref_slice %arg5[%add3A_103, %dma_start3A_109] : memref<8192x128xf32, #tpu.memory_space<hbm>> -> memref<16x128xf32, #tpu.memory_space<hbm>>
    %dma_start3A_111 = arith.constant 128 : i32
    %dma_start3A_112 = arith.constant 0 : i32
    %dma_start3A_113 = tpu.memref_slice %arg8[%dma_start3A_111, %dma_start3A_112] : memref<256x128xf32, #tpu.memory_space<vmem>> -> memref<16x128xf32, #tpu.memory_space<vmem>>
    tpu.enqueue_dma source(%dma_start3A_113 : memref<16x128xf32, #tpu.memory_space<vmem>>) target(%dma_start3A_110 : memref<16x128xf32, #tpu.memory_space<hbm>>) target_semaphore(%arg11 : memref<!tpu.dma_semaphore, #tpu.memory_space<semaphore_mem>>)
    %mul3A_114 = arith.constant 64 : i32
    %mul3A_115 = arith.muli %add3A, %mul3A_114 : i32
    %add3A_116 = arith.constant 6144 : i32
    %add3A_117 = arith.addi %add3A_116, %mul3A_115 : i32
    %add3A_118 = arith.constant 0 : i32
    %add3A_119 = arith.addi %add3A_117, %add3A_118 : i32
    %dma_start3A_120 = arith.constant 192 : i32
    %dma_start3A_121 = arith.constant 0 : i32
    %dma_start3A_122 = tpu.memref_slice %arg8[%dma_start3A_120, %dma_start3A_121] : memref<256x128xf32, #tpu.memory_space<vmem>> -> memref<16x128xf32, #tpu.memory_space<vmem>>
    %dma_start3A_123 = arith.constant 0 : i32
    %dma_start3A_124 = tpu.memref_slice %arg5[%add3A_119, %dma_start3A_123] : memref<8192x128xf32, #tpu.memory_space<hbm>> -> memref<16x128xf32, #tpu.memory_space<hbm>>
    %dma_start3A_125 = arith.constant 0 : i32
    %dma_start3A_126 = tpu.memref_slice %arg5[%add3A_119, %dma_start3A_125] : memref<8192x128xf32, #tpu.memory_space<hbm>> -> memref<16x128xf32, #tpu.memory_space<hbm>>
    %dma_start3A_127 = arith.constant 192 : i32
    %dma_start3A_128 = arith.constant 0 : i32
    %dma_start3A_129 = tpu.memref_slice %arg8[%dma_start3A_127, %dma_start3A_128] : memref<256x128xf32, #tpu.memory_space<vmem>> -> memref<16x128xf32, #tpu.memory_space<vmem>>
    tpu.enqueue_dma source(%dma_start3A_129 : memref<16x128xf32, #tpu.memory_space<vmem>>) target(%dma_start3A_126 : memref<16x128xf32, #tpu.memory_space<hbm>>) target_semaphore(%arg11 : memref<!tpu.dma_semaphore, #tpu.memory_space<semaphore_mem>>)
    %dma_wait3A_130 = arith.constant 1 : i32
    %dma_wait3A_131 = arith.constant 64 : i32
    %dma_wait3A_132 = arith.constant 0 : i32
    %dma_wait3A_133 = tpu.memref_slice %arg7[%dma_wait3A_131, %dma_wait3A_132] : memref<256x128xf32, #tpu.memory_space<vmem>> -> memref<64x128xf32, #tpu.memory_space<vmem>>
    %dma_wait3A_134 = arith.constant 0 : i32
    %dma_wait3A_135 = tpu.memref_slice %arg6[%dma_wait3A_130, %dma_wait3A_134] : memref<4x64xi32, #tpu.memory_space<vmem>> -> memref<1x64xi32, #tpu.memory_space<vmem>>
    %dma_wait3A_136 = tpu.memref_squeeze %dma_wait3A_135 : memref<1x64xi32, #tpu.memory_space<vmem>> -> memref<64xi32, #tpu.memory_space<vmem>>
    %dma_wait3A_137 = arith.constant 0 : i32
    %dma_wait3A_138 = arith.constant 0 : i32
    %dma_wait3A_139 = tpu.memref_slice %arg3[%dma_wait3A_137, %dma_wait3A_138] : memref<1000000x128xf32, #tpu.memory_space<hbm>> -> memref<1000000x128xf32, #tpu.memory_space<hbm>>
    tpu.wait_indirect_dma semaphore(%arg10 : memref<!tpu.dma_semaphore, #tpu.memory_space<semaphore_mem>>) src(%dma_wait3A_139 : memref<1000000x128xf32, #tpu.memory_space<hbm>>) dst(%dma_wait3A_133 : memref<64x128xf32, #tpu.memory_space<vmem>>)
    %scan3A_140 = arith.constant 0 : i32
    %scan3A_141 = arith.constant 0 : i32
    %scan3A_142 = arith.constant 16 : i32
    %scan3A_143 = arith.addi %scan3A_141, %scan3A_142 : i32
    %scan3A_144 = arith.constant 1 : i32
    scf.for %scan3A_530 = %scan3A_141 to %scan3A_143 step %scan3A_144  : i32 {
      %add3A_531 = arith.constant 16 : i32
      %add3A_532 = arith.addi %add3A_531, %scan3A_530 : i32
      %get3A = arith.index_cast %add3A_532 : i32 to index
      %get3A_533 = arith.constant 0 : index
      %get3A_534 = tpu.vector_load %arg9[%get3A, %get3A_533] {strides = array<i32>} : memref<64x128xf32, #tpu.memory_space<vmem>>, vector<1x16xf32>,
      %get3A_535 = vector.shape_cast %get3A_534 : vector<1x16xf32> to vector<16xf32>
      %get3A_536 = arith.index_cast %add3A_532 : i32 to index
      %get3A_537 = arith.constant 16 : index
      %get3A_538 = tpu.vector_load %arg9[%get3A_536, %get3A_537] {strides = array<i32>} : memref<64x128xf32, #tpu.memory_space<vmem>>, vector<1x16xf32>,
      %get3A_539 = vector.shape_cast %get3A_538 : vector<1x16xf32> to vector<16xf32>
      %get3A_540 = arith.index_cast %add3A_532 : i32 to index
      %get3A_541 = arith.constant 32 : index
      %get3A_542 = tpu.vector_load %arg9[%get3A_540, %get3A_541] {strides = array<i32>} : memref<64x128xf32, #tpu.memory_space<vmem>>, vector<1x16xf32>,
      %get3A_543 = vector.shape_cast %get3A_542 : vector<1x16xf32> to vector<16xf32>
      %get3A_544 = arith.index_cast %add3A_532 : i32 to index
      %get3A_545 = arith.constant 48 : index
      %get3A_546 = tpu.vector_load %arg9[%get3A_544, %get3A_545] {strides = array<i32>} : memref<64x128xf32, #tpu.memory_space<vmem>>, vector<1x16xf32>,
      %get3A_547 = vector.shape_cast %get3A_546 : vector<1x16xf32> to vector<16xf32>
      %get3A_548 = arith.index_cast %add3A_532 : i32 to index
      %get3A_549 = arith.constant 64 : index
      %get3A_550 = tpu.vector_load %arg9[%get3A_548, %get3A_549] {strides = array<i32>} : memref<64x128xf32, #tpu.memory_space<vmem>>, vector<1x16xf32>,
      %get3A_551 = vector.shape_cast %get3A_550 : vector<1x16xf32> to vector<16xf32>
      %get3A_552 = arith.index_cast %add3A_532 : i32 to index
      %get3A_553 = arith.constant 80 : index
      %get3A_554 = tpu.vector_load %arg9[%get3A_552, %get3A_553] {strides = array<i32>} : memref<64x128xf32, #tpu.memory_space<vmem>>, vector<1x16xf32>,
      %get3A_555 = vector.shape_cast %get3A_554 : vector<1x16xf32> to vector<16xf32>
      %get3A_556 = arith.index_cast %add3A_532 : i32 to index
      %get3A_557 = arith.constant 96 : index
      %get3A_558 = tpu.vector_load %arg9[%get3A_556, %get3A_557] {strides = array<i32>} : memref<64x128xf32, #tpu.memory_space<vmem>>, vector<1x16xf32>,
      %get3A_559 = vector.shape_cast %get3A_558 : vector<1x16xf32> to vector<16xf32>
      %get3A_560 = arith.index_cast %add3A_532 : i32 to index
      %get3A_561 = arith.constant 112 : index
      %get3A_562 = tpu.vector_load %arg9[%get3A_560, %get3A_561] {strides = array<i32>} : memref<64x128xf32, #tpu.memory_space<vmem>>, vector<1x16xf32>,
      %get3A_563 = vector.shape_cast %get3A_562 : vector<1x16xf32> to vector<16xf32>
      %add3A_564 = arith.constant 16 : i32
      %add3A_565 = arith.addi %add3A_564, %scan3A_530 : i32
      %mul3A_566 = arith.constant 4 : i32
      %mul3A_567 = arith.muli %add3A_565, %mul3A_566 : i32
      %add3A_568 = arith.constant 0 : i32
      %add3A_569 = arith.addi %mul3A_567, %add3A_568 : i32
      %add3A_570 = arith.constant 0 : i32
      %add3A_571 = arith.addi %add3A_570, %add3A_532 : i32
      %get3A_572 = arith.index_cast %add3A_569 : i32 to index
      %get3A_573 = arith.constant 0 : index
      %get3A_574 = tpu.vector_load %arg7[%get3A_572, %get3A_573] {strides = array<i32>} : memref<256x128xf32, #tpu.memory_space<vmem>>, vector<1x16xf32>,
      %get3A_575 = vector.shape_cast %get3A_574 : vector<1x16xf32> to vector<16xf32>
      %mul3A_576 = arith.constant 11.3137083 : f32
      %mul3A_577 = vector.broadcast %mul3A_576 : f32 to vector<16xf32>
      %mul3A_578 = arith.mulf %get3A_575, %mul3A_577 : vector<16xf32>
      %add3A_579 = arith.addf %mul3A_578, %get3A_535 : vector<16xf32>
      %swap3A = arith.index_cast %add3A_571 : i32 to index
      %swap3A_580 = arith.constant 0 : index
      %swap3A_581 = tpu.vector_load %arg8[%swap3A, %swap3A_580] {strides = array<i32>} : memref<256x128xf32, #tpu.memory_space<vmem>>, vector<1x16xf32>,
      %swap3A_582 = vector.shape_cast %swap3A_581 : vector<1x16xf32> to vector<16xf32>
      %swap3A_583 = vector.shape_cast %add3A_579 : vector<16xf32> to vector<1x16xf32>
      tpu.vector_store %arg8[%swap3A, %swap3A_580], %swap3A_583 {strides = array<i32>} : memref<256x128xf32, #tpu.memory_space<vmem>>, vector<1x16xf32>,
      %get3A_584 = arith.index_cast %add3A_569 : i32 to index
      %get3A_585 = arith.constant 16 : index
      %get3A_586 = tpu.vector_load %arg7[%get3A_584, %get3A_585] {strides = array<i32>} : memref<256x128xf32, #tpu.memory_space<vmem>>, vector<1x16xf32>,
      %get3A_587 = vector.shape_cast %get3A_586 : vector<1x16xf32> to vector<16xf32>
      %mul3A_588 = arith.constant 11.3137083 : f32
      %mul3A_589 = vector.broadcast %mul3A_588 : f32 to vector<16xf32>
      %mul3A_590 = arith.mulf %get3A_587, %mul3A_589 : vector<16xf32>
      %add3A_591 = arith.addf %mul3A_590, %get3A_539 : vector<16xf32>
      %swap3A_592 = arith.index_cast %add3A_571 : i32 to index
      %swap3A_593 = arith.constant 16 : index
      %swap3A_594 = tpu.vector_load %arg8[%swap3A_592, %swap3A_593] {strides = array<i32>} : memref<256x128xf32, #tpu.memory_space<vmem>>, vector<1x16xf32>,
      %swap3A_595 = vector.shape_cast %swap3A_594 : vector<1x16xf32> to vector<16xf32>
      %swap3A_596 = vector.shape_cast %add3A_591 : vector<16xf32> to vector<1x16xf32>
      tpu.vector_store %arg8[%swap3A_592, %swap3A_593], %swap3A_596 {strides = array<i32>} : memref<256x128xf32, #tpu.memory_space<vmem>>, vector<1x16xf32>,
      %get3A_597 = arith.index_cast %add3A_569 : i32 to index
      %get3A_598 = arith.constant 32 : index
      %get3A_599 = tpu.vector_load %arg7[%get3A_597, %get3A_598] {strides = array<i32>} : memref<256x128xf32, #tpu.memory_space<vmem>>, vector<1x16xf32>,
      %get3A_600 = vector.shape_cast %get3A_599 : vector<1x16xf32> to vector<16xf32>
      %mul3A_601 = arith.constant 11.3137083 : f32
      %mul3A_602 = vector.broadcast %mul3A_601 : f32 to vector<16xf32>
      %mul3A_603 = arith.mulf %get3A_600, %mul3A_602 : vector<16xf32>
      %add3A_604 = arith.addf %mul3A_603, %get3A_543 : vector<16xf32>
      %swap3A_605 = arith.index_cast %add3A_571 : i32 to index
      %swap3A_606 = arith.constant 32 : index
      %swap3A_607 = tpu.vector_load %arg8[%swap3A_605, %swap3A_606] {strides = array<i32>} : memref<256x128xf32, #tpu.memory_space<vmem>>, vector<1x16xf32>,
      %swap3A_608 = vector.shape_cast %swap3A_607 : vector<1x16xf32> to vector<16xf32>
      %swap3A_609 = vector.shape_cast %add3A_604 : vector<16xf32> to vector<1x16xf32>
      tpu.vector_store %arg8[%swap3A_605, %swap3A_606], %swap3A_609 {strides = array<i32>} : memref<256x128xf32, #tpu.memory_space<vmem>>, vector<1x16xf32>,
      %get3A_610 = arith.index_cast %add3A_569 : i32 to index
      %get3A_611 = arith.constant 48 : index
      %get3A_612 = tpu.vector_load %arg7[%get3A_610, %get3A_611] {strides = array<i32>} : memref<256x128xf32, #tpu.memory_space<vmem>>, vector<1x16xf32>,
      %get3A_613 = vector.shape_cast %get3A_612 : vector<1x16xf32> to vector<16xf32>
      %mul3A_614 = arith.constant 11.3137083 : f32
      %mul3A_615 = vector.broadcast %mul3A_614 : f32 to vector<16xf32>
      %mul3A_616 = arith.mulf %get3A_613, %mul3A_615 : vector<16xf32>
      %add3A_617 = arith.addf %mul3A_616, %get3A_547 : vector<16xf32>
      %swap3A_618 = arith.index_cast %add3A_571 : i32 to index
      %swap3A_619 = arith.constant 48 : index
      %swap3A_620 = tpu.vector_load %arg8[%swap3A_618, %swap3A_619] {strides = array<i32>} : memref<256x128xf32, #tpu.memory_space<vmem>>, vector<1x16xf32>,
      %swap3A_621 = vector.shape_cast %swap3A_620 : vector<1x16xf32> to vector<16xf32>
      %swap3A_622 = vector.shape_cast %add3A_617 : vector<16xf32> to vector<1x16xf32>
      tpu.vector_store %arg8[%swap3A_618, %swap3A_619], %swap3A_622 {strides = array<i32>} : memref<256x128xf32, #tpu.memory_space<vmem>>, vector<1x16xf32>,
      %get3A_623 = arith.index_cast %add3A_569 : i32 to index
      %get3A_624 = arith.constant 64 : index
      %get3A_625 = tpu.vector_load %arg7[%get3A_623, %get3A_624] {strides = array<i32>} : memref<256x128xf32, #tpu.memory_space<vmem>>, vector<1x16xf32>,
      %get3A_626 = vector.shape_cast %get3A_625 : vector<1x16xf32> to vector<16xf32>
      %mul3A_627 = arith.constant 11.3137083 : f32
      %mul3A_628 = vector.broadcast %mul3A_627 : f32 to vector<16xf32>
      %mul3A_629 = arith.mulf %get3A_626, %mul3A_628 : vector<16xf32>
      %add3A_630 = arith.addf %mul3A_629, %get3A_551 : vector<16xf32>
      %swap3A_631 = arith.index_cast %add3A_571 : i32 to index
      %swap3A_632 = arith.constant 64 : index
      %swap3A_633 = tpu.vector_load %arg8[%swap3A_631, %swap3A_632] {strides = array<i32>} : memref<256x128xf32, #tpu.memory_space<vmem>>, vector<1x16xf32>,
      %swap3A_634 = vector.shape_cast %swap3A_633 : vector<1x16xf32> to vector<16xf32>
      %swap3A_635 = vector.shape_cast %add3A_630 : vector<16xf32> to vector<1x16xf32>
      tpu.vector_store %arg8[%swap3A_631, %swap3A_632], %swap3A_635 {strides = array<i32>} : memref<256x128xf32, #tpu.memory_space<vmem>>, vector<1x16xf32>,
      %get3A_636 = arith.index_cast %add3A_569 : i32 to index
      %get3A_637 = arith.constant 80 : index
      %get3A_638 = tpu.vector_load %arg7[%get3A_636, %get3A_637] {strides = array<i32>} : memref<256x128xf32, #tpu.memory_space<vmem>>, vector<1x16xf32>,
      %get3A_639 = vector.shape_cast %get3A_638 : vector<1x16xf32> to vector<16xf32>
      %mul3A_640 = arith.constant 11.3137083 : f32
      %mul3A_641 = vector.broadcast %mul3A_640 : f32 to vector<16xf32>
      %mul3A_642 = arith.mulf %get3A_639, %mul3A_641 : vector<16xf32>
      %add3A_643 = arith.addf %mul3A_642, %get3A_555 : vector<16xf32>
      %swap3A_644 = arith.index_cast %add3A_571 : i32 to index
      %swap3A_645 = arith.constant 80 : index
      %swap3A_646 = tpu.vector_load %arg8[%swap3A_644, %swap3A_645] {strides = array<i32>} : memref<256x128xf32, #tpu.memory_space<vmem>>, vector<1x16xf32>,
      %swap3A_647 = vector.shape_cast %swap3A_646 : vector<1x16xf32> to vector<16xf32>
      %swap3A_648 = vector.shape_cast %add3A_643 : vector<16xf32> to vector<1x16xf32>
      tpu.vector_store %arg8[%swap3A_644, %swap3A_645], %swap3A_648 {strides = array<i32>} : memref<256x128xf32, #tpu.memory_space<vmem>>, vector<1x16xf32>,
      %get3A_649 = arith.index_cast %add3A_569 : i32 to index
      %get3A_650 = arith.constant 96 : index
      %get3A_651 = tpu.vector_load %arg7[%get3A_649, %get3A_650] {strides = array<i32>} : memref<256x128xf32, #tpu.memory_space<vmem>>, vector<1x16xf32>,
      %get3A_652 = vector.shape_cast %get3A_651 : vector<1x16xf32> to vector<16xf32>
      %mul3A_653 = arith.constant 11.3137083 : f32
      %mul3A_654 = vector.broadcast %mul3A_653 : f32 to vector<16xf32>
      %mul3A_655 = arith.mulf %get3A_652, %mul3A_654 : vector<16xf32>
      %add3A_656 = arith.addf %mul3A_655, %get3A_559 : vector<16xf32>
      %swap3A_657 = arith.index_cast %add3A_571 : i32 to index
      %swap3A_658 = arith.constant 96 : index
      %swap3A_659 = tpu.vector_load %arg8[%swap3A_657, %swap3A_658] {strides = array<i32>} : memref<256x128xf32, #tpu.memory_space<vmem>>, vector<1x16xf32>,
      %swap3A_660 = vector.shape_cast %swap3A_659 : vector<1x16xf32> to vector<16xf32>
      %swap3A_661 = vector.shape_cast %add3A_656 : vector<16xf32> to vector<1x16xf32>
      tpu.vector_store %arg8[%swap3A_657, %swap3A_658], %swap3A_661 {strides = array<i32>} : memref<256x128xf32, #tpu.memory_space<vmem>>, vector<1x16xf32>,
      %get3A_662 = arith.index_cast %add3A_569 : i32 to index
      %get3A_663 = arith.constant 112 : index
      %get3A_664 = tpu.vector_load %arg7[%get3A_662, %get3A_663] {strides = array<i32>} : memref<256x128xf32, #tpu.memory_space<vmem>>, vector<1x16xf32>,
      %get3A_665 = vector.shape_cast %get3A_664 : vector<1x16xf32> to vector<16xf32>
      %mul3A_666 = arith.constant 11.3137083 : f32
      %mul3A_667 = vector.broadcast %mul3A_666 : f32 to vector<16xf32>
      %mul3A_668 = arith.mulf %get3A_665, %mul3A_667 : vector<16xf32>
      %add3A_669 = arith.addf %mul3A_668, %get3A_563 : vector<16xf32>
      %swap3A_670 = arith.index_cast %add3A_571 : i32 to index
      %swap3A_671 = arith.constant 112 : index
      %swap3A_672 = tpu.vector_load %arg8[%swap3A_670, %swap3A_671] {strides = array<i32>} : memref<256x128xf32, #tpu.memory_space<vmem>>, vector<1x16xf32>,
      %swap3A_673 = vector.shape_cast %swap3A_672 : vector<1x16xf32> to vector<16xf32>
      %swap3A_674 = vector.shape_cast %add3A_669 : vector<16xf32> to vector<1x16xf32>
      tpu.vector_store %arg8[%swap3A_670, %swap3A_671], %swap3A_674 {strides = array<i32>} : memref<256x128xf32, #tpu.memory_space<vmem>>, vector<1x16xf32>,
      %add3A_675 = arith.constant 16 : i32
      %add3A_676 = arith.addi %add3A_675, %scan3A_530 : i32
      %mul3A_677 = arith.constant 4 : i32
      %mul3A_678 = arith.muli %add3A_676, %mul3A_677 : i32
      %add3A_679 = arith.constant 1 : i32
      %add3A_680 = arith.addi %mul3A_678, %add3A_679 : i32
      %add3A_681 = arith.constant 64 : i32
      %add3A_682 = arith.addi %add3A_681, %add3A_532 : i32
      %get3A_683 = arith.index_cast %add3A_680 : i32 to index
      %get3A_684 = arith.constant 0 : index
      %get3A_685 = tpu.vector_load %arg7[%get3A_683, %get3A_684] {strides = array<i32>} : memref<256x128xf32, #tpu.memory_space<vmem>>, vector<1x16xf32>,
      %get3A_686 = vector.shape_cast %get3A_685 : vector<1x16xf32> to vector<16xf32>
      %mul3A_687 = arith.constant 11.3137083 : f32
      %mul3A_688 = vector.broadcast %mul3A_687 : f32 to vector<16xf32>
      %mul3A_689 = arith.mulf %get3A_686, %mul3A_688 : vector<16xf32>
      %add3A_690 = arith.addf %mul3A_689, %get3A_535 : vector<16xf32>
      %swap3A_691 = arith.index_cast %add3A_682 : i32 to index
      %swap3A_692 = arith.constant 0 : index
      %swap3A_693 = tpu.vector_load %arg8[%swap3A_691, %swap3A_692] {strides = array<i32>} : memref<256x128xf32, #tpu.memory_space<vmem>>, vector<1x16xf32>,
      %swap3A_694 = vector.shape_cast %swap3A_693 : vector<1x16xf32> to vector<16xf32>
      %swap3A_695 = vector.shape_cast %add3A_690 : vector<16xf32> to vector<1x16xf32>
      tpu.vector_store %arg8[%swap3A_691, %swap3A_692], %swap3A_695 {strides = array<i32>} : memref<256x128xf32, #tpu.memory_space<vmem>>, vector<1x16xf32>,
      %get3A_696 = arith.index_cast %add3A_680 : i32 to index
      %get3A_697 = arith.constant 16 : index
      %get3A_698 = tpu.vector_load %arg7[%get3A_696, %get3A_697] {strides = array<i32>} : memref<256x128xf32, #tpu.memory_space<vmem>>, vector<1x16xf32>,
      %get3A_699 = vector.shape_cast %get3A_698 : vector<1x16xf32> to vector<16xf32>
      %mul3A_700 = arith.constant 11.3137083 : f32
      %mul3A_701 = vector.broadcast %mul3A_700 : f32 to vector<16xf32>
      %mul3A_702 = arith.mulf %get3A_699, %mul3A_701 : vector<16xf32>
      %add3A_703 = arith.addf %mul3A_702, %get3A_539 : vector<16xf32>
      %swap3A_704 = arith.index_cast %add3A_682 : i32 to index
      %swap3A_705 = arith.constant 16 : index
      %swap3A_706 = tpu.vector_load %arg8[%swap3A_704, %swap3A_705] {strides = array<i32>} : memref<256x128xf32, #tpu.memory_space<vmem>>, vector<1x16xf32>,
      %swap3A_707 = vector.shape_cast %swap3A_706 : vector<1x16xf32> to vector<16xf32>
      %swap3A_708 = vector.shape_cast %add3A_703 : vector<16xf32> to vector<1x16xf32>
      tpu.vector_store %arg8[%swap3A_704, %swap3A_705], %swap3A_708 {strides = array<i32>} : memref<256x128xf32, #tpu.memory_space<vmem>>, vector<1x16xf32>,
      %get3A_709 = arith.index_cast %add3A_680 : i32 to index
      %get3A_710 = arith.constant 32 : index
      %get3A_711 = tpu.vector_load %arg7[%get3A_709, %get3A_710] {strides = array<i32>} : memref<256x128xf32, #tpu.memory_space<vmem>>, vector<1x16xf32>,
      %get3A_712 = vector.shape_cast %get3A_711 : vector<1x16xf32> to vector<16xf32>
      %mul3A_713 = arith.constant 11.3137083 : f32
      %mul3A_714 = vector.broadcast %mul3A_713 : f32 to vector<16xf32>
      %mul3A_715 = arith.mulf %get3A_712, %mul3A_714 : vector<16xf32>
      %add3A_716 = arith.addf %mul3A_715, %get3A_543 : vector<16xf32>
      %swap3A_717 = arith.index_cast %add3A_682 : i32 to index
      %swap3A_718 = arith.constant 32 : index
      %swap3A_719 = tpu.vector_load %arg8[%swap3A_717, %swap3A_718] {strides = array<i32>} : memref<256x128xf32, #tpu.memory_space<vmem>>, vector<1x16xf32>,
      %swap3A_720 = vector.shape_cast %swap3A_719 : vector<1x16xf32> to vector<16xf32>
      %swap3A_721 = vector.shape_cast %add3A_716 : vector<16xf32> to vector<1x16xf32>
      tpu.vector_store %arg8[%swap3A_717, %swap3A_718], %swap3A_721 {strides = array<i32>} : memref<256x128xf32, #tpu.memory_space<vmem>>, vector<1x16xf32>,
      %get3A_722 = arith.index_cast %add3A_680 : i32 to index
      %get3A_723 = arith.constant 48 : index
      %get3A_724 = tpu.vector_load %arg7[%get3A_722, %get3A_723] {strides = array<i32>} : memref<256x128xf32, #tpu.memory_space<vmem>>, vector<1x16xf32>,
      %get3A_725 = vector.shape_cast %get3A_724 : vector<1x16xf32> to vector<16xf32>
      %mul3A_726 = arith.constant 11.3137083 : f32
      %mul3A_727 = vector.broadcast %mul3A_726 : f32 to vector<16xf32>
      %mul3A_728 = arith.mulf %get3A_725, %mul3A_727 : vector<16xf32>
      %add3A_729 = arith.addf %mul3A_728, %get3A_547 : vector<16xf32>
      %swap3A_730 = arith.index_cast %add3A_682 : i32 to index
      %swap3A_731 = arith.constant 48 : index
      %swap3A_732 = tpu.vector_load %arg8[%swap3A_730, %swap3A_731] {strides = array<i32>} : memref<256x128xf32, #tpu.memory_space<vmem>>, vector<1x16xf32>,
      %swap3A_733 = vector.shape_cast %swap3A_732 : vector<1x16xf32> to vector<16xf32>
      %swap3A_734 = vector.shape_cast %add3A_729 : vector<16xf32> to vector<1x16xf32>
      tpu.vector_store %arg8[%swap3A_730, %swap3A_731], %swap3A_734 {strides = array<i32>} : memref<256x128xf32, #tpu.memory_space<vmem>>, vector<1x16xf32>,
      %get3A_735 = arith.index_cast %add3A_680 : i32 to index
      %get3A_736 = arith.constant 64 : index
      %get3A_737 = tpu.vector_load %arg7[%get3A_735, %get3A_736] {strides = array<i32>} : memref<256x128xf32, #tpu.memory_space<vmem>>, vector<1x16xf32>,
      %get3A_738 = vector.shape_cast %get3A_737 : vector<1x16xf32> to vector<16xf32>
      %mul3A_739 = arith.constant 11.3137083 : f32
      %mul3A_740 = vector.broadcast %mul3A_739 : f32 to vector<16xf32>
      %mul3A_741 = arith.mulf %get3A_738, %mul3A_740 : vector<16xf32>
      %add3A_742 = arith.addf %mul3A_741, %get3A_551 : vector<16xf32>
      %swap3A_743 = arith.index_cast %add3A_682 : i32 to index
      %swap3A_744 = arith.constant 64 : index
      %swap3A_745 = tpu.vector_load %arg8[%swap3A_743, %swap3A_744] {strides = array<i32>} : memref<256x128xf32, #tpu.memory_space<vmem>>, vector<1x16xf32>,
      %swap3A_746 = vector.shape_cast %swap3A_745 : vector<1x16xf32> to vector<16xf32>
      %swap3A_747 = vector.shape_cast %add3A_742 : vector<16xf32> to vector<1x16xf32>
      tpu.vector_store %arg8[%swap3A_743, %swap3A_744], %swap3A_747 {strides = array<i32>} : memref<256x128xf32, #tpu.memory_space<vmem>>, vector<1x16xf32>,
      %get3A_748 = arith.index_cast %add3A_680 : i32 to index
      %get3A_749 = arith.constant 80 : index
      %get3A_750 = tpu.vector_load %arg7[%get3A_748, %get3A_749] {strides = array<i32>} : memref<256x128xf32, #tpu.memory_space<vmem>>, vector<1x16xf32>,
      %get3A_751 = vector.shape_cast %get3A_750 : vector<1x16xf32> to vector<16xf32>
      %mul3A_752 = arith.constant 11.3137083 : f32
      %mul3A_753 = vector.broadcast %mul3A_752 : f32 to vector<16xf32>
      %mul3A_754 = arith.mulf %get3A_751, %mul3A_753 : vector<16xf32>
      %add3A_755 = arith.addf %mul3A_754, %get3A_555 : vector<16xf32>
      %swap3A_756 = arith.index_cast %add3A_682 : i32 to index
      %swap3A_757 = arith.constant 80 : index
      %swap3A_758 = tpu.vector_load %arg8[%swap3A_756, %swap3A_757] {strides = array<i32>} : memref<256x128xf32, #tpu.memory_space<vmem>>, vector<1x16xf32>,
      %swap3A_759 = vector.shape_cast %swap3A_758 : vector<1x16xf32> to vector<16xf32>
      %swap3A_760 = vector.shape_cast %add3A_755 : vector<16xf32> to vector<1x16xf32>
      tpu.vector_store %arg8[%swap3A_756, %swap3A_757], %swap3A_760 {strides = array<i32>} : memref<256x128xf32, #tpu.memory_space<vmem>>, vector<1x16xf32>,
      %get3A_761 = arith.index_cast %add3A_680 : i32 to index
      %get3A_762 = arith.constant 96 : index
      %get3A_763 = tpu.vector_load %arg7[%get3A_761, %get3A_762] {strides = array<i32>} : memref<256x128xf32, #tpu.memory_space<vmem>>, vector<1x16xf32>,
      %get3A_764 = vector.shape_cast %get3A_763 : vector<1x16xf32> to vector<16xf32>
      %mul3A_765 = arith.constant 11.3137083 : f32
      %mul3A_766 = vector.broadcast %mul3A_765 : f32 to vector<16xf32>
      %mul3A_767 = arith.mulf %get3A_764, %mul3A_766 : vector<16xf32>
      %add3A_768 = arith.addf %mul3A_767, %get3A_559 : vector<16xf32>
      %swap3A_769 = arith.index_cast %add3A_682 : i32 to index
      %swap3A_770 = arith.constant 96 : index
      %swap3A_771 = tpu.vector_load %arg8[%swap3A_769, %swap3A_770] {strides = array<i32>} : memref<256x128xf32, #tpu.memory_space<vmem>>, vector<1x16xf32>,
      %swap3A_772 = vector.shape_cast %swap3A_771 : vector<1x16xf32> to vector<16xf32>
      %swap3A_773 = vector.shape_cast %add3A_768 : vector<16xf32> to vector<1x16xf32>
      tpu.vector_store %arg8[%swap3A_769, %swap3A_770], %swap3A_773 {strides = array<i32>} : memref<256x128xf32, #tpu.memory_space<vmem>>, vector<1x16xf32>,
      %get3A_774 = arith.index_cast %add3A_680 : i32 to index
      %get3A_775 = arith.constant 112 : index
      %get3A_776 = tpu.vector_load %arg7[%get3A_774, %get3A_775] {strides = array<i32>} : memref<256x128xf32, #tpu.memory_space<vmem>>, vector<1x16xf32>,
      %get3A_777 = vector.shape_cast %get3A_776 : vector<1x16xf32> to vector<16xf32>
      %mul3A_778 = arith.constant 11.3137083 : f32
      %mul3A_779 = vector.broadcast %mul3A_778 : f32 to vector<16xf32>
      %mul3A_780 = arith.mulf %get3A_777, %mul3A_779 : vector<16xf32>
      %add3A_781 = arith.addf %mul3A_780, %get3A_563 : vector<16xf32>
      %swap3A_782 = arith.index_cast %add3A_682 : i32 to index
      %swap3A_783 = arith.constant 112 : index
      %swap3A_784 = tpu.vector_load %arg8[%swap3A_782, %swap3A_783] {strides = array<i32>} : memref<256x128xf32, #tpu.memory_space<vmem>>, vector<1x16xf32>,
      %swap3A_785 = vector.shape_cast %swap3A_784 : vector<1x16xf32> to vector<16xf32>
      %swap3A_786 = vector.shape_cast %add3A_781 : vector<16xf32> to vector<1x16xf32>
      tpu.vector_store %arg8[%swap3A_782, %swap3A_783], %swap3A_786 {strides = array<i32>} : memref<256x128xf32, #tpu.memory_space<vmem>>, vector<1x16xf32>,
      %add3A_787 = arith.constant 16 : i32
      %add3A_788 = arith.addi %add3A_787, %scan3A_530 : i32
      %mul3A_789 = arith.constant 4 : i32
      %mul3A_790 = arith.muli %add3A_788, %mul3A_789 : i32
      %add3A_791 = arith.constant 2 : i32
      %add3A_792 = arith.addi %mul3A_790, %add3A_791 : i32
      %add3A_793 = arith.constant 128 : i32
      %add3A_794 = arith.addi %add3A_793, %add3A_532 : i32
      %get3A_795 = arith.index_cast %add3A_792 : i32 to index
      %get3A_796 = arith.constant 0 : index
      %get3A_797 = tpu.vector_load %arg7[%get3A_795, %get3A_796] {strides = array<i32>} : memref<256x128xf32, #tpu.memory_space<vmem>>, vector<1x16xf32>,
      %get3A_798 = vector.shape_cast %get3A_797 : vector<1x16xf32> to vector<16xf32>
      %mul3A_799 = arith.constant 11.3137083 : f32
      %mul3A_800 = vector.broadcast %mul3A_799 : f32 to vector<16xf32>
      %mul3A_801 = arith.mulf %get3A_798, %mul3A_800 : vector<16xf32>
      %add3A_802 = arith.addf %mul3A_801, %get3A_535 : vector<16xf32>
      %swap3A_803 = arith.index_cast %add3A_794 : i32 to index
      %swap3A_804 = arith.constant 0 : index
      %swap3A_805 = tpu.vector_load %arg8[%swap3A_803, %swap3A_804] {strides = array<i32>} : memref<256x128xf32, #tpu.memory_space<vmem>>, vector<1x16xf32>,
      %swap3A_806 = vector.shape_cast %swap3A_805 : vector<1x16xf32> to vector<16xf32>
      %swap3A_807 = vector.shape_cast %add3A_802 : vector<16xf32> to vector<1x16xf32>
      tpu.vector_store %arg8[%swap3A_803, %swap3A_804], %swap3A_807 {strides = array<i32>} : memref<256x128xf32, #tpu.memory_space<vmem>>, vector<1x16xf32>,
      %get3A_808 = arith.index_cast %add3A_792 : i32 to index
      %get3A_809 = arith.constant 16 : index
      %get3A_810 = tpu.vector_load %arg7[%get3A_808, %get3A_809] {strides = array<i32>} : memref<256x128xf32, #tpu.memory_space<vmem>>, vector<1x16xf32>,
      %get3A_811 = vector.shape_cast %get3A_810 : vector<1x16xf32> to vector<16xf32>
      %mul3A_812 = arith.constant 11.3137083 : f32
      %mul3A_813 = vector.broadcast %mul3A_812 : f32 to vector<16xf32>
      %mul3A_814 = arith.mulf %get3A_811, %mul3A_813 : vector<16xf32>
      %add3A_815 = arith.addf %mul3A_814, %get3A_539 : vector<16xf32>
      %swap3A_816 = arith.index_cast %add3A_794 : i32 to index
      %swap3A_817 = arith.constant 16 : index
      %swap3A_818 = tpu.vector_load %arg8[%swap3A_816, %swap3A_817] {strides = array<i32>} : memref<256x128xf32, #tpu.memory_space<vmem>>, vector<1x16xf32>,
      %swap3A_819 = vector.shape_cast %swap3A_818 : vector<1x16xf32> to vector<16xf32>
      %swap3A_820 = vector.shape_cast %add3A_815 : vector<16xf32> to vector<1x16xf32>
      tpu.vector_store %arg8[%swap3A_816, %swap3A_817], %swap3A_820 {strides = array<i32>} : memref<256x128xf32, #tpu.memory_space<vmem>>, vector<1x16xf32>,
      %get3A_821 = arith.index_cast %add3A_792 : i32 to index
      %get3A_822 = arith.constant 32 : index
      %get3A_823 = tpu.vector_load %arg7[%get3A_821, %get3A_822] {strides = array<i32>} : memref<256x128xf32, #tpu.memory_space<vmem>>, vector<1x16xf32>,
      %get3A_824 = vector.shape_cast %get3A_823 : vector<1x16xf32> to vector<16xf32>
      %mul3A_825 = arith.constant 11.3137083 : f32
      %mul3A_826 = vector.broadcast %mul3A_825 : f32 to vector<16xf32>
      %mul3A_827 = arith.mulf %get3A_824, %mul3A_826 : vector<16xf32>
      %add3A_828 = arith.addf %mul3A_827, %get3A_543 : vector<16xf32>
      %swap3A_829 = arith.index_cast %add3A_794 : i32 to index
      %swap3A_830 = arith.constant 32 : index
      %swap3A_831 = tpu.vector_load %arg8[%swap3A_829, %swap3A_830] {strides = array<i32>} : memref<256x128xf32, #tpu.memory_space<vmem>>, vector<1x16xf32>,
      %swap3A_832 = vector.shape_cast %swap3A_831 : vector<1x16xf32> to vector<16xf32>
      %swap3A_833 = vector.shape_cast %add3A_828 : vector<16xf32> to vector<1x16xf32>
      tpu.vector_store %arg8[%swap3A_829, %swap3A_830], %swap3A_833 {strides = array<i32>} : memref<256x128xf32, #tpu.memory_space<vmem>>, vector<1x16xf32>,
      %get3A_834 = arith.index_cast %add3A_792 : i32 to index
      %get3A_835 = arith.constant 48 : index
      %get3A_836 = tpu.vector_load %arg7[%get3A_834, %get3A_835] {strides = array<i32>} : memref<256x128xf32, #tpu.memory_space<vmem>>, vector<1x16xf32>,
      %get3A_837 = vector.shape_cast %get3A_836 : vector<1x16xf32> to vector<16xf32>
      %mul3A_838 = arith.constant 11.3137083 : f32
      %mul3A_839 = vector.broadcast %mul3A_838 : f32 to vector<16xf32>
      %mul3A_840 = arith.mulf %get3A_837, %mul3A_839 : vector<16xf32>
      %add3A_841 = arith.addf %mul3A_840, %get3A_547 : vector<16xf32>
      %swap3A_842 = arith.index_cast %add3A_794 : i32 to index
      %swap3A_843 = arith.constant 48 : index
      %swap3A_844 = tpu.vector_load %arg8[%swap3A_842, %swap3A_843] {strides = array<i32>} : memref<256x128xf32, #tpu.memory_space<vmem>>, vector<1x16xf32>,
      %swap3A_845 = vector.shape_cast %swap3A_844 : vector<1x16xf32> to vector<16xf32>
      %swap3A_846 = vector.shape_cast %add3A_841 : vector<16xf32> to vector<1x16xf32>
      tpu.vector_store %arg8[%swap3A_842, %swap3A_843], %swap3A_846 {strides = array<i32>} : memref<256x128xf32, #tpu.memory_space<vmem>>, vector<1x16xf32>,
      %get3A_847 = arith.index_cast %add3A_792 : i32 to index
      %get3A_848 = arith.constant 64 : index
      %get3A_849 = tpu.vector_load %arg7[%get3A_847, %get3A_848] {strides = array<i32>} : memref<256x128xf32, #tpu.memory_space<vmem>>, vector<1x16xf32>,
      %get3A_850 = vector.shape_cast %get3A_849 : vector<1x16xf32> to vector<16xf32>
      %mul3A_851 = arith.constant 11.3137083 : f32
      %mul3A_852 = vector.broadcast %mul3A_851 : f32 to vector<16xf32>
      %mul3A_853 = arith.mulf %get3A_850, %mul3A_852 : vector<16xf32>
      %add3A_854 = arith.addf %mul3A_853, %get3A_551 : vector<16xf32>
      %swap3A_855 = arith.index_cast %add3A_794 : i32 to index
      %swap3A_856 = arith.constant 64 : index
      %swap3A_857 = tpu.vector_load %arg8[%swap3A_855, %swap3A_856] {strides = array<i32>} : memref<256x128xf32, #tpu.memory_space<vmem>>, vector<1x16xf32>,
      %swap3A_858 = vector.shape_cast %swap3A_857 : vector<1x16xf32> to vector<16xf32>
      %swap3A_859 = vector.shape_cast %add3A_854 : vector<16xf32> to vector<1x16xf32>
      tpu.vector_store %arg8[%swap3A_855, %swap3A_856], %swap3A_859 {strides = array<i32>} : memref<256x128xf32, #tpu.memory_space<vmem>>, vector<1x16xf32>,
      %get3A_860 = arith.index_cast %add3A_792 : i32 to index
      %get3A_861 = arith.constant 80 : index
      %get3A_862 = tpu.vector_load %arg7[%get3A_860, %get3A_861] {strides = array<i32>} : memref<256x128xf32, #tpu.memory_space<vmem>>, vector<1x16xf32>,
      %get3A_863 = vector.shape_cast %get3A_862 : vector<1x16xf32> to vector<16xf32>
      %mul3A_864 = arith.constant 11.3137083 : f32
      %mul3A_865 = vector.broadcast %mul3A_864 : f32 to vector<16xf32>
      %mul3A_866 = arith.mulf %get3A_863, %mul3A_865 : vector<16xf32>
      %add3A_867 = arith.addf %mul3A_866, %get3A_555 : vector<16xf32>
      %swap3A_868 = arith.index_cast %add3A_794 : i32 to index
      %swap3A_869 = arith.constant 80 : index
      %swap3A_870 = tpu.vector_load %arg8[%swap3A_868, %swap3A_869] {strides = array<i32>} : memref<256x128xf32, #tpu.memory_space<vmem>>, vector<1x16xf32>,
      %swap3A_871 = vector.shape_cast %swap3A_870 : vector<1x16xf32> to vector<16xf32>
      %swap3A_872 = vector.shape_cast %add3A_867 : vector<16xf32> to vector<1x16xf32>
      tpu.vector_store %arg8[%swap3A_868, %swap3A_869], %swap3A_872 {strides = array<i32>} : memref<256x128xf32, #tpu.memory_space<vmem>>, vector<1x16xf32>,
      %get3A_873 = arith.index_cast %add3A_792 : i32 to index
      %get3A_874 = arith.constant 96 : index
      %get3A_875 = tpu.vector_load %arg7[%get3A_873, %get3A_874] {strides = array<i32>} : memref<256x128xf32, #tpu.memory_space<vmem>>, vector<1x16xf32>,
      %get3A_876 = vector.shape_cast %get3A_875 : vector<1x16xf32> to vector<16xf32>
      %mul3A_877 = arith.constant 11.3137083 : f32
      %mul3A_878 = vector.broadcast %mul3A_877 : f32 to vector<16xf32>
      %mul3A_879 = arith.mulf %get3A_876, %mul3A_878 : vector<16xf32>
      %add3A_880 = arith.addf %mul3A_879, %get3A_559 : vector<16xf32>
      %swap3A_881 = arith.index_cast %add3A_794 : i32 to index
      %swap3A_882 = arith.constant 96 : index
      %swap3A_883 = tpu.vector_load %arg8[%swap3A_881, %swap3A_882] {strides = array<i32>} : memref<256x128xf32, #tpu.memory_space<vmem>>, vector<1x16xf32>,
      %swap3A_884 = vector.shape_cast %swap3A_883 : vector<1x16xf32> to vector<16xf32>
      %swap3A_885 = vector.shape_cast %add3A_880 : vector<16xf32> to vector<1x16xf32>
      tpu.vector_store %arg8[%swap3A_881, %swap3A_882], %swap3A_885 {strides = array<i32>} : memref<256x128xf32, #tpu.memory_space<vmem>>, vector<1x16xf32>,
      %get3A_886 = arith.index_cast %add3A_792 : i32 to index
      %get3A_887 = arith.constant 112 : index
      %get3A_888 = tpu.vector_load %arg7[%get3A_886, %get3A_887] {strides = array<i32>} : memref<256x128xf32, #tpu.memory_space<vmem>>, vector<1x16xf32>,
      %get3A_889 = vector.shape_cast %get3A_888 : vector<1x16xf32> to vector<16xf32>
      %mul3A_890 = arith.constant 11.3137083 : f32
      %mul3A_891 = vector.broadcast %mul3A_890 : f32 to vector<16xf32>
      %mul3A_892 = arith.mulf %get3A_889, %mul3A_891 : vector<16xf32>
      %add3A_893 = arith.addf %mul3A_892, %get3A_563 : vector<16xf32>
      %swap3A_894 = arith.index_cast %add3A_794 : i32 to index
      %swap3A_895 = arith.constant 112 : index
      %swap3A_896 = tpu.vector_load %arg8[%swap3A_894, %swap3A_895] {strides = array<i32>} : memref<256x128xf32, #tpu.memory_space<vmem>>, vector<1x16xf32>,
      %swap3A_897 = vector.shape_cast %swap3A_896 : vector<1x16xf32> to vector<16xf32>
      %swap3A_898 = vector.shape_cast %add3A_893 : vector<16xf32> to vector<1x16xf32>
      tpu.vector_store %arg8[%swap3A_894, %swap3A_895], %swap3A_898 {strides = array<i32>} : memref<256x128xf32, #tpu.memory_space<vmem>>, vector<1x16xf32>,
      %add3A_899 = arith.constant 16 : i32
      %add3A_900 = arith.addi %add3A_899, %scan3A_530 : i32
      %mul3A_901 = arith.constant 4 : i32
      %mul3A_902 = arith.muli %add3A_900, %mul3A_901 : i32
      %add3A_903 = arith.constant 3 : i32
      %add3A_904 = arith.addi %mul3A_902, %add3A_903 : i32
      %add3A_905 = arith.constant 192 : i32
      %add3A_906 = arith.addi %add3A_905, %add3A_532 : i32
      %get3A_907 = arith.index_cast %add3A_904 : i32 to index
      %get3A_908 = arith.constant 0 : index
      %get3A_909 = tpu.vector_load %arg7[%get3A_907, %get3A_908] {strides = array<i32>} : memref<256x128xf32, #tpu.memory_space<vmem>>, vector<1x16xf32>,
      %get3A_910 = vector.shape_cast %get3A_909 : vector<1x16xf32> to vector<16xf32>
      %mul3A_911 = arith.constant 11.3137083 : f32
      %mul3A_912 = vector.broadcast %mul3A_911 : f32 to vector<16xf32>
      %mul3A_913 = arith.mulf %get3A_910, %mul3A_912 : vector<16xf32>
      %add3A_914 = arith.addf %mul3A_913, %get3A_535 : vector<16xf32>
      %swap3A_915 = arith.index_cast %add3A_906 : i32 to index
      %swap3A_916 = arith.constant 0 : index
      %swap3A_917 = tpu.vector_load %arg8[%swap3A_915, %swap3A_916] {strides = array<i32>} : memref<256x128xf32, #tpu.memory_space<vmem>>, vector<1x16xf32>,
      %swap3A_918 = vector.shape_cast %swap3A_917 : vector<1x16xf32> to vector<16xf32>
      %swap3A_919 = vector.shape_cast %add3A_914 : vector<16xf32> to vector<1x16xf32>
      tpu.vector_store %arg8[%swap3A_915, %swap3A_916], %swap3A_919 {strides = array<i32>} : memref<256x128xf32, #tpu.memory_space<vmem>>, vector<1x16xf32>,
      %get3A_920 = arith.index_cast %add3A_904 : i32 to index
      %get3A_921 = arith.constant 16 : index
      %get3A_922 = tpu.vector_load %arg7[%get3A_920, %get3A_921] {strides = array<i32>} : memref<256x128xf32, #tpu.memory_space<vmem>>, vector<1x16xf32>,
      %get3A_923 = vector.shape_cast %get3A_922 : vector<1x16xf32> to vector<16xf32>
      %mul3A_924 = arith.constant 11.3137083 : f32
      %mul3A_925 = vector.broadcast %mul3A_924 : f32 to vector<16xf32>
      %mul3A_926 = arith.mulf %get3A_923, %mul3A_925 : vector<16xf32>
      %add3A_927 = arith.addf %mul3A_926, %get3A_539 : vector<16xf32>
      %swap3A_928 = arith.index_cast %add3A_906 : i32 to index
      %swap3A_929 = arith.constant 16 : index
      %swap3A_930 = tpu.vector_load %arg8[%swap3A_928, %swap3A_929] {strides = array<i32>} : memref<256x128xf32, #tpu.memory_space<vmem>>, vector<1x16xf32>,
      %swap3A_931 = vector.shape_cast %swap3A_930 : vector<1x16xf32> to vector<16xf32>
      %swap3A_932 = vector.shape_cast %add3A_927 : vector<16xf32> to vector<1x16xf32>
      tpu.vector_store %arg8[%swap3A_928, %swap3A_929], %swap3A_932 {strides = array<i32>} : memref<256x128xf32, #tpu.memory_space<vmem>>, vector<1x16xf32>,
      %get3A_933 = arith.index_cast %add3A_904 : i32 to index
      %get3A_934 = arith.constant 32 : index
      %get3A_935 = tpu.vector_load %arg7[%get3A_933, %get3A_934] {strides = array<i32>} : memref<256x128xf32, #tpu.memory_space<vmem>>, vector<1x16xf32>,
      %get3A_936 = vector.shape_cast %get3A_935 : vector<1x16xf32> to vector<16xf32>
      %mul3A_937 = arith.constant 11.3137083 : f32
      %mul3A_938 = vector.broadcast %mul3A_937 : f32 to vector<16xf32>
      %mul3A_939 = arith.mulf %get3A_936, %mul3A_938 : vector<16xf32>
      %add3A_940 = arith.addf %mul3A_939, %get3A_543 : vector<16xf32>
      %swap3A_941 = arith.index_cast %add3A_906 : i32 to index
      %swap3A_942 = arith.constant 32 : index
      %swap3A_943 = tpu.vector_load %arg8[%swap3A_941, %swap3A_942] {strides = array<i32>} : memref<256x128xf32, #tpu.memory_space<vmem>>, vector<1x16xf32>,
      %swap3A_944 = vector.shape_cast %swap3A_943 : vector<1x16xf32> to vector<16xf32>
      %swap3A_945 = vector.shape_cast %add3A_940 : vector<16xf32> to vector<1x16xf32>
      tpu.vector_store %arg8[%swap3A_941, %swap3A_942], %swap3A_945 {strides = array<i32>} : memref<256x128xf32, #tpu.memory_space<vmem>>, vector<1x16xf32>,
      %get3A_946 = arith.index_cast %add3A_904 : i32 to index
      %get3A_947 = arith.constant 48 : index
      %get3A_948 = tpu.vector_load %arg7[%get3A_946, %get3A_947] {strides = array<i32>} : memref<256x128xf32, #tpu.memory_space<vmem>>, vector<1x16xf32>,
      %get3A_949 = vector.shape_cast %get3A_948 : vector<1x16xf32> to vector<16xf32>
      %mul3A_950 = arith.constant 11.3137083 : f32
      %mul3A_951 = vector.broadcast %mul3A_950 : f32 to vector<16xf32>
      %mul3A_952 = arith.mulf %get3A_949, %mul3A_951 : vector<16xf32>
      %add3A_953 = arith.addf %mul3A_952, %get3A_547 : vector<16xf32>
      %swap3A_954 = arith.index_cast %add3A_906 : i32 to index
      %swap3A_955 = arith.constant 48 : index
      %swap3A_956 = tpu.vector_load %arg8[%swap3A_954, %swap3A_955] {strides = array<i32>} : memref<256x128xf32, #tpu.memory_space<vmem>>, vector<1x16xf32>,
      %swap3A_957 = vector.shape_cast %swap3A_956 : vector<1x16xf32> to vector<16xf32>
      %swap3A_958 = vector.shape_cast %add3A_953 : vector<16xf32> to vector<1x16xf32>
      tpu.vector_store %arg8[%swap3A_954, %swap3A_955], %swap3A_958 {strides = array<i32>} : memref<256x128xf32, #tpu.memory_space<vmem>>, vector<1x16xf32>,
      %get3A_959 = arith.index_cast %add3A_904 : i32 to index
      %get3A_960 = arith.constant 64 : index
      %get3A_961 = tpu.vector_load %arg7[%get3A_959, %get3A_960] {strides = array<i32>} : memref<256x128xf32, #tpu.memory_space<vmem>>, vector<1x16xf32>,
      %get3A_962 = vector.shape_cast %get3A_961 : vector<1x16xf32> to vector<16xf32>
      %mul3A_963 = arith.constant 11.3137083 : f32
      %mul3A_964 = vector.broadcast %mul3A_963 : f32 to vector<16xf32>
      %mul3A_965 = arith.mulf %get3A_962, %mul3A_964 : vector<16xf32>
      %add3A_966 = arith.addf %mul3A_965, %get3A_551 : vector<16xf32>
      %swap3A_967 = arith.index_cast %add3A_906 : i32 to index
      %swap3A_968 = arith.constant 64 : index
      %swap3A_969 = tpu.vector_load %arg8[%swap3A_967, %swap3A_968] {strides = array<i32>} : memref<256x128xf32, #tpu.memory_space<vmem>>, vector<1x16xf32>,
      %swap3A_970 = vector.shape_cast %swap3A_969 : vector<1x16xf32> to vector<16xf32>
      %swap3A_971 = vector.shape_cast %add3A_966 : vector<16xf32> to vector<1x16xf32>
      tpu.vector_store %arg8[%swap3A_967, %swap3A_968], %swap3A_971 {strides = array<i32>} : memref<256x128xf32, #tpu.memory_space<vmem>>, vector<1x16xf32>,
      %get3A_972 = arith.index_cast %add3A_904 : i32 to index
      %get3A_973 = arith.constant 80 : index
      %get3A_974 = tpu.vector_load %arg7[%get3A_972, %get3A_973] {strides = array<i32>} : memref<256x128xf32, #tpu.memory_space<vmem>>, vector<1x16xf32>,
      %get3A_975 = vector.shape_cast %get3A_974 : vector<1x16xf32> to vector<16xf32>
      %mul3A_976 = arith.constant 11.3137083 : f32
      %mul3A_977 = vector.broadcast %mul3A_976 : f32 to vector<16xf32>
      %mul3A_978 = arith.mulf %get3A_975, %mul3A_977 : vector<16xf32>
      %add3A_979 = arith.addf %mul3A_978, %get3A_555 : vector<16xf32>
      %swap3A_980 = arith.index_cast %add3A_906 : i32 to index
      %swap3A_981 = arith.constant 80 : index
      %swap3A_982 = tpu.vector_load %arg8[%swap3A_980, %swap3A_981] {strides = array<i32>} : memref<256x128xf32, #tpu.memory_space<vmem>>, vector<1x16xf32>,
      %swap3A_983 = vector.shape_cast %swap3A_982 : vector<1x16xf32> to vector<16xf32>
      %swap3A_984 = vector.shape_cast %add3A_979 : vector<16xf32> to vector<1x16xf32>
      tpu.vector_store %arg8[%swap3A_980, %swap3A_981], %swap3A_984 {strides = array<i32>} : memref<256x128xf32, #tpu.memory_space<vmem>>, vector<1x16xf32>,
      %get3A_985 = arith.index_cast %add3A_904 : i32 to index
      %get3A_986 = arith.constant 96 : index
      %get3A_987 = tpu.vector_load %arg7[%get3A_985, %get3A_986] {strides = array<i32>} : memref<256x128xf32, #tpu.memory_space<vmem>>, vector<1x16xf32>,
      %get3A_988 = vector.shape_cast %get3A_987 : vector<1x16xf32> to vector<16xf32>
      %mul3A_989 = arith.constant 11.3137083 : f32
      %mul3A_990 = vector.broadcast %mul3A_989 : f32 to vector<16xf32>
      %mul3A_991 = arith.mulf %get3A_988, %mul3A_990 : vector<16xf32>
      %add3A_992 = arith.addf %mul3A_991, %get3A_559 : vector<16xf32>
      %swap3A_993 = arith.index_cast %add3A_906 : i32 to index
      %swap3A_994 = arith.constant 96 : index
      %swap3A_995 = tpu.vector_load %arg8[%swap3A_993, %swap3A_994] {strides = array<i32>} : memref<256x128xf32, #tpu.memory_space<vmem>>, vector<1x16xf32>,
      %swap3A_996 = vector.shape_cast %swap3A_995 : vector<1x16xf32> to vector<16xf32>
      %swap3A_997 = vector.shape_cast %add3A_992 : vector<16xf32> to vector<1x16xf32>
      tpu.vector_store %arg8[%swap3A_993, %swap3A_994], %swap3A_997 {strides = array<i32>} : memref<256x128xf32, #tpu.memory_space<vmem>>, vector<1x16xf32>,
      %get3A_998 = arith.index_cast %add3A_904 : i32 to index
      %get3A_999 = arith.constant 112 : index
      %get3A_1000 = tpu.vector_load %arg7[%get3A_998, %get3A_999] {strides = array<i32>} : memref<256x128xf32, #tpu.memory_space<vmem>>, vector<1x16xf32>,
      %get3A_1001 = vector.shape_cast %get3A_1000 : vector<1x16xf32> to vector<16xf32>
      %mul3A_1002 = arith.constant 11.3137083 : f32
      %mul3A_1003 = vector.broadcast %mul3A_1002 : f32 to vector<16xf32>
      %mul3A_1004 = arith.mulf %get3A_1001, %mul3A_1003 : vector<16xf32>
      %add3A_1005 = arith.addf %mul3A_1004, %get3A_563 : vector<16xf32>
      %swap3A_1006 = arith.index_cast %add3A_906 : i32 to index
      %swap3A_1007 = arith.constant 112 : index
      %swap3A_1008 = tpu.vector_load %arg8[%swap3A_1006, %swap3A_1007] {strides = array<i32>} : memref<256x128xf32, #tpu.memory_space<vmem>>, vector<1x16xf32>,
      %swap3A_1009 = vector.shape_cast %swap3A_1008 : vector<1x16xf32> to vector<16xf32>
      %swap3A_1010 = vector.shape_cast %add3A_1005 : vector<16xf32> to vector<1x16xf32>
      tpu.vector_store %arg8[%swap3A_1006, %swap3A_1007], %swap3A_1010 {strides = array<i32>} : memref<256x128xf32, #tpu.memory_space<vmem>>, vector<1x16xf32>,
    }
    %scan3A_145 = arith.constant 16 : i32
    %mul3A_146 = arith.constant 64 : i32
    %mul3A_147 = arith.muli %add3A, %mul3A_146 : i32
    %add3A_148 = arith.constant 0 : i32
    %add3A_149 = arith.addi %add3A_148, %mul3A_147 : i32
    %add3A_150 = arith.constant 16 : i32
    %add3A_151 = arith.addi %add3A_149, %add3A_150 : i32
    %dma_start3A_152 = arith.constant 16 : i32
    %dma_start3A_153 = arith.constant 0 : i32
    %dma_start3A_154 = tpu.memref_slice %arg8[%dma_start3A_152, %dma_start3A_153] : memref<256x128xf32, #tpu.memory_space<vmem>> -> memref<16x128xf32, #tpu.memory_space<vmem>>
    %dma_start3A_155 = arith.constant 0 : i32
    %dma_start3A_156 = tpu.memref_slice %arg5[%add3A_151, %dma_start3A_155] : memref<8192x128xf32, #tpu.memory_space<hbm>> -> memref<16x128xf32, #tpu.memory_space<hbm>>
    %dma_start3A_157 = arith.constant 0 : i32
    %dma_start3A_158 = tpu.memref_slice %arg5[%add3A_151, %dma_start3A_157] : memref<8192x128xf32, #tpu.memory_space<hbm>> -> memref<16x128xf32, #tpu.memory_space<hbm>>
    %dma_start3A_159 = arith.constant 16 : i32
    %dma_start3A_160 = arith.constant 0 : i32
    %dma_start3A_161 = tpu.memref_slice %arg8[%dma_start3A_159, %dma_start3A_160] : memref<256x128xf32, #tpu.memory_space<vmem>> -> memref<16x128xf32, #tpu.memory_space<vmem>>
    tpu.enqueue_dma source(%dma_start3A_161 : memref<16x128xf32, #tpu.memory_space<vmem>>) target(%dma_start3A_158 : memref<16x128xf32, #tpu.memory_space<hbm>>) target_semaphore(%arg11 : memref<!tpu.dma_semaphore, #tpu.memory_space<semaphore_mem>>)
    %mul3A_162 = arith.constant 64 : i32
    %mul3A_163 = arith.muli %add3A, %mul3A_162 : i32
    %add3A_164 = arith.constant 2048 : i32
    %add3A_165 = arith.addi %add3A_164, %mul3A_163 : i32
    %add3A_166 = arith.constant 16 : i32
    %add3A_167 = arith.addi %add3A_165, %add3A_166 : i32
    %dma_start3A_168 = arith.constant 80 : i32
    %dma_start3A_169 = arith.constant 0 : i32
    %dma_start3A_170 = tpu.memref_slice %arg8[%dma_start3A_168, %dma_start3A_169] : memref<256x128xf32, #tpu.memory_space<vmem>> -> memref<16x128xf32, #tpu.memory_space<vmem>>
    %dma_start3A_171 = arith.constant 0 : i32
    %dma_start3A_172 = tpu.memref_slice %arg5[%add3A_167, %dma_start3A_171] : memref<8192x128xf32, #tpu.memory_space<hbm>> -> memref<16x128xf32, #tpu.memory_space<hbm>>
    %dma_start3A_173 = arith.constant 0 : i32
    %dma_start3A_174 = tpu.memref_slice %arg5[%add3A_167, %dma_start3A_173] : memref<8192x128xf32, #tpu.memory_space<hbm>> -> memref<16x128xf32, #tpu.memory_space<hbm>>
    %dma_start3A_175 = arith.constant 80 : i32
    %dma_start3A_176 = arith.constant 0 : i32
    %dma_start3A_177 = tpu.memref_slice %arg8[%dma_start3A_175, %dma_start3A_176] : memref<256x128xf32, #tpu.memory_space<vmem>> -> memref<16x128xf32, #tpu.memory_space<vmem>>
    tpu.enqueue_dma source(%dma_start3A_177 : memref<16x128xf32, #tpu.memory_space<vmem>>) target(%dma_start3A_174 : memref<16x128xf32, #tpu.memory_space<hbm>>) target_semaphore(%arg11 : memref<!tpu.dma_semaphore, #tpu.memory_space<semaphore_mem>>)
    %mul3A_178 = arith.constant 64 : i32
    %mul3A_179 = arith.muli %add3A, %mul3A_178 : i32
    %add3A_180 = arith.constant 4096 : i32
    %add3A_181 = arith.addi %add3A_180, %mul3A_179 : i32
    %add3A_182 = arith.constant 16 : i32
    %add3A_183 = arith.addi %add3A_181, %add3A_182 : i32
    %dma_start3A_184 = arith.constant 144 : i32
    %dma_start3A_185 = arith.constant 0 : i32
    %dma_start3A_186 = tpu.memref_slice %arg8[%dma_start3A_184, %dma_start3A_185] : memref<256x128xf32, #tpu.memory_space<vmem>> -> memref<16x128xf32, #tpu.memory_space<vmem>>
    %dma_start3A_187 = arith.constant 0 : i32
    %dma_start3A_188 = tpu.memref_slice %arg5[%add3A_183, %dma_start3A_187] : memref<8192x128xf32, #tpu.memory_space<hbm>> -> memref<16x128xf32, #tpu.memory_space<hbm>>
    %dma_start3A_189 = arith.constant 0 : i32
    %dma_start3A_190 = tpu.memref_slice %arg5[%add3A_183, %dma_start3A_189] : memref<8192x128xf32, #tpu.memory_space<hbm>> -> memref<16x128xf32, #tpu.memory_space<hbm>>
    %dma_start3A_191 = arith.constant 144 : i32
    %dma_start3A_192 = arith.constant 0 : i32
    %dma_start3A_193 = tpu.memref_slice %arg8[%dma_start3A_191, %dma_start3A_192] : memref<256x128xf32, #tpu.memory_space<vmem>> -> memref<16x128xf32, #tpu.memory_space<vmem>>
    tpu.enqueue_dma source(%dma_start3A_193 : memref<16x128xf32, #tpu.memory_space<vmem>>) target(%dma_start3A_190 : memref<16x128xf32, #tpu.memory_space<hbm>>) target_semaphore(%arg11 : memref<!tpu.dma_semaphore, #tpu.memory_space<semaphore_mem>>)
    %mul3A_194 = arith.constant 64 : i32
    %mul3A_195 = arith.muli %add3A, %mul3A_194 : i32
    %add3A_196 = arith.constant 6144 : i32
    %add3A_197 = arith.addi %add3A_196, %mul3A_195 : i32
    %add3A_198 = arith.constant 16 : i32
    %add3A_199 = arith.addi %add3A_197, %add3A_198 : i32
    %dma_start3A_200 = arith.constant 208 : i32
    %dma_start3A_201 = arith.constant 0 : i32
    %dma_start3A_202 = tpu.memref_slice %arg8[%dma_start3A_200, %dma_start3A_201] : memref<256x128xf32, #tpu.memory_space<vmem>> -> memref<16x128xf32, #tpu.memory_space<vmem>>
    %dma_start3A_203 = arith.constant 0 : i32
    %dma_start3A_204 = tpu.memref_slice %arg5[%add3A_199, %dma_start3A_203] : memref<8192x128xf32, #tpu.memory_space<hbm>> -> memref<16x128xf32, #tpu.memory_space<hbm>>
    %dma_start3A_205 = arith.constant 0 : i32
    %dma_start3A_206 = tpu.memref_slice %arg5[%add3A_199, %dma_start3A_205] : memref<8192x128xf32, #tpu.memory_space<hbm>> -> memref<16x128xf32, #tpu.memory_space<hbm>>
    %dma_start3A_207 = arith.constant 208 : i32
    %dma_start3A_208 = arith.constant 0 : i32
    %dma_start3A_209 = tpu.memref_slice %arg8[%dma_start3A_207, %dma_start3A_208] : memref<256x128xf32, #tpu.memory_space<vmem>> -> memref<16x128xf32, #tpu.memory_space<vmem>>
    tpu.enqueue_dma source(%dma_start3A_209 : memref<16x128xf32, #tpu.memory_space<vmem>>) target(%dma_start3A_206 : memref<16x128xf32, #tpu.memory_space<hbm>>) target_semaphore(%arg11 : memref<!tpu.dma_semaphore, #tpu.memory_space<semaphore_mem>>)
    %dma_wait3A_210 = arith.constant 2 : i32
    %dma_wait3A_211 = arith.constant 128 : i32
    %dma_wait3A_212 = arith.constant 0 : i32
    %dma_wait3A_213 = tpu.memref_slice %arg7[%dma_wait3A_211, %dma_wait3A_212] : memref<256x128xf32, #tpu.memory_space<vmem>> -> memref<64x128xf32, #tpu.memory_space<vmem>>
    %dma_wait3A_214 = arith.constant 0 : i32
    %dma_wait3A_215 = tpu.memref_slice %arg6[%dma_wait3A_210, %dma_wait3A_214] : memref<4x64xi32, #tpu.memory_space<vmem>> -> memref<1x64xi32, #tpu.memory_space<vmem>>
    %dma_wait3A_216 = tpu.memref_squeeze %dma_wait3A_215 : memref<1x64xi32, #tpu.memory_space<vmem>> -> memref<64xi32, #tpu.memory_space<vmem>>
    %dma_wait3A_217 = arith.constant 0 : i32
    %dma_wait3A_218 = arith.constant 0 : i32
    %dma_wait3A_219 = tpu.memref_slice %arg3[%dma_wait3A_217, %dma_wait3A_218] : memref<1000000x128xf32, #tpu.memory_space<hbm>> -> memref<1000000x128xf32, #tpu.memory_space<hbm>>
    tpu.wait_indirect_dma semaphore(%arg10 : memref<!tpu.dma_semaphore, #tpu.memory_space<semaphore_mem>>) src(%dma_wait3A_219 : memref<1000000x128xf32, #tpu.memory_space<hbm>>) dst(%dma_wait3A_213 : memref<64x128xf32, #tpu.memory_space<vmem>>)
    %scan3A_220 = arith.constant 0 : i32
    %scan3A_221 = arith.constant 0 : i32
    %scan3A_222 = arith.constant 16 : i32
    %scan3A_223 = arith.addi %scan3A_221, %scan3A_222 : i32
    %scan3A_224 = arith.constant 1 : i32
    scf.for %scan3A_530 = %scan3A_221 to %scan3A_223 step %scan3A_224  : i32 {
      %add3A_531 = arith.constant 32 : i32
      %add3A_532 = arith.addi %add3A_531, %scan3A_530 : i32
      %get3A = arith.index_cast %add3A_532 : i32 to index
      %get3A_533 = arith.constant 0 : index
      %get3A_534 = tpu.vector_load %arg9[%get3A, %get3A_533] {strides = array<i32>} : memref<64x128xf32, #tpu.memory_space<vmem>>, vector<1x16xf32>,
      %get3A_535 = vector.shape_cast %get3A_534 : vector<1x16xf32> to vector<16xf32>
      %get3A_536 = arith.index_cast %add3A_532 : i32 to index
      %get3A_537 = arith.constant 16 : index
      %get3A_538 = tpu.vector_load %arg9[%get3A_536, %get3A_537] {strides = array<i32>} : memref<64x128xf32, #tpu.memory_space<vmem>>, vector<1x16xf32>,
      %get3A_539 = vector.shape_cast %get3A_538 : vector<1x16xf32> to vector<16xf32>
      %get3A_540 = arith.index_cast %add3A_532 : i32 to index
      %get3A_541 = arith.constant 32 : index
      %get3A_542 = tpu.vector_load %arg9[%get3A_540, %get3A_541] {strides = array<i32>} : memref<64x128xf32, #tpu.memory_space<vmem>>, vector<1x16xf32>,
      %get3A_543 = vector.shape_cast %get3A_542 : vector<1x16xf32> to vector<16xf32>
      %get3A_544 = arith.index_cast %add3A_532 : i32 to index
      %get3A_545 = arith.constant 48 : index
      %get3A_546 = tpu.vector_load %arg9[%get3A_544, %get3A_545] {strides = array<i32>} : memref<64x128xf32, #tpu.memory_space<vmem>>, vector<1x16xf32>,
      %get3A_547 = vector.shape_cast %get3A_546 : vector<1x16xf32> to vector<16xf32>
      %get3A_548 = arith.index_cast %add3A_532 : i32 to index
      %get3A_549 = arith.constant 64 : index
      %get3A_550 = tpu.vector_load %arg9[%get3A_548, %get3A_549] {strides = array<i32>} : memref<64x128xf32, #tpu.memory_space<vmem>>, vector<1x16xf32>,
      %get3A_551 = vector.shape_cast %get3A_550 : vector<1x16xf32> to vector<16xf32>
      %get3A_552 = arith.index_cast %add3A_532 : i32 to index
      %get3A_553 = arith.constant 80 : index
      %get3A_554 = tpu.vector_load %arg9[%get3A_552, %get3A_553] {strides = array<i32>} : memref<64x128xf32, #tpu.memory_space<vmem>>, vector<1x16xf32>,
      %get3A_555 = vector.shape_cast %get3A_554 : vector<1x16xf32> to vector<16xf32>
      %get3A_556 = arith.index_cast %add3A_532 : i32 to index
      %get3A_557 = arith.constant 96 : index
      %get3A_558 = tpu.vector_load %arg9[%get3A_556, %get3A_557] {strides = array<i32>} : memref<64x128xf32, #tpu.memory_space<vmem>>, vector<1x16xf32>,
      %get3A_559 = vector.shape_cast %get3A_558 : vector<1x16xf32> to vector<16xf32>
      %get3A_560 = arith.index_cast %add3A_532 : i32 to index
      %get3A_561 = arith.constant 112 : index
      %get3A_562 = tpu.vector_load %arg9[%get3A_560, %get3A_561] {strides = array<i32>} : memref<64x128xf32, #tpu.memory_space<vmem>>, vector<1x16xf32>,
      %get3A_563 = vector.shape_cast %get3A_562 : vector<1x16xf32> to vector<16xf32>
      %add3A_564 = arith.constant 32 : i32
      %add3A_565 = arith.addi %add3A_564, %scan3A_530 : i32
      %mul3A_566 = arith.constant 4 : i32
      %mul3A_567 = arith.muli %add3A_565, %mul3A_566 : i32
      %add3A_568 = arith.constant 0 : i32
      %add3A_569 = arith.addi %mul3A_567, %add3A_568 : i32
      %add3A_570 = arith.constant 0 : i32
      %add3A_571 = arith.addi %add3A_570, %add3A_532 : i32
      %get3A_572 = arith.index_cast %add3A_569 : i32 to index
      %get3A_573 = arith.constant 0 : index
      %get3A_574 = tpu.vector_load %arg7[%get3A_572, %get3A_573] {strides = array<i32>} : memref<256x128xf32, #tpu.memory_space<vmem>>, vector<1x16xf32>,
      %get3A_575 = vector.shape_cast %get3A_574 : vector<1x16xf32> to vector<16xf32>
      %mul3A_576 = arith.constant 11.3137083 : f32
      %mul3A_577 = vector.broadcast %mul3A_576 : f32 to vector<16xf32>
      %mul3A_578 = arith.mulf %get3A_575, %mul3A_577 : vector<16xf32>
      %add3A_579 = arith.addf %mul3A_578, %get3A_535 : vector<16xf32>
      %swap3A = arith.index_cast %add3A_571 : i32 to index
      %swap3A_580 = arith.constant 0 : index
      %swap3A_581 = tpu.vector_load %arg8[%swap3A, %swap3A_580] {strides = array<i32>} : memref<256x128xf32, #tpu.memory_space<vmem>>, vector<1x16xf32>,
      %swap3A_582 = vector.shape_cast %swap3A_581 : vector<1x16xf32> to vector<16xf32>
      %swap3A_583 = vector.shape_cast %add3A_579 : vector<16xf32> to vector<1x16xf32>
      tpu.vector_store %arg8[%swap3A, %swap3A_580], %swap3A_583 {strides = array<i32>} : memref<256x128xf32, #tpu.memory_space<vmem>>, vector<1x16xf32>,
      %get3A_584 = arith.index_cast %add3A_569 : i32 to index
      %get3A_585 = arith.constant 16 : index
      %get3A_586 = tpu.vector_load %arg7[%get3A_584, %get3A_585] {strides = array<i32>} : memref<256x128xf32, #tpu.memory_space<vmem>>, vector<1x16xf32>,
      %get3A_587 = vector.shape_cast %get3A_586 : vector<1x16xf32> to vector<16xf32>
      %mul3A_588 = arith.constant 11.3137083 : f32
      %mul3A_589 = vector.broadcast %mul3A_588 : f32 to vector<16xf32>
      %mul3A_590 = arith.mulf %get3A_587, %mul3A_589 : vector<16xf32>
      %add3A_591 = arith.addf %mul3A_590, %get3A_539 : vector<16xf32>
      %swap3A_592 = arith.index_cast %add3A_571 : i32 to index
      %swap3A_593 = arith.constant 16 : index
      %swap3A_594 = tpu.vector_load %arg8[%swap3A_592, %swap3A_593] {strides = array<i32>} : memref<256x128xf32, #tpu.memory_space<vmem>>, vector<1x16xf32>,
      %swap3A_595 = vector.shape_cast %swap3A_594 : vector<1x16xf32> to vector<16xf32>
      %swap3A_596 = vector.shape_cast %add3A_591 : vector<16xf32> to vector<1x16xf32>
      tpu.vector_store %arg8[%swap3A_592, %swap3A_593], %swap3A_596 {strides = array<i32>} : memref<256x128xf32, #tpu.memory_space<vmem>>, vector<1x16xf32>,
      %get3A_597 = arith.index_cast %add3A_569 : i32 to index
      %get3A_598 = arith.constant 32 : index
      %get3A_599 = tpu.vector_load %arg7[%get3A_597, %get3A_598] {strides = array<i32>} : memref<256x128xf32, #tpu.memory_space<vmem>>, vector<1x16xf32>,
      %get3A_600 = vector.shape_cast %get3A_599 : vector<1x16xf32> to vector<16xf32>
      %mul3A_601 = arith.constant 11.3137083 : f32
      %mul3A_602 = vector.broadcast %mul3A_601 : f32 to vector<16xf32>
      %mul3A_603 = arith.mulf %get3A_600, %mul3A_602 : vector<16xf32>
      %add3A_604 = arith.addf %mul3A_603, %get3A_543 : vector<16xf32>
      %swap3A_605 = arith.index_cast %add3A_571 : i32 to index
      %swap3A_606 = arith.constant 32 : index
      %swap3A_607 = tpu.vector_load %arg8[%swap3A_605, %swap3A_606] {strides = array<i32>} : memref<256x128xf32, #tpu.memory_space<vmem>>, vector<1x16xf32>,
      %swap3A_608 = vector.shape_cast %swap3A_607 : vector<1x16xf32> to vector<16xf32>
      %swap3A_609 = vector.shape_cast %add3A_604 : vector<16xf32> to vector<1x16xf32>
      tpu.vector_store %arg8[%swap3A_605, %swap3A_606], %swap3A_609 {strides = array<i32>} : memref<256x128xf32, #tpu.memory_space<vmem>>, vector<1x16xf32>,
      %get3A_610 = arith.index_cast %add3A_569 : i32 to index
      %get3A_611 = arith.constant 48 : index
      %get3A_612 = tpu.vector_load %arg7[%get3A_610, %get3A_611] {strides = array<i32>} : memref<256x128xf32, #tpu.memory_space<vmem>>, vector<1x16xf32>,
      %get3A_613 = vector.shape_cast %get3A_612 : vector<1x16xf32> to vector<16xf32>
      %mul3A_614 = arith.constant 11.3137083 : f32
      %mul3A_615 = vector.broadcast %mul3A_614 : f32 to vector<16xf32>
      %mul3A_616 = arith.mulf %get3A_613, %mul3A_615 : vector<16xf32>
      %add3A_617 = arith.addf %mul3A_616, %get3A_547 : vector<16xf32>
      %swap3A_618 = arith.index_cast %add3A_571 : i32 to index
      %swap3A_619 = arith.constant 48 : index
      %swap3A_620 = tpu.vector_load %arg8[%swap3A_618, %swap3A_619] {strides = array<i32>} : memref<256x128xf32, #tpu.memory_space<vmem>>, vector<1x16xf32>,
      %swap3A_621 = vector.shape_cast %swap3A_620 : vector<1x16xf32> to vector<16xf32>
      %swap3A_622 = vector.shape_cast %add3A_617 : vector<16xf32> to vector<1x16xf32>
      tpu.vector_store %arg8[%swap3A_618, %swap3A_619], %swap3A_622 {strides = array<i32>} : memref<256x128xf32, #tpu.memory_space<vmem>>, vector<1x16xf32>,
      %get3A_623 = arith.index_cast %add3A_569 : i32 to index
      %get3A_624 = arith.constant 64 : index
      %get3A_625 = tpu.vector_load %arg7[%get3A_623, %get3A_624] {strides = array<i32>} : memref<256x128xf32, #tpu.memory_space<vmem>>, vector<1x16xf32>,
      %get3A_626 = vector.shape_cast %get3A_625 : vector<1x16xf32> to vector<16xf32>
      %mul3A_627 = arith.constant 11.3137083 : f32
      %mul3A_628 = vector.broadcast %mul3A_627 : f32 to vector<16xf32>
      %mul3A_629 = arith.mulf %get3A_626, %mul3A_628 : vector<16xf32>
      %add3A_630 = arith.addf %mul3A_629, %get3A_551 : vector<16xf32>
      %swap3A_631 = arith.index_cast %add3A_571 : i32 to index
      %swap3A_632 = arith.constant 64 : index
      %swap3A_633 = tpu.vector_load %arg8[%swap3A_631, %swap3A_632] {strides = array<i32>} : memref<256x128xf32, #tpu.memory_space<vmem>>, vector<1x16xf32>,
      %swap3A_634 = vector.shape_cast %swap3A_633 : vector<1x16xf32> to vector<16xf32>
      %swap3A_635 = vector.shape_cast %add3A_630 : vector<16xf32> to vector<1x16xf32>
      tpu.vector_store %arg8[%swap3A_631, %swap3A_632], %swap3A_635 {strides = array<i32>} : memref<256x128xf32, #tpu.memory_space<vmem>>, vector<1x16xf32>,
      %get3A_636 = arith.index_cast %add3A_569 : i32 to index
      %get3A_637 = arith.constant 80 : index
      %get3A_638 = tpu.vector_load %arg7[%get3A_636, %get3A_637] {strides = array<i32>} : memref<256x128xf32, #tpu.memory_space<vmem>>, vector<1x16xf32>,
      %get3A_639 = vector.shape_cast %get3A_638 : vector<1x16xf32> to vector<16xf32>
      %mul3A_640 = arith.constant 11.3137083 : f32
      %mul3A_641 = vector.broadcast %mul3A_640 : f32 to vector<16xf32>
      %mul3A_642 = arith.mulf %get3A_639, %mul3A_641 : vector<16xf32>
      %add3A_643 = arith.addf %mul3A_642, %get3A_555 : vector<16xf32>
      %swap3A_644 = arith.index_cast %add3A_571 : i32 to index
      %swap3A_645 = arith.constant 80 : index
      %swap3A_646 = tpu.vector_load %arg8[%swap3A_644, %swap3A_645] {strides = array<i32>} : memref<256x128xf32, #tpu.memory_space<vmem>>, vector<1x16xf32>,
      %swap3A_647 = vector.shape_cast %swap3A_646 : vector<1x16xf32> to vector<16xf32>
      %swap3A_648 = vector.shape_cast %add3A_643 : vector<16xf32> to vector<1x16xf32>
      tpu.vector_store %arg8[%swap3A_644, %swap3A_645], %swap3A_648 {strides = array<i32>} : memref<256x128xf32, #tpu.memory_space<vmem>>, vector<1x16xf32>,
      %get3A_649 = arith.index_cast %add3A_569 : i32 to index
      %get3A_650 = arith.constant 96 : index
      %get3A_651 = tpu.vector_load %arg7[%get3A_649, %get3A_650] {strides = array<i32>} : memref<256x128xf32, #tpu.memory_space<vmem>>, vector<1x16xf32>,
      %get3A_652 = vector.shape_cast %get3A_651 : vector<1x16xf32> to vector<16xf32>
      %mul3A_653 = arith.constant 11.3137083 : f32
      %mul3A_654 = vector.broadcast %mul3A_653 : f32 to vector<16xf32>
      %mul3A_655 = arith.mulf %get3A_652, %mul3A_654 : vector<16xf32>
      %add3A_656 = arith.addf %mul3A_655, %get3A_559 : vector<16xf32>
      %swap3A_657 = arith.index_cast %add3A_571 : i32 to index
      %swap3A_658 = arith.constant 96 : index
      %swap3A_659 = tpu.vector_load %arg8[%swap3A_657, %swap3A_658] {strides = array<i32>} : memref<256x128xf32, #tpu.memory_space<vmem>>, vector<1x16xf32>,
      %swap3A_660 = vector.shape_cast %swap3A_659 : vector<1x16xf32> to vector<16xf32>
      %swap3A_661 = vector.shape_cast %add3A_656 : vector<16xf32> to vector<1x16xf32>
      tpu.vector_store %arg8[%swap3A_657, %swap3A_658], %swap3A_661 {strides = array<i32>} : memref<256x128xf32, #tpu.memory_space<vmem>>, vector<1x16xf32>,
      %get3A_662 = arith.index_cast %add3A_569 : i32 to index
      %get3A_663 = arith.constant 112 : index
      %get3A_664 = tpu.vector_load %arg7[%get3A_662, %get3A_663] {strides = array<i32>} : memref<256x128xf32, #tpu.memory_space<vmem>>, vector<1x16xf32>,
      %get3A_665 = vector.shape_cast %get3A_664 : vector<1x16xf32> to vector<16xf32>
      %mul3A_666 = arith.constant 11.3137083 : f32
      %mul3A_667 = vector.broadcast %mul3A_666 : f32 to vector<16xf32>
      %mul3A_668 = arith.mulf %get3A_665, %mul3A_667 : vector<16xf32>
      %add3A_669 = arith.addf %mul3A_668, %get3A_563 : vector<16xf32>
      %swap3A_670 = arith.index_cast %add3A_571 : i32 to index
      %swap3A_671 = arith.constant 112 : index
      %swap3A_672 = tpu.vector_load %arg8[%swap3A_670, %swap3A_671] {strides = array<i32>} : memref<256x128xf32, #tpu.memory_space<vmem>>, vector<1x16xf32>,
      %swap3A_673 = vector.shape_cast %swap3A_672 : vector<1x16xf32> to vector<16xf32>
      %swap3A_674 = vector.shape_cast %add3A_669 : vector<16xf32> to vector<1x16xf32>
      tpu.vector_store %arg8[%swap3A_670, %swap3A_671], %swap3A_674 {strides = array<i32>} : memref<256x128xf32, #tpu.memory_space<vmem>>, vector<1x16xf32>,
      %add3A_675 = arith.constant 32 : i32
      %add3A_676 = arith.addi %add3A_675, %scan3A_530 : i32
      %mul3A_677 = arith.constant 4 : i32
      %mul3A_678 = arith.muli %add3A_676, %mul3A_677 : i32
      %add3A_679 = arith.constant 1 : i32
      %add3A_680 = arith.addi %mul3A_678, %add3A_679 : i32
      %add3A_681 = arith.constant 64 : i32
      %add3A_682 = arith.addi %add3A_681, %add3A_532 : i32
      %get3A_683 = arith.index_cast %add3A_680 : i32 to index
      %get3A_684 = arith.constant 0 : index
      %get3A_685 = tpu.vector_load %arg7[%get3A_683, %get3A_684] {strides = array<i32>} : memref<256x128xf32, #tpu.memory_space<vmem>>, vector<1x16xf32>,
      %get3A_686 = vector.shape_cast %get3A_685 : vector<1x16xf32> to vector<16xf32>
      %mul3A_687 = arith.constant 11.3137083 : f32
      %mul3A_688 = vector.broadcast %mul3A_687 : f32 to vector<16xf32>
      %mul3A_689 = arith.mulf %get3A_686, %mul3A_688 : vector<16xf32>
      %add3A_690 = arith.addf %mul3A_689, %get3A_535 : vector<16xf32>
      %swap3A_691 = arith.index_cast %add3A_682 : i32 to index
      %swap3A_692 = arith.constant 0 : index
      %swap3A_693 = tpu.vector_load %arg8[%swap3A_691, %swap3A_692] {strides = array<i32>} : memref<256x128xf32, #tpu.memory_space<vmem>>, vector<1x16xf32>,
      %swap3A_694 = vector.shape_cast %swap3A_693 : vector<1x16xf32> to vector<16xf32>
      %swap3A_695 = vector.shape_cast %add3A_690 : vector<16xf32> to vector<1x16xf32>
      tpu.vector_store %arg8[%swap3A_691, %swap3A_692], %swap3A_695 {strides = array<i32>} : memref<256x128xf32, #tpu.memory_space<vmem>>, vector<1x16xf32>,
      %get3A_696 = arith.index_cast %add3A_680 : i32 to index
      %get3A_697 = arith.constant 16 : index
      %get3A_698 = tpu.vector_load %arg7[%get3A_696, %get3A_697] {strides = array<i32>} : memref<256x128xf32, #tpu.memory_space<vmem>>, vector<1x16xf32>,
      %get3A_699 = vector.shape_cast %get3A_698 : vector<1x16xf32> to vector<16xf32>
      %mul3A_700 = arith.constant 11.3137083 : f32
      %mul3A_701 = vector.broadcast %mul3A_700 : f32 to vector<16xf32>
      %mul3A_702 = arith.mulf %get3A_699, %mul3A_701 : vector<16xf32>
      %add3A_703 = arith.addf %mul3A_702, %get3A_539 : vector<16xf32>
      %swap3A_704 = arith.index_cast %add3A_682 : i32 to index
      %swap3A_705 = arith.constant 16 : index
      %swap3A_706 = tpu.vector_load %arg8[%swap3A_704, %swap3A_705] {strides = array<i32>} : memref<256x128xf32, #tpu.memory_space<vmem>>, vector<1x16xf32>,
      %swap3A_707 = vector.shape_cast %swap3A_706 : vector<1x16xf32> to vector<16xf32>
      %swap3A_708 = vector.shape_cast %add3A_703 : vector<16xf32> to vector<1x16xf32>
      tpu.vector_store %arg8[%swap3A_704, %swap3A_705], %swap3A_708 {strides = array<i32>} : memref<256x128xf32, #tpu.memory_space<vmem>>, vector<1x16xf32>,
      %get3A_709 = arith.index_cast %add3A_680 : i32 to index
      %get3A_710 = arith.constant 32 : index
      %get3A_711 = tpu.vector_load %arg7[%get3A_709, %get3A_710] {strides = array<i32>} : memref<256x128xf32, #tpu.memory_space<vmem>>, vector<1x16xf32>,
      %get3A_712 = vector.shape_cast %get3A_711 : vector<1x16xf32> to vector<16xf32>
      %mul3A_713 = arith.constant 11.3137083 : f32
      %mul3A_714 = vector.broadcast %mul3A_713 : f32 to vector<16xf32>
      %mul3A_715 = arith.mulf %get3A_712, %mul3A_714 : vector<16xf32>
      %add3A_716 = arith.addf %mul3A_715, %get3A_543 : vector<16xf32>
      %swap3A_717 = arith.index_cast %add3A_682 : i32 to index
      %swap3A_718 = arith.constant 32 : index
      %swap3A_719 = tpu.vector_load %arg8[%swap3A_717, %swap3A_718] {strides = array<i32>} : memref<256x128xf32, #tpu.memory_space<vmem>>, vector<1x16xf32>,
      %swap3A_720 = vector.shape_cast %swap3A_719 : vector<1x16xf32> to vector<16xf32>
      %swap3A_721 = vector.shape_cast %add3A_716 : vector<16xf32> to vector<1x16xf32>
      tpu.vector_store %arg8[%swap3A_717, %swap3A_718], %swap3A_721 {strides = array<i32>} : memref<256x128xf32, #tpu.memory_space<vmem>>, vector<1x16xf32>,
      %get3A_722 = arith.index_cast %add3A_680 : i32 to index
      %get3A_723 = arith.constant 48 : index
      %get3A_724 = tpu.vector_load %arg7[%get3A_722, %get3A_723] {strides = array<i32>} : memref<256x128xf32, #tpu.memory_space<vmem>>, vector<1x16xf32>,
      %get3A_725 = vector.shape_cast %get3A_724 : vector<1x16xf32> to vector<16xf32>
      %mul3A_726 = arith.constant 11.3137083 : f32
      %mul3A_727 = vector.broadcast %mul3A_726 : f32 to vector<16xf32>
      %mul3A_728 = arith.mulf %get3A_725, %mul3A_727 : vector<16xf32>
      %add3A_729 = arith.addf %mul3A_728, %get3A_547 : vector<16xf32>
      %swap3A_730 = arith.index_cast %add3A_682 : i32 to index
      %swap3A_731 = arith.constant 48 : index
      %swap3A_732 = tpu.vector_load %arg8[%swap3A_730, %swap3A_731] {strides = array<i32>} : memref<256x128xf32, #tpu.memory_space<vmem>>, vector<1x16xf32>,
      %swap3A_733 = vector.shape_cast %swap3A_732 : vector<1x16xf32> to vector<16xf32>
      %swap3A_734 = vector.shape_cast %add3A_729 : vector<16xf32> to vector<1x16xf32>
      tpu.vector_store %arg8[%swap3A_730, %swap3A_731], %swap3A_734 {strides = array<i32>} : memref<256x128xf32, #tpu.memory_space<vmem>>, vector<1x16xf32>,
      %get3A_735 = arith.index_cast %add3A_680 : i32 to index
      %get3A_736 = arith.constant 64 : index
      %get3A_737 = tpu.vector_load %arg7[%get3A_735, %get3A_736] {strides = array<i32>} : memref<256x128xf32, #tpu.memory_space<vmem>>, vector<1x16xf32>,
      %get3A_738 = vector.shape_cast %get3A_737 : vector<1x16xf32> to vector<16xf32>
      %mul3A_739 = arith.constant 11.3137083 : f32
      %mul3A_740 = vector.broadcast %mul3A_739 : f32 to vector<16xf32>
      %mul3A_741 = arith.mulf %get3A_738, %mul3A_740 : vector<16xf32>
      %add3A_742 = arith.addf %mul3A_741, %get3A_551 : vector<16xf32>
      %swap3A_743 = arith.index_cast %add3A_682 : i32 to index
      %swap3A_744 = arith.constant 64 : index
      %swap3A_745 = tpu.vector_load %arg8[%swap3A_743, %swap3A_744] {strides = array<i32>} : memref<256x128xf32, #tpu.memory_space<vmem>>, vector<1x16xf32>,
      %swap3A_746 = vector.shape_cast %swap3A_745 : vector<1x16xf32> to vector<16xf32>
      %swap3A_747 = vector.shape_cast %add3A_742 : vector<16xf32> to vector<1x16xf32>
      tpu.vector_store %arg8[%swap3A_743, %swap3A_744], %swap3A_747 {strides = array<i32>} : memref<256x128xf32, #tpu.memory_space<vmem>>, vector<1x16xf32>,
      %get3A_748 = arith.index_cast %add3A_680 : i32 to index
      %get3A_749 = arith.constant 80 : index
      %get3A_750 = tpu.vector_load %arg7[%get3A_748, %get3A_749] {strides = array<i32>} : memref<256x128xf32, #tpu.memory_space<vmem>>, vector<1x16xf32>,
      %get3A_751 = vector.shape_cast %get3A_750 : vector<1x16xf32> to vector<16xf32>
      %mul3A_752 = arith.constant 11.3137083 : f32
      %mul3A_753 = vector.broadcast %mul3A_752 : f32 to vector<16xf32>
      %mul3A_754 = arith.mulf %get3A_751, %mul3A_753 : vector<16xf32>
      %add3A_755 = arith.addf %mul3A_754, %get3A_555 : vector<16xf32>
      %swap3A_756 = arith.index_cast %add3A_682 : i32 to index
      %swap3A_757 = arith.constant 80 : index
      %swap3A_758 = tpu.vector_load %arg8[%swap3A_756, %swap3A_757] {strides = array<i32>} : memref<256x128xf32, #tpu.memory_space<vmem>>, vector<1x16xf32>,
      %swap3A_759 = vector.shape_cast %swap3A_758 : vector<1x16xf32> to vector<16xf32>
      %swap3A_760 = vector.shape_cast %add3A_755 : vector<16xf32> to vector<1x16xf32>
      tpu.vector_store %arg8[%swap3A_756, %swap3A_757], %swap3A_760 {strides = array<i32>} : memref<256x128xf32, #tpu.memory_space<vmem>>, vector<1x16xf32>,
      %get3A_761 = arith.index_cast %add3A_680 : i32 to index
      %get3A_762 = arith.constant 96 : index
      %get3A_763 = tpu.vector_load %arg7[%get3A_761, %get3A_762] {strides = array<i32>} : memref<256x128xf32, #tpu.memory_space<vmem>>, vector<1x16xf32>,
      %get3A_764 = vector.shape_cast %get3A_763 : vector<1x16xf32> to vector<16xf32>
      %mul3A_765 = arith.constant 11.3137083 : f32
      %mul3A_766 = vector.broadcast %mul3A_765 : f32 to vector<16xf32>
      %mul3A_767 = arith.mulf %get3A_764, %mul3A_766 : vector<16xf32>
      %add3A_768 = arith.addf %mul3A_767, %get3A_559 : vector<16xf32>
      %swap3A_769 = arith.index_cast %add3A_682 : i32 to index
      %swap3A_770 = arith.constant 96 : index
      %swap3A_771 = tpu.vector_load %arg8[%swap3A_769, %swap3A_770] {strides = array<i32>} : memref<256x128xf32, #tpu.memory_space<vmem>>, vector<1x16xf32>,
      %swap3A_772 = vector.shape_cast %swap3A_771 : vector<1x16xf32> to vector<16xf32>
      %swap3A_773 = vector.shape_cast %add3A_768 : vector<16xf32> to vector<1x16xf32>
      tpu.vector_store %arg8[%swap3A_769, %swap3A_770], %swap3A_773 {strides = array<i32>} : memref<256x128xf32, #tpu.memory_space<vmem>>, vector<1x16xf32>,
      %get3A_774 = arith.index_cast %add3A_680 : i32 to index
      %get3A_775 = arith.constant 112 : index
      %get3A_776 = tpu.vector_load %arg7[%get3A_774, %get3A_775] {strides = array<i32>} : memref<256x128xf32, #tpu.memory_space<vmem>>, vector<1x16xf32>,
      %get3A_777 = vector.shape_cast %get3A_776 : vector<1x16xf32> to vector<16xf32>
      %mul3A_778 = arith.constant 11.3137083 : f32
      %mul3A_779 = vector.broadcast %mul3A_778 : f32 to vector<16xf32>
      %mul3A_780 = arith.mulf %get3A_777, %mul3A_779 : vector<16xf32>
      %add3A_781 = arith.addf %mul3A_780, %get3A_563 : vector<16xf32>
      %swap3A_782 = arith.index_cast %add3A_682 : i32 to index
      %swap3A_783 = arith.constant 112 : index
      %swap3A_784 = tpu.vector_load %arg8[%swap3A_782, %swap3A_783] {strides = array<i32>} : memref<256x128xf32, #tpu.memory_space<vmem>>, vector<1x16xf32>,
      %swap3A_785 = vector.shape_cast %swap3A_784 : vector<1x16xf32> to vector<16xf32>
      %swap3A_786 = vector.shape_cast %add3A_781 : vector<16xf32> to vector<1x16xf32>
      tpu.vector_store %arg8[%swap3A_782, %swap3A_783], %swap3A_786 {strides = array<i32>} : memref<256x128xf32, #tpu.memory_space<vmem>>, vector<1x16xf32>,
      %add3A_787 = arith.constant 32 : i32
      %add3A_788 = arith.addi %add3A_787, %scan3A_530 : i32
      %mul3A_789 = arith.constant 4 : i32
      %mul3A_790 = arith.muli %add3A_788, %mul3A_789 : i32
      %add3A_791 = arith.constant 2 : i32
      %add3A_792 = arith.addi %mul3A_790, %add3A_791 : i32
      %add3A_793 = arith.constant 128 : i32
      %add3A_794 = arith.addi %add3A_793, %add3A_532 : i32
      %get3A_795 = arith.index_cast %add3A_792 : i32 to index
      %get3A_796 = arith.constant 0 : index
      %get3A_797 = tpu.vector_load %arg7[%get3A_795, %get3A_796] {strides = array<i32>} : memref<256x128xf32, #tpu.memory_space<vmem>>, vector<1x16xf32>,
      %get3A_798 = vector.shape_cast %get3A_797 : vector<1x16xf32> to vector<16xf32>
      %mul3A_799 = arith.constant 11.3137083 : f32
      %mul3A_800 = vector.broadcast %mul3A_799 : f32 to vector<16xf32>
      %mul3A_801 = arith.mulf %get3A_798, %mul3A_800 : vector<16xf32>
      %add3A_802 = arith.addf %mul3A_801, %get3A_535 : vector<16xf32>
      %swap3A_803 = arith.index_cast %add3A_794 : i32 to index
      %swap3A_804 = arith.constant 0 : index
      %swap3A_805 = tpu.vector_load %arg8[%swap3A_803, %swap3A_804] {strides = array<i32>} : memref<256x128xf32, #tpu.memory_space<vmem>>, vector<1x16xf32>,
      %swap3A_806 = vector.shape_cast %swap3A_805 : vector<1x16xf32> to vector<16xf32>
      %swap3A_807 = vector.shape_cast %add3A_802 : vector<16xf32> to vector<1x16xf32>
      tpu.vector_store %arg8[%swap3A_803, %swap3A_804], %swap3A_807 {strides = array<i32>} : memref<256x128xf32, #tpu.memory_space<vmem>>, vector<1x16xf32>,
      %get3A_808 = arith.index_cast %add3A_792 : i32 to index
      %get3A_809 = arith.constant 16 : index
      %get3A_810 = tpu.vector_load %arg7[%get3A_808, %get3A_809] {strides = array<i32>} : memref<256x128xf32, #tpu.memory_space<vmem>>, vector<1x16xf32>,
      %get3A_811 = vector.shape_cast %get3A_810 : vector<1x16xf32> to vector<16xf32>
      %mul3A_812 = arith.constant 11.3137083 : f32
      %mul3A_813 = vector.broadcast %mul3A_812 : f32 to vector<16xf32>
      %mul3A_814 = arith.mulf %get3A_811, %mul3A_813 : vector<16xf32>
      %add3A_815 = arith.addf %mul3A_814, %get3A_539 : vector<16xf32>
      %swap3A_816 = arith.index_cast %add3A_794 : i32 to index
      %swap3A_817 = arith.constant 16 : index
      %swap3A_818 = tpu.vector_load %arg8[%swap3A_816, %swap3A_817] {strides = array<i32>} : memref<256x128xf32, #tpu.memory_space<vmem>>, vector<1x16xf32>,
      %swap3A_819 = vector.shape_cast %swap3A_818 : vector<1x16xf32> to vector<16xf32>
      %swap3A_820 = vector.shape_cast %add3A_815 : vector<16xf32> to vector<1x16xf32>
      tpu.vector_store %arg8[%swap3A_816, %swap3A_817], %swap3A_820 {strides = array<i32>} : memref<256x128xf32, #tpu.memory_space<vmem>>, vector<1x16xf32>,
      %get3A_821 = arith.index_cast %add3A_792 : i32 to index
      %get3A_822 = arith.constant 32 : index
      %get3A_823 = tpu.vector_load %arg7[%get3A_821, %get3A_822] {strides = array<i32>} : memref<256x128xf32, #tpu.memory_space<vmem>>, vector<1x16xf32>,
      %get3A_824 = vector.shape_cast %get3A_823 : vector<1x16xf32> to vector<16xf32>
      %mul3A_825 = arith.constant 11.3137083 : f32
      %mul3A_826 = vector.broadcast %mul3A_825 : f32 to vector<16xf32>
      %mul3A_827 = arith.mulf %get3A_824, %mul3A_826 : vector<16xf32>
      %add3A_828 = arith.addf %mul3A_827, %get3A_543 : vector<16xf32>
      %swap3A_829 = arith.index_cast %add3A_794 : i32 to index
      %swap3A_830 = arith.constant 32 : index
      %swap3A_831 = tpu.vector_load %arg8[%swap3A_829, %swap3A_830] {strides = array<i32>} : memref<256x128xf32, #tpu.memory_space<vmem>>, vector<1x16xf32>,
      %swap3A_832 = vector.shape_cast %swap3A_831 : vector<1x16xf32> to vector<16xf32>
      %swap3A_833 = vector.shape_cast %add3A_828 : vector<16xf32> to vector<1x16xf32>
      tpu.vector_store %arg8[%swap3A_829, %swap3A_830], %swap3A_833 {strides = array<i32>} : memref<256x128xf32, #tpu.memory_space<vmem>>, vector<1x16xf32>,
      %get3A_834 = arith.index_cast %add3A_792 : i32 to index
      %get3A_835 = arith.constant 48 : index
      %get3A_836 = tpu.vector_load %arg7[%get3A_834, %get3A_835] {strides = array<i32>} : memref<256x128xf32, #tpu.memory_space<vmem>>, vector<1x16xf32>,
      %get3A_837 = vector.shape_cast %get3A_836 : vector<1x16xf32> to vector<16xf32>
      %mul3A_838 = arith.constant 11.3137083 : f32
      %mul3A_839 = vector.broadcast %mul3A_838 : f32 to vector<16xf32>
      %mul3A_840 = arith.mulf %get3A_837, %mul3A_839 : vector<16xf32>
      %add3A_841 = arith.addf %mul3A_840, %get3A_547 : vector<16xf32>
      %swap3A_842 = arith.index_cast %add3A_794 : i32 to index
      %swap3A_843 = arith.constant 48 : index
      %swap3A_844 = tpu.vector_load %arg8[%swap3A_842, %swap3A_843] {strides = array<i32>} : memref<256x128xf32, #tpu.memory_space<vmem>>, vector<1x16xf32>,
      %swap3A_845 = vector.shape_cast %swap3A_844 : vector<1x16xf32> to vector<16xf32>
      %swap3A_846 = vector.shape_cast %add3A_841 : vector<16xf32> to vector<1x16xf32>
      tpu.vector_store %arg8[%swap3A_842, %swap3A_843], %swap3A_846 {strides = array<i32>} : memref<256x128xf32, #tpu.memory_space<vmem>>, vector<1x16xf32>,
      %get3A_847 = arith.index_cast %add3A_792 : i32 to index
      %get3A_848 = arith.constant 64 : index
      %get3A_849 = tpu.vector_load %arg7[%get3A_847, %get3A_848] {strides = array<i32>} : memref<256x128xf32, #tpu.memory_space<vmem>>, vector<1x16xf32>,
      %get3A_850 = vector.shape_cast %get3A_849 : vector<1x16xf32> to vector<16xf32>
      %mul3A_851 = arith.constant 11.3137083 : f32
      %mul3A_852 = vector.broadcast %mul3A_851 : f32 to vector<16xf32>
      %mul3A_853 = arith.mulf %get3A_850, %mul3A_852 : vector<16xf32>
      %add3A_854 = arith.addf %mul3A_853, %get3A_551 : vector<16xf32>
      %swap3A_855 = arith.index_cast %add3A_794 : i32 to index
      %swap3A_856 = arith.constant 64 : index
      %swap3A_857 = tpu.vector_load %arg8[%swap3A_855, %swap3A_856] {strides = array<i32>} : memref<256x128xf32, #tpu.memory_space<vmem>>, vector<1x16xf32>,
      %swap3A_858 = vector.shape_cast %swap3A_857 : vector<1x16xf32> to vector<16xf32>
      %swap3A_859 = vector.shape_cast %add3A_854 : vector<16xf32> to vector<1x16xf32>
      tpu.vector_store %arg8[%swap3A_855, %swap3A_856], %swap3A_859 {strides = array<i32>} : memref<256x128xf32, #tpu.memory_space<vmem>>, vector<1x16xf32>,
      %get3A_860 = arith.index_cast %add3A_792 : i32 to index
      %get3A_861 = arith.constant 80 : index
      %get3A_862 = tpu.vector_load %arg7[%get3A_860, %get3A_861] {strides = array<i32>} : memref<256x128xf32, #tpu.memory_space<vmem>>, vector<1x16xf32>,
      %get3A_863 = vector.shape_cast %get3A_862 : vector<1x16xf32> to vector<16xf32>
      %mul3A_864 = arith.constant 11.3137083 : f32
      %mul3A_865 = vector.broadcast %mul3A_864 : f32 to vector<16xf32>
      %mul3A_866 = arith.mulf %get3A_863, %mul3A_865 : vector<16xf32>
      %add3A_867 = arith.addf %mul3A_866, %get3A_555 : vector<16xf32>
      %swap3A_868 = arith.index_cast %add3A_794 : i32 to index
      %swap3A_869 = arith.constant 80 : index
      %swap3A_870 = tpu.vector_load %arg8[%swap3A_868, %swap3A_869] {strides = array<i32>} : memref<256x128xf32, #tpu.memory_space<vmem>>, vector<1x16xf32>,
      %swap3A_871 = vector.shape_cast %swap3A_870 : vector<1x16xf32> to vector<16xf32>
      %swap3A_872 = vector.shape_cast %add3A_867 : vector<16xf32> to vector<1x16xf32>
      tpu.vector_store %arg8[%swap3A_868, %swap3A_869], %swap3A_872 {strides = array<i32>} : memref<256x128xf32, #tpu.memory_space<vmem>>, vector<1x16xf32>,
      %get3A_873 = arith.index_cast %add3A_792 : i32 to index
      %get3A_874 = arith.constant 96 : index
      %get3A_875 = tpu.vector_load %arg7[%get3A_873, %get3A_874] {strides = array<i32>} : memref<256x128xf32, #tpu.memory_space<vmem>>, vector<1x16xf32>,
      %get3A_876 = vector.shape_cast %get3A_875 : vector<1x16xf32> to vector<16xf32>
      %mul3A_877 = arith.constant 11.3137083 : f32
      %mul3A_878 = vector.broadcast %mul3A_877 : f32 to vector<16xf32>
      %mul3A_879 = arith.mulf %get3A_876, %mul3A_878 : vector<16xf32>
      %add3A_880 = arith.addf %mul3A_879, %get3A_559 : vector<16xf32>
      %swap3A_881 = arith.index_cast %add3A_794 : i32 to index
      %swap3A_882 = arith.constant 96 : index
      %swap3A_883 = tpu.vector_load %arg8[%swap3A_881, %swap3A_882] {strides = array<i32>} : memref<256x128xf32, #tpu.memory_space<vmem>>, vector<1x16xf32>,
      %swap3A_884 = vector.shape_cast %swap3A_883 : vector<1x16xf32> to vector<16xf32>
      %swap3A_885 = vector.shape_cast %add3A_880 : vector<16xf32> to vector<1x16xf32>
      tpu.vector_store %arg8[%swap3A_881, %swap3A_882], %swap3A_885 {strides = array<i32>} : memref<256x128xf32, #tpu.memory_space<vmem>>, vector<1x16xf32>,
      %get3A_886 = arith.index_cast %add3A_792 : i32 to index
      %get3A_887 = arith.constant 112 : index
      %get3A_888 = tpu.vector_load %arg7[%get3A_886, %get3A_887] {strides = array<i32>} : memref<256x128xf32, #tpu.memory_space<vmem>>, vector<1x16xf32>,
      %get3A_889 = vector.shape_cast %get3A_888 : vector<1x16xf32> to vector<16xf32>
      %mul3A_890 = arith.constant 11.3137083 : f32
      %mul3A_891 = vector.broadcast %mul3A_890 : f32 to vector<16xf32>
      %mul3A_892 = arith.mulf %get3A_889, %mul3A_891 : vector<16xf32>
      %add3A_893 = arith.addf %mul3A_892, %get3A_563 : vector<16xf32>
      %swap3A_894 = arith.index_cast %add3A_794 : i32 to index
      %swap3A_895 = arith.constant 112 : index
      %swap3A_896 = tpu.vector_load %arg8[%swap3A_894, %swap3A_895] {strides = array<i32>} : memref<256x128xf32, #tpu.memory_space<vmem>>, vector<1x16xf32>,
      %swap3A_897 = vector.shape_cast %swap3A_896 : vector<1x16xf32> to vector<16xf32>
      %swap3A_898 = vector.shape_cast %add3A_893 : vector<16xf32> to vector<1x16xf32>
      tpu.vector_store %arg8[%swap3A_894, %swap3A_895], %swap3A_898 {strides = array<i32>} : memref<256x128xf32, #tpu.memory_space<vmem>>, vector<1x16xf32>,
      %add3A_899 = arith.constant 32 : i32
      %add3A_900 = arith.addi %add3A_899, %scan3A_530 : i32
      %mul3A_901 = arith.constant 4 : i32
      %mul3A_902 = arith.muli %add3A_900, %mul3A_901 : i32
      %add3A_903 = arith.constant 3 : i32
      %add3A_904 = arith.addi %mul3A_902, %add3A_903 : i32
      %add3A_905 = arith.constant 192 : i32
      %add3A_906 = arith.addi %add3A_905, %add3A_532 : i32
      %get3A_907 = arith.index_cast %add3A_904 : i32 to index
      %get3A_908 = arith.constant 0 : index
      %get3A_909 = tpu.vector_load %arg7[%get3A_907, %get3A_908] {strides = array<i32>} : memref<256x128xf32, #tpu.memory_space<vmem>>, vector<1x16xf32>,
      %get3A_910 = vector.shape_cast %get3A_909 : vector<1x16xf32> to vector<16xf32>
      %mul3A_911 = arith.constant 11.3137083 : f32
      %mul3A_912 = vector.broadcast %mul3A_911 : f32 to vector<16xf32>
      %mul3A_913 = arith.mulf %get3A_910, %mul3A_912 : vector<16xf32>
      %add3A_914 = arith.addf %mul3A_913, %get3A_535 : vector<16xf32>
      %swap3A_915 = arith.index_cast %add3A_906 : i32 to index
      %swap3A_916 = arith.constant 0 : index
      %swap3A_917 = tpu.vector_load %arg8[%swap3A_915, %swap3A_916] {strides = array<i32>} : memref<256x128xf32, #tpu.memory_space<vmem>>, vector<1x16xf32>,
      %swap3A_918 = vector.shape_cast %swap3A_917 : vector<1x16xf32> to vector<16xf32>
      %swap3A_919 = vector.shape_cast %add3A_914 : vector<16xf32> to vector<1x16xf32>
      tpu.vector_store %arg8[%swap3A_915, %swap3A_916], %swap3A_919 {strides = array<i32>} : memref<256x128xf32, #tpu.memory_space<vmem>>, vector<1x16xf32>,
      %get3A_920 = arith.index_cast %add3A_904 : i32 to index
      %get3A_921 = arith.constant 16 : index
      %get3A_922 = tpu.vector_load %arg7[%get3A_920, %get3A_921] {strides = array<i32>} : memref<256x128xf32, #tpu.memory_space<vmem>>, vector<1x16xf32>,
      %get3A_923 = vector.shape_cast %get3A_922 : vector<1x16xf32> to vector<16xf32>
      %mul3A_924 = arith.constant 11.3137083 : f32
      %mul3A_925 = vector.broadcast %mul3A_924 : f32 to vector<16xf32>
      %mul3A_926 = arith.mulf %get3A_923, %mul3A_925 : vector<16xf32>
      %add3A_927 = arith.addf %mul3A_926, %get3A_539 : vector<16xf32>
      %swap3A_928 = arith.index_cast %add3A_906 : i32 to index
      %swap3A_929 = arith.constant 16 : index
      %swap3A_930 = tpu.vector_load %arg8[%swap3A_928, %swap3A_929] {strides = array<i32>} : memref<256x128xf32, #tpu.memory_space<vmem>>, vector<1x16xf32>,
      %swap3A_931 = vector.shape_cast %swap3A_930 : vector<1x16xf32> to vector<16xf32>
      %swap3A_932 = vector.shape_cast %add3A_927 : vector<16xf32> to vector<1x16xf32>
      tpu.vector_store %arg8[%swap3A_928, %swap3A_929], %swap3A_932 {strides = array<i32>} : memref<256x128xf32, #tpu.memory_space<vmem>>, vector<1x16xf32>,
      %get3A_933 = arith.index_cast %add3A_904 : i32 to index
      %get3A_934 = arith.constant 32 : index
      %get3A_935 = tpu.vector_load %arg7[%get3A_933, %get3A_934] {strides = array<i32>} : memref<256x128xf32, #tpu.memory_space<vmem>>, vector<1x16xf32>,
      %get3A_936 = vector.shape_cast %get3A_935 : vector<1x16xf32> to vector<16xf32>
      %mul3A_937 = arith.constant 11.3137083 : f32
      %mul3A_938 = vector.broadcast %mul3A_937 : f32 to vector<16xf32>
      %mul3A_939 = arith.mulf %get3A_936, %mul3A_938 : vector<16xf32>
      %add3A_940 = arith.addf %mul3A_939, %get3A_543 : vector<16xf32>
      %swap3A_941 = arith.index_cast %add3A_906 : i32 to index
      %swap3A_942 = arith.constant 32 : index
      %swap3A_943 = tpu.vector_load %arg8[%swap3A_941, %swap3A_942] {strides = array<i32>} : memref<256x128xf32, #tpu.memory_space<vmem>>, vector<1x16xf32>,
      %swap3A_944 = vector.shape_cast %swap3A_943 : vector<1x16xf32> to vector<16xf32>
      %swap3A_945 = vector.shape_cast %add3A_940 : vector<16xf32> to vector<1x16xf32>
      tpu.vector_store %arg8[%swap3A_941, %swap3A_942], %swap3A_945 {strides = array<i32>} : memref<256x128xf32, #tpu.memory_space<vmem>>, vector<1x16xf32>,
      %get3A_946 = arith.index_cast %add3A_904 : i32 to index
      %get3A_947 = arith.constant 48 : index
      %get3A_948 = tpu.vector_load %arg7[%get3A_946, %get3A_947] {strides = array<i32>} : memref<256x128xf32, #tpu.memory_space<vmem>>, vector<1x16xf32>,
      %get3A_949 = vector.shape_cast %get3A_948 : vector<1x16xf32> to vector<16xf32>
      %mul3A_950 = arith.constant 11.3137083 : f32
      %mul3A_951 = vector.broadcast %mul3A_950 : f32 to vector<16xf32>
      %mul3A_952 = arith.mulf %get3A_949, %mul3A_951 : vector<16xf32>
      %add3A_953 = arith.addf %mul3A_952, %get3A_547 : vector<16xf32>
      %swap3A_954 = arith.index_cast %add3A_906 : i32 to index
      %swap3A_955 = arith.constant 48 : index
      %swap3A_956 = tpu.vector_load %arg8[%swap3A_954, %swap3A_955] {strides = array<i32>} : memref<256x128xf32, #tpu.memory_space<vmem>>, vector<1x16xf32>,
      %swap3A_957 = vector.shape_cast %swap3A_956 : vector<1x16xf32> to vector<16xf32>
      %swap3A_958 = vector.shape_cast %add3A_953 : vector<16xf32> to vector<1x16xf32>
      tpu.vector_store %arg8[%swap3A_954, %swap3A_955], %swap3A_958 {strides = array<i32>} : memref<256x128xf32, #tpu.memory_space<vmem>>, vector<1x16xf32>,
      %get3A_959 = arith.index_cast %add3A_904 : i32 to index
      %get3A_960 = arith.constant 64 : index
      %get3A_961 = tpu.vector_load %arg7[%get3A_959, %get3A_960] {strides = array<i32>} : memref<256x128xf32, #tpu.memory_space<vmem>>, vector<1x16xf32>,
      %get3A_962 = vector.shape_cast %get3A_961 : vector<1x16xf32> to vector<16xf32>
      %mul3A_963 = arith.constant 11.3137083 : f32
      %mul3A_964 = vector.broadcast %mul3A_963 : f32 to vector<16xf32>
      %mul3A_965 = arith.mulf %get3A_962, %mul3A_964 : vector<16xf32>
      %add3A_966 = arith.addf %mul3A_965, %get3A_551 : vector<16xf32>
      %swap3A_967 = arith.index_cast %add3A_906 : i32 to index
      %swap3A_968 = arith.constant 64 : index
      %swap3A_969 = tpu.vector_load %arg8[%swap3A_967, %swap3A_968] {strides = array<i32>} : memref<256x128xf32, #tpu.memory_space<vmem>>, vector<1x16xf32>,
      %swap3A_970 = vector.shape_cast %swap3A_969 : vector<1x16xf32> to vector<16xf32>
      %swap3A_971 = vector.shape_cast %add3A_966 : vector<16xf32> to vector<1x16xf32>
      tpu.vector_store %arg8[%swap3A_967, %swap3A_968], %swap3A_971 {strides = array<i32>} : memref<256x128xf32, #tpu.memory_space<vmem>>, vector<1x16xf32>,
      %get3A_972 = arith.index_cast %add3A_904 : i32 to index
      %get3A_973 = arith.constant 80 : index
      %get3A_974 = tpu.vector_load %arg7[%get3A_972, %get3A_973] {strides = array<i32>} : memref<256x128xf32, #tpu.memory_space<vmem>>, vector<1x16xf32>,
      %get3A_975 = vector.shape_cast %get3A_974 : vector<1x16xf32> to vector<16xf32>
      %mul3A_976 = arith.constant 11.3137083 : f32
      %mul3A_977 = vector.broadcast %mul3A_976 : f32 to vector<16xf32>
      %mul3A_978 = arith.mulf %get3A_975, %mul3A_977 : vector<16xf32>
      %add3A_979 = arith.addf %mul3A_978, %get3A_555 : vector<16xf32>
      %swap3A_980 = arith.index_cast %add3A_906 : i32 to index
      %swap3A_981 = arith.constant 80 : index
      %swap3A_982 = tpu.vector_load %arg8[%swap3A_980, %swap3A_981] {strides = array<i32>} : memref<256x128xf32, #tpu.memory_space<vmem>>, vector<1x16xf32>,
      %swap3A_983 = vector.shape_cast %swap3A_982 : vector<1x16xf32> to vector<16xf32>
      %swap3A_984 = vector.shape_cast %add3A_979 : vector<16xf32> to vector<1x16xf32>
      tpu.vector_store %arg8[%swap3A_980, %swap3A_981], %swap3A_984 {strides = array<i32>} : memref<256x128xf32, #tpu.memory_space<vmem>>, vector<1x16xf32>,
      %get3A_985 = arith.index_cast %add3A_904 : i32 to index
      %get3A_986 = arith.constant 96 : index
      %get3A_987 = tpu.vector_load %arg7[%get3A_985, %get3A_986] {strides = array<i32>} : memref<256x128xf32, #tpu.memory_space<vmem>>, vector<1x16xf32>,
      %get3A_988 = vector.shape_cast %get3A_987 : vector<1x16xf32> to vector<16xf32>
      %mul3A_989 = arith.constant 11.3137083 : f32
      %mul3A_990 = vector.broadcast %mul3A_989 : f32 to vector<16xf32>
      %mul3A_991 = arith.mulf %get3A_988, %mul3A_990 : vector<16xf32>
      %add3A_992 = arith.addf %mul3A_991, %get3A_559 : vector<16xf32>
      %swap3A_993 = arith.index_cast %add3A_906 : i32 to index
      %swap3A_994 = arith.constant 96 : index
      %swap3A_995 = tpu.vector_load %arg8[%swap3A_993, %swap3A_994] {strides = array<i32>} : memref<256x128xf32, #tpu.memory_space<vmem>>, vector<1x16xf32>,
      %swap3A_996 = vector.shape_cast %swap3A_995 : vector<1x16xf32> to vector<16xf32>
      %swap3A_997 = vector.shape_cast %add3A_992 : vector<16xf32> to vector<1x16xf32>
      tpu.vector_store %arg8[%swap3A_993, %swap3A_994], %swap3A_997 {strides = array<i32>} : memref<256x128xf32, #tpu.memory_space<vmem>>, vector<1x16xf32>,
      %get3A_998 = arith.index_cast %add3A_904 : i32 to index
      %get3A_999 = arith.constant 112 : index
      %get3A_1000 = tpu.vector_load %arg7[%get3A_998, %get3A_999] {strides = array<i32>} : memref<256x128xf32, #tpu.memory_space<vmem>>, vector<1x16xf32>,
      %get3A_1001 = vector.shape_cast %get3A_1000 : vector<1x16xf32> to vector<16xf32>
      %mul3A_1002 = arith.constant 11.3137083 : f32
      %mul3A_1003 = vector.broadcast %mul3A_1002 : f32 to vector<16xf32>
      %mul3A_1004 = arith.mulf %get3A_1001, %mul3A_1003 : vector<16xf32>
      %add3A_1005 = arith.addf %mul3A_1004, %get3A_563 : vector<16xf32>
      %swap3A_1006 = arith.index_cast %add3A_906 : i32 to index
      %swap3A_1007 = arith.constant 112 : index
      %swap3A_1008 = tpu.vector_load %arg8[%swap3A_1006, %swap3A_1007] {strides = array<i32>} : memref<256x128xf32, #tpu.memory_space<vmem>>, vector<1x16xf32>,
      %swap3A_1009 = vector.shape_cast %swap3A_1008 : vector<1x16xf32> to vector<16xf32>
      %swap3A_1010 = vector.shape_cast %add3A_1005 : vector<16xf32> to vector<1x16xf32>
      tpu.vector_store %arg8[%swap3A_1006, %swap3A_1007], %swap3A_1010 {strides = array<i32>} : memref<256x128xf32, #tpu.memory_space<vmem>>, vector<1x16xf32>,
    }
    %scan3A_225 = arith.constant 16 : i32
    %mul3A_226 = arith.constant 64 : i32
    %mul3A_227 = arith.muli %add3A, %mul3A_226 : i32
    %add3A_228 = arith.constant 0 : i32
    %add3A_229 = arith.addi %add3A_228, %mul3A_227 : i32
    %add3A_230 = arith.constant 32 : i32
    %add3A_231 = arith.addi %add3A_229, %add3A_230 : i32
    %dma_start3A_232 = arith.constant 32 : i32
    %dma_start3A_233 = arith.constant 0 : i32
    %dma_start3A_234 = tpu.memref_slice %arg8[%dma_start3A_232, %dma_start3A_233] : memref<256x128xf32, #tpu.memory_space<vmem>> -> memref<16x128xf32, #tpu.memory_space<vmem>>
    %dma_start3A_235 = arith.constant 0 : i32
    %dma_start3A_236 = tpu.memref_slice %arg5[%add3A_231, %dma_start3A_235] : memref<8192x128xf32, #tpu.memory_space<hbm>> -> memref<16x128xf32, #tpu.memory_space<hbm>>
    %dma_start3A_237 = arith.constant 0 : i32
    %dma_start3A_238 = tpu.memref_slice %arg5[%add3A_231, %dma_start3A_237] : memref<8192x128xf32, #tpu.memory_space<hbm>> -> memref<16x128xf32, #tpu.memory_space<hbm>>
    %dma_start3A_239 = arith.constant 32 : i32
    %dma_start3A_240 = arith.constant 0 : i32
    %dma_start3A_241 = tpu.memref_slice %arg8[%dma_start3A_239, %dma_start3A_240] : memref<256x128xf32, #tpu.memory_space<vmem>> -> memref<16x128xf32, #tpu.memory_space<vmem>>
    tpu.enqueue_dma source(%dma_start3A_241 : memref<16x128xf32, #tpu.memory_space<vmem>>) target(%dma_start3A_238 : memref<16x128xf32, #tpu.memory_space<hbm>>) target_semaphore(%arg11 : memref<!tpu.dma_semaphore, #tpu.memory_space<semaphore_mem>>)
    %mul3A_242 = arith.constant 64 : i32
    %mul3A_243 = arith.muli %add3A, %mul3A_242 : i32
    %add3A_244 = arith.constant 2048 : i32
    %add3A_245 = arith.addi %add3A_244, %mul3A_243 : i32
    %add3A_246 = arith.constant 32 : i32
    %add3A_247 = arith.addi %add3A_245, %add3A_246 : i32
    %dma_start3A_248 = arith.constant 96 : i32
    %dma_start3A_249 = arith.constant 0 : i32
    %dma_start3A_250 = tpu.memref_slice %arg8[%dma_start3A_248, %dma_start3A_249] : memref<256x128xf32, #tpu.memory_space<vmem>> -> memref<16x128xf32, #tpu.memory_space<vmem>>
    %dma_start3A_251 = arith.constant 0 : i32
    %dma_start3A_252 = tpu.memref_slice %arg5[%add3A_247, %dma_start3A_251] : memref<8192x128xf32, #tpu.memory_space<hbm>> -> memref<16x128xf32, #tpu.memory_space<hbm>>
    %dma_start3A_253 = arith.constant 0 : i32
    %dma_start3A_254 = tpu.memref_slice %arg5[%add3A_247, %dma_start3A_253] : memref<8192x128xf32, #tpu.memory_space<hbm>> -> memref<16x128xf32, #tpu.memory_space<hbm>>
    %dma_start3A_255 = arith.constant 96 : i32
    %dma_start3A_256 = arith.constant 0 : i32
    %dma_start3A_257 = tpu.memref_slice %arg8[%dma_start3A_255, %dma_start3A_256] : memref<256x128xf32, #tpu.memory_space<vmem>> -> memref<16x128xf32, #tpu.memory_space<vmem>>
    tpu.enqueue_dma source(%dma_start3A_257 : memref<16x128xf32, #tpu.memory_space<vmem>>) target(%dma_start3A_254 : memref<16x128xf32, #tpu.memory_space<hbm>>) target_semaphore(%arg11 : memref<!tpu.dma_semaphore, #tpu.memory_space<semaphore_mem>>)
    %mul3A_258 = arith.constant 64 : i32
    %mul3A_259 = arith.muli %add3A, %mul3A_258 : i32
    %add3A_260 = arith.constant 4096 : i32
    %add3A_261 = arith.addi %add3A_260, %mul3A_259 : i32
    %add3A_262 = arith.constant 32 : i32
    %add3A_263 = arith.addi %add3A_261, %add3A_262 : i32
    %dma_start3A_264 = arith.constant 160 : i32
    %dma_start3A_265 = arith.constant 0 : i32
    %dma_start3A_266 = tpu.memref_slice %arg8[%dma_start3A_264, %dma_start3A_265] : memref<256x128xf32, #tpu.memory_space<vmem>> -> memref<16x128xf32, #tpu.memory_space<vmem>>
    %dma_start3A_267 = arith.constant 0 : i32
    %dma_start3A_268 = tpu.memref_slice %arg5[%add3A_263, %dma_start3A_267] : memref<8192x128xf32, #tpu.memory_space<hbm>> -> memref<16x128xf32, #tpu.memory_space<hbm>>
    %dma_start3A_269 = arith.constant 0 : i32
    %dma_start3A_270 = tpu.memref_slice %arg5[%add3A_263, %dma_start3A_269] : memref<8192x128xf32, #tpu.memory_space<hbm>> -> memref<16x128xf32, #tpu.memory_space<hbm>>
    %dma_start3A_271 = arith.constant 160 : i32
    %dma_start3A_272 = arith.constant 0 : i32
    %dma_start3A_273 = tpu.memref_slice %arg8[%dma_start3A_271, %dma_start3A_272] : memref<256x128xf32, #tpu.memory_space<vmem>> -> memref<16x128xf32, #tpu.memory_space<vmem>>
    tpu.enqueue_dma source(%dma_start3A_273 : memref<16x128xf32, #tpu.memory_space<vmem>>) target(%dma_start3A_270 : memref<16x128xf32, #tpu.memory_space<hbm>>) target_semaphore(%arg11 : memref<!tpu.dma_semaphore, #tpu.memory_space<semaphore_mem>>)
    %mul3A_274 = arith.constant 64 : i32
    %mul3A_275 = arith.muli %add3A, %mul3A_274 : i32
    %add3A_276 = arith.constant 6144 : i32
    %add3A_277 = arith.addi %add3A_276, %mul3A_275 : i32
    %add3A_278 = arith.constant 32 : i32
    %add3A_279 = arith.addi %add3A_277, %add3A_278 : i32
    %dma_start3A_280 = arith.constant 224 : i32
    %dma_start3A_281 = arith.constant 0 : i32
    %dma_start3A_282 = tpu.memref_slice %arg8[%dma_start3A_280, %dma_start3A_281] : memref<256x128xf32, #tpu.memory_space<vmem>> -> memref<16x128xf32, #tpu.memory_space<vmem>>
    %dma_start3A_283 = arith.constant 0 : i32
    %dma_start3A_284 = tpu.memref_slice %arg5[%add3A_279, %dma_start3A_283] : memref<8192x128xf32, #tpu.memory_space<hbm>> -> memref<16x128xf32, #tpu.memory_space<hbm>>
    %dma_start3A_285 = arith.constant 0 : i32
    %dma_start3A_286 = tpu.memref_slice %arg5[%add3A_279, %dma_start3A_285] : memref<8192x128xf32, #tpu.memory_space<hbm>> -> memref<16x128xf32, #tpu.memory_space<hbm>>
    %dma_start3A_287 = arith.constant 224 : i32
    %dma_start3A_288 = arith.constant 0 : i32
    %dma_start3A_289 = tpu.memref_slice %arg8[%dma_start3A_287, %dma_start3A_288] : memref<256x128xf32, #tpu.memory_space<vmem>> -> memref<16x128xf32, #tpu.memory_space<vmem>>
    tpu.enqueue_dma source(%dma_start3A_289 : memref<16x128xf32, #tpu.memory_space<vmem>>) target(%dma_start3A_286 : memref<16x128xf32, #tpu.memory_space<hbm>>) target_semaphore(%arg11 : memref<!tpu.dma_semaphore, #tpu.memory_space<semaphore_mem>>)
    %dma_wait3A_290 = arith.constant 3 : i32
    %dma_wait3A_291 = arith.constant 192 : i32
    %dma_wait3A_292 = arith.constant 0 : i32
    %dma_wait3A_293 = tpu.memref_slice %arg7[%dma_wait3A_291, %dma_wait3A_292] : memref<256x128xf32, #tpu.memory_space<vmem>> -> memref<64x128xf32, #tpu.memory_space<vmem>>
    %dma_wait3A_294 = arith.constant 0 : i32
    %dma_wait3A_295 = tpu.memref_slice %arg6[%dma_wait3A_290, %dma_wait3A_294] : memref<4x64xi32, #tpu.memory_space<vmem>> -> memref<1x64xi32, #tpu.memory_space<vmem>>
    %dma_wait3A_296 = tpu.memref_squeeze %dma_wait3A_295 : memref<1x64xi32, #tpu.memory_space<vmem>> -> memref<64xi32, #tpu.memory_space<vmem>>
    %dma_wait3A_297 = arith.constant 0 : i32
    %dma_wait3A_298 = arith.constant 0 : i32
    %dma_wait3A_299 = tpu.memref_slice %arg3[%dma_wait3A_297, %dma_wait3A_298] : memref<1000000x128xf32, #tpu.memory_space<hbm>> -> memref<1000000x128xf32, #tpu.memory_space<hbm>>
    tpu.wait_indirect_dma semaphore(%arg10 : memref<!tpu.dma_semaphore, #tpu.memory_space<semaphore_mem>>) src(%dma_wait3A_299 : memref<1000000x128xf32, #tpu.memory_space<hbm>>) dst(%dma_wait3A_293 : memref<64x128xf32, #tpu.memory_space<vmem>>)
    %scan3A_300 = arith.constant 0 : i32
    %scan3A_301 = arith.constant 0 : i32
    %scan3A_302 = arith.constant 16 : i32
    %scan3A_303 = arith.addi %scan3A_301, %scan3A_302 : i32
    %scan3A_304 = arith.constant 1 : i32
    scf.for %scan3A_530 = %scan3A_301 to %scan3A_303 step %scan3A_304  : i32 {
      %add3A_531 = arith.constant 48 : i32
      %add3A_532 = arith.addi %add3A_531, %scan3A_530 : i32
      %get3A = arith.index_cast %add3A_532 : i32 to index
      %get3A_533 = arith.constant 0 : index
      %get3A_534 = tpu.vector_load %arg9[%get3A, %get3A_533] {strides = array<i32>} : memref<64x128xf32, #tpu.memory_space<vmem>>, vector<1x16xf32>,
      %get3A_535 = vector.shape_cast %get3A_534 : vector<1x16xf32> to vector<16xf32>
      %get3A_536 = arith.index_cast %add3A_532 : i32 to index
      %get3A_537 = arith.constant 16 : index
      %get3A_538 = tpu.vector_load %arg9[%get3A_536, %get3A_537] {strides = array<i32>} : memref<64x128xf32, #tpu.memory_space<vmem>>, vector<1x16xf32>,
      %get3A_539 = vector.shape_cast %get3A_538 : vector<1x16xf32> to vector<16xf32>
      %get3A_540 = arith.index_cast %add3A_532 : i32 to index
      %get3A_541 = arith.constant 32 : index
      %get3A_542 = tpu.vector_load %arg9[%get3A_540, %get3A_541] {strides = array<i32>} : memref<64x128xf32, #tpu.memory_space<vmem>>, vector<1x16xf32>,
      %get3A_543 = vector.shape_cast %get3A_542 : vector<1x16xf32> to vector<16xf32>
      %get3A_544 = arith.index_cast %add3A_532 : i32 to index
      %get3A_545 = arith.constant 48 : index
      %get3A_546 = tpu.vector_load %arg9[%get3A_544, %get3A_545] {strides = array<i32>} : memref<64x128xf32, #tpu.memory_space<vmem>>, vector<1x16xf32>,
      %get3A_547 = vector.shape_cast %get3A_546 : vector<1x16xf32> to vector<16xf32>
      %get3A_548 = arith.index_cast %add3A_532 : i32 to index
      %get3A_549 = arith.constant 64 : index
      %get3A_550 = tpu.vector_load %arg9[%get3A_548, %get3A_549] {strides = array<i32>} : memref<64x128xf32, #tpu.memory_space<vmem>>, vector<1x16xf32>,
      %get3A_551 = vector.shape_cast %get3A_550 : vector<1x16xf32> to vector<16xf32>
      %get3A_552 = arith.index_cast %add3A_532 : i32 to index
      %get3A_553 = arith.constant 80 : index
      %get3A_554 = tpu.vector_load %arg9[%get3A_552, %get3A_553] {strides = array<i32>} : memref<64x128xf32, #tpu.memory_space<vmem>>, vector<1x16xf32>,
      %get3A_555 = vector.shape_cast %get3A_554 : vector<1x16xf32> to vector<16xf32>
      %get3A_556 = arith.index_cast %add3A_532 : i32 to index
      %get3A_557 = arith.constant 96 : index
      %get3A_558 = tpu.vector_load %arg9[%get3A_556, %get3A_557] {strides = array<i32>} : memref<64x128xf32, #tpu.memory_space<vmem>>, vector<1x16xf32>,
      %get3A_559 = vector.shape_cast %get3A_558 : vector<1x16xf32> to vector<16xf32>
      %get3A_560 = arith.index_cast %add3A_532 : i32 to index
      %get3A_561 = arith.constant 112 : index
      %get3A_562 = tpu.vector_load %arg9[%get3A_560, %get3A_561] {strides = array<i32>} : memref<64x128xf32, #tpu.memory_space<vmem>>, vector<1x16xf32>,
      %get3A_563 = vector.shape_cast %get3A_562 : vector<1x16xf32> to vector<16xf32>
      %add3A_564 = arith.constant 48 : i32
      %add3A_565 = arith.addi %add3A_564, %scan3A_530 : i32
      %mul3A_566 = arith.constant 4 : i32
      %mul3A_567 = arith.muli %add3A_565, %mul3A_566 : i32
      %add3A_568 = arith.constant 0 : i32
      %add3A_569 = arith.addi %mul3A_567, %add3A_568 : i32
      %add3A_570 = arith.constant 0 : i32
      %add3A_571 = arith.addi %add3A_570, %add3A_532 : i32
      %get3A_572 = arith.index_cast %add3A_569 : i32 to index
      %get3A_573 = arith.constant 0 : index
      %get3A_574 = tpu.vector_load %arg7[%get3A_572, %get3A_573] {strides = array<i32>} : memref<256x128xf32, #tpu.memory_space<vmem>>, vector<1x16xf32>,
      %get3A_575 = vector.shape_cast %get3A_574 : vector<1x16xf32> to vector<16xf32>
      %mul3A_576 = arith.constant 11.3137083 : f32
      %mul3A_577 = vector.broadcast %mul3A_576 : f32 to vector<16xf32>
      %mul3A_578 = arith.mulf %get3A_575, %mul3A_577 : vector<16xf32>
      %add3A_579 = arith.addf %mul3A_578, %get3A_535 : vector<16xf32>
      %swap3A = arith.index_cast %add3A_571 : i32 to index
      %swap3A_580 = arith.constant 0 : index
      %swap3A_581 = tpu.vector_load %arg8[%swap3A, %swap3A_580] {strides = array<i32>} : memref<256x128xf32, #tpu.memory_space<vmem>>, vector<1x16xf32>,
      %swap3A_582 = vector.shape_cast %swap3A_581 : vector<1x16xf32> to vector<16xf32>
      %swap3A_583 = vector.shape_cast %add3A_579 : vector<16xf32> to vector<1x16xf32>
      tpu.vector_store %arg8[%swap3A, %swap3A_580], %swap3A_583 {strides = array<i32>} : memref<256x128xf32, #tpu.memory_space<vmem>>, vector<1x16xf32>,
      %get3A_584 = arith.index_cast %add3A_569 : i32 to index
      %get3A_585 = arith.constant 16 : index
      %get3A_586 = tpu.vector_load %arg7[%get3A_584, %get3A_585] {strides = array<i32>} : memref<256x128xf32, #tpu.memory_space<vmem>>, vector<1x16xf32>,
      %get3A_587 = vector.shape_cast %get3A_586 : vector<1x16xf32> to vector<16xf32>
      %mul3A_588 = arith.constant 11.3137083 : f32
      %mul3A_589 = vector.broadcast %mul3A_588 : f32 to vector<16xf32>
      %mul3A_590 = arith.mulf %get3A_587, %mul3A_589 : vector<16xf32>
      %add3A_591 = arith.addf %mul3A_590, %get3A_539 : vector<16xf32>
      %swap3A_592 = arith.index_cast %add3A_571 : i32 to index
      %swap3A_593 = arith.constant 16 : index
      %swap3A_594 = tpu.vector_load %arg8[%swap3A_592, %swap3A_593] {strides = array<i32>} : memref<256x128xf32, #tpu.memory_space<vmem>>, vector<1x16xf32>,
      %swap3A_595 = vector.shape_cast %swap3A_594 : vector<1x16xf32> to vector<16xf32>
      %swap3A_596 = vector.shape_cast %add3A_591 : vector<16xf32> to vector<1x16xf32>
      tpu.vector_store %arg8[%swap3A_592, %swap3A_593], %swap3A_596 {strides = array<i32>} : memref<256x128xf32, #tpu.memory_space<vmem>>, vector<1x16xf32>,
      %get3A_597 = arith.index_cast %add3A_569 : i32 to index
      %get3A_598 = arith.constant 32 : index
      %get3A_599 = tpu.vector_load %arg7[%get3A_597, %get3A_598] {strides = array<i32>} : memref<256x128xf32, #tpu.memory_space<vmem>>, vector<1x16xf32>,
      %get3A_600 = vector.shape_cast %get3A_599 : vector<1x16xf32> to vector<16xf32>
      %mul3A_601 = arith.constant 11.3137083 : f32
      %mul3A_602 = vector.broadcast %mul3A_601 : f32 to vector<16xf32>
      %mul3A_603 = arith.mulf %get3A_600, %mul3A_602 : vector<16xf32>
      %add3A_604 = arith.addf %mul3A_603, %get3A_543 : vector<16xf32>
      %swap3A_605 = arith.index_cast %add3A_571 : i32 to index
      %swap3A_606 = arith.constant 32 : index
      %swap3A_607 = tpu.vector_load %arg8[%swap3A_605, %swap3A_606] {strides = array<i32>} : memref<256x128xf32, #tpu.memory_space<vmem>>, vector<1x16xf32>,
      %swap3A_608 = vector.shape_cast %swap3A_607 : vector<1x16xf32> to vector<16xf32>
      %swap3A_609 = vector.shape_cast %add3A_604 : vector<16xf32> to vector<1x16xf32>
      tpu.vector_store %arg8[%swap3A_605, %swap3A_606], %swap3A_609 {strides = array<i32>} : memref<256x128xf32, #tpu.memory_space<vmem>>, vector<1x16xf32>,
      %get3A_610 = arith.index_cast %add3A_569 : i32 to index
      %get3A_611 = arith.constant 48 : index
      %get3A_612 = tpu.vector_load %arg7[%get3A_610, %get3A_611] {strides = array<i32>} : memref<256x128xf32, #tpu.memory_space<vmem>>, vector<1x16xf32>,
      %get3A_613 = vector.shape_cast %get3A_612 : vector<1x16xf32> to vector<16xf32>
      %mul3A_614 = arith.constant 11.3137083 : f32
      %mul3A_615 = vector.broadcast %mul3A_614 : f32 to vector<16xf32>
      %mul3A_616 = arith.mulf %get3A_613, %mul3A_615 : vector<16xf32>
      %add3A_617 = arith.addf %mul3A_616, %get3A_547 : vector<16xf32>
      %swap3A_618 = arith.index_cast %add3A_571 : i32 to index
      %swap3A_619 = arith.constant 48 : index
      %swap3A_620 = tpu.vector_load %arg8[%swap3A_618, %swap3A_619] {strides = array<i32>} : memref<256x128xf32, #tpu.memory_space<vmem>>, vector<1x16xf32>,
      %swap3A_621 = vector.shape_cast %swap3A_620 : vector<1x16xf32> to vector<16xf32>
      %swap3A_622 = vector.shape_cast %add3A_617 : vector<16xf32> to vector<1x16xf32>
      tpu.vector_store %arg8[%swap3A_618, %swap3A_619], %swap3A_622 {strides = array<i32>} : memref<256x128xf32, #tpu.memory_space<vmem>>, vector<1x16xf32>,
      %get3A_623 = arith.index_cast %add3A_569 : i32 to index
      %get3A_624 = arith.constant 64 : index
      %get3A_625 = tpu.vector_load %arg7[%get3A_623, %get3A_624] {strides = array<i32>} : memref<256x128xf32, #tpu.memory_space<vmem>>, vector<1x16xf32>,
      %get3A_626 = vector.shape_cast %get3A_625 : vector<1x16xf32> to vector<16xf32>
      %mul3A_627 = arith.constant 11.3137083 : f32
      %mul3A_628 = vector.broadcast %mul3A_627 : f32 to vector<16xf32>
      %mul3A_629 = arith.mulf %get3A_626, %mul3A_628 : vector<16xf32>
      %add3A_630 = arith.addf %mul3A_629, %get3A_551 : vector<16xf32>
      %swap3A_631 = arith.index_cast %add3A_571 : i32 to index
      %swap3A_632 = arith.constant 64 : index
      %swap3A_633 = tpu.vector_load %arg8[%swap3A_631, %swap3A_632] {strides = array<i32>} : memref<256x128xf32, #tpu.memory_space<vmem>>, vector<1x16xf32>,
      %swap3A_634 = vector.shape_cast %swap3A_633 : vector<1x16xf32> to vector<16xf32>
      %swap3A_635 = vector.shape_cast %add3A_630 : vector<16xf32> to vector<1x16xf32>
      tpu.vector_store %arg8[%swap3A_631, %swap3A_632], %swap3A_635 {strides = array<i32>} : memref<256x128xf32, #tpu.memory_space<vmem>>, vector<1x16xf32>,
      %get3A_636 = arith.index_cast %add3A_569 : i32 to index
      %get3A_637 = arith.constant 80 : index
      %get3A_638 = tpu.vector_load %arg7[%get3A_636, %get3A_637] {strides = array<i32>} : memref<256x128xf32, #tpu.memory_space<vmem>>, vector<1x16xf32>,
      %get3A_639 = vector.shape_cast %get3A_638 : vector<1x16xf32> to vector<16xf32>
      %mul3A_640 = arith.constant 11.3137083 : f32
      %mul3A_641 = vector.broadcast %mul3A_640 : f32 to vector<16xf32>
      %mul3A_642 = arith.mulf %get3A_639, %mul3A_641 : vector<16xf32>
      %add3A_643 = arith.addf %mul3A_642, %get3A_555 : vector<16xf32>
      %swap3A_644 = arith.index_cast %add3A_571 : i32 to index
      %swap3A_645 = arith.constant 80 : index
      %swap3A_646 = tpu.vector_load %arg8[%swap3A_644, %swap3A_645] {strides = array<i32>} : memref<256x128xf32, #tpu.memory_space<vmem>>, vector<1x16xf32>,
      %swap3A_647 = vector.shape_cast %swap3A_646 : vector<1x16xf32> to vector<16xf32>
      %swap3A_648 = vector.shape_cast %add3A_643 : vector<16xf32> to vector<1x16xf32>
      tpu.vector_store %arg8[%swap3A_644, %swap3A_645], %swap3A_648 {strides = array<i32>} : memref<256x128xf32, #tpu.memory_space<vmem>>, vector<1x16xf32>,
      %get3A_649 = arith.index_cast %add3A_569 : i32 to index
      %get3A_650 = arith.constant 96 : index
      %get3A_651 = tpu.vector_load %arg7[%get3A_649, %get3A_650] {strides = array<i32>} : memref<256x128xf32, #tpu.memory_space<vmem>>, vector<1x16xf32>,
      %get3A_652 = vector.shape_cast %get3A_651 : vector<1x16xf32> to vector<16xf32>
      %mul3A_653 = arith.constant 11.3137083 : f32
      %mul3A_654 = vector.broadcast %mul3A_653 : f32 to vector<16xf32>
      %mul3A_655 = arith.mulf %get3A_652, %mul3A_654 : vector<16xf32>
      %add3A_656 = arith.addf %mul3A_655, %get3A_559 : vector<16xf32>
      %swap3A_657 = arith.index_cast %add3A_571 : i32 to index
      %swap3A_658 = arith.constant 96 : index
      %swap3A_659 = tpu.vector_load %arg8[%swap3A_657, %swap3A_658] {strides = array<i32>} : memref<256x128xf32, #tpu.memory_space<vmem>>, vector<1x16xf32>,
      %swap3A_660 = vector.shape_cast %swap3A_659 : vector<1x16xf32> to vector<16xf32>
      %swap3A_661 = vector.shape_cast %add3A_656 : vector<16xf32> to vector<1x16xf32>
      tpu.vector_store %arg8[%swap3A_657, %swap3A_658], %swap3A_661 {strides = array<i32>} : memref<256x128xf32, #tpu.memory_space<vmem>>, vector<1x16xf32>,
      %get3A_662 = arith.index_cast %add3A_569 : i32 to index
      %get3A_663 = arith.constant 112 : index
      %get3A_664 = tpu.vector_load %arg7[%get3A_662, %get3A_663] {strides = array<i32>} : memref<256x128xf32, #tpu.memory_space<vmem>>, vector<1x16xf32>,
      %get3A_665 = vector.shape_cast %get3A_664 : vector<1x16xf32> to vector<16xf32>
      %mul3A_666 = arith.constant 11.3137083 : f32
      %mul3A_667 = vector.broadcast %mul3A_666 : f32 to vector<16xf32>
      %mul3A_668 = arith.mulf %get3A_665, %mul3A_667 : vector<16xf32>
      %add3A_669 = arith.addf %mul3A_668, %get3A_563 : vector<16xf32>
      %swap3A_670 = arith.index_cast %add3A_571 : i32 to index
      %swap3A_671 = arith.constant 112 : index
      %swap3A_672 = tpu.vector_load %arg8[%swap3A_670, %swap3A_671] {strides = array<i32>} : memref<256x128xf32, #tpu.memory_space<vmem>>, vector<1x16xf32>,
      %swap3A_673 = vector.shape_cast %swap3A_672 : vector<1x16xf32> to vector<16xf32>
      %swap3A_674 = vector.shape_cast %add3A_669 : vector<16xf32> to vector<1x16xf32>
      tpu.vector_store %arg8[%swap3A_670, %swap3A_671], %swap3A_674 {strides = array<i32>} : memref<256x128xf32, #tpu.memory_space<vmem>>, vector<1x16xf32>,
      %add3A_675 = arith.constant 48 : i32
      %add3A_676 = arith.addi %add3A_675, %scan3A_530 : i32
      %mul3A_677 = arith.constant 4 : i32
      %mul3A_678 = arith.muli %add3A_676, %mul3A_677 : i32
      %add3A_679 = arith.constant 1 : i32
      %add3A_680 = arith.addi %mul3A_678, %add3A_679 : i32
      %add3A_681 = arith.constant 64 : i32
      %add3A_682 = arith.addi %add3A_681, %add3A_532 : i32
      %get3A_683 = arith.index_cast %add3A_680 : i32 to index
      %get3A_684 = arith.constant 0 : index
      %get3A_685 = tpu.vector_load %arg7[%get3A_683, %get3A_684] {strides = array<i32>} : memref<256x128xf32, #tpu.memory_space<vmem>>, vector<1x16xf32>,
      %get3A_686 = vector.shape_cast %get3A_685 : vector<1x16xf32> to vector<16xf32>
      %mul3A_687 = arith.constant 11.3137083 : f32
      %mul3A_688 = vector.broadcast %mul3A_687 : f32 to vector<16xf32>
      %mul3A_689 = arith.mulf %get3A_686, %mul3A_688 : vector<16xf32>
      %add3A_690 = arith.addf %mul3A_689, %get3A_535 : vector<16xf32>
      %swap3A_691 = arith.index_cast %add3A_682 : i32 to index
      %swap3A_692 = arith.constant 0 : index
      %swap3A_693 = tpu.vector_load %arg8[%swap3A_691, %swap3A_692] {strides = array<i32>} : memref<256x128xf32, #tpu.memory_space<vmem>>, vector<1x16xf32>,
      %swap3A_694 = vector.shape_cast %swap3A_693 : vector<1x16xf32> to vector<16xf32>
      %swap3A_695 = vector.shape_cast %add3A_690 : vector<16xf32> to vector<1x16xf32>
      tpu.vector_store %arg8[%swap3A_691, %swap3A_692], %swap3A_695 {strides = array<i32>} : memref<256x128xf32, #tpu.memory_space<vmem>>, vector<1x16xf32>,
      %get3A_696 = arith.index_cast %add3A_680 : i32 to index
      %get3A_697 = arith.constant 16 : index
      %get3A_698 = tpu.vector_load %arg7[%get3A_696, %get3A_697] {strides = array<i32>} : memref<256x128xf32, #tpu.memory_space<vmem>>, vector<1x16xf32>,
      %get3A_699 = vector.shape_cast %get3A_698 : vector<1x16xf32> to vector<16xf32>
      %mul3A_700 = arith.constant 11.3137083 : f32
      %mul3A_701 = vector.broadcast %mul3A_700 : f32 to vector<16xf32>
      %mul3A_702 = arith.mulf %get3A_699, %mul3A_701 : vector<16xf32>
      %add3A_703 = arith.addf %mul3A_702, %get3A_539 : vector<16xf32>
      %swap3A_704 = arith.index_cast %add3A_682 : i32 to index
      %swap3A_705 = arith.constant 16 : index
      %swap3A_706 = tpu.vector_load %arg8[%swap3A_704, %swap3A_705] {strides = array<i32>} : memref<256x128xf32, #tpu.memory_space<vmem>>, vector<1x16xf32>,
      %swap3A_707 = vector.shape_cast %swap3A_706 : vector<1x16xf32> to vector<16xf32>
      %swap3A_708 = vector.shape_cast %add3A_703 : vector<16xf32> to vector<1x16xf32>
      tpu.vector_store %arg8[%swap3A_704, %swap3A_705], %swap3A_708 {strides = array<i32>} : memref<256x128xf32, #tpu.memory_space<vmem>>, vector<1x16xf32>,
      %get3A_709 = arith.index_cast %add3A_680 : i32 to index
      %get3A_710 = arith.constant 32 : index
      %get3A_711 = tpu.vector_load %arg7[%get3A_709, %get3A_710] {strides = array<i32>} : memref<256x128xf32, #tpu.memory_space<vmem>>, vector<1x16xf32>,
      %get3A_712 = vector.shape_cast %get3A_711 : vector<1x16xf32> to vector<16xf32>
      %mul3A_713 = arith.constant 11.3137083 : f32
      %mul3A_714 = vector.broadcast %mul3A_713 : f32 to vector<16xf32>
      %mul3A_715 = arith.mulf %get3A_712, %mul3A_714 : vector<16xf32>
      %add3A_716 = arith.addf %mul3A_715, %get3A_543 : vector<16xf32>
      %swap3A_717 = arith.index_cast %add3A_682 : i32 to index
      %swap3A_718 = arith.constant 32 : index
      %swap3A_719 = tpu.vector_load %arg8[%swap3A_717, %swap3A_718] {strides = array<i32>} : memref<256x128xf32, #tpu.memory_space<vmem>>, vector<1x16xf32>,
      %swap3A_720 = vector.shape_cast %swap3A_719 : vector<1x16xf32> to vector<16xf32>
      %swap3A_721 = vector.shape_cast %add3A_716 : vector<16xf32> to vector<1x16xf32>
      tpu.vector_store %arg8[%swap3A_717, %swap3A_718], %swap3A_721 {strides = array<i32>} : memref<256x128xf32, #tpu.memory_space<vmem>>, vector<1x16xf32>,
      %get3A_722 = arith.index_cast %add3A_680 : i32 to index
      %get3A_723 = arith.constant 48 : index
      %get3A_724 = tpu.vector_load %arg7[%get3A_722, %get3A_723] {strides = array<i32>} : memref<256x128xf32, #tpu.memory_space<vmem>>, vector<1x16xf32>,
      %get3A_725 = vector.shape_cast %get3A_724 : vector<1x16xf32> to vector<16xf32>
      %mul3A_726 = arith.constant 11.3137083 : f32
      %mul3A_727 = vector.broadcast %mul3A_726 : f32 to vector<16xf32>
      %mul3A_728 = arith.mulf %get3A_725, %mul3A_727 : vector<16xf32>
      %add3A_729 = arith.addf %mul3A_728, %get3A_547 : vector<16xf32>
      %swap3A_730 = arith.index_cast %add3A_682 : i32 to index
      %swap3A_731 = arith.constant 48 : index
      %swap3A_732 = tpu.vector_load %arg8[%swap3A_730, %swap3A_731] {strides = array<i32>} : memref<256x128xf32, #tpu.memory_space<vmem>>, vector<1x16xf32>,
      %swap3A_733 = vector.shape_cast %swap3A_732 : vector<1x16xf32> to vector<16xf32>
      %swap3A_734 = vector.shape_cast %add3A_729 : vector<16xf32> to vector<1x16xf32>
      tpu.vector_store %arg8[%swap3A_730, %swap3A_731], %swap3A_734 {strides = array<i32>} : memref<256x128xf32, #tpu.memory_space<vmem>>, vector<1x16xf32>,
      %get3A_735 = arith.index_cast %add3A_680 : i32 to index
      %get3A_736 = arith.constant 64 : index
      %get3A_737 = tpu.vector_load %arg7[%get3A_735, %get3A_736] {strides = array<i32>} : memref<256x128xf32, #tpu.memory_space<vmem>>, vector<1x16xf32>,
      %get3A_738 = vector.shape_cast %get3A_737 : vector<1x16xf32> to vector<16xf32>
      %mul3A_739 = arith.constant 11.3137083 : f32
      %mul3A_740 = vector.broadcast %mul3A_739 : f32 to vector<16xf32>
      %mul3A_741 = arith.mulf %get3A_738, %mul3A_740 : vector<16xf32>
      %add3A_742 = arith.addf %mul3A_741, %get3A_551 : vector<16xf32>
      %swap3A_743 = arith.index_cast %add3A_682 : i32 to index
      %swap3A_744 = arith.constant 64 : index
      %swap3A_745 = tpu.vector_load %arg8[%swap3A_743, %swap3A_744] {strides = array<i32>} : memref<256x128xf32, #tpu.memory_space<vmem>>, vector<1x16xf32>,
      %swap3A_746 = vector.shape_cast %swap3A_745 : vector<1x16xf32> to vector<16xf32>
      %swap3A_747 = vector.shape_cast %add3A_742 : vector<16xf32> to vector<1x16xf32>
      tpu.vector_store %arg8[%swap3A_743, %swap3A_744], %swap3A_747 {strides = array<i32>} : memref<256x128xf32, #tpu.memory_space<vmem>>, vector<1x16xf32>,
      %get3A_748 = arith.index_cast %add3A_680 : i32 to index
      %get3A_749 = arith.constant 80 : index
      %get3A_750 = tpu.vector_load %arg7[%get3A_748, %get3A_749] {strides = array<i32>} : memref<256x128xf32, #tpu.memory_space<vmem>>, vector<1x16xf32>,
      %get3A_751 = vector.shape_cast %get3A_750 : vector<1x16xf32> to vector<16xf32>
      %mul3A_752 = arith.constant 11.3137083 : f32
      %mul3A_753 = vector.broadcast %mul3A_752 : f32 to vector<16xf32>
      %mul3A_754 = arith.mulf %get3A_751, %mul3A_753 : vector<16xf32>
      %add3A_755 = arith.addf %mul3A_754, %get3A_555 : vector<16xf32>
      %swap3A_756 = arith.index_cast %add3A_682 : i32 to index
      %swap3A_757 = arith.constant 80 : index
      %swap3A_758 = tpu.vector_load %arg8[%swap3A_756, %swap3A_757] {strides = array<i32>} : memref<256x128xf32, #tpu.memory_space<vmem>>, vector<1x16xf32>,
      %swap3A_759 = vector.shape_cast %swap3A_758 : vector<1x16xf32> to vector<16xf32>
      %swap3A_760 = vector.shape_cast %add3A_755 : vector<16xf32> to vector<1x16xf32>
      tpu.vector_store %arg8[%swap3A_756, %swap3A_757], %swap3A_760 {strides = array<i32>} : memref<256x128xf32, #tpu.memory_space<vmem>>, vector<1x16xf32>,
      %get3A_761 = arith.index_cast %add3A_680 : i32 to index
      %get3A_762 = arith.constant 96 : index
      %get3A_763 = tpu.vector_load %arg7[%get3A_761, %get3A_762] {strides = array<i32>} : memref<256x128xf32, #tpu.memory_space<vmem>>, vector<1x16xf32>,
      %get3A_764 = vector.shape_cast %get3A_763 : vector<1x16xf32> to vector<16xf32>
      %mul3A_765 = arith.constant 11.3137083 : f32
      %mul3A_766 = vector.broadcast %mul3A_765 : f32 to vector<16xf32>
      %mul3A_767 = arith.mulf %get3A_764, %mul3A_766 : vector<16xf32>
      %add3A_768 = arith.addf %mul3A_767, %get3A_559 : vector<16xf32>
      %swap3A_769 = arith.index_cast %add3A_682 : i32 to index
      %swap3A_770 = arith.constant 96 : index
      %swap3A_771 = tpu.vector_load %arg8[%swap3A_769, %swap3A_770] {strides = array<i32>} : memref<256x128xf32, #tpu.memory_space<vmem>>, vector<1x16xf32>,
      %swap3A_772 = vector.shape_cast %swap3A_771 : vector<1x16xf32> to vector<16xf32>
      %swap3A_773 = vector.shape_cast %add3A_768 : vector<16xf32> to vector<1x16xf32>
      tpu.vector_store %arg8[%swap3A_769, %swap3A_770], %swap3A_773 {strides = array<i32>} : memref<256x128xf32, #tpu.memory_space<vmem>>, vector<1x16xf32>,
      %get3A_774 = arith.index_cast %add3A_680 : i32 to index
      %get3A_775 = arith.constant 112 : index
      %get3A_776 = tpu.vector_load %arg7[%get3A_774, %get3A_775] {strides = array<i32>} : memref<256x128xf32, #tpu.memory_space<vmem>>, vector<1x16xf32>,
      %get3A_777 = vector.shape_cast %get3A_776 : vector<1x16xf32> to vector<16xf32>
      %mul3A_778 = arith.constant 11.3137083 : f32
      %mul3A_779 = vector.broadcast %mul3A_778 : f32 to vector<16xf32>
      %mul3A_780 = arith.mulf %get3A_777, %mul3A_779 : vector<16xf32>
      %add3A_781 = arith.addf %mul3A_780, %get3A_563 : vector<16xf32>
      %swap3A_782 = arith.index_cast %add3A_682 : i32 to index
      %swap3A_783 = arith.constant 112 : index
      %swap3A_784 = tpu.vector_load %arg8[%swap3A_782, %swap3A_783] {strides = array<i32>} : memref<256x128xf32, #tpu.memory_space<vmem>>, vector<1x16xf32>,
      %swap3A_785 = vector.shape_cast %swap3A_784 : vector<1x16xf32> to vector<16xf32>
      %swap3A_786 = vector.shape_cast %add3A_781 : vector<16xf32> to vector<1x16xf32>
      tpu.vector_store %arg8[%swap3A_782, %swap3A_783], %swap3A_786 {strides = array<i32>} : memref<256x128xf32, #tpu.memory_space<vmem>>, vector<1x16xf32>,
      %add3A_787 = arith.constant 48 : i32
      %add3A_788 = arith.addi %add3A_787, %scan3A_530 : i32
      %mul3A_789 = arith.constant 4 : i32
      %mul3A_790 = arith.muli %add3A_788, %mul3A_789 : i32
      %add3A_791 = arith.constant 2 : i32
      %add3A_792 = arith.addi %mul3A_790, %add3A_791 : i32
      %add3A_793 = arith.constant 128 : i32
      %add3A_794 = arith.addi %add3A_793, %add3A_532 : i32
      %get3A_795 = arith.index_cast %add3A_792 : i32 to index
      %get3A_796 = arith.constant 0 : index
      %get3A_797 = tpu.vector_load %arg7[%get3A_795, %get3A_796] {strides = array<i32>} : memref<256x128xf32, #tpu.memory_space<vmem>>, vector<1x16xf32>,
      %get3A_798 = vector.shape_cast %get3A_797 : vector<1x16xf32> to vector<16xf32>
      %mul3A_799 = arith.constant 11.3137083 : f32
      %mul3A_800 = vector.broadcast %mul3A_799 : f32 to vector<16xf32>
      %mul3A_801 = arith.mulf %get3A_798, %mul3A_800 : vector<16xf32>
      %add3A_802 = arith.addf %mul3A_801, %get3A_535 : vector<16xf32>
      %swap3A_803 = arith.index_cast %add3A_794 : i32 to index
      %swap3A_804 = arith.constant 0 : index
      %swap3A_805 = tpu.vector_load %arg8[%swap3A_803, %swap3A_804] {strides = array<i32>} : memref<256x128xf32, #tpu.memory_space<vmem>>, vector<1x16xf32>,
      %swap3A_806 = vector.shape_cast %swap3A_805 : vector<1x16xf32> to vector<16xf32>
      %swap3A_807 = vector.shape_cast %add3A_802 : vector<16xf32> to vector<1x16xf32>
      tpu.vector_store %arg8[%swap3A_803, %swap3A_804], %swap3A_807 {strides = array<i32>} : memref<256x128xf32, #tpu.memory_space<vmem>>, vector<1x16xf32>,
      %get3A_808 = arith.index_cast %add3A_792 : i32 to index
      %get3A_809 = arith.constant 16 : index
      %get3A_810 = tpu.vector_load %arg7[%get3A_808, %get3A_809] {strides = array<i32>} : memref<256x128xf32, #tpu.memory_space<vmem>>, vector<1x16xf32>,
      %get3A_811 = vector.shape_cast %get3A_810 : vector<1x16xf32> to vector<16xf32>
      %mul3A_812 = arith.constant 11.3137083 : f32
      %mul3A_813 = vector.broadcast %mul3A_812 : f32 to vector<16xf32>
      %mul3A_814 = arith.mulf %get3A_811, %mul3A_813 : vector<16xf32>
      %add3A_815 = arith.addf %mul3A_814, %get3A_539 : vector<16xf32>
      %swap3A_816 = arith.index_cast %add3A_794 : i32 to index
      %swap3A_817 = arith.constant 16 : index
      %swap3A_818 = tpu.vector_load %arg8[%swap3A_816, %swap3A_817] {strides = array<i32>} : memref<256x128xf32, #tpu.memory_space<vmem>>, vector<1x16xf32>,
      %swap3A_819 = vector.shape_cast %swap3A_818 : vector<1x16xf32> to vector<16xf32>
      %swap3A_820 = vector.shape_cast %add3A_815 : vector<16xf32> to vector<1x16xf32>
      tpu.vector_store %arg8[%swap3A_816, %swap3A_817], %swap3A_820 {strides = array<i32>} : memref<256x128xf32, #tpu.memory_space<vmem>>, vector<1x16xf32>,
      %get3A_821 = arith.index_cast %add3A_792 : i32 to index
      %get3A_822 = arith.constant 32 : index
      %get3A_823 = tpu.vector_load %arg7[%get3A_821, %get3A_822] {strides = array<i32>} : memref<256x128xf32, #tpu.memory_space<vmem>>, vector<1x16xf32>,
      %get3A_824 = vector.shape_cast %get3A_823 : vector<1x16xf32> to vector<16xf32>
      %mul3A_825 = arith.constant 11.3137083 : f32
      %mul3A_826 = vector.broadcast %mul3A_825 : f32 to vector<16xf32>
      %mul3A_827 = arith.mulf %get3A_824, %mul3A_826 : vector<16xf32>
      %add3A_828 = arith.addf %mul3A_827, %get3A_543 : vector<16xf32>
      %swap3A_829 = arith.index_cast %add3A_794 : i32 to index
      %swap3A_830 = arith.constant 32 : index
      %swap3A_831 = tpu.vector_load %arg8[%swap3A_829, %swap3A_830] {strides = array<i32>} : memref<256x128xf32, #tpu.memory_space<vmem>>, vector<1x16xf32>,
      %swap3A_832 = vector.shape_cast %swap3A_831 : vector<1x16xf32> to vector<16xf32>
      %swap3A_833 = vector.shape_cast %add3A_828 : vector<16xf32> to vector<1x16xf32>
      tpu.vector_store %arg8[%swap3A_829, %swap3A_830], %swap3A_833 {strides = array<i32>} : memref<256x128xf32, #tpu.memory_space<vmem>>, vector<1x16xf32>,
      %get3A_834 = arith.index_cast %add3A_792 : i32 to index
      %get3A_835 = arith.constant 48 : index
      %get3A_836 = tpu.vector_load %arg7[%get3A_834, %get3A_835] {strides = array<i32>} : memref<256x128xf32, #tpu.memory_space<vmem>>, vector<1x16xf32>,
      %get3A_837 = vector.shape_cast %get3A_836 : vector<1x16xf32> to vector<16xf32>
      %mul3A_838 = arith.constant 11.3137083 : f32
      %mul3A_839 = vector.broadcast %mul3A_838 : f32 to vector<16xf32>
      %mul3A_840 = arith.mulf %get3A_837, %mul3A_839 : vector<16xf32>
      %add3A_841 = arith.addf %mul3A_840, %get3A_547 : vector<16xf32>
      %swap3A_842 = arith.index_cast %add3A_794 : i32 to index
      %swap3A_843 = arith.constant 48 : index
      %swap3A_844 = tpu.vector_load %arg8[%swap3A_842, %swap3A_843] {strides = array<i32>} : memref<256x128xf32, #tpu.memory_space<vmem>>, vector<1x16xf32>,
      %swap3A_845 = vector.shape_cast %swap3A_844 : vector<1x16xf32> to vector<16xf32>
      %swap3A_846 = vector.shape_cast %add3A_841 : vector<16xf32> to vector<1x16xf32>
      tpu.vector_store %arg8[%swap3A_842, %swap3A_843], %swap3A_846 {strides = array<i32>} : memref<256x128xf32, #tpu.memory_space<vmem>>, vector<1x16xf32>,
      %get3A_847 = arith.index_cast %add3A_792 : i32 to index
      %get3A_848 = arith.constant 64 : index
      %get3A_849 = tpu.vector_load %arg7[%get3A_847, %get3A_848] {strides = array<i32>} : memref<256x128xf32, #tpu.memory_space<vmem>>, vector<1x16xf32>,
      %get3A_850 = vector.shape_cast %get3A_849 : vector<1x16xf32> to vector<16xf32>
      %mul3A_851 = arith.constant 11.3137083 : f32
      %mul3A_852 = vector.broadcast %mul3A_851 : f32 to vector<16xf32>
      %mul3A_853 = arith.mulf %get3A_850, %mul3A_852 : vector<16xf32>
      %add3A_854 = arith.addf %mul3A_853, %get3A_551 : vector<16xf32>
      %swap3A_855 = arith.index_cast %add3A_794 : i32 to index
      %swap3A_856 = arith.constant 64 : index
      %swap3A_857 = tpu.vector_load %arg8[%swap3A_855, %swap3A_856] {strides = array<i32>} : memref<256x128xf32, #tpu.memory_space<vmem>>, vector<1x16xf32>,
      %swap3A_858 = vector.shape_cast %swap3A_857 : vector<1x16xf32> to vector<16xf32>
      %swap3A_859 = vector.shape_cast %add3A_854 : vector<16xf32> to vector<1x16xf32>
      tpu.vector_store %arg8[%swap3A_855, %swap3A_856], %swap3A_859 {strides = array<i32>} : memref<256x128xf32, #tpu.memory_space<vmem>>, vector<1x16xf32>,
      %get3A_860 = arith.index_cast %add3A_792 : i32 to index
      %get3A_861 = arith.constant 80 : index
      %get3A_862 = tpu.vector_load %arg7[%get3A_860, %get3A_861] {strides = array<i32>} : memref<256x128xf32, #tpu.memory_space<vmem>>, vector<1x16xf32>,
      %get3A_863 = vector.shape_cast %get3A_862 : vector<1x16xf32> to vector<16xf32>
      %mul3A_864 = arith.constant 11.3137083 : f32
      %mul3A_865 = vector.broadcast %mul3A_864 : f32 to vector<16xf32>
      %mul3A_866 = arith.mulf %get3A_863, %mul3A_865 : vector<16xf32>
      %add3A_867 = arith.addf %mul3A_866, %get3A_555 : vector<16xf32>
      %swap3A_868 = arith.index_cast %add3A_794 : i32 to index
      %swap3A_869 = arith.constant 80 : index
      %swap3A_870 = tpu.vector_load %arg8[%swap3A_868, %swap3A_869] {strides = array<i32>} : memref<256x128xf32, #tpu.memory_space<vmem>>, vector<1x16xf32>,
      %swap3A_871 = vector.shape_cast %swap3A_870 : vector<1x16xf32> to vector<16xf32>
      %swap3A_872 = vector.shape_cast %add3A_867 : vector<16xf32> to vector<1x16xf32>
      tpu.vector_store %arg8[%swap3A_868, %swap3A_869], %swap3A_872 {strides = array<i32>} : memref<256x128xf32, #tpu.memory_space<vmem>>, vector<1x16xf32>,
      %get3A_873 = arith.index_cast %add3A_792 : i32 to index
      %get3A_874 = arith.constant 96 : index
      %get3A_875 = tpu.vector_load %arg7[%get3A_873, %get3A_874] {strides = array<i32>} : memref<256x128xf32, #tpu.memory_space<vmem>>, vector<1x16xf32>,
      %get3A_876 = vector.shape_cast %get3A_875 : vector<1x16xf32> to vector<16xf32>
      %mul3A_877 = arith.constant 11.3137083 : f32
      %mul3A_878 = vector.broadcast %mul3A_877 : f32 to vector<16xf32>
      %mul3A_879 = arith.mulf %get3A_876, %mul3A_878 : vector<16xf32>
      %add3A_880 = arith.addf %mul3A_879, %get3A_559 : vector<16xf32>
      %swap3A_881 = arith.index_cast %add3A_794 : i32 to index
      %swap3A_882 = arith.constant 96 : index
      %swap3A_883 = tpu.vector_load %arg8[%swap3A_881, %swap3A_882] {strides = array<i32>} : memref<256x128xf32, #tpu.memory_space<vmem>>, vector<1x16xf32>,
      %swap3A_884 = vector.shape_cast %swap3A_883 : vector<1x16xf32> to vector<16xf32>
      %swap3A_885 = vector.shape_cast %add3A_880 : vector<16xf32> to vector<1x16xf32>
      tpu.vector_store %arg8[%swap3A_881, %swap3A_882], %swap3A_885 {strides = array<i32>} : memref<256x128xf32, #tpu.memory_space<vmem>>, vector<1x16xf32>,
      %get3A_886 = arith.index_cast %add3A_792 : i32 to index
      %get3A_887 = arith.constant 112 : index
      %get3A_888 = tpu.vector_load %arg7[%get3A_886, %get3A_887] {strides = array<i32>} : memref<256x128xf32, #tpu.memory_space<vmem>>, vector<1x16xf32>,
      %get3A_889 = vector.shape_cast %get3A_888 : vector<1x16xf32> to vector<16xf32>
      %mul3A_890 = arith.constant 11.3137083 : f32
      %mul3A_891 = vector.broadcast %mul3A_890 : f32 to vector<16xf32>
      %mul3A_892 = arith.mulf %get3A_889, %mul3A_891 : vector<16xf32>
      %add3A_893 = arith.addf %mul3A_892, %get3A_563 : vector<16xf32>
      %swap3A_894 = arith.index_cast %add3A_794 : i32 to index
      %swap3A_895 = arith.constant 112 : index
      %swap3A_896 = tpu.vector_load %arg8[%swap3A_894, %swap3A_895] {strides = array<i32>} : memref<256x128xf32, #tpu.memory_space<vmem>>, vector<1x16xf32>,
      %swap3A_897 = vector.shape_cast %swap3A_896 : vector<1x16xf32> to vector<16xf32>
      %swap3A_898 = vector.shape_cast %add3A_893 : vector<16xf32> to vector<1x16xf32>
      tpu.vector_store %arg8[%swap3A_894, %swap3A_895], %swap3A_898 {strides = array<i32>} : memref<256x128xf32, #tpu.memory_space<vmem>>, vector<1x16xf32>,
      %add3A_899 = arith.constant 48 : i32
      %add3A_900 = arith.addi %add3A_899, %scan3A_530 : i32
      %mul3A_901 = arith.constant 4 : i32
      %mul3A_902 = arith.muli %add3A_900, %mul3A_901 : i32
      %add3A_903 = arith.constant 3 : i32
      %add3A_904 = arith.addi %mul3A_902, %add3A_903 : i32
      %add3A_905 = arith.constant 192 : i32
      %add3A_906 = arith.addi %add3A_905, %add3A_532 : i32
      %get3A_907 = arith.index_cast %add3A_904 : i32 to index
      %get3A_908 = arith.constant 0 : index
      %get3A_909 = tpu.vector_load %arg7[%get3A_907, %get3A_908] {strides = array<i32>} : memref<256x128xf32, #tpu.memory_space<vmem>>, vector<1x16xf32>,
      %get3A_910 = vector.shape_cast %get3A_909 : vector<1x16xf32> to vector<16xf32>
      %mul3A_911 = arith.constant 11.3137083 : f32
      %mul3A_912 = vector.broadcast %mul3A_911 : f32 to vector<16xf32>
      %mul3A_913 = arith.mulf %get3A_910, %mul3A_912 : vector<16xf32>
      %add3A_914 = arith.addf %mul3A_913, %get3A_535 : vector<16xf32>
      %swap3A_915 = arith.index_cast %add3A_906 : i32 to index
      %swap3A_916 = arith.constant 0 : index
      %swap3A_917 = tpu.vector_load %arg8[%swap3A_915, %swap3A_916] {strides = array<i32>} : memref<256x128xf32, #tpu.memory_space<vmem>>, vector<1x16xf32>,
      %swap3A_918 = vector.shape_cast %swap3A_917 : vector<1x16xf32> to vector<16xf32>
      %swap3A_919 = vector.shape_cast %add3A_914 : vector<16xf32> to vector<1x16xf32>
      tpu.vector_store %arg8[%swap3A_915, %swap3A_916], %swap3A_919 {strides = array<i32>} : memref<256x128xf32, #tpu.memory_space<vmem>>, vector<1x16xf32>,
      %get3A_920 = arith.index_cast %add3A_904 : i32 to index
      %get3A_921 = arith.constant 16 : index
      %get3A_922 = tpu.vector_load %arg7[%get3A_920, %get3A_921] {strides = array<i32>} : memref<256x128xf32, #tpu.memory_space<vmem>>, vector<1x16xf32>,
      %get3A_923 = vector.shape_cast %get3A_922 : vector<1x16xf32> to vector<16xf32>
      %mul3A_924 = arith.constant 11.3137083 : f32
      %mul3A_925 = vector.broadcast %mul3A_924 : f32 to vector<16xf32>
      %mul3A_926 = arith.mulf %get3A_923, %mul3A_925 : vector<16xf32>
      %add3A_927 = arith.addf %mul3A_926, %get3A_539 : vector<16xf32>
      %swap3A_928 = arith.index_cast %add3A_906 : i32 to index
      %swap3A_929 = arith.constant 16 : index
      %swap3A_930 = tpu.vector_load %arg8[%swap3A_928, %swap3A_929] {strides = array<i32>} : memref<256x128xf32, #tpu.memory_space<vmem>>, vector<1x16xf32>,
      %swap3A_931 = vector.shape_cast %swap3A_930 : vector<1x16xf32> to vector<16xf32>
      %swap3A_932 = vector.shape_cast %add3A_927 : vector<16xf32> to vector<1x16xf32>
      tpu.vector_store %arg8[%swap3A_928, %swap3A_929], %swap3A_932 {strides = array<i32>} : memref<256x128xf32, #tpu.memory_space<vmem>>, vector<1x16xf32>,
      %get3A_933 = arith.index_cast %add3A_904 : i32 to index
      %get3A_934 = arith.constant 32 : index
      %get3A_935 = tpu.vector_load %arg7[%get3A_933, %get3A_934] {strides = array<i32>} : memref<256x128xf32, #tpu.memory_space<vmem>>, vector<1x16xf32>,
      %get3A_936 = vector.shape_cast %get3A_935 : vector<1x16xf32> to vector<16xf32>
      %mul3A_937 = arith.constant 11.3137083 : f32
      %mul3A_938 = vector.broadcast %mul3A_937 : f32 to vector<16xf32>
      %mul3A_939 = arith.mulf %get3A_936, %mul3A_938 : vector<16xf32>
      %add3A_940 = arith.addf %mul3A_939, %get3A_543 : vector<16xf32>
      %swap3A_941 = arith.index_cast %add3A_906 : i32 to index
      %swap3A_942 = arith.constant 32 : index
      %swap3A_943 = tpu.vector_load %arg8[%swap3A_941, %swap3A_942] {strides = array<i32>} : memref<256x128xf32, #tpu.memory_space<vmem>>, vector<1x16xf32>,
      %swap3A_944 = vector.shape_cast %swap3A_943 : vector<1x16xf32> to vector<16xf32>
      %swap3A_945 = vector.shape_cast %add3A_940 : vector<16xf32> to vector<1x16xf32>
      tpu.vector_store %arg8[%swap3A_941, %swap3A_942], %swap3A_945 {strides = array<i32>} : memref<256x128xf32, #tpu.memory_space<vmem>>, vector<1x16xf32>,
      %get3A_946 = arith.index_cast %add3A_904 : i32 to index
      %get3A_947 = arith.constant 48 : index
      %get3A_948 = tpu.vector_load %arg7[%get3A_946, %get3A_947] {strides = array<i32>} : memref<256x128xf32, #tpu.memory_space<vmem>>, vector<1x16xf32>,
      %get3A_949 = vector.shape_cast %get3A_948 : vector<1x16xf32> to vector<16xf32>
      %mul3A_950 = arith.constant 11.3137083 : f32
      %mul3A_951 = vector.broadcast %mul3A_950 : f32 to vector<16xf32>
      %mul3A_952 = arith.mulf %get3A_949, %mul3A_951 : vector<16xf32>
      %add3A_953 = arith.addf %mul3A_952, %get3A_547 : vector<16xf32>
      %swap3A_954 = arith.index_cast %add3A_906 : i32 to index
      %swap3A_955 = arith.constant 48 : index
      %swap3A_956 = tpu.vector_load %arg8[%swap3A_954, %swap3A_955] {strides = array<i32>} : memref<256x128xf32, #tpu.memory_space<vmem>>, vector<1x16xf32>,
      %swap3A_957 = vector.shape_cast %swap3A_956 : vector<1x16xf32> to vector<16xf32>
      %swap3A_958 = vector.shape_cast %add3A_953 : vector<16xf32> to vector<1x16xf32>
      tpu.vector_store %arg8[%swap3A_954, %swap3A_955], %swap3A_958 {strides = array<i32>} : memref<256x128xf32, #tpu.memory_space<vmem>>, vector<1x16xf32>,
      %get3A_959 = arith.index_cast %add3A_904 : i32 to index
      %get3A_960 = arith.constant 64 : index
      %get3A_961 = tpu.vector_load %arg7[%get3A_959, %get3A_960] {strides = array<i32>} : memref<256x128xf32, #tpu.memory_space<vmem>>, vector<1x16xf32>,
      %get3A_962 = vector.shape_cast %get3A_961 : vector<1x16xf32> to vector<16xf32>
      %mul3A_963 = arith.constant 11.3137083 : f32
      %mul3A_964 = vector.broadcast %mul3A_963 : f32 to vector<16xf32>
      %mul3A_965 = arith.mulf %get3A_962, %mul3A_964 : vector<16xf32>
      %add3A_966 = arith.addf %mul3A_965, %get3A_551 : vector<16xf32>
      %swap3A_967 = arith.index_cast %add3A_906 : i32 to index
      %swap3A_968 = arith.constant 64 : index
      %swap3A_969 = tpu.vector_load %arg8[%swap3A_967, %swap3A_968] {strides = array<i32>} : memref<256x128xf32, #tpu.memory_space<vmem>>, vector<1x16xf32>,
      %swap3A_970 = vector.shape_cast %swap3A_969 : vector<1x16xf32> to vector<16xf32>
      %swap3A_971 = vector.shape_cast %add3A_966 : vector<16xf32> to vector<1x16xf32>
      tpu.vector_store %arg8[%swap3A_967, %swap3A_968], %swap3A_971 {strides = array<i32>} : memref<256x128xf32, #tpu.memory_space<vmem>>, vector<1x16xf32>,
      %get3A_972 = arith.index_cast %add3A_904 : i32 to index
      %get3A_973 = arith.constant 80 : index
      %get3A_974 = tpu.vector_load %arg7[%get3A_972, %get3A_973] {strides = array<i32>} : memref<256x128xf32, #tpu.memory_space<vmem>>, vector<1x16xf32>,
      %get3A_975 = vector.shape_cast %get3A_974 : vector<1x16xf32> to vector<16xf32>
      %mul3A_976 = arith.constant 11.3137083 : f32
      %mul3A_977 = vector.broadcast %mul3A_976 : f32 to vector<16xf32>
      %mul3A_978 = arith.mulf %get3A_975, %mul3A_977 : vector<16xf32>
      %add3A_979 = arith.addf %mul3A_978, %get3A_555 : vector<16xf32>
      %swap3A_980 = arith.index_cast %add3A_906 : i32 to index
      %swap3A_981 = arith.constant 80 : index
      %swap3A_982 = tpu.vector_load %arg8[%swap3A_980, %swap3A_981] {strides = array<i32>} : memref<256x128xf32, #tpu.memory_space<vmem>>, vector<1x16xf32>,
      %swap3A_983 = vector.shape_cast %swap3A_982 : vector<1x16xf32> to vector<16xf32>
      %swap3A_984 = vector.shape_cast %add3A_979 : vector<16xf32> to vector<1x16xf32>
      tpu.vector_store %arg8[%swap3A_980, %swap3A_981], %swap3A_984 {strides = array<i32>} : memref<256x128xf32, #tpu.memory_space<vmem>>, vector<1x16xf32>,
      %get3A_985 = arith.index_cast %add3A_904 : i32 to index
      %get3A_986 = arith.constant 96 : index
      %get3A_987 = tpu.vector_load %arg7[%get3A_985, %get3A_986] {strides = array<i32>} : memref<256x128xf32, #tpu.memory_space<vmem>>, vector<1x16xf32>,
      %get3A_988 = vector.shape_cast %get3A_987 : vector<1x16xf32> to vector<16xf32>
      %mul3A_989 = arith.constant 11.3137083 : f32
      %mul3A_990 = vector.broadcast %mul3A_989 : f32 to vector<16xf32>
      %mul3A_991 = arith.mulf %get3A_988, %mul3A_990 : vector<16xf32>
      %add3A_992 = arith.addf %mul3A_991, %get3A_559 : vector<16xf32>
      %swap3A_993 = arith.index_cast %add3A_906 : i32 to index
      %swap3A_994 = arith.constant 96 : index
      %swap3A_995 = tpu.vector_load %arg8[%swap3A_993, %swap3A_994] {strides = array<i32>} : memref<256x128xf32, #tpu.memory_space<vmem>>, vector<1x16xf32>,
      %swap3A_996 = vector.shape_cast %swap3A_995 : vector<1x16xf32> to vector<16xf32>
      %swap3A_997 = vector.shape_cast %add3A_992 : vector<16xf32> to vector<1x16xf32>
      tpu.vector_store %arg8[%swap3A_993, %swap3A_994], %swap3A_997 {strides = array<i32>} : memref<256x128xf32, #tpu.memory_space<vmem>>, vector<1x16xf32>,
      %get3A_998 = arith.index_cast %add3A_904 : i32 to index
      %get3A_999 = arith.constant 112 : index
      %get3A_1000 = tpu.vector_load %arg7[%get3A_998, %get3A_999] {strides = array<i32>} : memref<256x128xf32, #tpu.memory_space<vmem>>, vector<1x16xf32>,
      %get3A_1001 = vector.shape_cast %get3A_1000 : vector<1x16xf32> to vector<16xf32>
      %mul3A_1002 = arith.constant 11.3137083 : f32
      %mul3A_1003 = vector.broadcast %mul3A_1002 : f32 to vector<16xf32>
      %mul3A_1004 = arith.mulf %get3A_1001, %mul3A_1003 : vector<16xf32>
      %add3A_1005 = arith.addf %mul3A_1004, %get3A_563 : vector<16xf32>
      %swap3A_1006 = arith.index_cast %add3A_906 : i32 to index
      %swap3A_1007 = arith.constant 112 : index
      %swap3A_1008 = tpu.vector_load %arg8[%swap3A_1006, %swap3A_1007] {strides = array<i32>} : memref<256x128xf32, #tpu.memory_space<vmem>>, vector<1x16xf32>,
      %swap3A_1009 = vector.shape_cast %swap3A_1008 : vector<1x16xf32> to vector<16xf32>
      %swap3A_1010 = vector.shape_cast %add3A_1005 : vector<16xf32> to vector<1x16xf32>
      tpu.vector_store %arg8[%swap3A_1006, %swap3A_1007], %swap3A_1010 {strides = array<i32>} : memref<256x128xf32, #tpu.memory_space<vmem>>, vector<1x16xf32>,
    }
    %scan3A_305 = arith.constant 16 : i32
    %mul3A_306 = arith.constant 64 : i32
    %mul3A_307 = arith.muli %add3A, %mul3A_306 : i32
    %add3A_308 = arith.constant 0 : i32
    %add3A_309 = arith.addi %add3A_308, %mul3A_307 : i32
    %add3A_310 = arith.constant 48 : i32
    %add3A_311 = arith.addi %add3A_309, %add3A_310 : i32
    %dma_start3A_312 = arith.constant 48 : i32
    %dma_start3A_313 = arith.constant 0 : i32
    %dma_start3A_314 = tpu.memref_slice %arg8[%dma_start3A_312, %dma_start3A_313] : memref<256x128xf32, #tpu.memory_space<vmem>> -> memref<16x128xf32, #tpu.memory_space<vmem>>
    %dma_start3A_315 = arith.constant 0 : i32
    %dma_start3A_316 = tpu.memref_slice %arg5[%add3A_311, %dma_start3A_315] : memref<8192x128xf32, #tpu.memory_space<hbm>> -> memref<16x128xf32, #tpu.memory_space<hbm>>
    %dma_start3A_317 = arith.constant 0 : i32
    %dma_start3A_318 = tpu.memref_slice %arg5[%add3A_311, %dma_start3A_317] : memref<8192x128xf32, #tpu.memory_space<hbm>> -> memref<16x128xf32, #tpu.memory_space<hbm>>
    %dma_start3A_319 = arith.constant 48 : i32
    %dma_start3A_320 = arith.constant 0 : i32
    %dma_start3A_321 = tpu.memref_slice %arg8[%dma_start3A_319, %dma_start3A_320] : memref<256x128xf32, #tpu.memory_space<vmem>> -> memref<16x128xf32, #tpu.memory_space<vmem>>
    tpu.enqueue_dma source(%dma_start3A_321 : memref<16x128xf32, #tpu.memory_space<vmem>>) target(%dma_start3A_318 : memref<16x128xf32, #tpu.memory_space<hbm>>) target_semaphore(%arg11 : memref<!tpu.dma_semaphore, #tpu.memory_space<semaphore_mem>>)
    %mul3A_322 = arith.constant 64 : i32
    %mul3A_323 = arith.muli %add3A, %mul3A_322 : i32
    %add3A_324 = arith.constant 2048 : i32
    %add3A_325 = arith.addi %add3A_324, %mul3A_323 : i32
    %add3A_326 = arith.constant 48 : i32
    %add3A_327 = arith.addi %add3A_325, %add3A_326 : i32
    %dma_start3A_328 = arith.constant 112 : i32
    %dma_start3A_329 = arith.constant 0 : i32
    %dma_start3A_330 = tpu.memref_slice %arg8[%dma_start3A_328, %dma_start3A_329] : memref<256x128xf32, #tpu.memory_space<vmem>> -> memref<16x128xf32, #tpu.memory_space<vmem>>
    %dma_start3A_331 = arith.constant 0 : i32
    %dma_start3A_332 = tpu.memref_slice %arg5[%add3A_327, %dma_start3A_331] : memref<8192x128xf32, #tpu.memory_space<hbm>> -> memref<16x128xf32, #tpu.memory_space<hbm>>
    %dma_start3A_333 = arith.constant 0 : i32
    %dma_start3A_334 = tpu.memref_slice %arg5[%add3A_327, %dma_start3A_333] : memref<8192x128xf32, #tpu.memory_space<hbm>> -> memref<16x128xf32, #tpu.memory_space<hbm>>
    %dma_start3A_335 = arith.constant 112 : i32
    %dma_start3A_336 = arith.constant 0 : i32
    %dma_start3A_337 = tpu.memref_slice %arg8[%dma_start3A_335, %dma_start3A_336] : memref<256x128xf32, #tpu.memory_space<vmem>> -> memref<16x128xf32, #tpu.memory_space<vmem>>
    tpu.enqueue_dma source(%dma_start3A_337 : memref<16x128xf32, #tpu.memory_space<vmem>>) target(%dma_start3A_334 : memref<16x128xf32, #tpu.memory_space<hbm>>) target_semaphore(%arg11 : memref<!tpu.dma_semaphore, #tpu.memory_space<semaphore_mem>>)
    %mul3A_338 = arith.constant 64 : i32
    %mul3A_339 = arith.muli %add3A, %mul3A_338 : i32
    %add3A_340 = arith.constant 4096 : i32
    %add3A_341 = arith.addi %add3A_340, %mul3A_339 : i32
    %add3A_342 = arith.constant 48 : i32
    %add3A_343 = arith.addi %add3A_341, %add3A_342 : i32
    %dma_start3A_344 = arith.constant 176 : i32
    %dma_start3A_345 = arith.constant 0 : i32
    %dma_start3A_346 = tpu.memref_slice %arg8[%dma_start3A_344, %dma_start3A_345] : memref<256x128xf32, #tpu.memory_space<vmem>> -> memref<16x128xf32, #tpu.memory_space<vmem>>
    %dma_start3A_347 = arith.constant 0 : i32
    %dma_start3A_348 = tpu.memref_slice %arg5[%add3A_343, %dma_start3A_347] : memref<8192x128xf32, #tpu.memory_space<hbm>> -> memref<16x128xf32, #tpu.memory_space<hbm>>
    %dma_start3A_349 = arith.constant 0 : i32
    %dma_start3A_350 = tpu.memref_slice %arg5[%add3A_343, %dma_start3A_349] : memref<8192x128xf32, #tpu.memory_space<hbm>> -> memref<16x128xf32, #tpu.memory_space<hbm>>
    %dma_start3A_351 = arith.constant 176 : i32
    %dma_start3A_352 = arith.constant 0 : i32
    %dma_start3A_353 = tpu.memref_slice %arg8[%dma_start3A_351, %dma_start3A_352] : memref<256x128xf32, #tpu.memory_space<vmem>> -> memref<16x128xf32, #tpu.memory_space<vmem>>
    tpu.enqueue_dma source(%dma_start3A_353 : memref<16x128xf32, #tpu.memory_space<vmem>>) target(%dma_start3A_350 : memref<16x128xf32, #tpu.memory_space<hbm>>) target_semaphore(%arg11 : memref<!tpu.dma_semaphore, #tpu.memory_space<semaphore_mem>>)
    %mul3A_354 = arith.constant 64 : i32
    %mul3A_355 = arith.muli %add3A, %mul3A_354 : i32
    %add3A_356 = arith.constant 6144 : i32
    %add3A_357 = arith.addi %add3A_356, %mul3A_355 : i32
    %add3A_358 = arith.constant 48 : i32
    %add3A_359 = arith.addi %add3A_357, %add3A_358 : i32
    %dma_start3A_360 = arith.constant 240 : i32
    %dma_start3A_361 = arith.constant 0 : i32
    %dma_start3A_362 = tpu.memref_slice %arg8[%dma_start3A_360, %dma_start3A_361] : memref<256x128xf32, #tpu.memory_space<vmem>> -> memref<16x128xf32, #tpu.memory_space<vmem>>
    %dma_start3A_363 = arith.constant 0 : i32
    %dma_start3A_364 = tpu.memref_slice %arg5[%add3A_359, %dma_start3A_363] : memref<8192x128xf32, #tpu.memory_space<hbm>> -> memref<16x128xf32, #tpu.memory_space<hbm>>
    %dma_start3A_365 = arith.constant 0 : i32
    %dma_start3A_366 = tpu.memref_slice %arg5[%add3A_359, %dma_start3A_365] : memref<8192x128xf32, #tpu.memory_space<hbm>> -> memref<16x128xf32, #tpu.memory_space<hbm>>
    %dma_start3A_367 = arith.constant 240 : i32
    %dma_start3A_368 = arith.constant 0 : i32
    %dma_start3A_369 = tpu.memref_slice %arg8[%dma_start3A_367, %dma_start3A_368] : memref<256x128xf32, #tpu.memory_space<vmem>> -> memref<16x128xf32, #tpu.memory_space<vmem>>
    tpu.enqueue_dma source(%dma_start3A_369 : memref<16x128xf32, #tpu.memory_space<vmem>>) target(%dma_start3A_366 : memref<16x128xf32, #tpu.memory_space<hbm>>) target_semaphore(%arg11 : memref<!tpu.dma_semaphore, #tpu.memory_space<semaphore_mem>>)
    %dma_wait3A_370 = arith.constant 0 : i32
    %dma_wait3A_371 = arith.constant 0 : i32
    %dma_wait3A_372 = tpu.memref_slice %arg8[%dma_wait3A_370, %dma_wait3A_371] : memref<256x128xf32, #tpu.memory_space<vmem>> -> memref<16x128xf32, #tpu.memory_space<vmem>>
    %dma_wait3A_373 = arith.constant 0 : i32
    %dma_wait3A_374 = tpu.memref_slice %arg5[%add3A_71, %dma_wait3A_373] : memref<8192x128xf32, #tpu.memory_space<hbm>> -> memref<16x128xf32, #tpu.memory_space<hbm>>
    %dma_wait3A_375 = arith.constant 0 : i32
    %dma_wait3A_376 = tpu.memref_slice %arg5[%add3A_71, %dma_wait3A_375] : memref<8192x128xf32, #tpu.memory_space<hbm>> -> memref<16x128xf32, #tpu.memory_space<hbm>>
    %dma_wait3A_377 = arith.constant 0 : i32
    %dma_wait3A_378 = arith.constant 0 : i32
    %dma_wait3A_379 = tpu.memref_slice %arg8[%dma_wait3A_377, %dma_wait3A_378] : memref<256x128xf32, #tpu.memory_space<vmem>> -> memref<16x128xf32, #tpu.memory_space<vmem>>
    tpu.wait_dma2 semaphore(%arg11 : memref<!tpu.dma_semaphore, #tpu.memory_space<semaphore_mem>>) src(%dma_wait3A_379 : memref<16x128xf32, #tpu.memory_space<vmem>>) dst(%dma_wait3A_376 : memref<16x128xf32, #tpu.memory_space<hbm>>)
    %dma_wait3A_380 = arith.constant 64 : i32
    %dma_wait3A_381 = arith.constant 0 : i32
    %dma_wait3A_382 = tpu.memref_slice %arg8[%dma_wait3A_380, %dma_wait3A_381] : memref<256x128xf32, #tpu.memory_space<vmem>> -> memref<16x128xf32, #tpu.memory_space<vmem>>
    %dma_wait3A_383 = arith.constant 0 : i32
    %dma_wait3A_384 = tpu.memref_slice %arg5[%add3A_87, %dma_wait3A_383] : memref<8192x128xf32, #tpu.memory_space<hbm>> -> memref<16x128xf32, #tpu.memory_space<hbm>>
    %dma_wait3A_385 = arith.constant 0 : i32
    %dma_wait3A_386 = tpu.memref_slice %arg5[%add3A_87, %dma_wait3A_385] : memref<8192x128xf32, #tpu.memory_space<hbm>> -> memref<16x128xf32, #tpu.memory_space<hbm>>
    %dma_wait3A_387 = arith.constant 64 : i32
    %dma_wait3A_388 = arith.constant 0 : i32
    %dma_wait3A_389 = tpu.memref_slice %arg8[%dma_wait3A_387, %dma_wait3A_388] : memref<256x128xf32, #tpu.memory_space<vmem>> -> memref<16x128xf32, #tpu.memory_space<vmem>>
    tpu.wait_dma2 semaphore(%arg11 : memref<!tpu.dma_semaphore, #tpu.memory_space<semaphore_mem>>) src(%dma_wait3A_389 : memref<16x128xf32, #tpu.memory_space<vmem>>) dst(%dma_wait3A_386 : memref<16x128xf32, #tpu.memory_space<hbm>>)
    %dma_wait3A_390 = arith.constant 128 : i32
    %dma_wait3A_391 = arith.constant 0 : i32
    %dma_wait3A_392 = tpu.memref_slice %arg8[%dma_wait3A_390, %dma_wait3A_391] : memref<256x128xf32, #tpu.memory_space<vmem>> -> memref<16x128xf32, #tpu.memory_space<vmem>>
    %dma_wait3A_393 = arith.constant 0 : i32
    %dma_wait3A_394 = tpu.memref_slice %arg5[%add3A_103, %dma_wait3A_393] : memref<8192x128xf32, #tpu.memory_space<hbm>> -> memref<16x128xf32, #tpu.memory_space<hbm>>
    %dma_wait3A_395 = arith.constant 0 : i32
    %dma_wait3A_396 = tpu.memref_slice %arg5[%add3A_103, %dma_wait3A_395] : memref<8192x128xf32, #tpu.memory_space<hbm>> -> memref<16x128xf32, #tpu.memory_space<hbm>>
    %dma_wait3A_397 = arith.constant 128 : i32
    %dma_wait3A_398 = arith.constant 0 : i32
    %dma_wait3A_399 = tpu.memref_slice %arg8[%dma_wait3A_397, %dma_wait3A_398] : memref<256x128xf32, #tpu.memory_space<vmem>> -> memref<16x128xf32, #tpu.memory_space<vmem>>
    tpu.wait_dma2 semaphore(%arg11 : memref<!tpu.dma_semaphore, #tpu.memory_space<semaphore_mem>>) src(%dma_wait3A_399 : memref<16x128xf32, #tpu.memory_space<vmem>>) dst(%dma_wait3A_396 : memref<16x128xf32, #tpu.memory_space<hbm>>)
    %dma_wait3A_400 = arith.constant 192 : i32
    %dma_wait3A_401 = arith.constant 0 : i32
    %dma_wait3A_402 = tpu.memref_slice %arg8[%dma_wait3A_400, %dma_wait3A_401] : memref<256x128xf32, #tpu.memory_space<vmem>> -> memref<16x128xf32, #tpu.memory_space<vmem>>
    %dma_wait3A_403 = arith.constant 0 : i32
    %dma_wait3A_404 = tpu.memref_slice %arg5[%add3A_119, %dma_wait3A_403] : memref<8192x128xf32, #tpu.memory_space<hbm>> -> memref<16x128xf32, #tpu.memory_space<hbm>>
    %dma_wait3A_405 = arith.constant 0 : i32
    %dma_wait3A_406 = tpu.memref_slice %arg5[%add3A_119, %dma_wait3A_405] : memref<8192x128xf32, #tpu.memory_space<hbm>> -> memref<16x128xf32, #tpu.memory_space<hbm>>
    %dma_wait3A_407 = arith.constant 192 : i32
    %dma_wait3A_408 = arith.constant 0 : i32
    %dma_wait3A_409 = tpu.memref_slice %arg8[%dma_wait3A_407, %dma_wait3A_408] : memref<256x128xf32, #tpu.memory_space<vmem>> -> memref<16x128xf32, #tpu.memory_space<vmem>>
    tpu.wait_dma2 semaphore(%arg11 : memref<!tpu.dma_semaphore, #tpu.memory_space<semaphore_mem>>) src(%dma_wait3A_409 : memref<16x128xf32, #tpu.memory_space<vmem>>) dst(%dma_wait3A_406 : memref<16x128xf32, #tpu.memory_space<hbm>>)
    %dma_wait3A_410 = arith.constant 16 : i32
    %dma_wait3A_411 = arith.constant 0 : i32
    %dma_wait3A_412 = tpu.memref_slice %arg8[%dma_wait3A_410, %dma_wait3A_411] : memref<256x128xf32, #tpu.memory_space<vmem>> -> memref<16x128xf32, #tpu.memory_space<vmem>>
    %dma_wait3A_413 = arith.constant 0 : i32
    %dma_wait3A_414 = tpu.memref_slice %arg5[%add3A_151, %dma_wait3A_413] : memref<8192x128xf32, #tpu.memory_space<hbm>> -> memref<16x128xf32, #tpu.memory_space<hbm>>
    %dma_wait3A_415 = arith.constant 0 : i32
    %dma_wait3A_416 = tpu.memref_slice %arg5[%add3A_151, %dma_wait3A_415] : memref<8192x128xf32, #tpu.memory_space<hbm>> -> memref<16x128xf32, #tpu.memory_space<hbm>>
    %dma_wait3A_417 = arith.constant 16 : i32
    %dma_wait3A_418 = arith.constant 0 : i32
    %dma_wait3A_419 = tpu.memref_slice %arg8[%dma_wait3A_417, %dma_wait3A_418] : memref<256x128xf32, #tpu.memory_space<vmem>> -> memref<16x128xf32, #tpu.memory_space<vmem>>
    tpu.wait_dma2 semaphore(%arg11 : memref<!tpu.dma_semaphore, #tpu.memory_space<semaphore_mem>>) src(%dma_wait3A_419 : memref<16x128xf32, #tpu.memory_space<vmem>>) dst(%dma_wait3A_416 : memref<16x128xf32, #tpu.memory_space<hbm>>)
    %dma_wait3A_420 = arith.constant 80 : i32
    %dma_wait3A_421 = arith.constant 0 : i32
    %dma_wait3A_422 = tpu.memref_slice %arg8[%dma_wait3A_420, %dma_wait3A_421] : memref<256x128xf32, #tpu.memory_space<vmem>> -> memref<16x128xf32, #tpu.memory_space<vmem>>
    %dma_wait3A_423 = arith.constant 0 : i32
    %dma_wait3A_424 = tpu.memref_slice %arg5[%add3A_167, %dma_wait3A_423] : memref<8192x128xf32, #tpu.memory_space<hbm>> -> memref<16x128xf32, #tpu.memory_space<hbm>>
    %dma_wait3A_425 = arith.constant 0 : i32
    %dma_wait3A_426 = tpu.memref_slice %arg5[%add3A_167, %dma_wait3A_425] : memref<8192x128xf32, #tpu.memory_space<hbm>> -> memref<16x128xf32, #tpu.memory_space<hbm>>
    %dma_wait3A_427 = arith.constant 80 : i32
    %dma_wait3A_428 = arith.constant 0 : i32
    %dma_wait3A_429 = tpu.memref_slice %arg8[%dma_wait3A_427, %dma_wait3A_428] : memref<256x128xf32, #tpu.memory_space<vmem>> -> memref<16x128xf32, #tpu.memory_space<vmem>>
    tpu.wait_dma2 semaphore(%arg11 : memref<!tpu.dma_semaphore, #tpu.memory_space<semaphore_mem>>) src(%dma_wait3A_429 : memref<16x128xf32, #tpu.memory_space<vmem>>) dst(%dma_wait3A_426 : memref<16x128xf32, #tpu.memory_space<hbm>>)
    %dma_wait3A_430 = arith.constant 144 : i32
    %dma_wait3A_431 = arith.constant 0 : i32
    %dma_wait3A_432 = tpu.memref_slice %arg8[%dma_wait3A_430, %dma_wait3A_431] : memref<256x128xf32, #tpu.memory_space<vmem>> -> memref<16x128xf32, #tpu.memory_space<vmem>>
    %dma_wait3A_433 = arith.constant 0 : i32
    %dma_wait3A_434 = tpu.memref_slice %arg5[%add3A_183, %dma_wait3A_433] : memref<8192x128xf32, #tpu.memory_space<hbm>> -> memref<16x128xf32, #tpu.memory_space<hbm>>
    %dma_wait3A_435 = arith.constant 0 : i32
    %dma_wait3A_436 = tpu.memref_slice %arg5[%add3A_183, %dma_wait3A_435] : memref<8192x128xf32, #tpu.memory_space<hbm>> -> memref<16x128xf32, #tpu.memory_space<hbm>>
    %dma_wait3A_437 = arith.constant 144 : i32
    %dma_wait3A_438 = arith.constant 0 : i32
    %dma_wait3A_439 = tpu.memref_slice %arg8[%dma_wait3A_437, %dma_wait3A_438] : memref<256x128xf32, #tpu.memory_space<vmem>> -> memref<16x128xf32, #tpu.memory_space<vmem>>
    tpu.wait_dma2 semaphore(%arg11 : memref<!tpu.dma_semaphore, #tpu.memory_space<semaphore_mem>>) src(%dma_wait3A_439 : memref<16x128xf32, #tpu.memory_space<vmem>>) dst(%dma_wait3A_436 : memref<16x128xf32, #tpu.memory_space<hbm>>)
    %dma_wait3A_440 = arith.constant 208 : i32
    %dma_wait3A_441 = arith.constant 0 : i32
    %dma_wait3A_442 = tpu.memref_slice %arg8[%dma_wait3A_440, %dma_wait3A_441] : memref<256x128xf32, #tpu.memory_space<vmem>> -> memref<16x128xf32, #tpu.memory_space<vmem>>
    %dma_wait3A_443 = arith.constant 0 : i32
    %dma_wait3A_444 = tpu.memref_slice %arg5[%add3A_199, %dma_wait3A_443] : memref<8192x128xf32, #tpu.memory_space<hbm>> -> memref<16x128xf32, #tpu.memory_space<hbm>>
    %dma_wait3A_445 = arith.constant 0 : i32
    %dma_wait3A_446 = tpu.memref_slice %arg5[%add3A_199, %dma_wait3A_445] : memref<8192x128xf32, #tpu.memory_space<hbm>> -> memref<16x128xf32, #tpu.memory_space<hbm>>
    %dma_wait3A_447 = arith.constant 208 : i32
    %dma_wait3A_448 = arith.constant 0 : i32
    %dma_wait3A_449 = tpu.memref_slice %arg8[%dma_wait3A_447, %dma_wait3A_448] : memref<256x128xf32, #tpu.memory_space<vmem>> -> memref<16x128xf32, #tpu.memory_space<vmem>>
    tpu.wait_dma2 semaphore(%arg11 : memref<!tpu.dma_semaphore, #tpu.memory_space<semaphore_mem>>) src(%dma_wait3A_449 : memref<16x128xf32, #tpu.memory_space<vmem>>) dst(%dma_wait3A_446 : memref<16x128xf32, #tpu.memory_space<hbm>>)
    %dma_wait3A_450 = arith.constant 32 : i32
    %dma_wait3A_451 = arith.constant 0 : i32
    %dma_wait3A_452 = tpu.memref_slice %arg8[%dma_wait3A_450, %dma_wait3A_451] : memref<256x128xf32, #tpu.memory_space<vmem>> -> memref<16x128xf32, #tpu.memory_space<vmem>>
    %dma_wait3A_453 = arith.constant 0 : i32
    %dma_wait3A_454 = tpu.memref_slice %arg5[%add3A_231, %dma_wait3A_453] : memref<8192x128xf32, #tpu.memory_space<hbm>> -> memref<16x128xf32, #tpu.memory_space<hbm>>
    %dma_wait3A_455 = arith.constant 0 : i32
    %dma_wait3A_456 = tpu.memref_slice %arg5[%add3A_231, %dma_wait3A_455] : memref<8192x128xf32, #tpu.memory_space<hbm>> -> memref<16x128xf32, #tpu.memory_space<hbm>>
    %dma_wait3A_457 = arith.constant 32 : i32
    %dma_wait3A_458 = arith.constant 0 : i32
    %dma_wait3A_459 = tpu.memref_slice %arg8[%dma_wait3A_457, %dma_wait3A_458] : memref<256x128xf32, #tpu.memory_space<vmem>> -> memref<16x128xf32, #tpu.memory_space<vmem>>
    tpu.wait_dma2 semaphore(%arg11 : memref<!tpu.dma_semaphore, #tpu.memory_space<semaphore_mem>>) src(%dma_wait3A_459 : memref<16x128xf32, #tpu.memory_space<vmem>>) dst(%dma_wait3A_456 : memref<16x128xf32, #tpu.memory_space<hbm>>)
    %dma_wait3A_460 = arith.constant 96 : i32
    %dma_wait3A_461 = arith.constant 0 : i32
    %dma_wait3A_462 = tpu.memref_slice %arg8[%dma_wait3A_460, %dma_wait3A_461] : memref<256x128xf32, #tpu.memory_space<vmem>> -> memref<16x128xf32, #tpu.memory_space<vmem>>
    %dma_wait3A_463 = arith.constant 0 : i32
    %dma_wait3A_464 = tpu.memref_slice %arg5[%add3A_247, %dma_wait3A_463] : memref<8192x128xf32, #tpu.memory_space<hbm>> -> memref<16x128xf32, #tpu.memory_space<hbm>>
    %dma_wait3A_465 = arith.constant 0 : i32
    %dma_wait3A_466 = tpu.memref_slice %arg5[%add3A_247, %dma_wait3A_465] : memref<8192x128xf32, #tpu.memory_space<hbm>> -> memref<16x128xf32, #tpu.memory_space<hbm>>
    %dma_wait3A_467 = arith.constant 96 : i32
    %dma_wait3A_468 = arith.constant 0 : i32
    %dma_wait3A_469 = tpu.memref_slice %arg8[%dma_wait3A_467, %dma_wait3A_468] : memref<256x128xf32, #tpu.memory_space<vmem>> -> memref<16x128xf32, #tpu.memory_space<vmem>>
    tpu.wait_dma2 semaphore(%arg11 : memref<!tpu.dma_semaphore, #tpu.memory_space<semaphore_mem>>) src(%dma_wait3A_469 : memref<16x128xf32, #tpu.memory_space<vmem>>) dst(%dma_wait3A_466 : memref<16x128xf32, #tpu.memory_space<hbm>>)
    %dma_wait3A_470 = arith.constant 160 : i32
    %dma_wait3A_471 = arith.constant 0 : i32
    %dma_wait3A_472 = tpu.memref_slice %arg8[%dma_wait3A_470, %dma_wait3A_471] : memref<256x128xf32, #tpu.memory_space<vmem>> -> memref<16x128xf32, #tpu.memory_space<vmem>>
    %dma_wait3A_473 = arith.constant 0 : i32
    %dma_wait3A_474 = tpu.memref_slice %arg5[%add3A_263, %dma_wait3A_473] : memref<8192x128xf32, #tpu.memory_space<hbm>> -> memref<16x128xf32, #tpu.memory_space<hbm>>
    %dma_wait3A_475 = arith.constant 0 : i32
    %dma_wait3A_476 = tpu.memref_slice %arg5[%add3A_263, %dma_wait3A_475] : memref<8192x128xf32, #tpu.memory_space<hbm>> -> memref<16x128xf32, #tpu.memory_space<hbm>>
    %dma_wait3A_477 = arith.constant 160 : i32
    %dma_wait3A_478 = arith.constant 0 : i32
    %dma_wait3A_479 = tpu.memref_slice %arg8[%dma_wait3A_477, %dma_wait3A_478] : memref<256x128xf32, #tpu.memory_space<vmem>> -> memref<16x128xf32, #tpu.memory_space<vmem>>
    tpu.wait_dma2 semaphore(%arg11 : memref<!tpu.dma_semaphore, #tpu.memory_space<semaphore_mem>>) src(%dma_wait3A_479 : memref<16x128xf32, #tpu.memory_space<vmem>>) dst(%dma_wait3A_476 : memref<16x128xf32, #tpu.memory_space<hbm>>)
    %dma_wait3A_480 = arith.constant 224 : i32
    %dma_wait3A_481 = arith.constant 0 : i32
    %dma_wait3A_482 = tpu.memref_slice %arg8[%dma_wait3A_480, %dma_wait3A_481] : memref<256x128xf32, #tpu.memory_space<vmem>> -> memref<16x128xf32, #tpu.memory_space<vmem>>
    %dma_wait3A_483 = arith.constant 0 : i32
    %dma_wait3A_484 = tpu.memref_slice %arg5[%add3A_279, %dma_wait3A_483] : memref<8192x128xf32, #tpu.memory_space<hbm>> -> memref<16x128xf32, #tpu.memory_space<hbm>>
    %dma_wait3A_485 = arith.constant 0 : i32
    %dma_wait3A_486 = tpu.memref_slice %arg5[%add3A_279, %dma_wait3A_485] : memref<8192x128xf32, #tpu.memory_space<hbm>> -> memref<16x128xf32, #tpu.memory_space<hbm>>
    %dma_wait3A_487 = arith.constant 224 : i32
    %dma_wait3A_488 = arith.constant 0 : i32
    %dma_wait3A_489 = tpu.memref_slice %arg8[%dma_wait3A_487, %dma_wait3A_488] : memref<256x128xf32, #tpu.memory_space<vmem>> -> memref<16x128xf32, #tpu.memory_space<vmem>>
    tpu.wait_dma2 semaphore(%arg11 : memref<!tpu.dma_semaphore, #tpu.memory_space<semaphore_mem>>) src(%dma_wait3A_489 : memref<16x128xf32, #tpu.memory_space<vmem>>) dst(%dma_wait3A_486 : memref<16x128xf32, #tpu.memory_space<hbm>>)
    %dma_wait3A_490 = arith.constant 48 : i32
    %dma_wait3A_491 = arith.constant 0 : i32
    %dma_wait3A_492 = tpu.memref_slice %arg8[%dma_wait3A_490, %dma_wait3A_491] : memref<256x128xf32, #tpu.memory_space<vmem>> -> memref<16x128xf32, #tpu.memory_space<vmem>>
    %dma_wait3A_493 = arith.constant 0 : i32
    %dma_wait3A_494 = tpu.memref_slice %arg5[%add3A_311, %dma_wait3A_493] : memref<8192x128xf32, #tpu.memory_space<hbm>> -> memref<16x128xf32, #tpu.memory_space<hbm>>
    %dma_wait3A_495 = arith.constant 0 : i32
    %dma_wait3A_496 = tpu.memref_slice %arg5[%add3A_311, %dma_wait3A_495] : memref<8192x128xf32, #tpu.memory_space<hbm>> -> memref<16x128xf32, #tpu.memory_space<hbm>>
    %dma_wait3A_497 = arith.constant 48 : i32
    %dma_wait3A_498 = arith.constant 0 : i32
    %dma_wait3A_499 = tpu.memref_slice %arg8[%dma_wait3A_497, %dma_wait3A_498] : memref<256x128xf32, #tpu.memory_space<vmem>> -> memref<16x128xf32, #tpu.memory_space<vmem>>
    tpu.wait_dma2 semaphore(%arg11 : memref<!tpu.dma_semaphore, #tpu.memory_space<semaphore_mem>>) src(%dma_wait3A_499 : memref<16x128xf32, #tpu.memory_space<vmem>>) dst(%dma_wait3A_496 : memref<16x128xf32, #tpu.memory_space<hbm>>)
    %dma_wait3A_500 = arith.constant 112 : i32
    %dma_wait3A_501 = arith.constant 0 : i32
    %dma_wait3A_502 = tpu.memref_slice %arg8[%dma_wait3A_500, %dma_wait3A_501] : memref<256x128xf32, #tpu.memory_space<vmem>> -> memref<16x128xf32, #tpu.memory_space<vmem>>
    %dma_wait3A_503 = arith.constant 0 : i32
    %dma_wait3A_504 = tpu.memref_slice %arg5[%add3A_327, %dma_wait3A_503] : memref<8192x128xf32, #tpu.memory_space<hbm>> -> memref<16x128xf32, #tpu.memory_space<hbm>>
    %dma_wait3A_505 = arith.constant 0 : i32
    %dma_wait3A_506 = tpu.memref_slice %arg5[%add3A_327, %dma_wait3A_505] : memref<8192x128xf32, #tpu.memory_space<hbm>> -> memref<16x128xf32, #tpu.memory_space<hbm>>
    %dma_wait3A_507 = arith.constant 112 : i32
    %dma_wait3A_508 = arith.constant 0 : i32
    %dma_wait3A_509 = tpu.memref_slice %arg8[%dma_wait3A_507, %dma_wait3A_508] : memref<256x128xf32, #tpu.memory_space<vmem>> -> memref<16x128xf32, #tpu.memory_space<vmem>>
    tpu.wait_dma2 semaphore(%arg11 : memref<!tpu.dma_semaphore, #tpu.memory_space<semaphore_mem>>) src(%dma_wait3A_509 : memref<16x128xf32, #tpu.memory_space<vmem>>) dst(%dma_wait3A_506 : memref<16x128xf32, #tpu.memory_space<hbm>>)
    %dma_wait3A_510 = arith.constant 176 : i32
    %dma_wait3A_511 = arith.constant 0 : i32
    %dma_wait3A_512 = tpu.memref_slice %arg8[%dma_wait3A_510, %dma_wait3A_511] : memref<256x128xf32, #tpu.memory_space<vmem>> -> memref<16x128xf32, #tpu.memory_space<vmem>>
    %dma_wait3A_513 = arith.constant 0 : i32
    %dma_wait3A_514 = tpu.memref_slice %arg5[%add3A_343, %dma_wait3A_513] : memref<8192x128xf32, #tpu.memory_space<hbm>> -> memref<16x128xf32, #tpu.memory_space<hbm>>
    %dma_wait3A_515 = arith.constant 0 : i32
    %dma_wait3A_516 = tpu.memref_slice %arg5[%add3A_343, %dma_wait3A_515] : memref<8192x128xf32, #tpu.memory_space<hbm>> -> memref<16x128xf32, #tpu.memory_space<hbm>>
    %dma_wait3A_517 = arith.constant 176 : i32
    %dma_wait3A_518 = arith.constant 0 : i32
    %dma_wait3A_519 = tpu.memref_slice %arg8[%dma_wait3A_517, %dma_wait3A_518] : memref<256x128xf32, #tpu.memory_space<vmem>> -> memref<16x128xf32, #tpu.memory_space<vmem>>
    tpu.wait_dma2 semaphore(%arg11 : memref<!tpu.dma_semaphore, #tpu.memory_space<semaphore_mem>>) src(%dma_wait3A_519 : memref<16x128xf32, #tpu.memory_space<vmem>>) dst(%dma_wait3A_516 : memref<16x128xf32, #tpu.memory_space<hbm>>)
    %dma_wait3A_520 = arith.constant 240 : i32
    %dma_wait3A_521 = arith.constant 0 : i32
    %dma_wait3A_522 = tpu.memref_slice %arg8[%dma_wait3A_520, %dma_wait3A_521] : memref<256x128xf32, #tpu.memory_space<vmem>> -> memref<16x128xf32, #tpu.memory_space<vmem>>
    %dma_wait3A_523 = arith.constant 0 : i32
    %dma_wait3A_524 = tpu.memref_slice %arg5[%add3A_359, %dma_wait3A_523] : memref<8192x128xf32, #tpu.memory_space<hbm>> -> memref<16x128xf32, #tpu.memory_space<hbm>>
    %dma_wait3A_525 = arith.constant 0 : i32
    %dma_wait3A_526 = tpu.memref_slice %arg5[%add3A_359, %dma_wait3A_525] : memref<8192x128xf32, #tpu.memory_space<hbm>> -> memref<16x128xf32, #tpu.memory_space<hbm>>
    %dma_wait3A_527 = arith.constant 240 : i32
    %dma_wait3A_528 = arith.constant 0 : i32
    %dma_wait3A_529 = tpu.memref_slice %arg8[%dma_wait3A_527, %dma_wait3A_528] : memref<256x128xf32, #tpu.memory_space<vmem>> -> memref<16x128xf32, #tpu.memory_space<vmem>>
    tpu.wait_dma2 semaphore(%arg11 : memref<!tpu.dma_semaphore, #tpu.memory_space<semaphore_mem>>) src(%dma_wait3A_529 : memref<16x128xf32, #tpu.memory_space<vmem>>) dst(%dma_wait3A_526 : memref<16x128xf32, #tpu.memory_space<hbm>>)
    return
  }
}

</mosaic_0001>

<sc_bundles>
// kernel: kernel.3.cloned.1.call-start
scs
__scs_entry_jumppad:
0x0: {  	(pc) =	sbr.rel $0x88, $3  }
0x1: {  	(tag) =	ssettag $0x0;
	lr =	simm.s32 $0x1  }
0x2: {  	[smem:$0x3F9F] =	sst lr;
	_ =	strace $0xD0000000  }
0x3: {  	_ = 	snop  }
0x4: {  	_ = 	snop  }
0x5: {  	_ = 	snop  }
0x6: {  	_ = 	snop  }
0x7: {  	_ = 	snop  }
__scs_overlays_trampoline_lowered:
0x8: {  	[smem:$0x3FAE] =	sst s0  }
0x9: {  	[smem:$0x3FAF] =	sst s1  }
0xa: {  	[smem:$0x3FB0] =	sst s2  }
0xb: {  	[smem:$0x3FB1] =	sst s3  }
0xc: {  	[smem:$0x3FB2] =	sst s4  }
0xd: {  	[smem:$0x3FB3] =	sst s5  }
0xe: {  	[smem:$0x3FB4] =	sst s6  }
0xf: {  	[smem:$0x3FB5] =	sst s7  }
0x10: {  	[smem:$0x3FB6] =	sst s8  }
0x11: {  	[smem:$0x3FB7] =	sst s9;
	s0 =	simm.s32 @!p0 $0x0  }
0x12: {  	s1 =	sld [smem:$0x3F9D];
	s0 =	simm.s32 @p0 $0x1  }
0x13: {  	[smem:$0x3FB8] =	sst s0;
	s0 =	simm.s32 @!p1 $0x0  }
0x14: {  	s2 =	sld [smem:$0x3F9C];
	s0 =	simm.s32 @p1 $0x1  }
0x15: {  	[smem:$0x3FB9] =	sst s0;
	s0 =	simm.s32 @!p2 $0x0  }
0x16: {  	s3 =	sld [smem:$0x3FDB];
	s0 =	simm.s32 @p2 $0x1  }
0x17: {  	s4 =	simm.s32 $0x1BF5;
	[smem:$0x3FBB] =	sst s0  }
0x18: {  	s0 =	sld [smem:$0x3F9E];
	_ =	swait.ge [sflag:s4], $0x0  }
0x19: {  	s7 =	sld [smem:$0x3F9F]  }
0x1a: {  	s8 =	sadd.s32 $0xFFFFE003, lr  }
0x1b: {  	s9 =	sadd.s32 $0xFFFFFEF7, lr;
	s5 =	simm.s32 $0xFFFFFFFF;
	p2 =	slt.u32 s8, $0xFFFFF086  }
0x1c: {  	p1 =	slt.u32 s9, $0xF7A;
	s5 =	simm.s32 @!p2 $0x0  }
0x1d: {  	s5 =	simm.s32 @p1 $0x1;
	p0 =	seq.s32 s7, s2  }
0x1e: {  	s7 =	smul.u32 @!p0 $0xF7A, s2;
	p2 =	seq.s32 @!p0 s5, $0x0  }
0x1f: {  	s9 =	smul.u32 $0xF7A, s1;
	s8 =	simm.s32 @!p0 $0x1BF5;
	p2 =	por !p2, p0  }
0x20: {  	[sflag:s8] =	ssyncset.s32 @!p0 $0xFFFFF086;
	s6 =	sadd.s32 @!p0 s3, s7;
	s7 =	simm.s32 @!p0 $0x108  }
0x21: {  	s3 =	sadd.s32 s3, s9;
	s6 =	sadd.s32 @!p0 $0x88, s6;
	s7 =	simm.s32 @p2 $0x1082  }
0x22: {  	[simem:s7], [sflag:s8] =	dma.local @!p0 [hbm:s6], $0xF7A  }
0x23: {  	s9 =	sor.u32 $0xD0000000, s2;
	s6 =	simm.s32 $0x108;
	_ =	swait.ge @!p0 [sflag:s8], $0x0  }
0x24: {  	s3 =	sadd.s32 $0x88, s3;
	s6 =	simm.s32 @!p1 $0x1082;
	[sflag:s4] =	ssyncset.s32 $0xFFFFF086  }
0x25: {  	[simem:s6], [sflag:s4] =	dma.local [hbm:s3], $0xF7A  }
0x26: {  	[smem:$0x3F9F] =	sst s1;
	(tag) =	ssettag s2;
	_ =	strace s9  }
0x27: {  	s1 =	sld [smem:$0x3FAF]  }
0x28: {  	s2 =	sld [smem:$0x3FB0]  }
0x29: {  	s4 =	sld [smem:$0x3FB2]  }
0x2a: {  	p0 =	seq.s32 s5, $0x0;
	s5 =	sld [smem:$0x3FB3]  }
0x2b: {  	s6 =	sld [smem:$0x3FB4]  }
0x2c: {  	s7 =	sld [smem:$0x3FB5]  }
0x2d: {  	s3 =	simm.s32 $0x108;
	s8 =	sld [smem:$0x3FB6]  }
0x2e: {  	s3 =	simm.s32 @!p0 $0x1082;
	s9 =	sld [smem:$0x3FB7]  }
0x2f: {  	lr =	sadd.s32 s0, s3;
	s0 =	sld [smem:$0x3FAE]  }
0x30: {  	s3 =	sld [smem:$0x3FB1]  }
0x31: {  	[smem:$0x3FBA] =	sst s10  }
0x32: {  	s10 =	sld [smem:$0x3FB8];
	_ =	sdelay $0x3  }
0x33: {  	p0 =	seq.s32 s10, $0x1;
	s10 =	sld [smem:$0x3FBA];
	_ =	sdelay $0x3  }
0x34: {  	[smem:$0x3FBA] =	sst s10  }
0x35: {  	s10 =	sld [smem:$0x3FB9];
	_ =	sdelay $0x3  }
0x36: {  	p1 =	seq.s32 s10, $0x1;
	s10 =	sld [smem:$0x3FBA];
	_ =	sdelay $0x3  }
0x37: {  	[smem:$0x3FBA] =	sst s10  }
0x38: {  	s10 =	sld [smem:$0x3FBB]  }
0x39: {  	_ = 	snop;
	(pc) =	sbr.ind lr, $3  }
0x3a: {  	_ = 	snop  }
0x3b: {  	_ = 	snop  }
0x3c: {  	p2 =	seq.s32 s10, $0x1;
	s10 =	sld [smem:$0x3FBA]  }
0x3d: {  	_ =	shalt  }
0x3e: {  	_ =	shalt  }
0x3f: {  	_ =	shalt  }
0x40: {  	_ =	shalt  }
0x41: {  	_ =	shalt  }
0x42: {  	_ =	shalt  }
0x43: {  	_ =	shalt  }
0x44: {  	_ =	shalt  }
0x45: {  	_ =	shalt  }
0x46: {  	_ =	shalt  }
0x47: {  	_ =	shalt  }
0x48: {  	_ =	shalt  }
0x49: {  	_ =	shalt  }
0x4a: {  	_ =	shalt  }
0x4b: {  	_ =	shalt  }
0x4c: {  	_ =	shalt  }
0x4d: {  	_ =	shalt  }
0x4e: {  	_ =	shalt  }
0x4f: {  	_ =	shalt  }
0x50: {  	_ =	shalt  }
0x51: {  	_ =	shalt  }
0x52: {  	_ =	shalt  }
0x53: {  	_ =	shalt  }
0x54: {  	_ =	shalt  }
0x55: {  	_ =	shalt  }
0x56: {  	_ =	shalt  }
0x57: {  	_ =	shalt  }
0x58: {  	_ =	shalt  }
0x59: {  	_ =	shalt  }
0x5a: {  	_ =	shalt  }
0x5b: {  	_ =	shalt  }
0x5c: {  	_ =	shalt  }
0x5d: {  	_ =	shalt  }
0x5e: {  	_ =	shalt  }
0x5f: {  	_ =	shalt  }
0x60: {  	_ =	shalt  }
0x61: {  	_ =	shalt  }
0x62: {  	_ =	shalt  }
0x63: {  	_ =	shalt  }
0x64: {  	_ =	shalt  }
0x65: {  	_ =	shalt  }
0x66: {  	_ =	shalt  }
0x67: {  	_ =	shalt  }
0x68: {  	_ =	shalt  }
0x69: {  	_ =	shalt  }
0x6a: {  	_ =	shalt  }
0x6b: {  	_ =	shalt  }
0x6c: {  	_ =	shalt  }
0x6d: {  	_ =	shalt  }
0x6e: {  	_ =	shalt  }
0x6f: {  	_ =	shalt  }
0x70: {  	_ =	shalt  }
0x71: {  	_ =	shalt  }
0x72: {  	_ =	shalt  }
0x73: {  	_ =	shalt  }
0x74: {  	_ =	shalt  }
0x75: {  	_ =	shalt  }
0x76: {  	_ =	shalt  }
0x77: {  	_ =	shalt  }
0x78: {  	_ =	shalt  }
0x79: {  	_ =	shalt  }
0x7a: {  	_ =	shalt  }
0x7b: {  	_ =	shalt  }
0x7c: {  	_ =	shalt  }
0x7d: {  	_ =	shalt  }
0x7e: {  	_ =	shalt  }
0x7f: {  	_ =	shalt  }
0x80: {  	_ =	shalt  }
0x81: {  	_ =	shalt  }
0x82: {  	_ =	shalt  }
0x83: {  	_ =	shalt  }
0x84: {  	_ =	shalt  }
0x85: {  	_ =	shalt  }
0x86: {  	_ =	shalt  }
0x87: {  	_ =	shalt  }
.Lfunc_end0:
.L_simem_size_0:
called_computation_lowered:
.L_overlay_start_0:
0x88: {  	s2 =	sld [smem:$0x3FD9]  }
0x89: {  	s3 =	sld [smem:$0x3FFE];
	_ =	sdelay $0x1  }
0x8a: {  	s1 =	srdreg.scid  }
0x8b: {  	s0 =	sand.u32 $0x1, s1  }
0x8c: {  	s17 =	sshll.u32 s0, $0xA;
	s2 =	sadd.s32 s3, s2  }
0x8d: {  	s2 =	sadd.s32 s2, s17  }
0x8e: {  	[smem:$0x3FC6] =	sst s2  }
0x8f: {  	_ = 	snop  }
0x90: {  	s2 =	sld [smem:$0x3FC8]  }
0x91: {  	s18 =	sld [smem:$0x3FD0];
	(tm) =	ssettm $0x1  }
0x92: {  	s4 =	sld [smem:$0x3FFB];
	_ =	sdelay $0x3  }
0x93: {  	_ =	strace s4  }
0x94: {  	s4 =	sld [smem:$0x3FFC];
	_ =	sdelay $0x3  }
0x95: {  	_ =	strace s4  }
0x96: {  	s4 =	sld [smem:$0x3FFD];
	_ =	sdelay $0x3  }
0x97: {  	_ =	strace s4  }
0x98: {  	_ =	strace $0x8FFFFFFF  }
0x99: {  	s19 =	sld [smem:$0x3FDB];
	_ =	sdelay $0x1  }
0x9a: {  	s5 =	simm.s32 $_scs_section_size  }
0x9b: {  	s6 =	simm.s32 $_size__tile_overlayer_lowered;
	s7 =	simm.s32 $_tile_overlayer_lowered  }
0x9c: {  	s22 =	simm.s32 $0x1BFF;
	s21 =	sshll.u32 s7, $0x1;
	s4 =	sadd.s32 s5, s19  }
0x9d: {  	s8 =	simm.s32 $0x0;
	s20 =	sshll.u32 s6, $0x1;
	s6 =	sadd.s32 s21, s4  }
0x9e: {  	[timem:s8], [sflag:s22] =	dma.local [hbm:s6], s20  }
0x9f: {  	_ =	swait.ge [sflag:s22], s20  }
0xa0: {  	s5 =	ssub.s32 $0x0, s20;
	[sflag:s22] =	ssyncset.done $0x0  }
0xa1: {  	[sflag:s22] =	ssyncadd.s32 s5;
	_ =	sdelay $0x1  }
0xa2: {  	s23 =	simm.s32 $0x1B8B  }
0xa3: {  	_ =	swait.ge [sflag:s23], $0x1  }
0xa4: {  	[sflag:s23] =	ssyncset.done $0x0  }
0xa5: {  	s25 =	simm.s32 $0x1B8E;
	s24 =	sld [smem:$0x3FFE];
	[sflag:s23] =	ssyncadd.s32 $0xFFFFFFFF  }
0xa6: {  	s26 =	simm.s32 $execute0_lowered;
	[smem:$0x3FD2] =	sst s25  }
0xa7: {  	s6 =	sshll.u32 s26, $0x1;
	_ =	strace $0x80000046;
	[dreg:$0x1] =	wrdreg $0xFFFFFFFF  }
0xa8: {  	s28 =	simm.s32 $_size_execute0_lowered;
	s4 =	sadd.s32 s4, s6;
	[dreg:$0x0] =	wrdreg $0x0  }
0xa9: {  	s6 =	sshll.u32 s28, $0x1;
	[dreg:$0x2] =	wrdreg s4  }
0xaa: {  	[dreg:$0x3] =	wrdreg s6  }
0xab: {  	[dreg:$0x4] =	wrdreg $0xC0  }
0xac: {  	_ =	task [dreg:s8], $0x5FFFF  }
0xad: {  	[dreg:$0x1] =	wrdreg $0xFFFFFFFF  }
0xae: {  	[dreg:$0x0] =	wrdreg $0x60  }
0xaf: {  	[dreg:$0x2] =	wrdreg s24  }
0xb0: {  	[dreg:$0x3] =	wrdreg s2  }
0xb1: {  	[dreg:$0x4] =	wrdreg s18  }
0xb2: {  	[dreg:$0x5] =	wrdreg $0x9  }
0xb3: {  	_ =	task.clear_ibuf [dreg:s8], $0x6FFFF;
	_ =	strace $0x90000046  }
0xb4: {  	s29 =	simm.s32 $0x9;
	_ =	strace $0x80000048  }
0xb5: {  	_ =	swait.ge [sflag:s29], $0x1  }
0xb6: {  	[sflag:s29] =	ssyncadd.s32 $0xFFFFFFFF  }
0xb7: {  	_ =	strace $0x90000048  }
0xb8: {  	_ =	sfence  }
0xb9: {  	s30 =	sld [smem:$0x0];
	_ =	sdelay $0x2  }
0xba: {  	s31 =	sshll.u32 s1, $0xD;
	s1 =	sshrl.u32 s1, $0x2  }
0xbb: {  	s3 =	sand.u32 $0x4000, s31;
	s1 =	sadd.s32 s1, s30  }
0xbc: {  	s0 =	sor.u32 s3, s0;
	s1 =	sshll.u32 s1, $0x11  }
0xbd: {  	s0 =	sor.u32 s1, s0  }
0xbe: {  	s0 =	sadd.s32 $0x8F2B, s0  }
0xbf: {  	[sflag:s0] =	ssyncadd.remote.s32 $0x1  }
0xc0: {  	_ =	sfence.sel $0xFFFF  }
0xc1: {  	[dreg:$0x0] =	wrdreg $0xFFFFFFFF;
	(pc) =	sbr.abs _section_cstart, $3  }
0xc2: {  	[dreg:$0x1] =	wrdreg $0xFFFFFFFF  }
0xc3: {  	_ =	task.clear_ibuf [dreg:s8], $0x2FFFF;
	_ =	strace $0x9FFFFFFF  }
0xc4: {  	(tm) =	ssettm $0x7FFFFFFF  }
0xc5: {  	_ =	shalt  }
tec
execute0_lowered:
.L_overlay_start_1:
0x0: {  	(tag) =	ssettag $0x1  }
0x1: {  	s0 =	rddreg [dreg:$0x0]  }
0x2: {  	s1 =	rddreg [dreg:$0x1]  }
0x3: {  	s3 =	rddreg [dreg:$0x2]  }
0x4: {  	s2 =	simm.s32 $0x0;
	s4 =	srdreg.scid;
	s8 =	stileid.u32  }
0x5: {  	s23 =	simm.s32 $0x3;
	s24 =	simm.s32 $0x40;
	s25 =	simm.s32 $0x4  }
0x6: {  	s26 =	simm.s32 $0x1;
	[smem:$0x7FF] =	sst s2;
	s4 =	sand.u32 $0x1, s4  }
0x7: {  	s6 =	sshll.u32 s8, $0xB;
	s8 =	sshll.u32 s8, $0x7;
	_ =	strace $0x80000047  }
0x8: {  	s5 =	sshll.u32 s4, $0x6;
	s7 =	sshll.u32 s4, $0xA;
	s4 =	ssub.s32 $0x2, s4  }
0x9: {  	s5 =	sadd.s32 s5, s0;
	s6 =	sor.u32 s7, s6;
	s31 =	sshrl.u32 s4, $0x1  }
0xa: {  	s0 =	sadd.s32 s6, s0;
	s22 =	ssub.s32 s4, s31;
	s5 =	sadd.s32 s8, s5  }
0xb: {  	s4 =	sadd.s32 s3, s6;
	s3 =	simm.s32 $0x0;
	s5 =	sadd.s32 $0x400, s5  }
0xc: {  	s6 =	sadd.s32 $0xC00, s0;
	s7 =	sadd.s32 $0x8000, s4;
	s8 =	sadd.s32 $0x10000, s4  }
0xd: {  	s9 =	sadd.s32 $0x18000, s4;
	s10 =	sadd.s32 $0x100, s4;
	s11 =	sadd.s32 $0x8100, s4  }
0xe: {  	s12 =	sadd.s32 $0x10100, s4;
	s13 =	sadd.s32 $0x18100, s4;
	s14 =	sadd.s32 $0x200, s4  }
0xf: {  	s15 =	sadd.s32 $0x8200, s4;
	s16 =	sadd.s32 $0x10200, s4;
	s17 =	sadd.s32 $0x18200, s4  }
0x10: {  	s18 =	sadd.s32 $0x300, s4;
	s19 =	sadd.s32 $0x8300, s4;
	s20 =	sadd.s32 $0x10300, s4  }
0x11: {  	s21 =	sadd.s32 $0x18300, s4;
	s22 =	smax.u32 s22, $0x1;
	s0 =	simm.s32 $0x2  }
.LBB2_1:
0x12: {  	[tilespmem:s2], [sflag:$0x3] =	stream.linear.gather [hbm4b:s5+s2], $0x200, $0x38;
	[tilespmem:$0x12200] =	vst v63  }
0x13: {  	_ =	swait.ge [sflag:s23], $0x200  }
0x14: {  	[sflag:s23] =	ssyncset.done $0x0  }
0x15: {  	s28 =	simm.s32 $0x200;
	[sflag:s23] =	ssyncadd.s32 $0xFFFFFE00  }
0x16: {  	[tilespmem:s28], [sflag:$0x1] =	stream.indirect.gather [hbm4b:s1+s24], $0x80, s2, s24, $0xb8;
	[tilespmem:$0x12200] =	vst v63  }
0x17: {  	s29 =	simm.s32 $0x2200;
	s28 =	simm.s32 $0x80  }
0x18: {  	[tilespmem:s29], [sflag:$0x1] =	stream.indirect.gather [hbm4b:s1+s24], $0x80, s28, s24, $0xb8;
	[tilespmem:$0x12200] =	vst v63  }
0x19: {  	s28 =	simm.s32 $0x100;
	s29 =	simm.s32 $0x4200  }
0x1a: {  	[tilespmem:s29], [sflag:$0x1] =	stream.indirect.gather [hbm4b:s1+s24], $0x80, s28, s24, $0xb8;
	[tilespmem:$0x12200] =	vst v63  }
0x1b: {  	s28 =	simm.s32 $0x180;
	s29 =	simm.s32 $0x6200  }
0x1c: {  	[tilespmem:s29], [sflag:$0x1] =	stream.indirect.gather [hbm4b:s1+s24], $0x80, s28, s24, $0xb8;
	[tilespmem:$0x12200] =	vst v63  }
0x1d: {  	s28 =	simm.s32 $0x10200  }
0x1e: {  	[tilespmem:s28], [sflag:$0x4] =	stream.linear.gather [hbm4b:s6+s2], $0x2000, $0x38;
	[tilespmem:$0x12200] =	vst v63  }
0x1f: {  	_ =	swait.ge [sflag:s25], $0x2000  }
0x20: {  	[sflag:s25] =	ssyncset.done $0x0  }
0x21: {  	[sflag:s25] =	ssyncadd.s32 $0xFFFFE000  }
0x22: {  	_ =	swait.ge [sflag:s26], $0x2000  }
0x23: {  	[sflag:s26] =	ssyncset.done $0x0  }
0x24: {  	s28 =	simm.s32 $0x300;
	[sflag:s26] =	ssyncadd.s32 $0xFFFFE000  }
0x25: {  	s30 =	simm.s32 $0x0;
	s29 =	simm.s32 $0x200;
	v1 =	vld [tilespmem:s28+$0xFFFFFF00]  }
.LBB2_2:
0x26: {  	p0 =	sne.s32 s29, $0x1E00;
	s31 =	sshra.s32 s30, $0x2;
	s30 =	smov.u32 s29  }
0x27: {  	v0 =	vld [tilespmem:s31+$0x10200];
	_ =	sdelay $0x2  }
0x28: {  	v1 =	vmul.f32 $1.131370830e+01, v1;
	_ =	sdelay $0x1  }
0x29: {  	v1 =	vadd.f32 v1, v0;
	_ =	sdelay $0x1  }
0x2a: {  	[tilespmem:s31+$0x8200] =	vst v1  }
0x2b: {  	v2 =	vld [tilespmem:s28+$0xFFFFFF10];
	_ =	sdelay $0x1  }
0x2c: {  	v1 =	vld [tilespmem:s31+$0x10210];
	_ =	sdelay $0x2  }
0x2d: {  	v2 =	vmul.f32 $1.131370830e+01, v2;
	_ =	sdelay $0x1  }
0x2e: {  	v2 =	vadd.f32 v2, v1;
	_ =	sdelay $0x1  }
0x2f: {  	[tilespmem:s31+$0x8210] =	vst v2  }
0x30: {  	v3 =	vld [tilespmem:s28+$0xFFFFFF20];
	_ =	sdelay $0x1  }
0x31: {  	v2 =	vld [tilespmem:s31+$0x10220];
	_ =	sdelay $0x2  }
0x32: {  	v3 =	vmul.f32 $1.131370830e+01, v3;
	_ =	sdelay $0x1  }
0x33: {  	v3 =	vadd.f32 v3, v2;
	_ =	sdelay $0x1  }
0x34: {  	[tilespmem:s31+$0x8220] =	vst v3  }
0x35: {  	v4 =	vld [tilespmem:s28+$0xFFFFFF30];
	_ =	sdelay $0x1  }
0x36: {  	v3 =	vld [tilespmem:s31+$0x10230];
	_ =	sdelay $0x2  }
0x37: {  	v4 =	vmul.f32 $1.131370830e+01, v4;
	_ =	sdelay $0x1  }
0x38: {  	v4 =	vadd.f32 v4, v3;
	_ =	sdelay $0x1  }
0x39: {  	[tilespmem:s31+$0x8230] =	vst v4  }
0x3a: {  	v5 =	vld [tilespmem:s28+$0xFFFFFF40];
	_ =	sdelay $0x1  }
0x3b: {  	v4 =	vld [tilespmem:s31+$0x10240];
	_ =	sdelay $0x2  }
0x3c: {  	v5 =	vmul.f32 $1.131370830e+01, v5;
	_ =	sdelay $0x1  }
0x3d: {  	v5 =	vadd.f32 v5, v4;
	_ =	sdelay $0x1  }
0x3e: {  	[tilespmem:s31+$0x8240] =	vst v5  }
0x3f: {  	v6 =	vld [tilespmem:s28+$0xFFFFFF50];
	_ =	sdelay $0x1  }
0x40: {  	v5 =	vld [tilespmem:s31+$0x10250];
	_ =	sdelay $0x2  }
0x41: {  	v6 =	vmul.f32 $1.131370830e+01, v6;
	_ =	sdelay $0x1  }
0x42: {  	v6 =	vadd.f32 v6, v5;
	_ =	sdelay $0x1  }
0x43: {  	[tilespmem:s31+$0x8250] =	vst v6  }
0x44: {  	v7 =	vld [tilespmem:s28+$0xFFFFFF60];
	_ =	sdelay $0x1  }
0x45: {  	v6 =	vld [tilespmem:s31+$0x10260];
	_ =	sdelay $0x2  }
0x46: {  	v7 =	vmul.f32 $1.131370830e+01, v7;
	_ =	sdelay $0x1  }
0x47: {  	v7 =	vadd.f32 v7, v6;
	_ =	sdelay $0x1  }
0x48: {  	[tilespmem:s31+$0x8260] =	vst v7  }
0x49: {  	v8 =	vld [tilespmem:s28+$0xFFFFFF70];
	_ =	sdelay $0x1  }
0x4a: {  	v7 =	vld [tilespmem:s31+$0x10270];
	_ =	sdelay $0x2  }
0x4b: {  	v8 =	vmul.f32 $1.131370830e+01, v8;
	_ =	sdelay $0x1  }
0x4c: {  	v8 =	vadd.f32 v8, v7;
	_ =	sdelay $0x1  }
0x4d: {  	[tilespmem:s31+$0x8270] =	vst v8  }
0x4e: {  	v8 =	vld [tilespmem:s28+$0xFFFFFF80];
	_ =	sdelay $0x4  }
0x4f: {  	v8 =	vmul.f32 $1.131370830e+01, v8;
	_ =	sdelay $0x1  }
0x50: {  	v8 =	vadd.f32 v8, v0;
	_ =	sdelay $0x1  }
0x51: {  	[tilespmem:s31+$0xA200] =	vst v8  }
0x52: {  	v8 =	vld [tilespmem:s28+$0xFFFFFF90];
	_ =	sdelay $0x4  }
0x53: {  	v8 =	vmul.f32 $1.131370830e+01, v8;
	_ =	sdelay $0x1  }
0x54: {  	v8 =	vadd.f32 v8, v1;
	_ =	sdelay $0x1  }
0x55: {  	[tilespmem:s31+$0xA210] =	vst v8  }
0x56: {  	v8 =	vld [tilespmem:s28+$0xFFFFFFA0];
	_ =	sdelay $0x4  }
0x57: {  	v8 =	vmul.f32 $1.131370830e+01, v8;
	_ =	sdelay $0x1  }
0x58: {  	v8 =	vadd.f32 v8, v2;
	_ =	sdelay $0x1  }
0x59: {  	[tilespmem:s31+$0xA220] =	vst v8  }
0x5a: {  	v8 =	vld [tilespmem:s28+$0xFFFFFFB0];
	_ =	sdelay $0x4  }
0x5b: {  	v8 =	vmul.f32 $1.131370830e+01, v8;
	_ =	sdelay $0x1  }
0x5c: {  	v8 =	vadd.f32 v8, v3;
	_ =	sdelay $0x1  }
0x5d: {  	[tilespmem:s31+$0xA230] =	vst v8  }
0x5e: {  	v8 =	vld [tilespmem:s28+$0xFFFFFFC0];
	_ =	sdelay $0x4  }
0x5f: {  	v8 =	vmul.f32 $1.131370830e+01, v8;
	_ =	sdelay $0x1  }
0x60: {  	v8 =	vadd.f32 v8, v4;
	_ =	sdelay $0x1  }
0x61: {  	[tilespmem:s31+$0xA240] =	vst v8  }
0x62: {  	v8 =	vld [tilespmem:s28+$0xFFFFFFD0];
	_ =	sdelay $0x4  }
0x63: {  	v8 =	vmul.f32 $1.131370830e+01, v8;
	_ =	sdelay $0x1  }
0x64: {  	v8 =	vadd.f32 v8, v5;
	_ =	sdelay $0x1  }
0x65: {  	[tilespmem:s31+$0xA250] =	vst v8  }
0x66: {  	v8 =	vld [tilespmem:s28+$0xFFFFFFE0];
	_ =	sdelay $0x4  }
0x67: {  	v8 =	vmul.f32 $1.131370830e+01, v8;
	_ =	sdelay $0x1  }
0x68: {  	v8 =	vadd.f32 v8, v6;
	_ =	sdelay $0x1  }
0x69: {  	[tilespmem:s31+$0xA260] =	vst v8  }
0x6a: {  	v8 =	vld [tilespmem:s28+$0xFFFFFFF0];
	_ =	sdelay $0x4  }
0x6b: {  	v8 =	vmul.f32 $1.131370830e+01, v8;
	_ =	sdelay $0x1  }
0x6c: {  	v8 =	vadd.f32 v8, v7;
	_ =	sdelay $0x1  }
0x6d: {  	[tilespmem:s31+$0xA270] =	vst v8  }
0x6e: {  	v8 =	vld [tilespmem:s28+$0x0];
	_ =	sdelay $0x4  }
0x6f: {  	v8 =	vmul.f32 $1.131370830e+01, v8;
	_ =	sdelay $0x1  }
0x70: {  	v8 =	vadd.f32 v8, v0;
	_ =	sdelay $0x1  }
0x71: {  	[tilespmem:s31+$0xC200] =	vst v8  }
0x72: {  	v8 =	vld [tilespmem:s28+$0x10];
	_ =	sdelay $0x4  }
0x73: {  	v8 =	vmul.f32 $1.131370830e+01, v8;
	_ =	sdelay $0x1  }
0x74: {  	v8 =	vadd.f32 v8, v1;
	_ =	sdelay $0x1  }
0x75: {  	[tilespmem:s31+$0xC210] =	vst v8  }
0x76: {  	v8 =	vld [tilespmem:s28+$0x20];
	_ =	sdelay $0x4  }
0x77: {  	v8 =	vmul.f32 $1.131370830e+01, v8;
	_ =	sdelay $0x1  }
0x78: {  	v8 =	vadd.f32 v8, v2;
	_ =	sdelay $0x1  }
0x79: {  	[tilespmem:s31+$0xC220] =	vst v8  }
0x7a: {  	v8 =	vld [tilespmem:s28+$0x30];
	_ =	sdelay $0x4  }
0x7b: {  	v8 =	vmul.f32 $1.131370830e+01, v8;
	_ =	sdelay $0x1  }
0x7c: {  	v8 =	vadd.f32 v8, v3;
	_ =	sdelay $0x1  }
0x7d: {  	[tilespmem:s31+$0xC230] =	vst v8  }
0x7e: {  	v8 =	vld [tilespmem:s28+$0x40];
	_ =	sdelay $0x4  }
0x7f: {  	v8 =	vmul.f32 $1.131370830e+01, v8;
	_ =	sdelay $0x1  }
0x80: {  	v8 =	vadd.f32 v8, v4;
	_ =	sdelay $0x1  }
0x81: {  	[tilespmem:s31+$0xC240] =	vst v8  }
0x82: {  	v8 =	vld [tilespmem:s28+$0x50];
	_ =	sdelay $0x4  }
0x83: {  	v8 =	vmul.f32 $1.131370830e+01, v8;
	_ =	sdelay $0x1  }
0x84: {  	v8 =	vadd.f32 v8, v5;
	_ =	sdelay $0x1  }
0x85: {  	[tilespmem:s31+$0xC250] =	vst v8  }
0x86: {  	v8 =	vld [tilespmem:s28+$0x60];
	_ =	sdelay $0x4  }
0x87: {  	v8 =	vmul.f32 $1.131370830e+01, v8;
	_ =	sdelay $0x1  }
0x88: {  	v8 =	vadd.f32 v8, v6;
	_ =	sdelay $0x1  }
0x89: {  	[tilespmem:s31+$0xC260] =	vst v8  }
0x8a: {  	v8 =	vld [tilespmem:s28+$0x70];
	_ =	sdelay $0x4  }
0x8b: {  	v8 =	vmul.f32 $1.131370830e+01, v8;
	_ =	sdelay $0x1  }
0x8c: {  	v8 =	vadd.f32 v8, v7;
	_ =	sdelay $0x1  }
0x8d: {  	[tilespmem:s31+$0xC270] =	vst v8  }
0x8e: {  	v8 =	vld [tilespmem:s28+$0x80];
	_ =	sdelay $0x4  }
0x8f: {  	v8 =	vmul.f32 $1.131370830e+01, v8;
	_ =	sdelay $0x1  }
0x90: {  	v0 =	vadd.f32 v8, v0;
	_ =	sdelay $0x1  }
0x91: {  	[tilespmem:s31+$0xE200] =	vst v0  }
0x92: {  	v0 =	vld [tilespmem:s28+$0x90];
	_ =	sdelay $0x4  }
0x93: {  	v0 =	vmul.f32 $1.131370830e+01, v0;
	_ =	sdelay $0x1  }
0x94: {  	v0 =	vadd.f32 v0, v1;
	_ =	sdelay $0x1  }
0x95: {  	[tilespmem:s31+$0xE210] =	vst v0  }
0x96: {  	v0 =	vld [tilespmem:s28+$0xA0];
	_ =	sdelay $0x4  }
0x97: {  	v0 =	vmul.f32 $1.131370830e+01, v0;
	_ =	sdelay $0x1  }
0x98: {  	v0 =	vadd.f32 v0, v2;
	_ =	sdelay $0x1  }
0x99: {  	[tilespmem:s31+$0xE220] =	vst v0  }
0x9a: {  	v0 =	vld [tilespmem:s28+$0xB0];
	_ =	sdelay $0x4  }
0x9b: {  	v0 =	vmul.f32 $1.131370830e+01, v0;
	_ =	sdelay $0x1  }
0x9c: {  	v0 =	vadd.f32 v0, v3;
	_ =	sdelay $0x1  }
0x9d: {  	[tilespmem:s31+$0xE230] =	vst v0  }
0x9e: {  	v0 =	vld [tilespmem:s28+$0xC0];
	_ =	sdelay $0x4  }
0x9f: {  	v0 =	vmul.f32 $1.131370830e+01, v0;
	_ =	sdelay $0x1  }
0xa0: {  	v0 =	vadd.f32 v0, v4;
	_ =	sdelay $0x1  }
0xa1: {  	[tilespmem:s31+$0xE240] =	vst v0  }
0xa2: {  	v0 =	vld [tilespmem:s28+$0xD0];
	_ =	sdelay $0x4  }
0xa3: {  	v0 =	vmul.f32 $1.131370830e+01, v0;
	_ =	sdelay $0x1  }
0xa4: {  	v0 =	vadd.f32 v0, v5;
	_ =	sdelay $0x1  }
0xa5: {  	[tilespmem:s31+$0xE250] =	vst v0  }
0xa6: {  	v0 =	vld [tilespmem:s28+$0xE0];
	_ =	sdelay $0x4  }
0xa7: {  	v0 =	vmul.f32 $1.131370830e+01, v0;
	_ =	sdelay $0x1  }
0xa8: {  	v0 =	vadd.f32 v0, v6;
	_ =	sdelay $0x1  }
0xa9: {  	[tilespmem:s31+$0xE260] =	vst v0  }
0xaa: {  	v0 =	vld [tilespmem:s28+$0xF0];
	_ =	sdelay $0x4  }
0xab: {  	v0 =	vmul.f32 $1.131370830e+01, v0  }
.Ltmp0:
0xac: {  	(pc) =	sbr.rel @p0 .LBB2_2-.Ltmp0, $3  }
0xad: {  	v0 =	vadd.f32 v0, v7;
	_ =	sdelay $0x1  }
0xae: {  	s28 =	sadd.s32 $0x200, s28;
	[tilespmem:s31+$0xE270] =	vst v0  }
0xaf: {  	s29 =	sadd.s32 $0x200, s29;
	v1 =	vld [tilespmem:s28+$0xFFFFFF00]  }
0xb0: {  	s29 =	sshra.s32 s30, $0x2  }
0xb1: {  	v0 =	vld [tilespmem:s29+$0x10200];
	_ =	sdelay $0x2  }
0xb2: {  	v1 =	vmul.f32 $1.131370830e+01, v1;
	_ =	sdelay $0x1  }
0xb3: {  	v1 =	vadd.f32 v1, v0;
	_ =	sdelay $0x1  }
0xb4: {  	[tilespmem:s29+$0x8200] =	vst v1  }
0xb5: {  	v1 =	vld [tilespmem:s28+$0xFFFFFF10];
	_ =	sdelay $0x1  }
0xb6: {  	v2 =	vld [tilespmem:s29+$0x10210];
	_ =	sdelay $0x2  }
0xb7: {  	v1 =	vmul.f32 $1.131370830e+01, v1;
	_ =	sdelay $0x1  }
0xb8: {  	v1 =	vadd.f32 v1, v2;
	_ =	sdelay $0x1  }
0xb9: {  	[tilespmem:s29+$0x8210] =	vst v1  }
0xba: {  	v1 =	vld [tilespmem:s28+$0xFFFFFF20];
	_ =	sdelay $0x1  }
0xbb: {  	v3 =	vld [tilespmem:s29+$0x10220];
	_ =	sdelay $0x2  }
0xbc: {  	v1 =	vmul.f32 $1.131370830e+01, v1;
	_ =	sdelay $0x1  }
0xbd: {  	v1 =	vadd.f32 v1, v3;
	_ =	sdelay $0x1  }
0xbe: {  	[tilespmem:s29+$0x8220] =	vst v1  }
0xbf: {  	v1 =	vld [tilespmem:s28+$0xFFFFFF30];
	_ =	sdelay $0x1  }
0xc0: {  	v4 =	vld [tilespmem:s29+$0x10230];
	_ =	sdelay $0x2  }
0xc1: {  	v1 =	vmul.f32 $1.131370830e+01, v1;
	_ =	sdelay $0x1  }
0xc2: {  	v1 =	vadd.f32 v1, v4;
	_ =	sdelay $0x1  }
0xc3: {  	[tilespmem:s29+$0x8230] =	vst v1  }
0xc4: {  	v1 =	vld [tilespmem:s28+$0xFFFFFF40];
	_ =	sdelay $0x1  }
0xc5: {  	v5 =	vld [tilespmem:s29+$0x10240];
	_ =	sdelay $0x2  }
0xc6: {  	v1 =	vmul.f32 $1.131370830e+01, v1;
	_ =	sdelay $0x1  }
0xc7: {  	v1 =	vadd.f32 v1, v5;
	_ =	sdelay $0x1  }
0xc8: {  	[tilespmem:s29+$0x8240] =	vst v1  }
0xc9: {  	v1 =	vld [tilespmem:s28+$0xFFFFFF50];
	_ =	sdelay $0x1  }
0xca: {  	v6 =	vld [tilespmem:s29+$0x10250];
	_ =	sdelay $0x2  }
0xcb: {  	v1 =	vmul.f32 $1.131370830e+01, v1;
	_ =	sdelay $0x1  }
0xcc: {  	v1 =	vadd.f32 v1, v6;
	_ =	sdelay $0x1  }
0xcd: {  	[tilespmem:s29+$0x8250] =	vst v1  }
0xce: {  	v1 =	vld [tilespmem:s28+$0xFFFFFF60];
	_ =	sdelay $0x1  }
0xcf: {  	v7 =	vld [tilespmem:s29+$0x10260];
	_ =	sdelay $0x2  }
0xd0: {  	v1 =	vmul.f32 $1.131370830e+01, v1;
	_ =	sdelay $0x1  }
0xd1: {  	v1 =	vadd.f32 v1, v7;
	_ =	sdelay $0x1  }
0xd2: {  	[tilespmem:s29+$0x8260] =	vst v1  }
0xd3: {  	v1 =	vld [tilespmem:s28+$0xFFFFFF70];
	_ =	sdelay $0x1  }
0xd4: {  	v8 =	vld [tilespmem:s29+$0x10270];
	_ =	sdelay $0x2  }
0xd5: {  	v1 =	vmul.f32 $1.131370830e+01, v1;
	_ =	sdelay $0x1  }
0xd6: {  	v1 =	vadd.f32 v1, v8;
	_ =	sdelay $0x1  }
0xd7: {  	[tilespmem:s29+$0x8270] =	vst v1  }
0xd8: {  	v1 =	vld [tilespmem:s28+$0xFFFFFF80];
	_ =	sdelay $0x4  }
0xd9: {  	v1 =	vmul.f32 $1.131370830e+01, v1;
	_ =	sdelay $0x1  }
0xda: {  	v1 =	vadd.f32 v1, v0;
	_ =	sdelay $0x1  }
0xdb: {  	[tilespmem:s29+$0xA200] =	vst v1  }
0xdc: {  	v1 =	vld [tilespmem:s28+$0xFFFFFF90];
	_ =	sdelay $0x4  }
0xdd: {  	v1 =	vmul.f32 $1.131370830e+01, v1;
	_ =	sdelay $0x1  }
0xde: {  	v1 =	vadd.f32 v1, v2;
	_ =	sdelay $0x1  }
0xdf: {  	[tilespmem:s29+$0xA210] =	vst v1  }
0xe0: {  	v1 =	vld [tilespmem:s28+$0xFFFFFFA0];
	_ =	sdelay $0x4  }
0xe1: {  	v1 =	vmul.f32 $1.131370830e+01, v1;
	_ =	sdelay $0x1  }
0xe2: {  	v1 =	vadd.f32 v1, v3;
	_ =	sdelay $0x1  }
0xe3: {  	[tilespmem:s29+$0xA220] =	vst v1  }
0xe4: {  	v1 =	vld [tilespmem:s28+$0xFFFFFFB0];
	_ =	sdelay $0x4  }
0xe5: {  	v1 =	vmul.f32 $1.131370830e+01, v1;
	_ =	sdelay $0x1  }
0xe6: {  	v1 =	vadd.f32 v1, v4;
	_ =	sdelay $0x1  }
0xe7: {  	[tilespmem:s29+$0xA230] =	vst v1  }
0xe8: {  	v1 =	vld [tilespmem:s28+$0xFFFFFFC0];
	_ =	sdelay $0x4  }
0xe9: {  	v1 =	vmul.f32 $1.131370830e+01, v1;
	_ =	sdelay $0x1  }
0xea: {  	v1 =	vadd.f32 v1, v5;
	_ =	sdelay $0x1  }
0xeb: {  	[tilespmem:s29+$0xA240] =	vst v1  }
0xec: {  	v1 =	vld [tilespmem:s28+$0xFFFFFFD0];
	_ =	sdelay $0x4  }
0xed: {  	v1 =	vmul.f32 $1.131370830e+01, v1;
	_ =	sdelay $0x1  }
0xee: {  	v1 =	vadd.f32 v1, v6;
	_ =	sdelay $0x1  }
0xef: {  	[tilespmem:s29+$0xA250] =	vst v1  }
0xf0: {  	v1 =	vld [tilespmem:s28+$0xFFFFFFE0];
	_ =	sdelay $0x4  }
0xf1: {  	v1 =	vmul.f32 $1.131370830e+01, v1;
	_ =	sdelay $0x1  }
0xf2: {  	v1 =	vadd.f32 v1, v7;
	_ =	sdelay $0x1  }
0xf3: {  	[tilespmem:s29+$0xA260] =	vst v1  }
0xf4: {  	v1 =	vld [tilespmem:s28+$0xFFFFFFF0];
	_ =	sdelay $0x4  }
0xf5: {  	v1 =	vmul.f32 $1.131370830e+01, v1;
	_ =	sdelay $0x1  }
0xf6: {  	v1 =	vadd.f32 v1, v8;
	_ =	sdelay $0x1  }
0xf7: {  	[tilespmem:s29+$0xA270] =	vst v1  }
0xf8: {  	v1 =	vld [tilespmem:s28+$0x0];
	_ =	sdelay $0x4  }
0xf9: {  	v1 =	vmul.f32 $1.131370830e+01, v1;
	_ =	sdelay $0x1  }
0xfa: {  	v1 =	vadd.f32 v1, v0;
	_ =	sdelay $0x1  }
0xfb: {  	[tilespmem:s29+$0xC200] =	vst v1  }
0xfc: {  	v1 =	vld [tilespmem:s28+$0x10];
	_ =	sdelay $0x4  }
0xfd: {  	v1 =	vmul.f32 $1.131370830e+01, v1;
	_ =	sdelay $0x1  }
0xfe: {  	v1 =	vadd.f32 v1, v2;
	_ =	sdelay $0x1  }
0xff: {  	[tilespmem:s29+$0xC210] =	vst v1  }
0x100: {  	v1 =	vld [tilespmem:s28+$0x20];
	_ =	sdelay $0x4  }
0x101: {  	v1 =	vmul.f32 $1.131370830e+01, v1;
	_ =	sdelay $0x1  }
0x102: {  	v1 =	vadd.f32 v1, v3;
	_ =	sdelay $0x1  }
0x103: {  	[tilespmem:s29+$0xC220] =	vst v1  }
0x104: {  	v1 =	vld [tilespmem:s28+$0x30];
	_ =	sdelay $0x4  }
0x105: {  	v1 =	vmul.f32 $1.131370830e+01, v1;
	_ =	sdelay $0x1  }
0x106: {  	v1 =	vadd.f32 v1, v4;
	_ =	sdelay $0x1  }
0x107: {  	[tilespmem:s29+$0xC230] =	vst v1  }
0x108: {  	v1 =	vld [tilespmem:s28+$0x40];
	_ =	sdelay $0x4  }
0x109: {  	v1 =	vmul.f32 $1.131370830e+01, v1;
	_ =	sdelay $0x1  }
0x10a: {  	v1 =	vadd.f32 v1, v5;
	_ =	sdelay $0x1  }
0x10b: {  	[tilespmem:s29+$0xC240] =	vst v1  }
0x10c: {  	v1 =	vld [tilespmem:s28+$0x50];
	_ =	sdelay $0x4  }
0x10d: {  	v1 =	vmul.f32 $1.131370830e+01, v1;
	_ =	sdelay $0x1  }
0x10e: {  	v1 =	vadd.f32 v1, v6;
	_ =	sdelay $0x1  }
0x10f: {  	[tilespmem:s29+$0xC250] =	vst v1  }
0x110: {  	v1 =	vld [tilespmem:s28+$0x60];
	_ =	sdelay $0x4  }
0x111: {  	v1 =	vmul.f32 $1.131370830e+01, v1;
	_ =	sdelay $0x1  }
0x112: {  	v1 =	vadd.f32 v1, v7;
	_ =	sdelay $0x1  }
0x113: {  	[tilespmem:s29+$0xC260] =	vst v1  }
0x114: {  	v1 =	vld [tilespmem:s28+$0x70];
	_ =	sdelay $0x4  }
0x115: {  	v1 =	vmul.f32 $1.131370830e+01, v1;
	_ =	sdelay $0x1  }
0x116: {  	v1 =	vadd.f32 v1, v8;
	_ =	sdelay $0x1  }
0x117: {  	[tilespmem:s29+$0xC270] =	vst v1  }
0x118: {  	v1 =	vld [tilespmem:s28+$0x80];
	_ =	sdelay $0x4  }
0x119: {  	v1 =	vmul.f32 $1.131370830e+01, v1;
	_ =	sdelay $0x1  }
0x11a: {  	v0 =	vadd.f32 v1, v0;
	_ =	sdelay $0x1  }
0x11b: {  	[tilespmem:s29+$0xE200] =	vst v0  }
0x11c: {  	v0 =	vld [tilespmem:s28+$0x90];
	_ =	sdelay $0x4  }
0x11d: {  	v0 =	vmul.f32 $1.131370830e+01, v0;
	_ =	sdelay $0x1  }
0x11e: {  	v0 =	vadd.f32 v0, v2;
	_ =	sdelay $0x1  }
0x11f: {  	[tilespmem:s29+$0xE210] =	vst v0  }
0x120: {  	v0 =	vld [tilespmem:s28+$0xA0];
	_ =	sdelay $0x4  }
0x121: {  	v0 =	vmul.f32 $1.131370830e+01, v0;
	_ =	sdelay $0x1  }
0x122: {  	v0 =	vadd.f32 v0, v3;
	_ =	sdelay $0x1  }
0x123: {  	[tilespmem:s29+$0xE220] =	vst v0  }
0x124: {  	v0 =	vld [tilespmem:s28+$0xB0];
	_ =	sdelay $0x4  }
0x125: {  	v0 =	vmul.f32 $1.131370830e+01, v0;
	_ =	sdelay $0x1  }
0x126: {  	v0 =	vadd.f32 v0, v4;
	_ =	sdelay $0x1  }
0x127: {  	[tilespmem:s29+$0xE230] =	vst v0  }
0x128: {  	v0 =	vld [tilespmem:s28+$0xC0];
	_ =	sdelay $0x4  }
0x129: {  	v0 =	vmul.f32 $1.131370830e+01, v0;
	_ =	sdelay $0x1  }
0x12a: {  	v0 =	vadd.f32 v0, v5;
	_ =	sdelay $0x1  }
0x12b: {  	[tilespmem:s29+$0xE240] =	vst v0  }
0x12c: {  	v0 =	vld [tilespmem:s28+$0xD0];
	_ =	sdelay $0x4  }
0x12d: {  	v0 =	vmul.f32 $1.131370830e+01, v0;
	_ =	sdelay $0x1  }
0x12e: {  	v0 =	vadd.f32 v0, v6;
	_ =	sdelay $0x1  }
0x12f: {  	[tilespmem:s29+$0xE250] =	vst v0  }
0x130: {  	v0 =	vld [tilespmem:s28+$0xE0];
	_ =	sdelay $0x4  }
0x131: {  	v0 =	vmul.f32 $1.131370830e+01, v0;
	_ =	sdelay $0x1  }
0x132: {  	v0 =	vadd.f32 v0, v7;
	_ =	sdelay $0x1  }
0x133: {  	[tilespmem:s29+$0xE260] =	vst v0  }
0x134: {  	v0 =	vld [tilespmem:s28+$0xF0];
	_ =	sdelay $0x4  }
0x135: {  	v0 =	vmul.f32 $1.131370830e+01, v0;
	_ =	sdelay $0x1  }
0x136: {  	v0 =	vadd.f32 v0, v8;
	_ =	sdelay $0x1  }
0x137: {  	s28 =	simm.s32 $0x8200;
	[tilespmem:s29+$0xE270] =	vst v0;
	s29 =	simm.s32 $0x0  }
0x138: {  	[hbm4b:s4+s29] =	stream.linear.scatter [tilespmem:s28], [sflag:$0x2], $0x800, $0x38;
	[tilespmem:$0x12200] =	vst v63  }
0x139: {  	s28 =	simm.s32 $0xA200  }
0x13a: {  	[hbm4b:s7+s29] =	stream.linear.scatter [tilespmem:s28], [sflag:$0x2], $0x800, $0x38;
	[tilespmem:$0x12200] =	vst v63  }
0x13b: {  	s28 =	simm.s32 $0xC200  }
0x13c: {  	[hbm4b:s8+s29] =	stream.linear.scatter [tilespmem:s28], [sflag:$0x2], $0x800, $0x38;
	[tilespmem:$0x12200] =	vst v63  }
0x13d: {  	s28 =	simm.s32 $0xE200  }
0x13e: {  	[hbm4b:s9+s29] =	stream.linear.scatter [tilespmem:s28], [sflag:$0x2], $0x800, $0x38;
	[tilespmem:$0x12200] =	vst v63  }
0x13f: {  	_ =	swait.ge [sflag:s26], $0x2000  }
0x140: {  	[sflag:s26] =	ssyncset.done $0x0  }
0x141: {  	s28 =	simm.s32 $0x23F0;
	[sflag:s26] =	ssyncadd.s32 $0xFFFFE000  }
0x142: {  	s30 =	simm.s32 $0x200;
	v1 =	vld [tilespmem:s28+$0xFFFFFE10]  }
.LBB2_4:
0x143: {  	p0 =	sne.s32 s30, $0x1E00;
	s31 =	sshra.s32 s29, $0x2;
	s29 =	smov.u32 s30  }
0x144: {  	v0 =	vld [tilespmem:s31+$0x10A00];
	_ =	sdelay $0x2  }
0x145: {  	v1 =	vmul.f32 $1.131370830e+01, v1;
	_ =	sdelay $0x1  }
0x146: {  	v1 =	vadd.f32 v1, v0;
	_ =	sdelay $0x1  }
0x147: {  	[tilespmem:s31+$0x8A00] =	vst v1  }
0x148: {  	v2 =	vld [tilespmem:s28+$0xFFFFFE20];
	_ =	sdelay $0x1  }
0x149: {  	v1 =	vld [tilespmem:s31+$0x10A10];
	_ =	sdelay $0x2  }
0x14a: {  	v2 =	vmul.f32 $1.131370830e+01, v2;
	_ =	sdelay $0x1  }
0x14b: {  	v2 =	vadd.f32 v2, v1;
	_ =	sdelay $0x1  }
0x14c: {  	[tilespmem:s31+$0x8A10] =	vst v2  }
0x14d: {  	v3 =	vld [tilespmem:s28+$0xFFFFFE30];
	_ =	sdelay $0x1  }
0x14e: {  	v2 =	vld [tilespmem:s31+$0x10A20];
	_ =	sdelay $0x2  }
0x14f: {  	v3 =	vmul.f32 $1.131370830e+01, v3;
	_ =	sdelay $0x1  }
0x150: {  	v3 =	vadd.f32 v3, v2;
	_ =	sdelay $0x1  }
0x151: {  	[tilespmem:s31+$0x8A20] =	vst v3  }
0x152: {  	v4 =	vld [tilespmem:s28+$0xFFFFFE40];
	_ =	sdelay $0x1  }
0x153: {  	v3 =	vld [tilespmem:s31+$0x10A30];
	_ =	sdelay $0x2  }
0x154: {  	v4 =	vmul.f32 $1.131370830e+01, v4;
	_ =	sdelay $0x1  }
0x155: {  	v4 =	vadd.f32 v4, v3;
	_ =	sdelay $0x1  }
0x156: {  	[tilespmem:s31+$0x8A30] =	vst v4  }
0x157: {  	v5 =	vld [tilespmem:s28+$0xFFFFFE50];
	_ =	sdelay $0x1  }
0x158: {  	v4 =	vld [tilespmem:s31+$0x10A40];
	_ =	sdelay $0x2  }
0x159: {  	v5 =	vmul.f32 $1.131370830e+01, v5;
	_ =	sdelay $0x1  }
0x15a: {  	v5 =	vadd.f32 v5, v4;
	_ =	sdelay $0x1  }
0x15b: {  	[tilespmem:s31+$0x8A40] =	vst v5  }
0x15c: {  	v6 =	vld [tilespmem:s28+$0xFFFFFE60];
	_ =	sdelay $0x1  }
0x15d: {  	v5 =	vld [tilespmem:s31+$0x10A50];
	_ =	sdelay $0x2  }
0x15e: {  	v6 =	vmul.f32 $1.131370830e+01, v6;
	_ =	sdelay $0x1  }
0x15f: {  	v6 =	vadd.f32 v6, v5;
	_ =	sdelay $0x1  }
0x160: {  	[tilespmem:s31+$0x8A50] =	vst v6  }
0x161: {  	v7 =	vld [tilespmem:s28+$0xFFFFFE70];
	_ =	sdelay $0x1  }
0x162: {  	v6 =	vld [tilespmem:s31+$0x10A60];
	_ =	sdelay $0x2  }
0x163: {  	v7 =	vmul.f32 $1.131370830e+01, v7;
	_ =	sdelay $0x1  }
0x164: {  	v7 =	vadd.f32 v7, v6;
	_ =	sdelay $0x1  }
0x165: {  	[tilespmem:s31+$0x8A60] =	vst v7  }
0x166: {  	v8 =	vld [tilespmem:s28+$0xFFFFFE80];
	_ =	sdelay $0x1  }
0x167: {  	v7 =	vld [tilespmem:s31+$0x10A70];
	_ =	sdelay $0x2  }
0x168: {  	v8 =	vmul.f32 $1.131370830e+01, v8;
	_ =	sdelay $0x1  }
0x169: {  	v8 =	vadd.f32 v8, v7;
	_ =	sdelay $0x1  }
0x16a: {  	[tilespmem:s31+$0x8A70] =	vst v8  }
0x16b: {  	v8 =	vld [tilespmem:s28+$0xFFFFFE90];
	_ =	sdelay $0x4  }
0x16c: {  	v8 =	vmul.f32 $1.131370830e+01, v8;
	_ =	sdelay $0x1  }
0x16d: {  	v8 =	vadd.f32 v8, v0;
	_ =	sdelay $0x1  }
0x16e: {  	[tilespmem:s31+$0xAA00] =	vst v8  }
0x16f: {  	v8 =	vld [tilespmem:s28+$0xFFFFFEA0];
	_ =	sdelay $0x4  }
0x170: {  	v8 =	vmul.f32 $1.131370830e+01, v8;
	_ =	sdelay $0x1  }
0x171: {  	v8 =	vadd.f32 v8, v1;
	_ =	sdelay $0x1  }
0x172: {  	[tilespmem:s31+$0xAA10] =	vst v8  }
0x173: {  	v8 =	vld [tilespmem:s28+$0xFFFFFEB0];
	_ =	sdelay $0x4  }
0x174: {  	v8 =	vmul.f32 $1.131370830e+01, v8;
	_ =	sdelay $0x1  }
0x175: {  	v8 =	vadd.f32 v8, v2;
	_ =	sdelay $0x1  }
0x176: {  	[tilespmem:s31+$0xAA20] =	vst v8  }
0x177: {  	v8 =	vld [tilespmem:s28+$0xFFFFFEC0];
	_ =	sdelay $0x4  }
0x178: {  	v8 =	vmul.f32 $1.131370830e+01, v8;
	_ =	sdelay $0x1  }
0x179: {  	v8 =	vadd.f32 v8, v3;
	_ =	sdelay $0x1  }
0x17a: {  	[tilespmem:s31+$0xAA30] =	vst v8  }
0x17b: {  	v8 =	vld [tilespmem:s28+$0xFFFFFED0];
	_ =	sdelay $0x4  }
0x17c: {  	v8 =	vmul.f32 $1.131370830e+01, v8;
	_ =	sdelay $0x1  }
0x17d: {  	v8 =	vadd.f32 v8, v4;
	_ =	sdelay $0x1  }
0x17e: {  	[tilespmem:s31+$0xAA40] =	vst v8  }
0x17f: {  	v8 =	vld [tilespmem:s28+$0xFFFFFEE0];
	_ =	sdelay $0x4  }
0x180: {  	v8 =	vmul.f32 $1.131370830e+01, v8;
	_ =	sdelay $0x1  }
0x181: {  	v8 =	vadd.f32 v8, v5;
	_ =	sdelay $0x1  }
0x182: {  	[tilespmem:s31+$0xAA50] =	vst v8  }
0x183: {  	v8 =	vld [tilespmem:s28+$0xFFFFFEF0];
	_ =	sdelay $0x4  }
0x184: {  	v8 =	vmul.f32 $1.131370830e+01, v8;
	_ =	sdelay $0x1  }
0x185: {  	v8 =	vadd.f32 v8, v6;
	_ =	sdelay $0x1  }
0x186: {  	[tilespmem:s31+$0xAA60] =	vst v8  }
0x187: {  	v8 =	vld [tilespmem:s28+$0xFFFFFF00];
	_ =	sdelay $0x4  }
0x188: {  	v8 =	vmul.f32 $1.131370830e+01, v8;
	_ =	sdelay $0x1  }
0x189: {  	v8 =	vadd.f32 v8, v7;
	_ =	sdelay $0x1  }
0x18a: {  	[tilespmem:s31+$0xAA70] =	vst v8  }
0x18b: {  	v8 =	vld [tilespmem:s28+$0xFFFFFF10];
	_ =	sdelay $0x4  }
0x18c: {  	v8 =	vmul.f32 $1.131370830e+01, v8;
	_ =	sdelay $0x1  }
0x18d: {  	v8 =	vadd.f32 v8, v0;
	_ =	sdelay $0x1  }
0x18e: {  	[tilespmem:s31+$0xCA00] =	vst v8  }
0x18f: {  	v8 =	vld [tilespmem:s28+$0xFFFFFF20];
	_ =	sdelay $0x4  }
0x190: {  	v8 =	vmul.f32 $1.131370830e+01, v8;
	_ =	sdelay $0x1  }
0x191: {  	v8 =	vadd.f32 v8, v1;
	_ =	sdelay $0x1  }
0x192: {  	[tilespmem:s31+$0xCA10] =	vst v8  }
0x193: {  	v8 =	vld [tilespmem:s28+$0xFFFFFF30];
	_ =	sdelay $0x4  }
0x194: {  	v8 =	vmul.f32 $1.131370830e+01, v8;
	_ =	sdelay $0x1  }
0x195: {  	v8 =	vadd.f32 v8, v2;
	_ =	sdelay $0x1  }
0x196: {  	[tilespmem:s31+$0xCA20] =	vst v8  }
0x197: {  	v8 =	vld [tilespmem:s28+$0xFFFFFF40];
	_ =	sdelay $0x4  }
0x198: {  	v8 =	vmul.f32 $1.131370830e+01, v8;
	_ =	sdelay $0x1  }
0x199: {  	v8 =	vadd.f32 v8, v3;
	_ =	sdelay $0x1  }
0x19a: {  	[tilespmem:s31+$0xCA30] =	vst v8  }
0x19b: {  	v8 =	vld [tilespmem:s28+$0xFFFFFF50];
	_ =	sdelay $0x4  }
0x19c: {  	v8 =	vmul.f32 $1.131370830e+01, v8;
	_ =	sdelay $0x1  }
0x19d: {  	v8 =	vadd.f32 v8, v4;
	_ =	sdelay $0x1  }
0x19e: {  	[tilespmem:s31+$0xCA40] =	vst v8  }
0x19f: {  	v8 =	vld [tilespmem:s28+$0xFFFFFF60];
	_ =	sdelay $0x4  }
0x1a0: {  	v8 =	vmul.f32 $1.131370830e+01, v8;
	_ =	sdelay $0x1  }
0x1a1: {  	v8 =	vadd.f32 v8, v5;
	_ =	sdelay $0x1  }
0x1a2: {  	[tilespmem:s31+$0xCA50] =	vst v8  }
0x1a3: {  	v8 =	vld [tilespmem:s28+$0xFFFFFF70];
	_ =	sdelay $0x4  }
0x1a4: {  	v8 =	vmul.f32 $1.131370830e+01, v8;
	_ =	sdelay $0x1  }
0x1a5: {  	v8 =	vadd.f32 v8, v6;
	_ =	sdelay $0x1  }
0x1a6: {  	[tilespmem:s31+$0xCA60] =	vst v8  }
0x1a7: {  	v8 =	vld [tilespmem:s28+$0xFFFFFF80];
	_ =	sdelay $0x4  }
0x1a8: {  	v8 =	vmul.f32 $1.131370830e+01, v8;
	_ =	sdelay $0x1  }
0x1a9: {  	v8 =	vadd.f32 v8, v7;
	_ =	sdelay $0x1  }
0x1aa: {  	[tilespmem:s31+$0xCA70] =	vst v8  }
0x1ab: {  	v8 =	vld [tilespmem:s28+$0xFFFFFF90];
	_ =	sdelay $0x4  }
0x1ac: {  	v8 =	vmul.f32 $1.131370830e+01, v8;
	_ =	sdelay $0x1  }
0x1ad: {  	v0 =	vadd.f32 v8, v0;
	_ =	sdelay $0x1  }
0x1ae: {  	[tilespmem:s31+$0xEA00] =	vst v0  }
0x1af: {  	v0 =	vld [tilespmem:s28+$0xFFFFFFA0];
	_ =	sdelay $0x4  }
0x1b0: {  	v0 =	vmul.f32 $1.131370830e+01, v0;
	_ =	sdelay $0x1  }
0x1b1: {  	v0 =	vadd.f32 v0, v1;
	_ =	sdelay $0x1  }
0x1b2: {  	[tilespmem:s31+$0xEA10] =	vst v0  }
0x1b3: {  	v0 =	vld [tilespmem:s28+$0xFFFFFFB0];
	_ =	sdelay $0x4  }
0x1b4: {  	v0 =	vmul.f32 $1.131370830e+01, v0;
	_ =	sdelay $0x1  }
0x1b5: {  	v0 =	vadd.f32 v0, v2;
	_ =	sdelay $0x1  }
0x1b6: {  	[tilespmem:s31+$0xEA20] =	vst v0  }
0x1b7: {  	v0 =	vld [tilespmem:s28+$0xFFFFFFC0];
	_ =	sdelay $0x4  }
0x1b8: {  	v0 =	vmul.f32 $1.131370830e+01, v0;
	_ =	sdelay $0x1  }
0x1b9: {  	v0 =	vadd.f32 v0, v3;
	_ =	sdelay $0x1  }
0x1ba: {  	[tilespmem:s31+$0xEA30] =	vst v0  }
0x1bb: {  	v0 =	vld [tilespmem:s28+$0xFFFFFFD0];
	_ =	sdelay $0x4  }
0x1bc: {  	v0 =	vmul.f32 $1.131370830e+01, v0;
	_ =	sdelay $0x1  }
0x1bd: {  	v0 =	vadd.f32 v0, v4;
	_ =	sdelay $0x1  }
0x1be: {  	[tilespmem:s31+$0xEA40] =	vst v0  }
0x1bf: {  	v0 =	vld [tilespmem:s28+$0xFFFFFFE0];
	_ =	sdelay $0x4  }
0x1c0: {  	v0 =	vmul.f32 $1.131370830e+01, v0;
	_ =	sdelay $0x1  }
0x1c1: {  	v0 =	vadd.f32 v0, v5;
	_ =	sdelay $0x1  }
0x1c2: {  	[tilespmem:s31+$0xEA50] =	vst v0  }
0x1c3: {  	v0 =	vld [tilespmem:s28+$0xFFFFFFF0];
	_ =	sdelay $0x4  }
0x1c4: {  	v0 =	vmul.f32 $1.131370830e+01, v0;
	_ =	sdelay $0x1  }
0x1c5: {  	v0 =	vadd.f32 v0, v6;
	_ =	sdelay $0x1  }
0x1c6: {  	[tilespmem:s31+$0xEA60] =	vst v0  }
0x1c7: {  	v0 =	vld [tilespmem:s28+$0x0];
	_ =	sdelay $0x4  }
0x1c8: {  	v0 =	vmul.f32 $1.131370830e+01, v0  }
.Ltmp1:
0x1c9: {  	(pc) =	sbr.rel @p0 .LBB2_4-.Ltmp1, $3  }
0x1ca: {  	v0 =	vadd.f32 v0, v7;
	_ =	sdelay $0x1  }
0x1cb: {  	s28 =	sadd.s32 $0x200, s28;
	[tilespmem:s31+$0xEA70] =	vst v0  }
0x1cc: {  	s30 =	sadd.s32 $0x200, s30;
	v1 =	vld [tilespmem:s28+$0xFFFFFE10]  }
0x1cd: {  	s29 =	sshra.s32 s29, $0x2  }
0x1ce: {  	v0 =	vld [tilespmem:s29+$0x10A00];
	_ =	sdelay $0x2  }
0x1cf: {  	v1 =	vmul.f32 $1.131370830e+01, v1;
	_ =	sdelay $0x1  }
0x1d0: {  	v1 =	vadd.f32 v1, v0;
	_ =	sdelay $0x1  }
0x1d1: {  	[tilespmem:s29+$0x8A00] =	vst v1  }
0x1d2: {  	v1 =	vld [tilespmem:s28+$0xFFFFFE20];
	_ =	sdelay $0x1  }
0x1d3: {  	v2 =	vld [tilespmem:s29+$0x10A10];
	_ =	sdelay $0x2  }
0x1d4: {  	v1 =	vmul.f32 $1.131370830e+01, v1;
	_ =	sdelay $0x1  }
0x1d5: {  	v1 =	vadd.f32 v1, v2;
	_ =	sdelay $0x1  }
0x1d6: {  	[tilespmem:s29+$0x8A10] =	vst v1  }
0x1d7: {  	v1 =	vld [tilespmem:s28+$0xFFFFFE30];
	_ =	sdelay $0x1  }
0x1d8: {  	v3 =	vld [tilespmem:s29+$0x10A20];
	_ =	sdelay $0x2  }
0x1d9: {  	v1 =	vmul.f32 $1.131370830e+01, v1;
	_ =	sdelay $0x1  }
0x1da: {  	v1 =	vadd.f32 v1, v3;
	_ =	sdelay $0x1  }
0x1db: {  	[tilespmem:s29+$0x8A20] =	vst v1  }
0x1dc: {  	v1 =	vld [tilespmem:s28+$0xFFFFFE40];
	_ =	sdelay $0x1  }
0x1dd: {  	v4 =	vld [tilespmem:s29+$0x10A30];
	_ =	sdelay $0x2  }
0x1de: {  	v1 =	vmul.f32 $1.131370830e+01, v1;
	_ =	sdelay $0x1  }
0x1df: {  	v1 =	vadd.f32 v1, v4;
	_ =	sdelay $0x1  }
0x1e0: {  	[tilespmem:s29+$0x8A30] =	vst v1  }
0x1e1: {  	v1 =	vld [tilespmem:s28+$0xFFFFFE50];
	_ =	sdelay $0x1  }
0x1e2: {  	v5 =	vld [tilespmem:s29+$0x10A40];
	_ =	sdelay $0x2  }
0x1e3: {  	v1 =	vmul.f32 $1.131370830e+01, v1;
	_ =	sdelay $0x1  }
0x1e4: {  	v1 =	vadd.f32 v1, v5;
	_ =	sdelay $0x1  }
0x1e5: {  	[tilespmem:s29+$0x8A40] =	vst v1  }
0x1e6: {  	v1 =	vld [tilespmem:s28+$0xFFFFFE60];
	_ =	sdelay $0x1  }
0x1e7: {  	v6 =	vld [tilespmem:s29+$0x10A50];
	_ =	sdelay $0x2  }
0x1e8: {  	v1 =	vmul.f32 $1.131370830e+01, v1;
	_ =	sdelay $0x1  }
0x1e9: {  	v1 =	vadd.f32 v1, v6;
	_ =	sdelay $0x1  }
0x1ea: {  	[tilespmem:s29+$0x8A50] =	vst v1  }
0x1eb: {  	v1 =	vld [tilespmem:s28+$0xFFFFFE70];
	_ =	sdelay $0x1  }
0x1ec: {  	v7 =	vld [tilespmem:s29+$0x10A60];
	_ =	sdelay $0x2  }
0x1ed: {  	v1 =	vmul.f32 $1.131370830e+01, v1;
	_ =	sdelay $0x1  }
0x1ee: {  	v1 =	vadd.f32 v1, v7;
	_ =	sdelay $0x1  }
0x1ef: {  	[tilespmem:s29+$0x8A60] =	vst v1  }
0x1f0: {  	v1 =	vld [tilespmem:s28+$0xFFFFFE80];
	_ =	sdelay $0x1  }
0x1f1: {  	v8 =	vld [tilespmem:s29+$0x10A70];
	_ =	sdelay $0x2  }
0x1f2: {  	v1 =	vmul.f32 $1.131370830e+01, v1;
	_ =	sdelay $0x1  }
0x1f3: {  	v1 =	vadd.f32 v1, v8;
	_ =	sdelay $0x1  }
0x1f4: {  	[tilespmem:s29+$0x8A70] =	vst v1  }
0x1f5: {  	v1 =	vld [tilespmem:s28+$0xFFFFFE90];
	_ =	sdelay $0x4  }
0x1f6: {  	v1 =	vmul.f32 $1.131370830e+01, v1;
	_ =	sdelay $0x1  }
0x1f7: {  	v1 =	vadd.f32 v1, v0;
	_ =	sdelay $0x1  }
0x1f8: {  	[tilespmem:s29+$0xAA00] =	vst v1  }
0x1f9: {  	v1 =	vld [tilespmem:s28+$0xFFFFFEA0];
	_ =	sdelay $0x4  }
0x1fa: {  	v1 =	vmul.f32 $1.131370830e+01, v1;
	_ =	sdelay $0x1  }
0x1fb: {  	v1 =	vadd.f32 v1, v2;
	_ =	sdelay $0x1  }
0x1fc: {  	[tilespmem:s29+$0xAA10] =	vst v1  }
0x1fd: {  	v1 =	vld [tilespmem:s28+$0xFFFFFEB0];
	_ =	sdelay $0x4  }
0x1fe: {  	v1 =	vmul.f32 $1.131370830e+01, v1;
	_ =	sdelay $0x1  }
0x1ff: {  	v1 =	vadd.f32 v1, v3;
	_ =	sdelay $0x1  }
0x200: {  	[tilespmem:s29+$0xAA20] =	vst v1  }
0x201: {  	v1 =	vld [tilespmem:s28+$0xFFFFFEC0];
	_ =	sdelay $0x4  }
0x202: {  	v1 =	vmul.f32 $1.131370830e+01, v1;
	_ =	sdelay $0x1  }
0x203: {  	v1 =	vadd.f32 v1, v4;
	_ =	sdelay $0x1  }
0x204: {  	[tilespmem:s29+$0xAA30] =	vst v1  }
0x205: {  	v1 =	vld [tilespmem:s28+$0xFFFFFED0];
	_ =	sdelay $0x4  }
0x206: {  	v1 =	vmul.f32 $1.131370830e+01, v1;
	_ =	sdelay $0x1  }
0x207: {  	v1 =	vadd.f32 v1, v5;
	_ =	sdelay $0x1  }
0x208: {  	[tilespmem:s29+$0xAA40] =	vst v1  }
0x209: {  	v1 =	vld [tilespmem:s28+$0xFFFFFEE0];
	_ =	sdelay $0x4  }
0x20a: {  	v1 =	vmul.f32 $1.131370830e+01, v1;
	_ =	sdelay $0x1  }
0x20b: {  	v1 =	vadd.f32 v1, v6;
	_ =	sdelay $0x1  }
0x20c: {  	[tilespmem:s29+$0xAA50] =	vst v1  }
0x20d: {  	v1 =	vld [tilespmem:s28+$0xFFFFFEF0];
	_ =	sdelay $0x4  }
0x20e: {  	v1 =	vmul.f32 $1.131370830e+01, v1;
	_ =	sdelay $0x1  }
0x20f: {  	v1 =	vadd.f32 v1, v7;
	_ =	sdelay $0x1  }
0x210: {  	[tilespmem:s29+$0xAA60] =	vst v1  }
0x211: {  	v1 =	vld [tilespmem:s28+$0xFFFFFF00];
	_ =	sdelay $0x4  }
0x212: {  	v1 =	vmul.f32 $1.131370830e+01, v1;
	_ =	sdelay $0x1  }
0x213: {  	v1 =	vadd.f32 v1, v8;
	_ =	sdelay $0x1  }
0x214: {  	[tilespmem:s29+$0xAA70] =	vst v1  }
0x215: {  	v1 =	vld [tilespmem:s28+$0xFFFFFF10];
	_ =	sdelay $0x4  }
0x216: {  	v1 =	vmul.f32 $1.131370830e+01, v1;
	_ =	sdelay $0x1  }
0x217: {  	v1 =	vadd.f32 v1, v0;
	_ =	sdelay $0x1  }
0x218: {  	[tilespmem:s29+$0xCA00] =	vst v1  }
0x219: {  	v1 =	vld [tilespmem:s28+$0xFFFFFF20];
	_ =	sdelay $0x4  }
0x21a: {  	v1 =	vmul.f32 $1.131370830e+01, v1;
	_ =	sdelay $0x1  }
0x21b: {  	v1 =	vadd.f32 v1, v2;
	_ =	sdelay $0x1  }
0x21c: {  	[tilespmem:s29+$0xCA10] =	vst v1  }
0x21d: {  	v1 =	vld [tilespmem:s28+$0xFFFFFF30];
	_ =	sdelay $0x4  }
0x21e: {  	v1 =	vmul.f32 $1.131370830e+01, v1;
	_ =	sdelay $0x1  }
0x21f: {  	v1 =	vadd.f32 v1, v3;
	_ =	sdelay $0x1  }
0x220: {  	[tilespmem:s29+$0xCA20] =	vst v1  }
0x221: {  	v1 =	vld [tilespmem:s28+$0xFFFFFF40];
	_ =	sdelay $0x4  }
0x222: {  	v1 =	vmul.f32 $1.131370830e+01, v1;
	_ =	sdelay $0x1  }
0x223: {  	v1 =	vadd.f32 v1, v4;
	_ =	sdelay $0x1  }
0x224: {  	[tilespmem:s29+$0xCA30] =	vst v1  }
0x225: {  	v1 =	vld [tilespmem:s28+$0xFFFFFF50];
	_ =	sdelay $0x4  }
0x226: {  	v1 =	vmul.f32 $1.131370830e+01, v1;
	_ =	sdelay $0x1  }
0x227: {  	v1 =	vadd.f32 v1, v5;
	_ =	sdelay $0x1  }
0x228: {  	[tilespmem:s29+$0xCA40] =	vst v1  }
0x229: {  	v1 =	vld [tilespmem:s28+$0xFFFFFF60];
	_ =	sdelay $0x4  }
0x22a: {  	v1 =	vmul.f32 $1.131370830e+01, v1;
	_ =	sdelay $0x1  }
0x22b: {  	v1 =	vadd.f32 v1, v6;
	_ =	sdelay $0x1  }
0x22c: {  	[tilespmem:s29+$0xCA50] =	vst v1  }
0x22d: {  	v1 =	vld [tilespmem:s28+$0xFFFFFF70];
	_ =	sdelay $0x4  }
0x22e: {  	v1 =	vmul.f32 $1.131370830e+01, v1;
	_ =	sdelay $0x1  }
0x22f: {  	v1 =	vadd.f32 v1, v7;
	_ =	sdelay $0x1  }
0x230: {  	[tilespmem:s29+$0xCA60] =	vst v1  }
0x231: {  	v1 =	vld [tilespmem:s28+$0xFFFFFF80];
	_ =	sdelay $0x4  }
0x232: {  	v1 =	vmul.f32 $1.131370830e+01, v1;
	_ =	sdelay $0x1  }
0x233: {  	v1 =	vadd.f32 v1, v8;
	_ =	sdelay $0x1  }
0x234: {  	[tilespmem:s29+$0xCA70] =	vst v1  }
0x235: {  	v1 =	vld [tilespmem:s28+$0xFFFFFF90];
	_ =	sdelay $0x4  }
0x236: {  	v1 =	vmul.f32 $1.131370830e+01, v1;
	_ =	sdelay $0x1  }
0x237: {  	v0 =	vadd.f32 v1, v0;
	_ =	sdelay $0x1  }
0x238: {  	[tilespmem:s29+$0xEA00] =	vst v0  }
0x239: {  	v0 =	vld [tilespmem:s28+$0xFFFFFFA0];
	_ =	sdelay $0x4  }
0x23a: {  	v0 =	vmul.f32 $1.131370830e+01, v0;
	_ =	sdelay $0x1  }
0x23b: {  	v0 =	vadd.f32 v0, v2;
	_ =	sdelay $0x1  }
0x23c: {  	[tilespmem:s29+$0xEA10] =	vst v0  }
0x23d: {  	v0 =	vld [tilespmem:s28+$0xFFFFFFB0];
	_ =	sdelay $0x4  }
0x23e: {  	v0 =	vmul.f32 $1.131370830e+01, v0;
	_ =	sdelay $0x1  }
0x23f: {  	v0 =	vadd.f32 v0, v3;
	_ =	sdelay $0x1  }
0x240: {  	[tilespmem:s29+$0xEA20] =	vst v0  }
0x241: {  	v0 =	vld [tilespmem:s28+$0xFFFFFFC0];
	_ =	sdelay $0x4  }
0x242: {  	v0 =	vmul.f32 $1.131370830e+01, v0;
	_ =	sdelay $0x1  }
0x243: {  	v0 =	vadd.f32 v0, v4;
	_ =	sdelay $0x1  }
0x244: {  	[tilespmem:s29+$0xEA30] =	vst v0  }
0x245: {  	v0 =	vld [tilespmem:s28+$0xFFFFFFD0];
	_ =	sdelay $0x4  }
0x246: {  	v0 =	vmul.f32 $1.131370830e+01, v0;
	_ =	sdelay $0x1  }
0x247: {  	v0 =	vadd.f32 v0, v5;
	_ =	sdelay $0x1  }
0x248: {  	[tilespmem:s29+$0xEA40] =	vst v0  }
0x249: {  	v0 =	vld [tilespmem:s28+$0xFFFFFFE0];
	_ =	sdelay $0x4  }
0x24a: {  	v0 =	vmul.f32 $1.131370830e+01, v0;
	_ =	sdelay $0x1  }
0x24b: {  	v0 =	vadd.f32 v0, v6;
	_ =	sdelay $0x1  }
0x24c: {  	[tilespmem:s29+$0xEA50] =	vst v0  }
0x24d: {  	v0 =	vld [tilespmem:s28+$0xFFFFFFF0];
	_ =	sdelay $0x4  }
0x24e: {  	v0 =	vmul.f32 $1.131370830e+01, v0;
	_ =	sdelay $0x1  }
0x24f: {  	v0 =	vadd.f32 v0, v7;
	_ =	sdelay $0x1  }
0x250: {  	[tilespmem:s29+$0xEA60] =	vst v0  }
0x251: {  	v0 =	vld [tilespmem:s28+$0x0];
	_ =	sdelay $0x4  }
0x252: {  	v0 =	vmul.f32 $1.131370830e+01, v0;
	_ =	sdelay $0x1  }
0x253: {  	v0 =	vadd.f32 v0, v8;
	_ =	sdelay $0x1  }
0x254: {  	s28 =	simm.s32 $0x0;
	[tilespmem:s29+$0xEA70] =	vst v0;
	s29 =	simm.s32 $0x8A00  }
0x255: {  	[hbm4b:s10+s28] =	stream.linear.scatter [tilespmem:s29], [sflag:$0x2], $0x800, $0x38;
	[tilespmem:$0x12200] =	vst v63  }
0x256: {  	s29 =	simm.s32 $0xAA00  }
0x257: {  	[hbm4b:s11+s28] =	stream.linear.scatter [tilespmem:s29], [sflag:$0x2], $0x800, $0x38;
	[tilespmem:$0x12200] =	vst v63  }
0x258: {  	s29 =	simm.s32 $0xCA00  }
0x259: {  	[hbm4b:s12+s28] =	stream.linear.scatter [tilespmem:s29], [sflag:$0x2], $0x800, $0x38;
	[tilespmem:$0x12200] =	vst v63  }
0x25a: {  	s29 =	simm.s32 $0xEA00  }
0x25b: {  	[hbm4b:s13+s28] =	stream.linear.scatter [tilespmem:s29], [sflag:$0x2], $0x800, $0x38;
	[tilespmem:$0x12200] =	vst v63  }
0x25c: {  	_ =	swait.ge [sflag:s26], $0x2000  }
0x25d: {  	[sflag:s26] =	ssyncset.done $0x0  }
0x25e: {  	s31 =	simm.s32 $0x0;
	[sflag:s26] =	ssyncadd.s32 $0xFFFFE000  }
0x25f: {  	v23 =	vld [tilespmem:s31+$0x4200]  }
0x260: {  	v1 =	vld [tilespmem:s31+$0x11200]  }
0x261: {  	v24 =	vld [tilespmem:s31+$0x4210]  }
0x262: {  	v3 =	vld [tilespmem:s31+$0x11210]  }
0x263: {  	v25 =	vld [tilespmem:s31+$0x4220]  }
0x264: {  	v5 =	vld [tilespmem:s31+$0x11220]  }
0x265: {  	v26 =	vld [tilespmem:s31+$0x4230]  }
0x266: {  	v7 =	vld [tilespmem:s31+$0x11230]  }
0x267: {  	v27 =	vld [tilespmem:s31+$0x4240]  }
0x268: {  	v9 =	vld [tilespmem:s31+$0x11240]  }
0x269: {  	v10 =	vld [tilespmem:s31+$0x4250]  }
0x26a: {  	v11 =	vld [tilespmem:s31+$0x11250]  }
0x26b: {  	v12 =	vld [tilespmem:s31+$0x4260]  }
0x26c: {  	v13 =	vld [tilespmem:s31+$0x11260];
	v0 =	vmul.f32 $1.131370830e+01, v23  }
0x26d: {  	v14 =	vld [tilespmem:s31+$0x4270];
	v2 =	vmul.f32 $1.131370830e+01, v24  }
0x26e: {  	v15 =	vld [tilespmem:s31+$0x11270];
	v4 =	vmul.f32 $1.131370830e+01, v25;
	v0 =	vadd.f32 v0, v1  }
0x26f: {  	v16 =	vld [tilespmem:s31+$0x4280];
	v6 =	vmul.f32 $1.131370830e+01, v26;
	v2 =	vadd.f32 v2, v3  }
0x270: {  	v30 =	vld [tilespmem:s31+$0x4290];
	v29 =	vmul.f32 $1.131370830e+01, v27;
	v28 =	vadd.f32 v4, v5;
	[tilespmem:s31+$0x9200] =	vst v0  }
0x271: {  	v33 =	vld [tilespmem:s31+$0x42A0];
	v32 =	vmul.f32 $1.131370830e+01, v10;
	v31 =	vadd.f32 v6, v7;
	[tilespmem:s31+$0x9210] =	vst v2  }
0x272: {  	v36 =	vld [tilespmem:s31+$0x42B0];
	v35 =	vmul.f32 $1.131370830e+01, v12;
	v34 =	vadd.f32 v29, v9;
	[tilespmem:s31+$0x9220] =	vst v28  }
0x273: {  	v39 =	vld [tilespmem:s31+$0x42C0];
	v38 =	vmul.f32 $1.131370830e+01, v14;
	v37 =	vadd.f32 v32, v11;
	[tilespmem:s31+$0x9230] =	vst v31  }
0x274: {  	v42 =	vld [tilespmem:s31+$0x42D0];
	v41 =	vmul.f32 $1.131370830e+01, v16;
	v40 =	vadd.f32 v35, v13;
	[tilespmem:s31+$0x9240] =	vst v34  }
0x275: {  	v45 =	vld [tilespmem:s31+$0x42E0];
	v44 =	vmul.f32 $1.131370830e+01, v30;
	v43 =	vadd.f32 v38, v15;
	[tilespmem:s31+$0x9250] =	vst v37  }
0x276: {  	v48 =	vld [tilespmem:s31+$0x42F0];
	v47 =	vmul.f32 $1.131370830e+01, v33;
	v46 =	vadd.f32 v41, v1;
	[tilespmem:s31+$0x9260] =	vst v40  }
0x277: {  	v51 =	vld [tilespmem:s31+$0x4300];
	v50 =	vmul.f32 $1.131370830e+01, v36;
	v49 =	vadd.f32 v44, v3;
	[tilespmem:s31+$0x9270] =	vst v43  }
0x278: {  	v54 =	vld [tilespmem:s31+$0x4310];
	v53 =	vmul.f32 $1.131370830e+01, v39;
	v52 =	vadd.f32 v47, v5;
	[tilespmem:s31+$0xB200] =	vst v46  }
0x279: {  	v57 =	vld [tilespmem:s31+$0x4320];
	v56 =	vmul.f32 $1.131370830e+01, v42;
	v55 =	vadd.f32 v50, v7;
	[tilespmem:s31+$0xB210] =	vst v49  }
0x27a: {  	v60 =	vld [tilespmem:s31+$0x4330];
	v59 =	vmul.f32 $1.131370830e+01, v45;
	v58 =	vadd.f32 v53, v9;
	[tilespmem:s31+$0xB220] =	vst v52  }
0x27b: {  	v63 =	vld [tilespmem:s31+$0x4340];
	v62 =	vmul.f32 $1.131370830e+01, v48;
	v61 =	vadd.f32 v56, v11;
	[tilespmem:s31+$0xB230] =	vst v55  }
0x27c: {  	v21 =	vld [tilespmem:s31+$0x4350];
	v20 =	vmul.f32 $1.131370830e+01, v51;
	v19 =	vadd.f32 v59, v13;
	[tilespmem:s31+$0xB240] =	vst v58  }
0x27d: {  	v23 =	vmul.f32 $1.131370830e+01, v54;
	v24 =	vld [tilespmem:s31+$0x4360];
	v22 =	vadd.f32 v62, v15;
	[tilespmem:s31+$0xB250] =	vst v61  }
0x27e: {  	v26 =	vmul.f32 $1.131370830e+01, v57;
	v27 =	vld [tilespmem:s31+$0x4370];
	v25 =	vadd.f32 v20, v1;
	[tilespmem:s31+$0xB260] =	vst v19  }
0x27f: {  	v30 =	vld [tilespmem:s31+$0x4380];
	v29 =	vmul.f32 $1.131370830e+01, v60;
	[tilespmem:s31+$0xB270] =	vst v22;
	v28 =	vadd.f32 v23, v3  }
0x280: {  	v33 =	vld [tilespmem:s31+$0x4390];
	v32 =	vmul.f32 $1.131370830e+01, v63;
	[tilespmem:s31+$0xD200] =	vst v25;
	v31 =	vadd.f32 v26, v5  }
0x281: {  	v36 =	vld [tilespmem:s31+$0x43A0];
	v35 =	vmul.f32 $1.131370830e+01, v21;
	v34 =	vadd.f32 v29, v7;
	[tilespmem:s31+$0xD210] =	vst v28  }
0x282: {  	v39 =	vld [tilespmem:s31+$0x43B0];
	v37 =	vadd.f32 v32, v9;
	v38 =	vmul.f32 $1.131370830e+01, v24;
	[tilespmem:s31+$0xD220] =	vst v31  }
0x283: {  	v42 =	vld [tilespmem:s31+$0x43C0];
	v40 =	vadd.f32 v35, v11;
	v41 =	vmul.f32 $1.131370830e+01, v27;
	[tilespmem:s31+$0xD230] =	vst v34  }
0x284: {  	v45 =	vld [tilespmem:s31+$0x43D0];
	v44 =	vmul.f32 $1.131370830e+01, v30;
	[tilespmem:s31+$0xD240] =	vst v37;
	v43 =	vadd.f32 v38, v13  }
0x285: {  	v48 =	vld [tilespmem:s31+$0x43E0];
	v47 =	vmul.f32 $1.131370830e+01, v33;
	[tilespmem:s31+$0xD250] =	vst v40;
	v46 =	vadd.f32 v41, v15  }
0x286: {  	v51 =	vld [tilespmem:s31+$0x43F0];
	v50 =	vmul.f32 $1.131370830e+01, v36;
	v49 =	vadd.f32 v44, v1;
	[tilespmem:s31+$0xD260] =	vst v43  }
0x287: {  	v53 =	vmul.f32 $1.131370830e+01, v39;
	v52 =	vadd.f32 v47, v3;
	[tilespmem:s31+$0xD270] =	vst v46  }
0x288: {  	v55 =	vmul.f32 $1.131370830e+01, v42;
	v54 =	vadd.f32 v50, v5;
	[tilespmem:s31+$0xF200] =	vst v49  }
0x289: {  	v57 =	vmul.f32 $1.131370830e+01, v45;
	v56 =	vadd.f32 v53, v7;
	[tilespmem:s31+$0xF210] =	vst v52  }
0x28a: {  	v59 =	vmul.f32 $1.131370830e+01, v48;
	v58 =	vadd.f32 v55, v9;
	[tilespmem:s31+$0xF220] =	vst v54  }
0x28b: {  	v61 =	vmul.f32 $1.131370830e+01, v51;
	v60 =	vadd.f32 v57, v11;
	[tilespmem:s31+$0xF230] =	vst v56  }
0x28c: {  	v62 =	vadd.f32 v59, v13;
	[tilespmem:s31+$0xF240] =	vst v58  }
0x28d: {  	v63 =	vadd.f32 v61, v15;
	[tilespmem:s31+$0xF250] =	vst v60  }
0x28e: {  	[tilespmem:s31+$0xF260] =	vst v62  }
0x28f: {  	s30 =	simm.s32 $0x1000;
	s29 =	simm.s32 $0x200;
	[tilespmem:s31+$0xF270] =	vst v63  }
.LBB2_6:
0x290: {  	p0 =	sne.s32 s30, $0x7800;
	v1 =	vld [tilespmem:s29+$0x4200];
	s28 =	sadd.s32 $0x200, s28  }
0x291: {  	s31 =	sshra.s32 s28, $0x2  }
0x292: {  	v0 =	vld [tilespmem:s31+$0x11200];
	_ =	sdelay $0x2  }
0x293: {  	v1 =	vmul.f32 $1.131370830e+01, v1;
	_ =	sdelay $0x1  }
0x294: {  	v1 =	vadd.f32 v1, v0;
	_ =	sdelay $0x1  }
0x295: {  	[tilespmem:s31+$0x9200] =	vst v1  }
0x296: {  	v2 =	vld [tilespmem:s29+$0x4210];
	_ =	sdelay $0x1  }
0x297: {  	v1 =	vld [tilespmem:s31+$0x11210];
	_ =	sdelay $0x2  }
0x298: {  	v2 =	vmul.f32 $1.131370830e+01, v2;
	_ =	sdelay $0x1  }
0x299: {  	v2 =	vadd.f32 v2, v1;
	_ =	sdelay $0x1  }
0x29a: {  	[tilespmem:s31+$0x9210] =	vst v2  }
0x29b: {  	v3 =	vld [tilespmem:s29+$0x4220];
	_ =	sdelay $0x1  }
0x29c: {  	v2 =	vld [tilespmem:s31+$0x11220];
	_ =	sdelay $0x2  }
0x29d: {  	v3 =	vmul.f32 $1.131370830e+01, v3;
	_ =	sdelay $0x1  }
0x29e: {  	v3 =	vadd.f32 v3, v2;
	_ =	sdelay $0x1  }
0x29f: {  	[tilespmem:s31+$0x9220] =	vst v3  }
0x2a0: {  	v4 =	vld [tilespmem:s29+$0x4230];
	_ =	sdelay $0x1  }
0x2a1: {  	v3 =	vld [tilespmem:s31+$0x11230];
	_ =	sdelay $0x2  }
0x2a2: {  	v4 =	vmul.f32 $1.131370830e+01, v4;
	_ =	sdelay $0x1  }
0x2a3: {  	v4 =	vadd.f32 v4, v3;
	_ =	sdelay $0x1  }
0x2a4: {  	[tilespmem:s31+$0x9230] =	vst v4  }
0x2a5: {  	v5 =	vld [tilespmem:s29+$0x4240];
	_ =	sdelay $0x1  }
0x2a6: {  	v4 =	vld [tilespmem:s31+$0x11240];
	_ =	sdelay $0x2  }
0x2a7: {  	v5 =	vmul.f32 $1.131370830e+01, v5;
	_ =	sdelay $0x1  }
0x2a8: {  	v5 =	vadd.f32 v5, v4;
	_ =	sdelay $0x1  }
0x2a9: {  	[tilespmem:s31+$0x9240] =	vst v5  }
0x2aa: {  	v6 =	vld [tilespmem:s29+$0x4250];
	_ =	sdelay $0x1  }
0x2ab: {  	v5 =	vld [tilespmem:s31+$0x11250];
	_ =	sdelay $0x2  }
0x2ac: {  	v6 =	vmul.f32 $1.131370830e+01, v6;
	_ =	sdelay $0x1  }
0x2ad: {  	v6 =	vadd.f32 v6, v5;
	_ =	sdelay $0x1  }
0x2ae: {  	[tilespmem:s31+$0x9250] =	vst v6  }
0x2af: {  	v7 =	vld [tilespmem:s29+$0x4260];
	_ =	sdelay $0x1  }
0x2b0: {  	v6 =	vld [tilespmem:s31+$0x11260];
	_ =	sdelay $0x2  }
0x2b1: {  	v7 =	vmul.f32 $1.131370830e+01, v7;
	_ =	sdelay $0x1  }
0x2b2: {  	v7 =	vadd.f32 v7, v6;
	_ =	sdelay $0x1  }
0x2b3: {  	[tilespmem:s31+$0x9260] =	vst v7  }
0x2b4: {  	v8 =	vld [tilespmem:s29+$0x4270];
	_ =	sdelay $0x1  }
0x2b5: {  	v7 =	vld [tilespmem:s31+$0x11270];
	_ =	sdelay $0x2  }
0x2b6: {  	v8 =	vmul.f32 $1.131370830e+01, v8;
	_ =	sdelay $0x1  }
0x2b7: {  	v8 =	vadd.f32 v8, v7;
	_ =	sdelay $0x1  }
0x2b8: {  	[tilespmem:s31+$0x9270] =	vst v8  }
0x2b9: {  	v8 =	vld [tilespmem:s29+$0x4280];
	_ =	sdelay $0x4  }
0x2ba: {  	v8 =	vmul.f32 $1.131370830e+01, v8;
	_ =	sdelay $0x1  }
0x2bb: {  	v8 =	vadd.f32 v8, v0;
	_ =	sdelay $0x1  }
0x2bc: {  	[tilespmem:s31+$0xB200] =	vst v8  }
0x2bd: {  	v8 =	vld [tilespmem:s29+$0x4290];
	_ =	sdelay $0x4  }
0x2be: {  	v8 =	vmul.f32 $1.131370830e+01, v8;
	_ =	sdelay $0x1  }
0x2bf: {  	v8 =	vadd.f32 v8, v1;
	_ =	sdelay $0x1  }
0x2c0: {  	[tilespmem:s31+$0xB210] =	vst v8  }
0x2c1: {  	v8 =	vld [tilespmem:s29+$0x42A0];
	_ =	sdelay $0x4  }
0x2c2: {  	v8 =	vmul.f32 $1.131370830e+01, v8;
	_ =	sdelay $0x1  }
0x2c3: {  	v8 =	vadd.f32 v8, v2;
	_ =	sdelay $0x1  }
0x2c4: {  	[tilespmem:s31+$0xB220] =	vst v8  }
0x2c5: {  	v8 =	vld [tilespmem:s29+$0x42B0];
	_ =	sdelay $0x4  }
0x2c6: {  	v8 =	vmul.f32 $1.131370830e+01, v8;
	_ =	sdelay $0x1  }
0x2c7: {  	v8 =	vadd.f32 v8, v3;
	_ =	sdelay $0x1  }
0x2c8: {  	[tilespmem:s31+$0xB230] =	vst v8  }
0x2c9: {  	v8 =	vld [tilespmem:s29+$0x42C0];
	_ =	sdelay $0x4  }
0x2ca: {  	v8 =	vmul.f32 $1.131370830e+01, v8;
	_ =	sdelay $0x1  }
0x2cb: {  	v8 =	vadd.f32 v8, v4;
	_ =	sdelay $0x1  }
0x2cc: {  	[tilespmem:s31+$0xB240] =	vst v8  }
0x2cd: {  	v8 =	vld [tilespmem:s29+$0x42D0];
	_ =	sdelay $0x4  }
0x2ce: {  	v8 =	vmul.f32 $1.131370830e+01, v8;
	_ =	sdelay $0x1  }
0x2cf: {  	v8 =	vadd.f32 v8, v5;
	_ =	sdelay $0x1  }
0x2d0: {  	[tilespmem:s31+$0xB250] =	vst v8  }
0x2d1: {  	v8 =	vld [tilespmem:s29+$0x42E0];
	_ =	sdelay $0x4  }
0x2d2: {  	v8 =	vmul.f32 $1.131370830e+01, v8;
	_ =	sdelay $0x1  }
0x2d3: {  	v8 =	vadd.f32 v8, v6;
	_ =	sdelay $0x1  }
0x2d4: {  	[tilespmem:s31+$0xB260] =	vst v8  }
0x2d5: {  	v8 =	vld [tilespmem:s29+$0x42F0];
	_ =	sdelay $0x4  }
0x2d6: {  	v8 =	vmul.f32 $1.131370830e+01, v8;
	_ =	sdelay $0x1  }
0x2d7: {  	v8 =	vadd.f32 v8, v7;
	_ =	sdelay $0x1  }
0x2d8: {  	[tilespmem:s31+$0xB270] =	vst v8  }
0x2d9: {  	v8 =	vld [tilespmem:s29+$0x4300];
	_ =	sdelay $0x4  }
0x2da: {  	v8 =	vmul.f32 $1.131370830e+01, v8;
	_ =	sdelay $0x1  }
0x2db: {  	v8 =	vadd.f32 v8, v0;
	_ =	sdelay $0x1  }
0x2dc: {  	[tilespmem:s31+$0xD200] =	vst v8  }
0x2dd: {  	v8 =	vld [tilespmem:s29+$0x4310];
	_ =	sdelay $0x4  }
0x2de: {  	v8 =	vmul.f32 $1.131370830e+01, v8;
	_ =	sdelay $0x1  }
0x2df: {  	v8 =	vadd.f32 v8, v1;
	_ =	sdelay $0x1  }
0x2e0: {  	[tilespmem:s31+$0xD210] =	vst v8  }
0x2e1: {  	v8 =	vld [tilespmem:s29+$0x4320];
	_ =	sdelay $0x4  }
0x2e2: {  	v8 =	vmul.f32 $1.131370830e+01, v8;
	_ =	sdelay $0x1  }
0x2e3: {  	v8 =	vadd.f32 v8, v2;
	_ =	sdelay $0x1  }
0x2e4: {  	[tilespmem:s31+$0xD220] =	vst v8  }
0x2e5: {  	v8 =	vld [tilespmem:s29+$0x4330];
	_ =	sdelay $0x4  }
0x2e6: {  	v8 =	vmul.f32 $1.131370830e+01, v8;
	_ =	sdelay $0x1  }
0x2e7: {  	v8 =	vadd.f32 v8, v3;
	_ =	sdelay $0x1  }
0x2e8: {  	[tilespmem:s31+$0xD230] =	vst v8  }
0x2e9: {  	v8 =	vld [tilespmem:s29+$0x4340];
	_ =	sdelay $0x4  }
0x2ea: {  	v8 =	vmul.f32 $1.131370830e+01, v8;
	_ =	sdelay $0x1  }
0x2eb: {  	v8 =	vadd.f32 v8, v4;
	_ =	sdelay $0x1  }
0x2ec: {  	[tilespmem:s31+$0xD240] =	vst v8  }
0x2ed: {  	v8 =	vld [tilespmem:s29+$0x4350];
	_ =	sdelay $0x4  }
0x2ee: {  	v8 =	vmul.f32 $1.131370830e+01, v8;
	_ =	sdelay $0x1  }
0x2ef: {  	v8 =	vadd.f32 v8, v5;
	_ =	sdelay $0x1  }
0x2f0: {  	[tilespmem:s31+$0xD250] =	vst v8  }
0x2f1: {  	v8 =	vld [tilespmem:s29+$0x4360];
	_ =	sdelay $0x4  }
0x2f2: {  	v8 =	vmul.f32 $1.131370830e+01, v8;
	_ =	sdelay $0x1  }
0x2f3: {  	v8 =	vadd.f32 v8, v6;
	_ =	sdelay $0x1  }
0x2f4: {  	[tilespmem:s31+$0xD260] =	vst v8  }
0x2f5: {  	v8 =	vld [tilespmem:s29+$0x4370];
	_ =	sdelay $0x4  }
0x2f6: {  	v8 =	vmul.f32 $1.131370830e+01, v8;
	_ =	sdelay $0x1  }
0x2f7: {  	v8 =	vadd.f32 v8, v7;
	_ =	sdelay $0x1  }
0x2f8: {  	[tilespmem:s31+$0xD270] =	vst v8  }
0x2f9: {  	v8 =	vld [tilespmem:s29+$0x4380];
	_ =	sdelay $0x4  }
0x2fa: {  	v8 =	vmul.f32 $1.131370830e+01, v8;
	_ =	sdelay $0x1  }
0x2fb: {  	v0 =	vadd.f32 v8, v0;
	_ =	sdelay $0x1  }
0x2fc: {  	[tilespmem:s31+$0xF200] =	vst v0  }
0x2fd: {  	v0 =	vld [tilespmem:s29+$0x4390];
	_ =	sdelay $0x4  }
0x2fe: {  	v0 =	vmul.f32 $1.131370830e+01, v0;
	_ =	sdelay $0x1  }
0x2ff: {  	v0 =	vadd.f32 v0, v1;
	_ =	sdelay $0x1  }
0x300: {  	[tilespmem:s31+$0xF210] =	vst v0  }
0x301: {  	v0 =	vld [tilespmem:s29+$0x43A0];
	_ =	sdelay $0x4  }
0x302: {  	v0 =	vmul.f32 $1.131370830e+01, v0;
	_ =	sdelay $0x1  }
0x303: {  	v0 =	vadd.f32 v0, v2;
	_ =	sdelay $0x1  }
0x304: {  	[tilespmem:s31+$0xF220] =	vst v0  }
0x305: {  	v0 =	vld [tilespmem:s29+$0x43B0];
	_ =	sdelay $0x4  }
0x306: {  	v0 =	vmul.f32 $1.131370830e+01, v0;
	_ =	sdelay $0x1  }
0x307: {  	v0 =	vadd.f32 v0, v3;
	_ =	sdelay $0x1  }
0x308: {  	[tilespmem:s31+$0xF230] =	vst v0  }
0x309: {  	v0 =	vld [tilespmem:s29+$0x43C0];
	_ =	sdelay $0x4  }
0x30a: {  	v0 =	vmul.f32 $1.131370830e+01, v0;
	_ =	sdelay $0x1  }
0x30b: {  	v0 =	vadd.f32 v0, v4;
	_ =	sdelay $0x1  }
0x30c: {  	[tilespmem:s31+$0xF240] =	vst v0  }
0x30d: {  	v0 =	vld [tilespmem:s29+$0x43D0];
	_ =	sdelay $0x4  }
0x30e: {  	v0 =	vmul.f32 $1.131370830e+01, v0;
	_ =	sdelay $0x1  }
0x30f: {  	v0 =	vadd.f32 v0, v5;
	_ =	sdelay $0x1  }
0x310: {  	[tilespmem:s31+$0xF250] =	vst v0  }
0x311: {  	v0 =	vld [tilespmem:s29+$0x43E0];
	_ =	sdelay $0x4  }
0x312: {  	v0 =	vmul.f32 $1.131370830e+01, v0;
	_ =	sdelay $0x1  }
0x313: {  	v0 =	vadd.f32 v0, v6;
	_ =	sdelay $0x1  }
0x314: {  	[tilespmem:s31+$0xF260] =	vst v0  }
0x315: {  	v0 =	vld [tilespmem:s29+$0x43F0];
	_ =	sdelay $0x4  }
.Ltmp2:
0x316: {  	v0 =	vmul.f32 $1.131370830e+01, v0;
	(pc) =	sbr.rel @p0 .LBB2_6-.Ltmp2, $3  }
0x317: {  	_ = 	snop  }
0x318: {  	v0 =	vadd.f32 v0, v7;
	_ =	sdelay $0x1  }
0x319: {  	s29 =	sshra.s32 s30, $0x2;
	s30 =	sadd.s32 $0x800, s30;
	[tilespmem:s31+$0xF270] =	vst v0  }
0x31a: {  	v0 =	vld [tilespmem:s29+$0x4200];
	s28 =	sadd.s32 $0x200, s28  }
0x31b: {  	s28 =	sshra.s32 s28, $0x2  }
0x31c: {  	v1 =	vld [tilespmem:s28+$0x11200];
	_ =	sdelay $0x2  }
0x31d: {  	v0 =	vmul.f32 $1.131370830e+01, v0;
	_ =	sdelay $0x1  }
0x31e: {  	v0 =	vadd.f32 v0, v1;
	_ =	sdelay $0x1  }
0x31f: {  	[tilespmem:s28+$0x9200] =	vst v0  }
0x320: {  	v0 =	vld [tilespmem:s29+$0x4210];
	_ =	sdelay $0x1  }
0x321: {  	v2 =	vld [tilespmem:s28+$0x11210];
	_ =	sdelay $0x2  }
0x322: {  	v0 =	vmul.f32 $1.131370830e+01, v0;
	_ =	sdelay $0x1  }
0x323: {  	v0 =	vadd.f32 v0, v2;
	_ =	sdelay $0x1  }
0x324: {  	[tilespmem:s28+$0x9210] =	vst v0  }
0x325: {  	v0 =	vld [tilespmem:s29+$0x4220];
	_ =	sdelay $0x1  }
0x326: {  	v3 =	vld [tilespmem:s28+$0x11220];
	_ =	sdelay $0x2  }
0x327: {  	v0 =	vmul.f32 $1.131370830e+01, v0;
	_ =	sdelay $0x1  }
0x328: {  	v0 =	vadd.f32 v0, v3;
	_ =	sdelay $0x1  }
0x329: {  	[tilespmem:s28+$0x9220] =	vst v0  }
0x32a: {  	v0 =	vld [tilespmem:s29+$0x4230];
	_ =	sdelay $0x1  }
0x32b: {  	v4 =	vld [tilespmem:s28+$0x11230];
	_ =	sdelay $0x2  }
0x32c: {  	v0 =	vmul.f32 $1.131370830e+01, v0;
	_ =	sdelay $0x1  }
0x32d: {  	v0 =	vadd.f32 v0, v4;
	_ =	sdelay $0x1  }
0x32e: {  	[tilespmem:s28+$0x9230] =	vst v0  }
0x32f: {  	v0 =	vld [tilespmem:s29+$0x4240];
	_ =	sdelay $0x1  }
0x330: {  	v5 =	vld [tilespmem:s28+$0x11240];
	_ =	sdelay $0x2  }
0x331: {  	v0 =	vmul.f32 $1.131370830e+01, v0;
	_ =	sdelay $0x1  }
0x332: {  	v0 =	vadd.f32 v0, v5;
	_ =	sdelay $0x1  }
0x333: {  	[tilespmem:s28+$0x9240] =	vst v0  }
0x334: {  	v0 =	vld [tilespmem:s29+$0x4250];
	_ =	sdelay $0x1  }
0x335: {  	v6 =	vld [tilespmem:s28+$0x11250];
	_ =	sdelay $0x2  }
0x336: {  	v0 =	vmul.f32 $1.131370830e+01, v0;
	_ =	sdelay $0x1  }
0x337: {  	v0 =	vadd.f32 v0, v6;
	_ =	sdelay $0x1  }
0x338: {  	[tilespmem:s28+$0x9250] =	vst v0  }
0x339: {  	v0 =	vld [tilespmem:s29+$0x4260];
	_ =	sdelay $0x1  }
0x33a: {  	v7 =	vld [tilespmem:s28+$0x11260];
	_ =	sdelay $0x2  }
0x33b: {  	v0 =	vmul.f32 $1.131370830e+01, v0;
	_ =	sdelay $0x1  }
0x33c: {  	v0 =	vadd.f32 v0, v7;
	_ =	sdelay $0x1  }
0x33d: {  	[tilespmem:s28+$0x9260] =	vst v0  }
0x33e: {  	v0 =	vld [tilespmem:s29+$0x4270];
	_ =	sdelay $0x1  }
0x33f: {  	v8 =	vld [tilespmem:s28+$0x11270];
	_ =	sdelay $0x2  }
0x340: {  	v0 =	vmul.f32 $1.131370830e+01, v0;
	_ =	sdelay $0x1  }
0x341: {  	v0 =	vadd.f32 v0, v8;
	_ =	sdelay $0x1  }
0x342: {  	[tilespmem:s28+$0x9270] =	vst v0  }
0x343: {  	v0 =	vld [tilespmem:s29+$0x4280];
	_ =	sdelay $0x4  }
0x344: {  	v0 =	vmul.f32 $1.131370830e+01, v0;
	_ =	sdelay $0x1  }
0x345: {  	v0 =	vadd.f32 v0, v1;
	_ =	sdelay $0x1  }
0x346: {  	[tilespmem:s28+$0xB200] =	vst v0  }
0x347: {  	v0 =	vld [tilespmem:s29+$0x4290];
	_ =	sdelay $0x4  }
0x348: {  	v0 =	vmul.f32 $1.131370830e+01, v0;
	_ =	sdelay $0x1  }
0x349: {  	v0 =	vadd.f32 v0, v2;
	_ =	sdelay $0x1  }
0x34a: {  	[tilespmem:s28+$0xB210] =	vst v0  }
0x34b: {  	v0 =	vld [tilespmem:s29+$0x42A0];
	_ =	sdelay $0x4  }
0x34c: {  	v0 =	vmul.f32 $1.131370830e+01, v0;
	_ =	sdelay $0x1  }
0x34d: {  	v0 =	vadd.f32 v0, v3;
	_ =	sdelay $0x1  }
0x34e: {  	[tilespmem:s28+$0xB220] =	vst v0  }
0x34f: {  	v0 =	vld [tilespmem:s29+$0x42B0];
	_ =	sdelay $0x4  }
0x350: {  	v0 =	vmul.f32 $1.131370830e+01, v0;
	_ =	sdelay $0x1  }
0x351: {  	v0 =	vadd.f32 v0, v4;
	_ =	sdelay $0x1  }
0x352: {  	[tilespmem:s28+$0xB230] =	vst v0  }
0x353: {  	v0 =	vld [tilespmem:s29+$0x42C0];
	_ =	sdelay $0x4  }
0x354: {  	v0 =	vmul.f32 $1.131370830e+01, v0;
	_ =	sdelay $0x1  }
0x355: {  	v0 =	vadd.f32 v0, v5;
	_ =	sdelay $0x1  }
0x356: {  	[tilespmem:s28+$0xB240] =	vst v0  }
0x357: {  	v0 =	vld [tilespmem:s29+$0x42D0];
	_ =	sdelay $0x4  }
0x358: {  	v0 =	vmul.f32 $1.131370830e+01, v0;
	_ =	sdelay $0x1  }
0x359: {  	v0 =	vadd.f32 v0, v6;
	_ =	sdelay $0x1  }
0x35a: {  	[tilespmem:s28+$0xB250] =	vst v0  }
0x35b: {  	v0 =	vld [tilespmem:s29+$0x42E0];
	_ =	sdelay $0x4  }
0x35c: {  	v0 =	vmul.f32 $1.131370830e+01, v0;
	_ =	sdelay $0x1  }
0x35d: {  	v0 =	vadd.f32 v0, v7;
	_ =	sdelay $0x1  }
0x35e: {  	[tilespmem:s28+$0xB260] =	vst v0  }
0x35f: {  	v0 =	vld [tilespmem:s29+$0x42F0];
	_ =	sdelay $0x4  }
0x360: {  	v0 =	vmul.f32 $1.131370830e+01, v0;
	_ =	sdelay $0x1  }
0x361: {  	v0 =	vadd.f32 v0, v8;
	_ =	sdelay $0x1  }
0x362: {  	[tilespmem:s28+$0xB270] =	vst v0  }
0x363: {  	v0 =	vld [tilespmem:s29+$0x4300];
	_ =	sdelay $0x4  }
0x364: {  	v0 =	vmul.f32 $1.131370830e+01, v0;
	_ =	sdelay $0x1  }
0x365: {  	v0 =	vadd.f32 v0, v1;
	_ =	sdelay $0x1  }
0x366: {  	[tilespmem:s28+$0xD200] =	vst v0  }
0x367: {  	v0 =	vld [tilespmem:s29+$0x4310];
	_ =	sdelay $0x4  }
0x368: {  	v0 =	vmul.f32 $1.131370830e+01, v0;
	_ =	sdelay $0x1  }
0x369: {  	v0 =	vadd.f32 v0, v2;
	_ =	sdelay $0x1  }
0x36a: {  	[tilespmem:s28+$0xD210] =	vst v0  }
0x36b: {  	v0 =	vld [tilespmem:s29+$0x4320];
	_ =	sdelay $0x4  }
0x36c: {  	v0 =	vmul.f32 $1.131370830e+01, v0;
	_ =	sdelay $0x1  }
0x36d: {  	v0 =	vadd.f32 v0, v3;
	_ =	sdelay $0x1  }
0x36e: {  	[tilespmem:s28+$0xD220] =	vst v0  }
0x36f: {  	v0 =	vld [tilespmem:s29+$0x4330];
	_ =	sdelay $0x4  }
0x370: {  	v0 =	vmul.f32 $1.131370830e+01, v0;
	_ =	sdelay $0x1  }
0x371: {  	v0 =	vadd.f32 v0, v4;
	_ =	sdelay $0x1  }
0x372: {  	[tilespmem:s28+$0xD230] =	vst v0  }
0x373: {  	v0 =	vld [tilespmem:s29+$0x4340];
	_ =	sdelay $0x4  }
0x374: {  	v0 =	vmul.f32 $1.131370830e+01, v0;
	_ =	sdelay $0x1  }
0x375: {  	v0 =	vadd.f32 v0, v5;
	_ =	sdelay $0x1  }
0x376: {  	[tilespmem:s28+$0xD240] =	vst v0  }
0x377: {  	v0 =	vld [tilespmem:s29+$0x4350];
	_ =	sdelay $0x4  }
0x378: {  	v0 =	vmul.f32 $1.131370830e+01, v0;
	_ =	sdelay $0x1  }
0x379: {  	v0 =	vadd.f32 v0, v6;
	_ =	sdelay $0x1  }
0x37a: {  	[tilespmem:s28+$0xD250] =	vst v0  }
0x37b: {  	v0 =	vld [tilespmem:s29+$0x4360];
	_ =	sdelay $0x4  }
0x37c: {  	v0 =	vmul.f32 $1.131370830e+01, v0;
	_ =	sdelay $0x1  }
0x37d: {  	v0 =	vadd.f32 v0, v7;
	_ =	sdelay $0x1  }
0x37e: {  	[tilespmem:s28+$0xD260] =	vst v0  }
0x37f: {  	v0 =	vld [tilespmem:s29+$0x4370];
	_ =	sdelay $0x4  }
0x380: {  	v0 =	vmul.f32 $1.131370830e+01, v0;
	_ =	sdelay $0x1  }
0x381: {  	v0 =	vadd.f32 v0, v8;
	_ =	sdelay $0x1  }
0x382: {  	[tilespmem:s28+$0xD270] =	vst v0  }
0x383: {  	v0 =	vld [tilespmem:s29+$0x4380];
	_ =	sdelay $0x4  }
0x384: {  	v0 =	vmul.f32 $1.131370830e+01, v0;
	_ =	sdelay $0x1  }
0x385: {  	v0 =	vadd.f32 v0, v1;
	_ =	sdelay $0x1  }
0x386: {  	[tilespmem:s28+$0xF200] =	vst v0  }
0x387: {  	v0 =	vld [tilespmem:s29+$0x4390];
	_ =	sdelay $0x4  }
0x388: {  	v0 =	vmul.f32 $1.131370830e+01, v0;
	_ =	sdelay $0x1  }
0x389: {  	v0 =	vadd.f32 v0, v2;
	_ =	sdelay $0x1  }
0x38a: {  	[tilespmem:s28+$0xF210] =	vst v0  }
0x38b: {  	v0 =	vld [tilespmem:s29+$0x43A0];
	_ =	sdelay $0x4  }
0x38c: {  	v0 =	vmul.f32 $1.131370830e+01, v0;
	_ =	sdelay $0x1  }
0x38d: {  	v0 =	vadd.f32 v0, v3;
	_ =	sdelay $0x1  }
0x38e: {  	[tilespmem:s28+$0xF220] =	vst v0  }
0x38f: {  	v0 =	vld [tilespmem:s29+$0x43B0];
	_ =	sdelay $0x4  }
0x390: {  	v0 =	vmul.f32 $1.131370830e+01, v0;
	_ =	sdelay $0x1  }
0x391: {  	v0 =	vadd.f32 v0, v4;
	_ =	sdelay $0x1  }
0x392: {  	[tilespmem:s28+$0xF230] =	vst v0  }
0x393: {  	v0 =	vld [tilespmem:s29+$0x43C0];
	_ =	sdelay $0x4  }
0x394: {  	v0 =	vmul.f32 $1.131370830e+01, v0;
	_ =	sdelay $0x1  }
0x395: {  	v0 =	vadd.f32 v0, v5;
	_ =	sdelay $0x1  }
0x396: {  	[tilespmem:s28+$0xF240] =	vst v0  }
0x397: {  	v0 =	vld [tilespmem:s29+$0x43D0];
	_ =	sdelay $0x4  }
0x398: {  	v0 =	vmul.f32 $1.131370830e+01, v0;
	_ =	sdelay $0x1  }
0x399: {  	v0 =	vadd.f32 v0, v6;
	_ =	sdelay $0x1  }
0x39a: {  	[tilespmem:s28+$0xF250] =	vst v0  }
0x39b: {  	v0 =	vld [tilespmem:s29+$0x43E0];
	_ =	sdelay $0x4  }
0x39c: {  	v0 =	vmul.f32 $1.131370830e+01, v0;
	_ =	sdelay $0x1  }
0x39d: {  	v0 =	vadd.f32 v0, v7;
	_ =	sdelay $0x1  }
0x39e: {  	[tilespmem:s28+$0xF260] =	vst v0  }
0x39f: {  	v0 =	vld [tilespmem:s29+$0x43F0];
	_ =	sdelay $0x4  }
0x3a0: {  	v0 =	vmul.f32 $1.131370830e+01, v0;
	_ =	sdelay $0x1  }
0x3a1: {  	v0 =	vadd.f32 v0, v8;
	_ =	sdelay $0x1  }
0x3a2: {  	s29 =	simm.s32 $0x9200;
	[tilespmem:s28+$0xF270] =	vst v0;
	s28 =	simm.s32 $0x0  }
0x3a3: {  	[hbm4b:s14+s28] =	stream.linear.scatter [tilespmem:s29], [sflag:$0x2], $0x800, $0x38;
	[tilespmem:$0x12200] =	vst v63  }
0x3a4: {  	s29 =	simm.s32 $0xB200  }
0x3a5: {  	[hbm4b:s15+s28] =	stream.linear.scatter [tilespmem:s29], [sflag:$0x2], $0x800, $0x38;
	[tilespmem:$0x12200] =	vst v63  }
0x3a6: {  	s29 =	simm.s32 $0xD200  }
0x3a7: {  	[hbm4b:s16+s28] =	stream.linear.scatter [tilespmem:s29], [sflag:$0x2], $0x800, $0x38;
	[tilespmem:$0x12200] =	vst v63  }
0x3a8: {  	s29 =	simm.s32 $0xF200  }
0x3a9: {  	[hbm4b:s17+s28] =	stream.linear.scatter [tilespmem:s29], [sflag:$0x2], $0x800, $0x38;
	[tilespmem:$0x12200] =	vst v63  }
0x3aa: {  	_ =	swait.ge [sflag:s26], $0x2000  }
0x3ab: {  	[sflag:s26] =	ssyncset.done $0x0  }
0x3ac: {  	s31 =	simm.s32 $0x0;
	[sflag:s26] =	ssyncadd.s32 $0xFFFFE000  }
0x3ad: {  	v23 =	vld [tilespmem:s31+$0x6200]  }
0x3ae: {  	v1 =	vld [tilespmem:s31+$0x11A00]  }
0x3af: {  	v24 =	vld [tilespmem:s31+$0x6210]  }
0x3b0: {  	v3 =	vld [tilespmem:s31+$0x11A10]  }
0x3b1: {  	v25 =	vld [tilespmem:s31+$0x6220]  }
0x3b2: {  	v5 =	vld [tilespmem:s31+$0x11A20]  }
0x3b3: {  	v26 =	vld [tilespmem:s31+$0x6230]  }
0x3b4: {  	v7 =	vld [tilespmem:s31+$0x11A30]  }
0x3b5: {  	v27 =	vld [tilespmem:s31+$0x6240]  }
0x3b6: {  	v9 =	vld [tilespmem:s31+$0x11A40]  }
0x3b7: {  	v10 =	vld [tilespmem:s31+$0x6250]  }
0x3b8: {  	v11 =	vld [tilespmem:s31+$0x11A50]  }
0x3b9: {  	v12 =	vld [tilespmem:s31+$0x6260]  }
0x3ba: {  	v13 =	vld [tilespmem:s31+$0x11A60];
	v0 =	vmul.f32 $1.131370830e+01, v23  }
0x3bb: {  	v14 =	vld [tilespmem:s31+$0x6270];
	v2 =	vmul.f32 $1.131370830e+01, v24  }
0x3bc: {  	v15 =	vld [tilespmem:s31+$0x11A70];
	v4 =	vmul.f32 $1.131370830e+01, v25;
	v0 =	vadd.f32 v0, v1  }
0x3bd: {  	v16 =	vld [tilespmem:s31+$0x6280];
	v6 =	vmul.f32 $1.131370830e+01, v26;
	v2 =	vadd.f32 v2, v3  }
0x3be: {  	v30 =	vld [tilespmem:s31+$0x6290];
	v29 =	vmul.f32 $1.131370830e+01, v27;
	v28 =	vadd.f32 v4, v5;
	[tilespmem:s31+$0x9A00] =	vst v0  }
0x3bf: {  	v33 =	vld [tilespmem:s31+$0x62A0];
	v32 =	vmul.f32 $1.131370830e+01, v10;
	v31 =	vadd.f32 v6, v7;
	[tilespmem:s31+$0x9A10] =	vst v2  }
0x3c0: {  	v36 =	vld [tilespmem:s31+$0x62B0];
	v35 =	vmul.f32 $1.131370830e+01, v12;
	v34 =	vadd.f32 v29, v9;
	[tilespmem:s31+$0x9A20] =	vst v28  }
0x3c1: {  	v39 =	vld [tilespmem:s31+$0x62C0];
	v38 =	vmul.f32 $1.131370830e+01, v14;
	v37 =	vadd.f32 v32, v11;
	[tilespmem:s31+$0x9A30] =	vst v31  }
0x3c2: {  	v42 =	vld [tilespmem:s31+$0x62D0];
	v41 =	vmul.f32 $1.131370830e+01, v16;
	v40 =	vadd.f32 v35, v13;
	[tilespmem:s31+$0x9A40] =	vst v34  }
0x3c3: {  	v45 =	vld [tilespmem:s31+$0x62E0];
	v44 =	vmul.f32 $1.131370830e+01, v30;
	v43 =	vadd.f32 v38, v15;
	[tilespmem:s31+$0x9A50] =	vst v37  }
0x3c4: {  	v48 =	vld [tilespmem:s31+$0x62F0];
	v47 =	vmul.f32 $1.131370830e+01, v33;
	v46 =	vadd.f32 v41, v1;
	[tilespmem:s31+$0x9A60] =	vst v40  }
0x3c5: {  	v51 =	vld [tilespmem:s31+$0x6300];
	v50 =	vmul.f32 $1.131370830e+01, v36;
	v49 =	vadd.f32 v44, v3;
	[tilespmem:s31+$0x9A70] =	vst v43  }
0x3c6: {  	v54 =	vld [tilespmem:s31+$0x6310];
	v53 =	vmul.f32 $1.131370830e+01, v39;
	v52 =	vadd.f32 v47, v5;
	[tilespmem:s31+$0xBA00] =	vst v46  }
0x3c7: {  	v57 =	vld [tilespmem:s31+$0x6320];
	v56 =	vmul.f32 $1.131370830e+01, v42;
	v55 =	vadd.f32 v50, v7;
	[tilespmem:s31+$0xBA10] =	vst v49  }
0x3c8: {  	v60 =	vld [tilespmem:s31+$0x6330];
	v59 =	vmul.f32 $1.131370830e+01, v45;
	v58 =	vadd.f32 v53, v9;
	[tilespmem:s31+$0xBA20] =	vst v52  }
0x3c9: {  	v63 =	vld [tilespmem:s31+$0x6340];
	v62 =	vmul.f32 $1.131370830e+01, v48;
	v61 =	vadd.f32 v56, v11;
	[tilespmem:s31+$0xBA30] =	vst v55  }
0x3ca: {  	v21 =	vld [tilespmem:s31+$0x6350];
	v20 =	vmul.f32 $1.131370830e+01, v51;
	v19 =	vadd.f32 v59, v13;
	[tilespmem:s31+$0xBA40] =	vst v58  }
0x3cb: {  	v23 =	vmul.f32 $1.131370830e+01, v54;
	v24 =	vld [tilespmem:s31+$0x6360];
	v22 =	vadd.f32 v62, v15;
	[tilespmem:s31+$0xBA50] =	vst v61  }
0x3cc: {  	v26 =	vmul.f32 $1.131370830e+01, v57;
	v27 =	vld [tilespmem:s31+$0x6370];
	v25 =	vadd.f32 v20, v1;
	[tilespmem:s31+$0xBA60] =	vst v19  }
0x3cd: {  	v30 =	vld [tilespmem:s31+$0x6380];
	v29 =	vmul.f32 $1.131370830e+01, v60;
	[tilespmem:s31+$0xBA70] =	vst v22;
	v28 =	vadd.f32 v23, v3  }
0x3ce: {  	v33 =	vld [tilespmem:s31+$0x6390];
	v32 =	vmul.f32 $1.131370830e+01, v63;
	[tilespmem:s31+$0xDA00] =	vst v25;
	v31 =	vadd.f32 v26, v5  }
0x3cf: {  	v36 =	vld [tilespmem:s31+$0x63A0];
	v35 =	vmul.f32 $1.131370830e+01, v21;
	v34 =	vadd.f32 v29, v7;
	[tilespmem:s31+$0xDA10] =	vst v28  }
0x3d0: {  	v39 =	vld [tilespmem:s31+$0x63B0];
	v37 =	vadd.f32 v32, v9;
	v38 =	vmul.f32 $1.131370830e+01, v24;
	[tilespmem:s31+$0xDA20] =	vst v31  }
0x3d1: {  	v42 =	vld [tilespmem:s31+$0x63C0];
	v40 =	vadd.f32 v35, v11;
	v41 =	vmul.f32 $1.131370830e+01, v27;
	[tilespmem:s31+$0xDA30] =	vst v34  }
0x3d2: {  	v45 =	vld [tilespmem:s31+$0x63D0];
	v44 =	vmul.f32 $1.131370830e+01, v30;
	[tilespmem:s31+$0xDA40] =	vst v37;
	v43 =	vadd.f32 v38, v13  }
0x3d3: {  	v48 =	vld [tilespmem:s31+$0x63E0];
	v47 =	vmul.f32 $1.131370830e+01, v33;
	[tilespmem:s31+$0xDA50] =	vst v40;
	v46 =	vadd.f32 v41, v15  }
0x3d4: {  	v51 =	vld [tilespmem:s31+$0x63F0];
	v50 =	vmul.f32 $1.131370830e+01, v36;
	v49 =	vadd.f32 v44, v1;
	[tilespmem:s31+$0xDA60] =	vst v43  }
0x3d5: {  	v53 =	vmul.f32 $1.131370830e+01, v39;
	v52 =	vadd.f32 v47, v3;
	[tilespmem:s31+$0xDA70] =	vst v46  }
0x3d6: {  	v55 =	vmul.f32 $1.131370830e+01, v42;
	v54 =	vadd.f32 v50, v5;
	[tilespmem:s31+$0xFA00] =	vst v49  }
0x3d7: {  	v57 =	vmul.f32 $1.131370830e+01, v45;
	v56 =	vadd.f32 v53, v7;
	[tilespmem:s31+$0xFA10] =	vst v52  }
0x3d8: {  	v59 =	vmul.f32 $1.131370830e+01, v48;
	v58 =	vadd.f32 v55, v9;
	[tilespmem:s31+$0xFA20] =	vst v54  }
0x3d9: {  	v61 =	vmul.f32 $1.131370830e+01, v51;
	v60 =	vadd.f32 v57, v11;
	[tilespmem:s31+$0xFA30] =	vst v56  }
0x3da: {  	v62 =	vadd.f32 v59, v13;
	[tilespmem:s31+$0xFA40] =	vst v58  }
0x3db: {  	v63 =	vadd.f32 v61, v15;
	[tilespmem:s31+$0xFA50] =	vst v60  }
0x3dc: {  	[tilespmem:s31+$0xFA60] =	vst v62  }
0x3dd: {  	s30 =	simm.s32 $0x1000;
	s29 =	simm.s32 $0x200;
	[tilespmem:s31+$0xFA70] =	vst v63  }
.LBB2_8:
0x3de: {  	p0 =	sne.s32 s30, $0x7800;
	v1 =	vld [tilespmem:s29+$0x6200];
	s28 =	sadd.s32 $0x200, s28  }
0x3df: {  	s31 =	sshra.s32 s28, $0x2  }
0x3e0: {  	v0 =	vld [tilespmem:s31+$0x11A00];
	_ =	sdelay $0x2  }
0x3e1: {  	v1 =	vmul.f32 $1.131370830e+01, v1;
	_ =	sdelay $0x1  }
0x3e2: {  	v1 =	vadd.f32 v1, v0;
	_ =	sdelay $0x1  }
0x3e3: {  	[tilespmem:s31+$0x9A00] =	vst v1  }
0x3e4: {  	v2 =	vld [tilespmem:s29+$0x6210];
	_ =	sdelay $0x1  }
0x3e5: {  	v1 =	vld [tilespmem:s31+$0x11A10];
	_ =	sdelay $0x2  }
0x3e6: {  	v2 =	vmul.f32 $1.131370830e+01, v2;
	_ =	sdelay $0x1  }
0x3e7: {  	v2 =	vadd.f32 v2, v1;
	_ =	sdelay $0x1  }
0x3e8: {  	[tilespmem:s31+$0x9A10] =	vst v2  }
0x3e9: {  	v3 =	vld [tilespmem:s29+$0x6220];
	_ =	sdelay $0x1  }
0x3ea: {  	v2 =	vld [tilespmem:s31+$0x11A20];
	_ =	sdelay $0x2  }
0x3eb: {  	v3 =	vmul.f32 $1.131370830e+01, v3;
	_ =	sdelay $0x1  }
0x3ec: {  	v3 =	vadd.f32 v3, v2;
	_ =	sdelay $0x1  }
0x3ed: {  	[tilespmem:s31+$0x9A20] =	vst v3  }
0x3ee: {  	v4 =	vld [tilespmem:s29+$0x6230];
	_ =	sdelay $0x1  }
0x3ef: {  	v3 =	vld [tilespmem:s31+$0x11A30];
	_ =	sdelay $0x2  }
0x3f0: {  	v4 =	vmul.f32 $1.131370830e+01, v4;
	_ =	sdelay $0x1  }
0x3f1: {  	v4 =	vadd.f32 v4, v3;
	_ =	sdelay $0x1  }
0x3f2: {  	[tilespmem:s31+$0x9A30] =	vst v4  }
0x3f3: {  	v5 =	vld [tilespmem:s29+$0x6240];
	_ =	sdelay $0x1  }
0x3f4: {  	v4 =	vld [tilespmem:s31+$0x11A40];
	_ =	sdelay $0x2  }
0x3f5: {  	v5 =	vmul.f32 $1.131370830e+01, v5;
	_ =	sdelay $0x1  }
0x3f6: {  	v5 =	vadd.f32 v5, v4;
	_ =	sdelay $0x1  }
0x3f7: {  	[tilespmem:s31+$0x9A40] =	vst v5  }
0x3f8: {  	v6 =	vld [tilespmem:s29+$0x6250];
	_ =	sdelay $0x1  }
0x3f9: {  	v5 =	vld [tilespmem:s31+$0x11A50];
	_ =	sdelay $0x2  }
0x3fa: {  	v6 =	vmul.f32 $1.131370830e+01, v6;
	_ =	sdelay $0x1  }
0x3fb: {  	v6 =	vadd.f32 v6, v5;
	_ =	sdelay $0x1  }
0x3fc: {  	[tilespmem:s31+$0x9A50] =	vst v6  }
0x3fd: {  	v7 =	vld [tilespmem:s29+$0x6260];
	_ =	sdelay $0x1  }
0x3fe: {  	v6 =	vld [tilespmem:s31+$0x11A60];
	_ =	sdelay $0x2  }
0x3ff: {  	v7 =	vmul.f32 $1.131370830e+01, v7;
	_ =	sdelay $0x1  }
0x400: {  	v7 =	vadd.f32 v7, v6;
	_ =	sdelay $0x1  }
0x401: {  	[tilespmem:s31+$0x9A60] =	vst v7  }
0x402: {  	v8 =	vld [tilespmem:s29+$0x6270];
	_ =	sdelay $0x1  }
0x403: {  	v7 =	vld [tilespmem:s31+$0x11A70];
	_ =	sdelay $0x2  }
0x404: {  	v8 =	vmul.f32 $1.131370830e+01, v8;
	_ =	sdelay $0x1  }
0x405: {  	v8 =	vadd.f32 v8, v7;
	_ =	sdelay $0x1  }
0x406: {  	[tilespmem:s31+$0x9A70] =	vst v8  }
0x407: {  	v8 =	vld [tilespmem:s29+$0x6280];
	_ =	sdelay $0x4  }
0x408: {  	v8 =	vmul.f32 $1.131370830e+01, v8;
	_ =	sdelay $0x1  }
0x409: {  	v8 =	vadd.f32 v8, v0;
	_ =	sdelay $0x1  }
0x40a: {  	[tilespmem:s31+$0xBA00] =	vst v8  }
0x40b: {  	v8 =	vld [tilespmem:s29+$0x6290];
	_ =	sdelay $0x4  }
0x40c: {  	v8 =	vmul.f32 $1.131370830e+01, v8;
	_ =	sdelay $0x1  }
0x40d: {  	v8 =	vadd.f32 v8, v1;
	_ =	sdelay $0x1  }
0x40e: {  	[tilespmem:s31+$0xBA10] =	vst v8  }
0x40f: {  	v8 =	vld [tilespmem:s29+$0x62A0];
	_ =	sdelay $0x4  }
0x410: {  	v8 =	vmul.f32 $1.131370830e+01, v8;
	_ =	sdelay $0x1  }
0x411: {  	v8 =	vadd.f32 v8, v2;
	_ =	sdelay $0x1  }
0x412: {  	[tilespmem:s31+$0xBA20] =	vst v8  }
0x413: {  	v8 =	vld [tilespmem:s29+$0x62B0];
	_ =	sdelay $0x4  }
0x414: {  	v8 =	vmul.f32 $1.131370830e+01, v8;
	_ =	sdelay $0x1  }
0x415: {  	v8 =	vadd.f32 v8, v3;
	_ =	sdelay $0x1  }
0x416: {  	[tilespmem:s31+$0xBA30] =	vst v8  }
0x417: {  	v8 =	vld [tilespmem:s29+$0x62C0];
	_ =	sdelay $0x4  }
0x418: {  	v8 =	vmul.f32 $1.131370830e+01, v8;
	_ =	sdelay $0x1  }
0x419: {  	v8 =	vadd.f32 v8, v4;
	_ =	sdelay $0x1  }
0x41a: {  	[tilespmem:s31+$0xBA40] =	vst v8  }
0x41b: {  	v8 =	vld [tilespmem:s29+$0x62D0];
	_ =	sdelay $0x4  }
0x41c: {  	v8 =	vmul.f32 $1.131370830e+01, v8;
	_ =	sdelay $0x1  }
0x41d: {  	v8 =	vadd.f32 v8, v5;
	_ =	sdelay $0x1  }
0x41e: {  	[tilespmem:s31+$0xBA50] =	vst v8  }
0x41f: {  	v8 =	vld [tilespmem:s29+$0x62E0];
	_ =	sdelay $0x4  }
0x420: {  	v8 =	vmul.f32 $1.131370830e+01, v8;
	_ =	sdelay $0x1  }
0x421: {  	v8 =	vadd.f32 v8, v6;
	_ =	sdelay $0x1  }
0x422: {  	[tilespmem:s31+$0xBA60] =	vst v8  }
0x423: {  	v8 =	vld [tilespmem:s29+$0x62F0];
	_ =	sdelay $0x4  }
0x424: {  	v8 =	vmul.f32 $1.131370830e+01, v8;
	_ =	sdelay $0x1  }
0x425: {  	v8 =	vadd.f32 v8, v7;
	_ =	sdelay $0x1  }
0x426: {  	[tilespmem:s31+$0xBA70] =	vst v8  }
0x427: {  	v8 =	vld [tilespmem:s29+$0x6300];
	_ =	sdelay $0x4  }
0x428: {  	v8 =	vmul.f32 $1.131370830e+01, v8;
	_ =	sdelay $0x1  }
0x429: {  	v8 =	vadd.f32 v8, v0;
	_ =	sdelay $0x1  }
0x42a: {  	[tilespmem:s31+$0xDA00] =	vst v8  }
0x42b: {  	v8 =	vld [tilespmem:s29+$0x6310];
	_ =	sdelay $0x4  }
0x42c: {  	v8 =	vmul.f32 $1.131370830e+01, v8;
	_ =	sdelay $0x1  }
0x42d: {  	v8 =	vadd.f32 v8, v1;
	_ =	sdelay $0x1  }
0x42e: {  	[tilespmem:s31+$0xDA10] =	vst v8  }
0x42f: {  	v8 =	vld [tilespmem:s29+$0x6320];
	_ =	sdelay $0x4  }
0x430: {  	v8 =	vmul.f32 $1.131370830e+01, v8;
	_ =	sdelay $0x1  }
0x431: {  	v8 =	vadd.f32 v8, v2;
	_ =	sdelay $0x1  }
0x432: {  	[tilespmem:s31+$0xDA20] =	vst v8  }
0x433: {  	v8 =	vld [tilespmem:s29+$0x6330];
	_ =	sdelay $0x4  }
0x434: {  	v8 =	vmul.f32 $1.131370830e+01, v8;
	_ =	sdelay $0x1  }
0x435: {  	v8 =	vadd.f32 v8, v3;
	_ =	sdelay $0x1  }
0x436: {  	[tilespmem:s31+$0xDA30] =	vst v8  }
0x437: {  	v8 =	vld [tilespmem:s29+$0x6340];
	_ =	sdelay $0x4  }
0x438: {  	v8 =	vmul.f32 $1.131370830e+01, v8;
	_ =	sdelay $0x1  }
0x439: {  	v8 =	vadd.f32 v8, v4;
	_ =	sdelay $0x1  }
0x43a: {  	[tilespmem:s31+$0xDA40] =	vst v8  }
0x43b: {  	v8 =	vld [tilespmem:s29+$0x6350];
	_ =	sdelay $0x4  }
0x43c: {  	v8 =	vmul.f32 $1.131370830e+01, v8;
	_ =	sdelay $0x1  }
0x43d: {  	v8 =	vadd.f32 v8, v5;
	_ =	sdelay $0x1  }
0x43e: {  	[tilespmem:s31+$0xDA50] =	vst v8  }
0x43f: {  	v8 =	vld [tilespmem:s29+$0x6360];
	_ =	sdelay $0x4  }
0x440: {  	v8 =	vmul.f32 $1.131370830e+01, v8;
	_ =	sdelay $0x1  }
0x441: {  	v8 =	vadd.f32 v8, v6;
	_ =	sdelay $0x1  }
0x442: {  	[tilespmem:s31+$0xDA60] =	vst v8  }
0x443: {  	v8 =	vld [tilespmem:s29+$0x6370];
	_ =	sdelay $0x4  }
0x444: {  	v8 =	vmul.f32 $1.131370830e+01, v8;
	_ =	sdelay $0x1  }
0x445: {  	v8 =	vadd.f32 v8, v7;
	_ =	sdelay $0x1  }
0x446: {  	[tilespmem:s31+$0xDA70] =	vst v8  }
0x447: {  	v8 =	vld [tilespmem:s29+$0x6380];
	_ =	sdelay $0x4  }
0x448: {  	v8 =	vmul.f32 $1.131370830e+01, v8;
	_ =	sdelay $0x1  }
0x449: {  	v0 =	vadd.f32 v8, v0;
	_ =	sdelay $0x1  }
0x44a: {  	[tilespmem:s31+$0xFA00] =	vst v0  }
0x44b: {  	v0 =	vld [tilespmem:s29+$0x6390];
	_ =	sdelay $0x4  }
0x44c: {  	v0 =	vmul.f32 $1.131370830e+01, v0;
	_ =	sdelay $0x1  }
0x44d: {  	v0 =	vadd.f32 v0, v1;
	_ =	sdelay $0x1  }
0x44e: {  	[tilespmem:s31+$0xFA10] =	vst v0  }
0x44f: {  	v0 =	vld [tilespmem:s29+$0x63A0];
	_ =	sdelay $0x4  }
0x450: {  	v0 =	vmul.f32 $1.131370830e+01, v0;
	_ =	sdelay $0x1  }
0x451: {  	v0 =	vadd.f32 v0, v2;
	_ =	sdelay $0x1  }
0x452: {  	[tilespmem:s31+$0xFA20] =	vst v0  }
0x453: {  	v0 =	vld [tilespmem:s29+$0x63B0];
	_ =	sdelay $0x4  }
0x454: {  	v0 =	vmul.f32 $1.131370830e+01, v0;
	_ =	sdelay $0x1  }
0x455: {  	v0 =	vadd.f32 v0, v3;
	_ =	sdelay $0x1  }
0x456: {  	[tilespmem:s31+$0xFA30] =	vst v0  }
0x457: {  	v0 =	vld [tilespmem:s29+$0x63C0];
	_ =	sdelay $0x4  }
0x458: {  	v0 =	vmul.f32 $1.131370830e+01, v0;
	_ =	sdelay $0x1  }
0x459: {  	v0 =	vadd.f32 v0, v4;
	_ =	sdelay $0x1  }
0x45a: {  	[tilespmem:s31+$0xFA40] =	vst v0  }
0x45b: {  	v0 =	vld [tilespmem:s29+$0x63D0];
	_ =	sdelay $0x4  }
0x45c: {  	v0 =	vmul.f32 $1.131370830e+01, v0;
	_ =	sdelay $0x1  }
0x45d: {  	v0 =	vadd.f32 v0, v5;
	_ =	sdelay $0x1  }
0x45e: {  	[tilespmem:s31+$0xFA50] =	vst v0  }
0x45f: {  	v0 =	vld [tilespmem:s29+$0x63E0];
	_ =	sdelay $0x4  }
0x460: {  	v0 =	vmul.f32 $1.131370830e+01, v0;
	_ =	sdelay $0x1  }
0x461: {  	v0 =	vadd.f32 v0, v6;
	_ =	sdelay $0x1  }
0x462: {  	[tilespmem:s31+$0xFA60] =	vst v0  }
0x463: {  	v0 =	vld [tilespmem:s29+$0x63F0];
	_ =	sdelay $0x4  }
.Ltmp3:
0x464: {  	v0 =	vmul.f32 $1.131370830e+01, v0;
	(pc) =	sbr.rel @p0 .LBB2_8-.Ltmp3, $3  }
0x465: {  	_ = 	snop  }
0x466: {  	v0 =	vadd.f32 v0, v7;
	_ =	sdelay $0x1  }
0x467: {  	s29 =	sshra.s32 s30, $0x2;
	s30 =	sadd.s32 $0x800, s30;
	[tilespmem:s31+$0xFA70] =	vst v0  }
0x468: {  	v0 =	vld [tilespmem:s29+$0x6200];
	s28 =	sadd.s32 $0x200, s28  }
0x469: {  	s28 =	sshra.s32 s28, $0x2  }
0x46a: {  	v1 =	vld [tilespmem:s28+$0x11A00];
	_ =	sdelay $0x2  }
0x46b: {  	v0 =	vmul.f32 $1.131370830e+01, v0;
	_ =	sdelay $0x1  }
0x46c: {  	v0 =	vadd.f32 v0, v1;
	_ =	sdelay $0x1  }
0x46d: {  	[tilespmem:s28+$0x9A00] =	vst v0  }
0x46e: {  	v0 =	vld [tilespmem:s29+$0x6210];
	_ =	sdelay $0x1  }
0x46f: {  	v2 =	vld [tilespmem:s28+$0x11A10];
	_ =	sdelay $0x2  }
0x470: {  	v0 =	vmul.f32 $1.131370830e+01, v0;
	_ =	sdelay $0x1  }
0x471: {  	v0 =	vadd.f32 v0, v2;
	_ =	sdelay $0x1  }
0x472: {  	[tilespmem:s28+$0x9A10] =	vst v0  }
0x473: {  	v0 =	vld [tilespmem:s29+$0x6220];
	_ =	sdelay $0x1  }
0x474: {  	v3 =	vld [tilespmem:s28+$0x11A20];
	_ =	sdelay $0x2  }
0x475: {  	v0 =	vmul.f32 $1.131370830e+01, v0;
	_ =	sdelay $0x1  }
0x476: {  	v0 =	vadd.f32 v0, v3;
	_ =	sdelay $0x1  }
0x477: {  	[tilespmem:s28+$0x9A20] =	vst v0  }
0x478: {  	v0 =	vld [tilespmem:s29+$0x6230];
	_ =	sdelay $0x1  }
0x479: {  	v4 =	vld [tilespmem:s28+$0x11A30];
	_ =	sdelay $0x2  }
0x47a: {  	v0 =	vmul.f32 $1.131370830e+01, v0;
	_ =	sdelay $0x1  }
0x47b: {  	v0 =	vadd.f32 v0, v4;
	_ =	sdelay $0x1  }
0x47c: {  	[tilespmem:s28+$0x9A30] =	vst v0  }
0x47d: {  	v0 =	vld [tilespmem:s29+$0x6240];
	_ =	sdelay $0x1  }
0x47e: {  	v5 =	vld [tilespmem:s28+$0x11A40];
	_ =	sdelay $0x2  }
0x47f: {  	v0 =	vmul.f32 $1.131370830e+01, v0;
	_ =	sdelay $0x1  }
0x480: {  	v0 =	vadd.f32 v0, v5;
	_ =	sdelay $0x1  }
0x481: {  	[tilespmem:s28+$0x9A40] =	vst v0  }
0x482: {  	v0 =	vld [tilespmem:s29+$0x6250];
	_ =	sdelay $0x1  }
0x483: {  	v6 =	vld [tilespmem:s28+$0x11A50];
	_ =	sdelay $0x2  }
0x484: {  	v0 =	vmul.f32 $1.131370830e+01, v0;
	_ =	sdelay $0x1  }
0x485: {  	v0 =	vadd.f32 v0, v6;
	_ =	sdelay $0x1  }
0x486: {  	[tilespmem:s28+$0x9A50] =	vst v0  }
0x487: {  	v0 =	vld [tilespmem:s29+$0x6260];
	_ =	sdelay $0x1  }
0x488: {  	v7 =	vld [tilespmem:s28+$0x11A60];
	_ =	sdelay $0x2  }
0x489: {  	v0 =	vmul.f32 $1.131370830e+01, v0;
	_ =	sdelay $0x1  }
0x48a: {  	v0 =	vadd.f32 v0, v7;
	_ =	sdelay $0x1  }
0x48b: {  	[tilespmem:s28+$0x9A60] =	vst v0  }
0x48c: {  	v0 =	vld [tilespmem:s29+$0x6270];
	_ =	sdelay $0x1  }
0x48d: {  	v8 =	vld [tilespmem:s28+$0x11A70];
	_ =	sdelay $0x2  }
0x48e: {  	v0 =	vmul.f32 $1.131370830e+01, v0;
	_ =	sdelay $0x1  }
0x48f: {  	v0 =	vadd.f32 v0, v8;
	_ =	sdelay $0x1  }
0x490: {  	[tilespmem:s28+$0x9A70] =	vst v0  }
0x491: {  	v0 =	vld [tilespmem:s29+$0x6280];
	_ =	sdelay $0x4  }
0x492: {  	v0 =	vmul.f32 $1.131370830e+01, v0;
	_ =	sdelay $0x1  }
0x493: {  	v0 =	vadd.f32 v0, v1;
	_ =	sdelay $0x1  }
0x494: {  	[tilespmem:s28+$0xBA00] =	vst v0  }
0x495: {  	v0 =	vld [tilespmem:s29+$0x6290];
	_ =	sdelay $0x4  }
0x496: {  	v0 =	vmul.f32 $1.131370830e+01, v0;
	_ =	sdelay $0x1  }
0x497: {  	v0 =	vadd.f32 v0, v2;
	_ =	sdelay $0x1  }
0x498: {  	[tilespmem:s28+$0xBA10] =	vst v0  }
0x499: {  	v0 =	vld [tilespmem:s29+$0x62A0];
	_ =	sdelay $0x4  }
0x49a: {  	v0 =	vmul.f32 $1.131370830e+01, v0;
	_ =	sdelay $0x1  }
0x49b: {  	v0 =	vadd.f32 v0, v3;
	_ =	sdelay $0x1  }
0x49c: {  	[tilespmem:s28+$0xBA20] =	vst v0  }
0x49d: {  	v0 =	vld [tilespmem:s29+$0x62B0];
	_ =	sdelay $0x4  }
0x49e: {  	v0 =	vmul.f32 $1.131370830e+01, v0;
	_ =	sdelay $0x1  }
0x49f: {  	v0 =	vadd.f32 v0, v4;
	_ =	sdelay $0x1  }
0x4a0: {  	[tilespmem:s28+$0xBA30] =	vst v0  }
0x4a1: {  	v0 =	vld [tilespmem:s29+$0x62C0];
	_ =	sdelay $0x4  }
0x4a2: {  	v0 =	vmul.f32 $1.131370830e+01, v0;
	_ =	sdelay $0x1  }
0x4a3: {  	v0 =	vadd.f32 v0, v5;
	_ =	sdelay $0x1  }
0x4a4: {  	[tilespmem:s28+$0xBA40] =	vst v0  }
0x4a5: {  	v0 =	vld [tilespmem:s29+$0x62D0];
	_ =	sdelay $0x4  }
0x4a6: {  	v0 =	vmul.f32 $1.131370830e+01, v0;
	_ =	sdelay $0x1  }
0x4a7: {  	v0 =	vadd.f32 v0, v6;
	_ =	sdelay $0x1  }
0x4a8: {  	[tilespmem:s28+$0xBA50] =	vst v0  }
0x4a9: {  	v0 =	vld [tilespmem:s29+$0x62E0];
	_ =	sdelay $0x4  }
0x4aa: {  	v0 =	vmul.f32 $1.131370830e+01, v0;
	_ =	sdelay $0x1  }
0x4ab: {  	v0 =	vadd.f32 v0, v7;
	_ =	sdelay $0x1  }
0x4ac: {  	[tilespmem:s28+$0xBA60] =	vst v0  }
0x4ad: {  	v0 =	vld [tilespmem:s29+$0x62F0];
	_ =	sdelay $0x4  }
0x4ae: {  	v0 =	vmul.f32 $1.131370830e+01, v0;
	_ =	sdelay $0x1  }
0x4af: {  	v0 =	vadd.f32 v0, v8;
	_ =	sdelay $0x1  }
0x4b0: {  	[tilespmem:s28+$0xBA70] =	vst v0  }
0x4b1: {  	v0 =	vld [tilespmem:s29+$0x6300];
	_ =	sdelay $0x4  }
0x4b2: {  	v0 =	vmul.f32 $1.131370830e+01, v0;
	_ =	sdelay $0x1  }
0x4b3: {  	v0 =	vadd.f32 v0, v1;
	_ =	sdelay $0x1  }
0x4b4: {  	[tilespmem:s28+$0xDA00] =	vst v0  }
0x4b5: {  	v0 =	vld [tilespmem:s29+$0x6310];
	_ =	sdelay $0x4  }
0x4b6: {  	v0 =	vmul.f32 $1.131370830e+01, v0;
	_ =	sdelay $0x1  }
0x4b7: {  	v0 =	vadd.f32 v0, v2;
	_ =	sdelay $0x1  }
0x4b8: {  	[tilespmem:s28+$0xDA10] =	vst v0  }
0x4b9: {  	v0 =	vld [tilespmem:s29+$0x6320];
	_ =	sdelay $0x4  }
0x4ba: {  	v0 =	vmul.f32 $1.131370830e+01, v0;
	_ =	sdelay $0x1  }
0x4bb: {  	v0 =	vadd.f32 v0, v3;
	_ =	sdelay $0x1  }
0x4bc: {  	[tilespmem:s28+$0xDA20] =	vst v0  }
0x4bd: {  	v0 =	vld [tilespmem:s29+$0x6330];
	_ =	sdelay $0x4  }
0x4be: {  	v0 =	vmul.f32 $1.131370830e+01, v0;
	_ =	sdelay $0x1  }
0x4bf: {  	v0 =	vadd.f32 v0, v4;
	_ =	sdelay $0x1  }
0x4c0: {  	[tilespmem:s28+$0xDA30] =	vst v0  }
0x4c1: {  	v0 =	vld [tilespmem:s29+$0x6340];
	_ =	sdelay $0x4  }
0x4c2: {  	v0 =	vmul.f32 $1.131370830e+01, v0;
	_ =	sdelay $0x1  }
0x4c3: {  	v0 =	vadd.f32 v0, v5;
	_ =	sdelay $0x1  }
0x4c4: {  	[tilespmem:s28+$0xDA40] =	vst v0  }
0x4c5: {  	v0 =	vld [tilespmem:s29+$0x6350];
	_ =	sdelay $0x4  }
0x4c6: {  	v0 =	vmul.f32 $1.131370830e+01, v0;
	_ =	sdelay $0x1  }
0x4c7: {  	v0 =	vadd.f32 v0, v6;
	_ =	sdelay $0x1  }
0x4c8: {  	[tilespmem:s28+$0xDA50] =	vst v0  }
0x4c9: {  	v0 =	vld [tilespmem:s29+$0x6360];
	_ =	sdelay $0x4  }
0x4ca: {  	v0 =	vmul.f32 $1.131370830e+01, v0;
	_ =	sdelay $0x1  }
0x4cb: {  	v0 =	vadd.f32 v0, v7;
	_ =	sdelay $0x1  }
0x4cc: {  	[tilespmem:s28+$0xDA60] =	vst v0  }
0x4cd: {  	v0 =	vld [tilespmem:s29+$0x6370];
	_ =	sdelay $0x4  }
0x4ce: {  	v0 =	vmul.f32 $1.131370830e+01, v0;
	_ =	sdelay $0x1  }
0x4cf: {  	v0 =	vadd.f32 v0, v8;
	_ =	sdelay $0x1  }
0x4d0: {  	[tilespmem:s28+$0xDA70] =	vst v0  }
0x4d1: {  	v0 =	vld [tilespmem:s29+$0x6380];
	_ =	sdelay $0x4  }
0x4d2: {  	v0 =	vmul.f32 $1.131370830e+01, v0;
	_ =	sdelay $0x1  }
0x4d3: {  	v0 =	vadd.f32 v0, v1;
	_ =	sdelay $0x1  }
0x4d4: {  	[tilespmem:s28+$0xFA00] =	vst v0  }
0x4d5: {  	v0 =	vld [tilespmem:s29+$0x6390];
	_ =	sdelay $0x4  }
0x4d6: {  	v0 =	vmul.f32 $1.131370830e+01, v0;
	_ =	sdelay $0x1  }
0x4d7: {  	v0 =	vadd.f32 v0, v2;
	_ =	sdelay $0x1  }
0x4d8: {  	[tilespmem:s28+$0xFA10] =	vst v0  }
0x4d9: {  	v0 =	vld [tilespmem:s29+$0x63A0];
	_ =	sdelay $0x4  }
0x4da: {  	v0 =	vmul.f32 $1.131370830e+01, v0;
	_ =	sdelay $0x1  }
0x4db: {  	v0 =	vadd.f32 v0, v3;
	_ =	sdelay $0x1  }
0x4dc: {  	[tilespmem:s28+$0xFA20] =	vst v0  }
0x4dd: {  	v0 =	vld [tilespmem:s29+$0x63B0];
	_ =	sdelay $0x4  }
0x4de: {  	v0 =	vmul.f32 $1.131370830e+01, v0;
	_ =	sdelay $0x1  }
0x4df: {  	v0 =	vadd.f32 v0, v4;
	_ =	sdelay $0x1  }
0x4e0: {  	[tilespmem:s28+$0xFA30] =	vst v0  }
0x4e1: {  	v0 =	vld [tilespmem:s29+$0x63C0];
	_ =	sdelay $0x4  }
0x4e2: {  	v0 =	vmul.f32 $1.131370830e+01, v0;
	_ =	sdelay $0x1  }
0x4e3: {  	v0 =	vadd.f32 v0, v5;
	_ =	sdelay $0x1  }
0x4e4: {  	[tilespmem:s28+$0xFA40] =	vst v0  }
0x4e5: {  	v0 =	vld [tilespmem:s29+$0x63D0];
	_ =	sdelay $0x4  }
0x4e6: {  	v0 =	vmul.f32 $1.131370830e+01, v0;
	_ =	sdelay $0x1  }
0x4e7: {  	v0 =	vadd.f32 v0, v6;
	_ =	sdelay $0x1  }
0x4e8: {  	[tilespmem:s28+$0xFA50] =	vst v0  }
0x4e9: {  	v0 =	vld [tilespmem:s29+$0x63E0];
	_ =	sdelay $0x4  }
0x4ea: {  	v0 =	vmul.f32 $1.131370830e+01, v0;
	_ =	sdelay $0x1  }
0x4eb: {  	v0 =	vadd.f32 v0, v7;
	_ =	sdelay $0x1  }
0x4ec: {  	[tilespmem:s28+$0xFA60] =	vst v0  }
0x4ed: {  	v0 =	vld [tilespmem:s29+$0x63F0];
	_ =	sdelay $0x4  }
0x4ee: {  	v0 =	vmul.f32 $1.131370830e+01, v0;
	_ =	sdelay $0x1  }
0x4ef: {  	v0 =	vadd.f32 v0, v8;
	_ =	sdelay $0x1  }
0x4f0: {  	s31 =	simm.s32 $0x9A00;
	[tilespmem:s28+$0xFA70] =	vst v0  }
0x4f1: {  	[hbm4b:s18+s2] =	stream.linear.scatter [tilespmem:s31], [sflag:$0x2], $0x800, $0x38;
	[tilespmem:$0x12200] =	vst v63  }
0x4f2: {  	s29 =	simm.s32 $0xBA00  }
0x4f3: {  	[hbm4b:s19+s2] =	stream.linear.scatter [tilespmem:s29], [sflag:$0x2], $0x800, $0x38;
	[tilespmem:$0x12200] =	vst v63  }
0x4f4: {  	s30 =	simm.s32 $0xDA00  }
0x4f5: {  	[hbm4b:s20+s2] =	stream.linear.scatter [tilespmem:s30], [sflag:$0x2], $0x800, $0x38;
	[tilespmem:$0x12200] =	vst v63  }
0x4f6: {  	s31 =	simm.s32 $0xFA00  }
0x4f7: {  	[hbm4b:s21+s2] =	stream.linear.scatter [tilespmem:s31], [sflag:$0x2], $0x800, $0x38;
	[tilespmem:$0x12200] =	vst v63  }
0x4f8: {  	_ =	swait.ge [sflag:s0], $0x800  }
0x4f9: {  	[sflag:s0] =	ssyncset.done $0x0  }
0x4fa: {  	[sflag:s0] =	ssyncadd.s32 $0xFFFFF800  }
0x4fb: {  	_ =	swait.ge [sflag:s0], $0x800  }
0x4fc: {  	[sflag:s0] =	ssyncset.done $0x0  }
0x4fd: {  	[sflag:s0] =	ssyncadd.s32 $0xFFFFF800  }
0x4fe: {  	_ =	swait.ge [sflag:s0], $0x800  }
0x4ff: {  	[sflag:s0] =	ssyncset.done $0x0  }
0x500: {  	[sflag:s0] =	ssyncadd.s32 $0xFFFFF800  }
0x501: {  	_ =	swait.ge [sflag:s0], $0x800  }
0x502: {  	[sflag:s0] =	ssyncset.done $0x0  }
0x503: {  	[sflag:s0] =	ssyncadd.s32 $0xFFFFF800  }
0x504: {  	_ =	swait.ge [sflag:s0], $0x800  }
0x505: {  	[sflag:s0] =	ssyncset.done $0x0  }
0x506: {  	[sflag:s0] =	ssyncadd.s32 $0xFFFFF800  }
0x507: {  	_ =	swait.ge [sflag:s0], $0x800  }
0x508: {  	[sflag:s0] =	ssyncset.done $0x0  }
0x509: {  	[sflag:s0] =	ssyncadd.s32 $0xFFFFF800  }
0x50a: {  	_ =	swait.ge [sflag:s0], $0x800  }
0x50b: {  	[sflag:s0] =	ssyncset.done $0x0  }
0x50c: {  	[sflag:s0] =	ssyncadd.s32 $0xFFFFF800  }
0x50d: {  	_ =	swait.ge [sflag:s0], $0x800  }
0x50e: {  	[sflag:s0] =	ssyncset.done $0x0  }
0x50f: {  	[sflag:s0] =	ssyncadd.s32 $0xFFFFF800  }
0x510: {  	_ =	swait.ge [sflag:s0], $0x800  }
0x511: {  	[sflag:s0] =	ssyncset.done $0x0  }
0x512: {  	[sflag:s0] =	ssyncadd.s32 $0xFFFFF800  }
0x513: {  	_ =	swait.ge [sflag:s0], $0x800  }
0x514: {  	[sflag:s0] =	ssyncset.done $0x0  }
0x515: {  	[sflag:s0] =	ssyncadd.s32 $0xFFFFF800  }
0x516: {  	_ =	swait.ge [sflag:s0], $0x800  }
0x517: {  	[sflag:s0] =	ssyncset.done $0x0  }
0x518: {  	[sflag:s0] =	ssyncadd.s32 $0xFFFFF800  }
0x519: {  	_ =	swait.ge [sflag:s0], $0x800  }
0x51a: {  	[sflag:s0] =	ssyncset.done $0x0  }
0x51b: {  	[sflag:s0] =	ssyncadd.s32 $0xFFFFF800  }
0x51c: {  	_ =	swait.ge [sflag:s0], $0x800  }
0x51d: {  	[sflag:s0] =	ssyncset.done $0x0  }
0x51e: {  	[sflag:s0] =	ssyncadd.s32 $0xFFFFF800  }
0x51f: {  	_ =	swait.ge [sflag:s0], $0x800  }
0x520: {  	[sflag:s0] =	ssyncset.done $0x0  }
0x521: {  	s3 =	sadd.s32 $0x1, s3;
	[sflag:s0] =	ssyncadd.s32 $0xFFFFF800  }
0x522: {  	p0 =	sne.s32 s3, s22;
	_ =	swait.ge [sflag:s0], $0x800  }
.Ltmp4:
0x523: {  	[sflag:s0] =	ssyncset.done $0x0;
	(pc) =	sbr.rel @p0 .LBB2_1-.Ltmp4, $4  }
0x524: {  	[sflag:s0] =	ssyncadd.s32 $0xFFFFF800  }
0x525: {  	_ =	swait.ge [sflag:s0], $0x800  }
0x526: {  	[sflag:s0] =	ssyncset.done $0x0  }
0x527: {  	[sflag:s0] =	ssyncadd.s32 $0xFFFFF800  }
0x528: {  	_ =	sfence.sel $0x180000  }
0x529: {  	[bflag:$0x0] =	sbarrier.arrive $0xFFFF  }
0x52a: {  	_ =	strace $0x90000047  }
0x52b: {  	s0 =	stileid.u32;
	[bflag:$0x2] =	sbarrier.arrive $0xFFFF  }
0x52c: {  	p0 =	sne.s32 s0, $0x0;
	s0 =	rddreg [dreg:$0x3]  }
0x52d: {  	s0 =	sadd.s32 @!p0 $0x100000, s0  }
0x52e: {  	[sflag:s0] =	ssyncadd.tile.s32 @!p0 $0x1;
	_ =	shalt  }
.Lfunc_end2:
_tile_overlayer_lowered:
.L_overlay_start_2:
0x52f: {  	(tag) =	ssettag $0x2  }
0x530: {  	s0 =	rddreg [dreg:$0x0];
	s2 =	stileid.u32  }
0x531: {  	s1 =	rddreg [dreg:$0x1];
	p0 =	sne.s32 s2, $0x0  }
0x532: {  	s3 =	rddreg [dreg:$0x2];
	[bflag:$0x3] =	sbarrier.arrive $0xFFFF;
	s2 =	simm.s32 @!p0 $0x1C04  }
0x533: {  	[timem:s3], [sflag:s2] =	dma.local @!p0 [hbm:s0], s1  }
0x534: {  	s0 =	simm.s32 @!p0 $0x4  }
0x535: {  	_ =	swait.ge @!p0 [sflag:s0], s1  }
0x536: {  	s1 =	ssub.s32 @!p0 $0x0, s1;
	[sflag:s0] =	ssyncset.done @!p0 $0x0  }
0x537: {  	[sflag:s0] =	ssyncadd.s32 @!p0 s1  }
0x538: {  	[bflag:$0x3] =	sbarrier.arrive $0xFFFF  }
0x539: {  	_ =	shalt  }

</sc_bundles>
